<compile_context>
chip_gen: v7x
topology: tpu7x:2x2x1
jax: 0.10.2.dev20260603
libtpu: 0.0.44.dev20260713+nightly
codegen_flags: <defaults>
</compile_context>

<pallas_src>
import functools

import jax
import jax.numpy as jnp
from jax import lax
from jax.experimental import pallas as pl
from jax.experimental.pallas import tpu as pltpu
from jax.experimental.pallas import tpu_sc as plsc

V = 10000
E = 160000
LN = 128
S = 32
C = 40
MU = 0.9

NC = 2
NS = 16
NW = NC * NS

CH = 128
E_PAD = 163840
PER_W = E_PAD // NW
N_CH = PER_W // CH
PER_T = E_PAD // NS
N_CHT = PER_T // CH
V_PAD = 10112
ROWS_PER_TILE = V_PAD // NS
NB = 4

_MESH = dict(core_axis_name="c", subcore_axis_name="s")
_SC_PARAMS = dict(
    mesh=plsc.VectorSubcoreMesh(**_MESH),
    compiler_params=pltpu.CompilerParams(use_tc_tiling_on_sc=False),
)



def _sc_gather_embeds(feat_pad, xn3, xe3):

    @functools.partial(
        pl.kernel,
        **_SC_PARAMS,
        out_type=(jax.ShapeDtypeStruct((E_PAD, LN), jnp.bfloat16),
                  jax.ShapeDtypeStruct((E_PAD, LN), jnp.bfloat16)),
        scratch_types=[pltpu.VMEM((N_CH, CH), jnp.int32),
                       pltpu.VMEM((N_CH, CH), jnp.int32),
                       pltpu.VMEM((NB, CH, LN), jnp.bfloat16),
                       pltpu.SemaphoreType.DMA((NB,)),
                       pltpu.SemaphoreType.DMA((NB,))],
    )
    def k(feat_hbm, xn_hbm, xe_hbm, node_out, neis_out,
          idxn_v, idxe_v, ring, gsem, wsem):
        wid = lax.axis_index("s") * NC + lax.axis_index("c")
        base = wid * PER_W
        pltpu.sync_copy(xn_hbm.at[wid], idxn_v)
        pltpu.sync_copy(xe_hbm.at[wid], idxe_v)

        def run(idx_v, out_hbm):
            for j in range(NB):
                pltpu.async_copy(feat_hbm.at[idx_v.at[j]], ring.at[j],
                                 gsem.at[j])

            def body(r, carry):
                for j in range(NB):
                    i = r * NB + j
                    pltpu.make_async_copy(feat_hbm.at[idx_v.at[j]],
                                          ring.at[j], gsem.at[j]).wait()
                    pltpu.async_copy(ring.at[j],
                                     out_hbm.at[pl.ds(base + i * CH, CH)],
                                     wsem.at[j])
                for j in range(NB):
                    i2 = (r + 1) * NB + j

                    @pl.when(i2 < N_CH)
                    def _():
                        pltpu.make_async_copy(
                            ring.at[j], out_hbm.at[pl.ds(0, CH)],
                            wsem.at[j]).wait()
                        pltpu.async_copy(feat_hbm.at[idx_v.at[i2]],
                                         ring.at[j], gsem.at[j])
                return carry

            lax.fori_loop(0, N_CH // NB, body, 0)
            for j in range(NB):
                pltpu.make_async_copy(ring.at[j], out_hbm.at[pl.ds(0, CH)],
                                      wsem.at[j]).wait()

        run(idxn_v, node_out)
        run(idxe_v, neis_out)

    return k(feat_pad, xn3, xe3)


def _sc_segsum_gather(vals, idx3, zeros_tile):

    @functools.partial(
        pl.kernel,
        **_SC_PARAMS,
        out_type=jax.ShapeDtypeStruct((E_PAD, S), jnp.float32),
        scratch_types=[pltpu.VMEM((N_CHT, CH), jnp.int32),
                       pltpu.VMEM((NB, CH, S), jnp.float32),
                       pltpu.VMEM_SHARED((V_PAD, S), jnp.float32),
                       pltpu.SemaphoreType.DMA((NB,)),
                       pltpu.SemaphoreType.DMA((NB,))],
    )
    def k(vals_hbm, idx_hbm, zeros_hbm, hg_out, idx_v, ring, h_sh, lsem, ssem):
        cid = lax.axis_index("c")
        sid = lax.axis_index("s")
        tbase = sid * PER_T

        pltpu.sync_copy(idx_hbm.at[sid], idx_v)
        pltpu.sync_copy(zeros_hbm,
                        h_sh.at[pl.ds(sid * ROWS_PER_TILE, ROWS_PER_TILE)])
        plsc.subcore_barrier()

        for j in range(NB):
            pltpu.async_copy(vals_hbm.at[pl.ds(tbase + j * CH, CH)],
                             ring.at[j], lsem.at[j])

        def body(r, carry):
            for j in range(NB):
                i = r * NB + j
                pltpu.make_async_copy(
                    vals_hbm.at[pl.ds(tbase + i * CH, CH)], ring.at[j],
                    lsem.at[j]).wait()
                pltpu.async_copy(ring.at[j], h_sh.at[idx_v.at[i]],
                                 ssem.at[j], add=True)
            for j in range(NB):
                i2 = (r + 1) * NB + j

                @pl.when(i2 < N_CHT)
                def _():
                    pltpu.make_async_copy(ring.at[j],
                                          h_sh.at[pl.ds(0, CH)],
                                          ssem.at[j]).wait()
                    pltpu.async_copy(
                        vals_hbm.at[pl.ds(tbase + i2 * CH, CH)], ring.at[j],
                        lsem.at[j])
            return carry

        lax.fori_loop(0, N_CHT // NB, body, 0)
        for j in range(NB):
            pltpu.make_async_copy(ring.at[j], h_sh.at[pl.ds(0, CH)],
                                  ssem.at[j]).wait()
        plsc.subcore_barrier()

        wbase = tbase + cid * PER_W
        row0 = cid * N_CH

        for j in range(NB):
            pltpu.async_copy(h_sh.at[idx_v.at[row0 + j]], ring.at[j],
                             lsem.at[j])

        def gbody(r, carry):
            for j in range(NB):
                i = r * NB + j
                pltpu.make_async_copy(h_sh.at[idx_v.at[row0 + i]],
                                      ring.at[j], lsem.at[j]).wait()
                pltpu.async_copy(ring.at[j],
                                 hg_out.at[pl.ds(wbase + i * CH, CH)],
                                 ssem.at[j])
            for j in range(NB):
                i2 = (r + 1) * NB + j

                @pl.when(i2 < N_CH)
                def _():
                    pltpu.make_async_copy(ring.at[j],
                                          hg_out.at[pl.ds(0, CH)],
                                          ssem.at[j]).wait()
                    pltpu.async_copy(h_sh.at[idx_v.at[row0 + i2]],
                                     ring.at[j], lsem.at[j])
            return carry

        lax.fori_loop(0, N_CH // NB, gbody, 0)
        for j in range(NB):
            pltpu.make_async_copy(ring.at[j], hg_out.at[pl.ds(0, CH)],
                                  ssem.at[j]).wait()

    return k(vals, idx3, zeros_tile)


def _sc_scatter_add(vals, idx3, zeros_tile):

    @functools.partial(
        pl.kernel,
        **_SC_PARAMS,
        out_type=jax.ShapeDtypeStruct((NC, V_PAD, S), jnp.float32),
        scratch_types=[pltpu.VMEM((N_CHT, CH), jnp.int32),
                       pltpu.VMEM((NB, CH, S), jnp.float32),
                       pltpu.VMEM_SHARED((V_PAD, S), jnp.float32),
                       pltpu.SemaphoreType.DMA((NB,)),
                       pltpu.SemaphoreType.DMA((NB,))],
    )
    def k(vals_hbm, idx_hbm, zeros_hbm, out_hbm, idx_v, ring, h_sh,
          lsem, ssem):
        cid = lax.axis_index("c")
        sid = lax.axis_index("s")
        wbase = sid * PER_T + cid * PER_W
        row0 = cid * N_CH

        pltpu.sync_copy(idx_hbm.at[sid], idx_v)
        pltpu.sync_copy(zeros_hbm,
                        h_sh.at[pl.ds(sid * ROWS_PER_TILE, ROWS_PER_TILE)])
        plsc.subcore_barrier()

        for j in range(NB):
            pltpu.async_copy(vals_hbm.at[pl.ds(wbase + j * CH, CH)],
                             ring.at[j], lsem.at[j])

        def body(r, carry):
            for j in range(NB):
                i = r * NB + j
                pltpu.make_async_copy(
                    vals_hbm.at[pl.ds(wbase + i * CH, CH)], ring.at[j],
                    lsem.at[j]).wait()
                pltpu.async_copy(ring.at[j], h_sh.at[idx_v.at[row0 + i]],
                                 ssem.at[j], add=True)
            for j in range(NB):
                i2 = (r + 1) * NB + j

                @pl.when(i2 < N_CH)
                def _():
                    pltpu.make_async_copy(ring.at[j],
                                          h_sh.at[pl.ds(0, CH)],
                                          ssem.at[j]).wait()
                    pltpu.async_copy(
                        vals_hbm.at[pl.ds(wbase + i2 * CH, CH)], ring.at[j],
                        lsem.at[j])
            return carry

        lax.fori_loop(0, N_CH // NB, body, 0)
        for j in range(NB):
            pltpu.make_async_copy(ring.at[j], h_sh.at[pl.ds(0, CH)],
                                  ssem.at[j]).wait()
        plsc.subcore_barrier()

        pltpu.sync_copy(h_sh.at[pl.ds(sid * ROWS_PER_TILE, ROWS_PER_TILE)],
                        out_hbm.at[cid, pl.ds(sid * ROWS_PER_TILE,
                                              ROWS_PER_TILE)])

    return k(vals, idx3, zeros_tile)



def _fast_tanh(x):
    t = jnp.exp(2.0 * x)
    return 1.0 - 2.0 / (t + 1.0)


def _b_body(node_ref, w_ref, brou_ref, out_ref):
    z = jnp.dot(node_ref[...], w_ref[...], preferred_element_type=jnp.float32)
    out_ref[...] = _fast_tanh(z + brou_ref[...])


def _tc_b(node_e, w_rou_t, b_rou):
    BE = 2048
    return pl.pallas_call(
        _b_body,
        grid=(E_PAD // BE,),
        in_specs=[pl.BlockSpec((BE, LN), lambda i: (i, 0)),
                  pl.BlockSpec((LN, S), lambda i: (0, 0)),
                  pl.BlockSpec((1, S), lambda i: (0, 0))],
        out_specs=pl.BlockSpec((BE, S), lambda i: (i, 0)),
        out_shape=jax.ShapeDtypeStruct((E_PAD, S), jnp.float32),
    )(node_e, w_rou_t, b_rou)


def _he_body(node_ref, neis_ref, hg_ref, b_ref, dg_ref,
             w1_ref, w2_ref, bxi_ref, q2_ref, r2_ref, out_ref):
    z = jnp.dot(node_ref[...], w1_ref[...], preferred_element_type=jnp.float32)
    z = z + jnp.dot(neis_ref[...], w2_ref[...], preferred_element_type=jnp.float32)
    a = _fast_tanh(z + bxi_ref[...])
    hrep = jnp.dot(hg_ref[...], q2_ref[...], preferred_element_type=jnp.float32)
    he = jnp.dot(a * hrep, r2_ref[...], preferred_element_type=jnp.float32)
    out_ref[...] = he * ((MU / S) / dg_ref[...]) + b_ref[...]


def _tc_he(node_e, neis_e, hg, b_mat, dg, w1, w2, b_xi, q2c, r2c):
    BE = 512
    return pl.pallas_call(
        _he_body,
        grid=(E_PAD // BE,),
        in_specs=[pl.BlockSpec((BE, LN), lambda i: (i, 0)),
                  pl.BlockSpec((BE, LN), lambda i: (i, 0)),
                  pl.BlockSpec((BE, S), lambda i: (i, 0)),
                  pl.BlockSpec((BE, S), lambda i: (i, 0)),
                  pl.BlockSpec((BE, 1), lambda i: (i, 0)),
                  pl.BlockSpec((LN, S * S), lambda i: (0, 0)),
                  pl.BlockSpec((LN, S * S), lambda i: (0, 0)),
                  pl.BlockSpec((1, S * S), lambda i: (0, 0)),
                  pl.BlockSpec((S, S * S), lambda i: (0, 0)),
                  pl.BlockSpec((S * S, S), lambda i: (0, 0))],
        out_specs=pl.BlockSpec((BE, S), lambda i: (i, 0)),
        out_shape=jax.ShapeDtypeStruct((E_PAD, S), jnp.float32),
    )(node_e, neis_e, hg, b_mat, dg, w1, w2, b_xi, q2c, r2c)


def _out_body(q0_ref, q1_ref, w_ref, bout_ref, out_ref):
    h = q0_ref[...] + q1_ref[...]
    logits = jnp.dot(h, w_ref[...], preferred_element_type=jnp.float32)
    logits = logits + bout_ref[...]
    m = jnp.max(logits, axis=-1, keepdims=True)
    lse = jnp.log(jnp.sum(jnp.exp(logits - m), axis=-1, keepdims=True)) + m
    out_ref[...] = logits - lse


def _tc_out(q0, q1, w_out_t, b_out):
    return pl.pallas_call(
        _out_body,
        grid=(1,),
        in_specs=[pl.BlockSpec((V, S), lambda i: (0, 0)),
                  pl.BlockSpec((V, S), lambda i: (0, 0)),
                  pl.BlockSpec((S, C), lambda i: (0, 0)),
                  pl.BlockSpec((1, C), lambda i: (0, 0))],
        out_specs=pl.BlockSpec((V, C), lambda i: (0, 0)),
        out_shape=jax.ShapeDtypeStruct((V, C), jnp.float32),
    )(q0, q1, w_out_t, b_out)



def kernel(feat_Matrix, X_Node, X_Neis, dg_list, W_xi, b_xi, W_rou, b_rou,
           W_out, b_out):
    f32 = jnp.float32
    feat_pad = jnp.pad(feat_Matrix.astype(jnp.bfloat16), ((0, V_PAD - V), (0, 0)))
    xn = jnp.pad(X_Node.astype(jnp.int32), (0, E_PAD - E), constant_values=V)
    xe = jnp.pad(X_Neis.astype(jnp.int32), (0, E_PAD - E), constant_values=V)
    xn3w = xn.reshape(NW, N_CH, CH)
    xe3w = xe.reshape(NW, N_CH, CH)
    xn3t = xn.reshape(NS, N_CHT, CH)
    dg = jnp.pad(dg_list.astype(f32), (0, E_PAD - E),
                 constant_values=1.0).reshape(E_PAD, 1)

    w1 = W_xi[:, :LN].T.astype(jnp.bfloat16)
    w2 = W_xi[:, LN:].T.astype(jnp.bfloat16)
    bxi = b_xi.reshape(1, S * S).astype(f32)
    w_rou_t = W_rou.T.astype(jnp.bfloat16)
    brou = b_rou.reshape(1, S).astype(f32)
    w_out_t = W_out.T.astype(f32)
    bout = b_out.reshape(1, C).astype(f32)
    eye = jnp.eye(S, dtype=f32)
    q2c = jnp.tile(eye, (1, S))
    r2c = jnp.repeat(eye, S, axis=0)
    zeros_tile = jnp.zeros((ROWS_PER_TILE, S), dtype=f32)

    node_e, neis_e = _sc_gather_embeds(feat_pad, xn3w, xe3w)
    b_mat = _tc_b(node_e, w_rou_t, brou)
    hg = _sc_segsum_gather(b_mat, xn3t, zeros_tile)
    he = _tc_he(node_e, neis_e, hg, b_mat, dg, w1, w2, bxi, q2c, r2c)
    q2 = _sc_scatter_add(he, xn3t, zeros_tile)
    return _tc_out(q2[0, :V], q2[1, :V], w_out_t, bout)

# --- scband reference (transcript-rebuilt; emitter-appended) ---
"""Pipeline reference for scband-ori-linear-gnn-6846177869857 (READ-ONLY COPY).

The authoritative reference and input builder live on the scoring server;
editing this copy changes nothing except your own understanding.
"""

import jax, jax.numpy as jnp
import numpy as np

V = 10000
E = 160000
LN = 128
S = 32
C = 40
T = 2
MU = 0.9


def setup_inputs(seed: int = 0) -> dict:
    key = jax.random.key(seed)
    ks = jax.random.split(key, 10)
    feat_Matrix = jax.random.normal(ks[0], (V, LN), dtype=jnp.float32)
    X_Node = jax.random.randint(ks[1], (E,), 0, V)
    X_Neis = jax.random.randint(ks[2], (E,), 0, V)
    # degrees must be >= 1 (divisor); randint in [1, 17)
    dg_list = jax.random.randint(ks[3], (E,), 1, 17).astype(jnp.float32)
    # Xi: Linear(2*ln -> s^2), stored torch-style [out, in]
    W_xi = jax.random.normal(ks[4], (S * S, 2 * LN), dtype=jnp.float32) * (1.0 / np.sqrt(2 * LN))
    b_xi = jnp.zeros((S * S,), dtype=jnp.float32)
    # Rou: Linear(ln -> s)
    W_rou = jax.random.normal(ks[5], (S, LN), dtype=jnp.float32) * (1.0 / np.sqrt(LN))
    b_rou = jnp.zeros((S,), dtype=jnp.float32)
    # out_layer: Linear(s -> num_class)
    W_out = jax.random.normal(ks[6], (C, S), dtype=jnp.float32) * (1.0 / np.sqrt(S))
    b_out = jnp.zeros((C,), dtype=jnp.float32)
    return {"feat_Matrix": feat_Matrix, "X_Node": X_Node, "X_Neis": X_Neis, "dg_list": dg_list,
            "W_xi": W_xi, "b_xi": b_xi, "W_rou": W_rou, "b_rou": b_rou, "W_out": W_out, "b_out": b_out}


def reference(feat_Matrix, X_Node, X_Neis, dg_list, W_xi, b_xi, W_rou, b_rou, W_out, b_out):
    # gather node / neighbor embeddings per edge
    node_embeds = jnp.take(feat_Matrix, X_Node, axis=0)
    neis_embeds = jnp.take(feat_Matrix, X_Neis, axis=0)
    X = jnp.concatenate([node_embeds, neis_embeds], axis=1)  # [E, 2*ln]
    # Hw internals: Xi(X) and Rou(first chunk of X) are loop-invariant (depend only on X),
    # so compute once -- identical math to recomputing inside the loop as in the original.
    A = jnp.tanh(X @ W_xi.T + b_xi).reshape(-1, S, S) * MU / S / dg_list[:, None, None]  # [E, s, s]
    b = jnp.tanh(node_embeds @ W_rou.T + b_rou)  # [E, s]  (chunk(X,2,dim=1)[0] == node_embeds)
    H = jnp.zeros((feat_Matrix.shape[0], S), dtype=jnp.float32)
    for _ in range(T):
        Hg = jnp.take(H, X_Node, axis=0)  # [E, s]
        He = jnp.squeeze(jnp.matmul(A, Hg[:, :, None]), -1) + b  # [E, s]
        # AggrSum's mm(one-hot-mask, H) is exactly a scatter-add by X_Node
        H = jax.ops.segment_sum(He, X_Node, num_segments=feat_Matrix.shape[0])  # [V, s]
    # dropout is identity in eval mode
    logits = H @ W_out.T + b_out
    return jax.nn.log_softmax(logits, axis=-1)

if __name__ == "__main__":
    import jax
    _d = setup_inputs()
    print(jax.jit(kernel)(*tuple(_d.values())))

</pallas_src>

<mosaic_0001>
#map = affine_map<(d0, d1) -> (0, 0)>
#map1 = affine_map<(d0, d1) -> (0, 0, 0)>
module attributes {stable_mosaic.version = 14 : i64} {
  func.func @k(%arg0: i32, %arg1: i32, %arg2: memref<163840x32xf32, #tpu.memory_space<hbm>>, %arg3: memref<16x80x128xi32, #tpu.memory_space<hbm>>, %arg4: memref<632x32xf32, #tpu.memory_space<hbm>>, %arg5: memref<163840x32xf32, #tpu.memory_space<hbm>>, %arg6: memref<80x128xi32, #tpu.memory_space<vmem>>, %arg7: memref<4x128x32xf32, #tpu.memory_space<vmem>>, %arg8: memref<10112x32xf32, #tpu.memory_space<vmem_shared>>, %arg9: memref<4x!tpu.dma_semaphore, #tpu.memory_space<semaphore_mem>>, %arg10: memref<4x!tpu.dma_semaphore, #tpu.memory_space<semaphore_mem>>) attributes {dimension_semantics = [#tpu.dimension_semantics<core_parallel>, #tpu.dimension_semantics<subcore_parallel>], iteration_bounds = array<i64: 2, 16>, scalar_prefetch = 0 : i64, scratch_operands = 5 : i64, tpu.core_type = #tpu.core_type<sc_vector_subcore>, window_params = [{transform_indices = #map}, {transform_indices = #map1}, {transform_indices = #map}, {transform_indices = #map}]} {
    %mul3A = arith.constant 10240 : i32
    %mul3A_0 = arith.muli %arg1, %mul3A : i32
    "tpu.region"() ({
      %run_scoped3A = tpu.sem_alloc : memref<!tpu.dma_semaphore, #tpu.memory_space<semaphore_mem>>
      %dma_start3A_297 = arith.constant 0 : i32
      %dma_start3A_298 = arith.constant 0 : i32
      %dma_start3A_299 = tpu.memref_slice %arg3[%arg1, %dma_start3A_297, %dma_start3A_298] : memref<16x80x128xi32, #tpu.memory_space<hbm>> -> memref<1x80x128xi32, #tpu.memory_space<hbm>>
      %dma_start3A_300 = tpu.memref_squeeze %dma_start3A_299 : memref<1x80x128xi32, #tpu.memory_space<hbm>> -> memref<80x128xi32, #tpu.memory_space<hbm>>
      %dma_start3A_301 = arith.constant 0 : i32
      %dma_start3A_302 = arith.constant 0 : i32
      %dma_start3A_303 = tpu.memref_slice %arg3[%arg1, %dma_start3A_301, %dma_start3A_302] : memref<16x80x128xi32, #tpu.memory_space<hbm>> -> memref<1x80x128xi32, #tpu.memory_space<hbm>>
      %dma_start3A_304 = tpu.memref_squeeze %dma_start3A_303 : memref<1x80x128xi32, #tpu.memory_space<hbm>> -> memref<80x128xi32, #tpu.memory_space<hbm>>
      tpu.enqueue_dma source(%dma_start3A_304 : memref<80x128xi32, #tpu.memory_space<hbm>>) target(%arg6 : memref<80x128xi32, #tpu.memory_space<vmem>>) target_semaphore(%run_scoped3A : memref<!tpu.dma_semaphore, #tpu.memory_space<semaphore_mem>>)
      %dma_wait3A_305 = arith.constant 0 : i32
      %dma_wait3A_306 = arith.constant 0 : i32
      %dma_wait3A_307 = tpu.memref_slice %arg3[%arg1, %dma_wait3A_305, %dma_wait3A_306] : memref<16x80x128xi32, #tpu.memory_space<hbm>> -> memref<1x80x128xi32, #tpu.memory_space<hbm>>
      %dma_wait3A_308 = tpu.memref_squeeze %dma_wait3A_307 : memref<1x80x128xi32, #tpu.memory_space<hbm>> -> memref<80x128xi32, #tpu.memory_space<hbm>>
      %dma_wait3A_309 = arith.constant 0 : i32
      %dma_wait3A_310 = arith.constant 0 : i32
      %dma_wait3A_311 = tpu.memref_slice %arg3[%arg1, %dma_wait3A_309, %dma_wait3A_310] : memref<16x80x128xi32, #tpu.memory_space<hbm>> -> memref<1x80x128xi32, #tpu.memory_space<hbm>>
      %dma_wait3A_312 = tpu.memref_squeeze %dma_wait3A_311 : memref<1x80x128xi32, #tpu.memory_space<hbm>> -> memref<80x128xi32, #tpu.memory_space<hbm>>
      tpu.wait_dma2 semaphore(%run_scoped3A : memref<!tpu.dma_semaphore, #tpu.memory_space<semaphore_mem>>) src(%dma_wait3A_312 : memref<80x128xi32, #tpu.memory_space<hbm>>) dst(%arg6 : memref<80x128xi32, #tpu.memory_space<vmem>>)
      tpu.yield
    }) : () -> ()
    %mul3A_1 = arith.constant 632 : i32
    %mul3A_2 = arith.muli %arg1, %mul3A_1 : i32
    "tpu.region"() ({
      %run_scoped3A = tpu.sem_alloc : memref<!tpu.dma_semaphore, #tpu.memory_space<semaphore_mem>>
      %dma_start3A_297 = arith.constant 0 : i32
      %dma_start3A_298 = tpu.memref_slice %arg8[%mul3A_2, %dma_start3A_297] : memref<10112x32xf32, #tpu.memory_space<vmem_shared>> -> memref<632x32xf32, #tpu.memory_space<vmem_shared>>
      tpu.enqueue_dma source(%arg4 : memref<632x32xf32, #tpu.memory_space<hbm>>) target(%dma_start3A_298 : memref<632x32xf32, #tpu.memory_space<vmem_shared>>) target_semaphore(%run_scoped3A : memref<!tpu.dma_semaphore, #tpu.memory_space<semaphore_mem>>)
      %dma_wait3A_299 = arith.constant 0 : i32
      %dma_wait3A_300 = tpu.memref_slice %arg8[%mul3A_2, %dma_wait3A_299] : memref<10112x32xf32, #tpu.memory_space<vmem_shared>> -> memref<632x32xf32, #tpu.memory_space<vmem_shared>>
      tpu.wait_dma2 semaphore(%run_scoped3A : memref<!tpu.dma_semaphore, #tpu.memory_space<semaphore_mem>>) src(%arg4 : memref<632x32xf32, #tpu.memory_space<hbm>>) dst(%dma_wait3A_300 : memref<632x32xf32, #tpu.memory_space<vmem_shared>>)
      tpu.yield
    }) : () -> ()
    %barrier3A = arith.constant 0 : index
    tpu.barrier barrier_id(%barrier3A)
    %add3A = arith.constant 0 : i32
    %add3A_3 = arith.addi %mul3A_0, %add3A : i32
    %dma_start3A = arith.constant 0 : i32
    %dma_start3A_4 = arith.constant 0 : i32
    %dma_start3A_5 = arith.constant 0 : i32
    %dma_start3A_6 = arith.constant 0 : i32
    %dma_start3A_7 = tpu.memref_slice %arg7[%dma_start3A, %dma_start3A_5, %dma_start3A_6] : memref<4x128x32xf32, #tpu.memory_space<vmem>> -> memref<1x128x32xf32, #tpu.memory_space<vmem>>
    %dma_start3A_8 = tpu.memref_squeeze %dma_start3A_7 : memref<1x128x32xf32, #tpu.memory_space<vmem>> -> memref<128x32xf32, #tpu.memory_space<vmem>>
    %dma_start3A_9 = arith.constant 0 : i32
    %dma_start3A_10 = tpu.memref_slice %arg2[%add3A_3, %dma_start3A_9] : memref<163840x32xf32, #tpu.memory_space<hbm>> -> memref<128x32xf32, #tpu.memory_space<hbm>>
    %dma_start3A_11 = tpu.memref_slice %arg9[%dma_start3A_4] : memref<4x!tpu.dma_semaphore, #tpu.memory_space<semaphore_mem>> -> memref<1x!tpu.dma_semaphore, #tpu.memory_space<semaphore_mem>>
    %dma_start3A_12 = tpu.memref_squeeze %dma_start3A_11 : memref<1x!tpu.dma_semaphore, #tpu.memory_space<semaphore_mem>> -> memref<!tpu.dma_semaphore, #tpu.memory_space<semaphore_mem>>
    %dma_start3A_13 = arith.constant 0 : i32
    %dma_start3A_14 = arith.constant 0 : i32
    %dma_start3A_15 = tpu.memref_slice %arg7[%dma_start3A, %dma_start3A_13, %dma_start3A_14] : memref<4x128x32xf32, #tpu.memory_space<vmem>> -> memref<1x128x32xf32, #tpu.memory_space<vmem>>
    %dma_start3A_16 = tpu.memref_squeeze %dma_start3A_15 : memref<1x128x32xf32, #tpu.memory_space<vmem>> -> memref<128x32xf32, #tpu.memory_space<vmem>>
    %dma_start3A_17 = arith.constant 0 : i32
    %dma_start3A_18 = tpu.memref_slice %arg2[%add3A_3, %dma_start3A_17] : memref<163840x32xf32, #tpu.memory_space<hbm>> -> memref<128x32xf32, #tpu.memory_space<hbm>>
    tpu.enqueue_dma source(%dma_start3A_18 : memref<128x32xf32, #tpu.memory_space<hbm>>) target(%dma_start3A_16 : memref<128x32xf32, #tpu.memory_space<vmem>>) target_semaphore(%dma_start3A_12 : memref<!tpu.dma_semaphore, #tpu.memory_space<semaphore_mem>>)
    %add3A_19 = arith.constant 128 : i32
    %add3A_20 = arith.addi %mul3A_0, %add3A_19 : i32
    %dma_start3A_21 = arith.constant 1 : i32
    %dma_start3A_22 = arith.constant 1 : i32
    %dma_start3A_23 = arith.constant 0 : i32
    %dma_start3A_24 = arith.constant 0 : i32
    %dma_start3A_25 = tpu.memref_slice %arg7[%dma_start3A_21, %dma_start3A_23, %dma_start3A_24] : memref<4x128x32xf32, #tpu.memory_space<vmem>> -> memref<1x128x32xf32, #tpu.memory_space<vmem>>
    %dma_start3A_26 = tpu.memref_squeeze %dma_start3A_25 : memref<1x128x32xf32, #tpu.memory_space<vmem>> -> memref<128x32xf32, #tpu.memory_space<vmem>>
    %dma_start3A_27 = arith.constant 0 : i32
    %dma_start3A_28 = tpu.memref_slice %arg2[%add3A_20, %dma_start3A_27] : memref<163840x32xf32, #tpu.memory_space<hbm>> -> memref<128x32xf32, #tpu.memory_space<hbm>>
    %dma_start3A_29 = tpu.memref_slice %arg9[%dma_start3A_22] : memref<4x!tpu.dma_semaphore, #tpu.memory_space<semaphore_mem>> -> memref<1x!tpu.dma_semaphore, #tpu.memory_space<semaphore_mem>>
    %dma_start3A_30 = tpu.memref_squeeze %dma_start3A_29 : memref<1x!tpu.dma_semaphore, #tpu.memory_space<semaphore_mem>> -> memref<!tpu.dma_semaphore, #tpu.memory_space<semaphore_mem>>
    %dma_start3A_31 = arith.constant 0 : i32
    %dma_start3A_32 = arith.constant 0 : i32
    %dma_start3A_33 = tpu.memref_slice %arg7[%dma_start3A_21, %dma_start3A_31, %dma_start3A_32] : memref<4x128x32xf32, #tpu.memory_space<vmem>> -> memref<1x128x32xf32, #tpu.memory_space<vmem>>
    %dma_start3A_34 = tpu.memref_squeeze %dma_start3A_33 : memref<1x128x32xf32, #tpu.memory_space<vmem>> -> memref<128x32xf32, #tpu.memory_space<vmem>>
    %dma_start3A_35 = arith.constant 0 : i32
    %dma_start3A_36 = tpu.memref_slice %arg2[%add3A_20, %dma_start3A_35] : memref<163840x32xf32, #tpu.memory_space<hbm>> -> memref<128x32xf32, #tpu.memory_space<hbm>>
    tpu.enqueue_dma source(%dma_start3A_36 : memref<128x32xf32, #tpu.memory_space<hbm>>) target(%dma_start3A_34 : memref<128x32xf32, #tpu.memory_space<vmem>>) target_semaphore(%dma_start3A_30 : memref<!tpu.dma_semaphore, #tpu.memory_space<semaphore_mem>>)
    %add3A_37 = arith.constant 256 : i32
    %add3A_38 = arith.addi %mul3A_0, %add3A_37 : i32
    %dma_start3A_39 = arith.constant 2 : i32
    %dma_start3A_40 = arith.constant 2 : i32
    %dma_start3A_41 = arith.constant 0 : i32
    %dma_start3A_42 = arith.constant 0 : i32
    %dma_start3A_43 = tpu.memref_slice %arg7[%dma_start3A_39, %dma_start3A_41, %dma_start3A_42] : memref<4x128x32xf32, #tpu.memory_space<vmem>> -> memref<1x128x32xf32, #tpu.memory_space<vmem>>
    %dma_start3A_44 = tpu.memref_squeeze %dma_start3A_43 : memref<1x128x32xf32, #tpu.memory_space<vmem>> -> memref<128x32xf32, #tpu.memory_space<vmem>>
    %dma_start3A_45 = arith.constant 0 : i32
    %dma_start3A_46 = tpu.memref_slice %arg2[%add3A_38, %dma_start3A_45] : memref<163840x32xf32, #tpu.memory_space<hbm>> -> memref<128x32xf32, #tpu.memory_space<hbm>>
    %dma_start3A_47 = tpu.memref_slice %arg9[%dma_start3A_40] : memref<4x!tpu.dma_semaphore, #tpu.memory_space<semaphore_mem>> -> memref<1x!tpu.dma_semaphore, #tpu.memory_space<semaphore_mem>>
    %dma_start3A_48 = tpu.memref_squeeze %dma_start3A_47 : memref<1x!tpu.dma_semaphore, #tpu.memory_space<semaphore_mem>> -> memref<!tpu.dma_semaphore, #tpu.memory_space<semaphore_mem>>
    %dma_start3A_49 = arith.constant 0 : i32
    %dma_start3A_50 = arith.constant 0 : i32
    %dma_start3A_51 = tpu.memref_slice %arg7[%dma_start3A_39, %dma_start3A_49, %dma_start3A_50] : memref<4x128x32xf32, #tpu.memory_space<vmem>> -> memref<1x128x32xf32, #tpu.memory_space<vmem>>
    %dma_start3A_52 = tpu.memref_squeeze %dma_start3A_51 : memref<1x128x32xf32, #tpu.memory_space<vmem>> -> memref<128x32xf32, #tpu.memory_space<vmem>>
    %dma_start3A_53 = arith.constant 0 : i32
    %dma_start3A_54 = tpu.memref_slice %arg2[%add3A_38, %dma_start3A_53] : memref<163840x32xf32, #tpu.memory_space<hbm>> -> memref<128x32xf32, #tpu.memory_space<hbm>>
    tpu.enqueue_dma source(%dma_start3A_54 : memref<128x32xf32, #tpu.memory_space<hbm>>) target(%dma_start3A_52 : memref<128x32xf32, #tpu.memory_space<vmem>>) target_semaphore(%dma_start3A_48 : memref<!tpu.dma_semaphore, #tpu.memory_space<semaphore_mem>>)
    %add3A_55 = arith.constant 384 : i32
    %add3A_56 = arith.addi %mul3A_0, %add3A_55 : i32
    %dma_start3A_57 = arith.constant 3 : i32
    %dma_start3A_58 = arith.constant 3 : i32
    %dma_start3A_59 = arith.constant 0 : i32
    %dma_start3A_60 = arith.constant 0 : i32
    %dma_start3A_61 = tpu.memref_slice %arg7[%dma_start3A_57, %dma_start3A_59, %dma_start3A_60] : memref<4x128x32xf32, #tpu.memory_space<vmem>> -> memref<1x128x32xf32, #tpu.memory_space<vmem>>
    %dma_start3A_62 = tpu.memref_squeeze %dma_start3A_61 : memref<1x128x32xf32, #tpu.memory_space<vmem>> -> memref<128x32xf32, #tpu.memory_space<vmem>>
    %dma_start3A_63 = arith.constant 0 : i32
    %dma_start3A_64 = tpu.memref_slice %arg2[%add3A_56, %dma_start3A_63] : memref<163840x32xf32, #tpu.memory_space<hbm>> -> memref<128x32xf32, #tpu.memory_space<hbm>>
    %dma_start3A_65 = tpu.memref_slice %arg9[%dma_start3A_58] : memref<4x!tpu.dma_semaphore, #tpu.memory_space<semaphore_mem>> -> memref<1x!tpu.dma_semaphore, #tpu.memory_space<semaphore_mem>>
    %dma_start3A_66 = tpu.memref_squeeze %dma_start3A_65 : memref<1x!tpu.dma_semaphore, #tpu.memory_space<semaphore_mem>> -> memref<!tpu.dma_semaphore, #tpu.memory_space<semaphore_mem>>
    %dma_start3A_67 = arith.constant 0 : i32
    %dma_start3A_68 = arith.constant 0 : i32
    %dma_start3A_69 = tpu.memref_slice %arg7[%dma_start3A_57, %dma_start3A_67, %dma_start3A_68] : memref<4x128x32xf32, #tpu.memory_space<vmem>> -> memref<1x128x32xf32, #tpu.memory_space<vmem>>
    %dma_start3A_70 = tpu.memref_squeeze %dma_start3A_69 : memref<1x128x32xf32, #tpu.memory_space<vmem>> -> memref<128x32xf32, #tpu.memory_space<vmem>>
    %dma_start3A_71 = arith.constant 0 : i32
    %dma_start3A_72 = tpu.memref_slice %arg2[%add3A_56, %dma_start3A_71] : memref<163840x32xf32, #tpu.memory_space<hbm>> -> memref<128x32xf32, #tpu.memory_space<hbm>>
    tpu.enqueue_dma source(%dma_start3A_72 : memref<128x32xf32, #tpu.memory_space<hbm>>) target(%dma_start3A_70 : memref<128x32xf32, #tpu.memory_space<vmem>>) target_semaphore(%dma_start3A_66 : memref<!tpu.dma_semaphore, #tpu.memory_space<semaphore_mem>>)
    %scan3A = arith.constant 0 : i32
    %scan3A_73 = arith.constant 0 : i32
    %scan3A_74 = arith.constant 20 : i32
    %scan3A_75 = arith.addi %scan3A_73, %scan3A_74 : i32
    %scan3A_76 = arith.constant 1 : i32
    scf.for %scan3A_297 = %scan3A_73 to %scan3A_75 step %scan3A_76  : i32 {
      %mul3A_298 = arith.constant 4 : i32
      %mul3A_299 = arith.muli %scan3A_297, %mul3A_298 : i32
      %add3A_300 = arith.constant 0 : i32
      %add3A_301 = arith.addi %mul3A_299, %add3A_300 : i32
      %mul3A_302 = arith.constant 128 : i32
      %mul3A_303 = arith.muli %add3A_301, %mul3A_302 : i32
      %add3A_304 = arith.addi %mul3A_0, %mul3A_303 : i32
      %dma_wait3A_305 = arith.constant 0 : i32
      %dma_wait3A_306 = arith.constant 0 : i32
      %dma_wait3A_307 = arith.constant 0 : i32
      %dma_wait3A_308 = arith.constant 0 : i32
      %dma_wait3A_309 = tpu.memref_slice %arg7[%dma_wait3A_305, %dma_wait3A_307, %dma_wait3A_308] : memref<4x128x32xf32, #tpu.memory_space<vmem>> -> memref<1x128x32xf32, #tpu.memory_space<vmem>>
      %dma_wait3A_310 = tpu.memref_squeeze %dma_wait3A_309 : memref<1x128x32xf32, #tpu.memory_space<vmem>> -> memref<128x32xf32, #tpu.memory_space<vmem>>
      %dma_wait3A_311 = arith.constant 0 : i32
      %dma_wait3A_312 = tpu.memref_slice %arg2[%add3A_304, %dma_wait3A_311] : memref<163840x32xf32, #tpu.memory_space<hbm>> -> memref<128x32xf32, #tpu.memory_space<hbm>>
      %dma_wait3A_313 = tpu.memref_slice %arg9[%dma_wait3A_306] : memref<4x!tpu.dma_semaphore, #tpu.memory_space<semaphore_mem>> -> memref<1x!tpu.dma_semaphore, #tpu.memory_space<semaphore_mem>>
      %dma_wait3A_314 = tpu.memref_squeeze %dma_wait3A_313 : memref<1x!tpu.dma_semaphore, #tpu.memory_space<semaphore_mem>> -> memref<!tpu.dma_semaphore, #tpu.memory_space<semaphore_mem>>
      %dma_wait3A_315 = arith.constant 0 : i32
      %dma_wait3A_316 = arith.constant 0 : i32
      %dma_wait3A_317 = tpu.memref_slice %arg7[%dma_wait3A_305, %dma_wait3A_315, %dma_wait3A_316] : memref<4x128x32xf32, #tpu.memory_space<vmem>> -> memref<1x128x32xf32, #tpu.memory_space<vmem>>
      %dma_wait3A_318 = tpu.memref_squeeze %dma_wait3A_317 : memref<1x128x32xf32, #tpu.memory_space<vmem>> -> memref<128x32xf32, #tpu.memory_space<vmem>>
      %dma_wait3A_319 = arith.constant 0 : i32
      %dma_wait3A_320 = tpu.memref_slice %arg2[%add3A_304, %dma_wait3A_319] : memref<163840x32xf32, #tpu.memory_space<hbm>> -> memref<128x32xf32, #tpu.memory_space<hbm>>
      tpu.wait_dma2 semaphore(%dma_wait3A_314 : memref<!tpu.dma_semaphore, #tpu.memory_space<semaphore_mem>>) src(%dma_wait3A_320 : memref<128x32xf32, #tpu.memory_space<hbm>>) dst(%dma_wait3A_318 : memref<128x32xf32, #tpu.memory_space<vmem>>)
      %dma_start3A_321 = arith.constant 0 : i32
      %dma_start3A_322 = arith.constant 0 : i32
      %dma_start3A_323 = arith.constant 0 : i32
      %dma_start3A_324 = arith.constant 0 : i32
      %dma_start3A_325 = tpu.memref_slice %arg7[%dma_start3A_321, %dma_start3A_323, %dma_start3A_324] : memref<4x128x32xf32, #tpu.memory_space<vmem>> -> memref<1x128x32xf32, #tpu.memory_space<vmem>>
      %dma_start3A_326 = tpu.memref_squeeze %dma_start3A_325 : memref<1x128x32xf32, #tpu.memory_space<vmem>> -> memref<128x32xf32, #tpu.memory_space<vmem>>
      %dma_start3A_327 = arith.constant 0 : i32
      %dma_start3A_328 = tpu.memref_slice %arg6[%add3A_301, %dma_start3A_327] : memref<80x128xi32, #tpu.memory_space<vmem>> -> memref<1x128xi32, #tpu.memory_space<vmem>>
      %dma_start3A_329 = tpu.memref_squeeze %dma_start3A_328 : memref<1x128xi32, #tpu.memory_space<vmem>> -> memref<128xi32, #tpu.memory_space<vmem>>
      %dma_start3A_330 = arith.constant 0 : i32
      %dma_start3A_331 = arith.constant 0 : i32
      %dma_start3A_332 = tpu.memref_slice %arg8[%dma_start3A_330, %dma_start3A_331] : memref<10112x32xf32, #tpu.memory_space<vmem_shared>> -> memref<10112x32xf32, #tpu.memory_space<vmem_shared>>
      %dma_start3A_333 = tpu.memref_slice %arg10[%dma_start3A_322] : memref<4x!tpu.dma_semaphore, #tpu.memory_space<semaphore_mem>> -> memref<1x!tpu.dma_semaphore, #tpu.memory_space<semaphore_mem>>
      %dma_start3A_334 = tpu.memref_squeeze %dma_start3A_333 : memref<1x!tpu.dma_semaphore, #tpu.memory_space<semaphore_mem>> -> memref<!tpu.dma_semaphore, #tpu.memory_space<semaphore_mem>>
      tpu.enqueue_indirect_dma source(%dma_start3A_326 : memref<128x32xf32, #tpu.memory_space<vmem>>) target(%dma_start3A_332 : memref<10112x32xf32, #tpu.memory_space<vmem_shared>>) offsets(%dma_start3A_329 : memref<128xi32, #tpu.memory_space<vmem>>) semaphore(%dma_start3A_334 : memref<!tpu.dma_semaphore, #tpu.memory_space<semaphore_mem>>) {add = true}
      %mul3A_335 = arith.constant 4 : i32
      %mul3A_336 = arith.muli %scan3A_297, %mul3A_335 : i32
      %add3A_337 = arith.constant 1 : i32
      %add3A_338 = arith.addi %mul3A_336, %add3A_337 : i32
      %mul3A_339 = arith.constant 128 : i32
      %mul3A_340 = arith.muli %add3A_338, %mul3A_339 : i32
      %add3A_341 = arith.addi %mul3A_0, %mul3A_340 : i32
      %dma_wait3A_342 = arith.constant 1 : i32
      %dma_wait3A_343 = arith.constant 1 : i32
      %dma_wait3A_344 = arith.constant 0 : i32
      %dma_wait3A_345 = arith.constant 0 : i32
      %dma_wait3A_346 = tpu.memref_slice %arg7[%dma_wait3A_342, %dma_wait3A_344, %dma_wait3A_345] : memref<4x128x32xf32, #tpu.memory_space<vmem>> -> memref<1x128x32xf32, #tpu.memory_space<vmem>>
      %dma_wait3A_347 = tpu.memref_squeeze %dma_wait3A_346 : memref<1x128x32xf32, #tpu.memory_space<vmem>> -> memref<128x32xf32, #tpu.memory_space<vmem>>
      %dma_wait3A_348 = arith.constant 0 : i32
      %dma_wait3A_349 = tpu.memref_slice %arg2[%add3A_341, %dma_wait3A_348] : memref<163840x32xf32, #tpu.memory_space<hbm>> -> memref<128x32xf32, #tpu.memory_space<hbm>>
      %dma_wait3A_350 = tpu.memref_slice %arg9[%dma_wait3A_343] : memref<4x!tpu.dma_semaphore, #tpu.memory_space<semaphore_mem>> -> memref<1x!tpu.dma_semaphore, #tpu.memory_space<semaphore_mem>>
      %dma_wait3A_351 = tpu.memref_squeeze %dma_wait3A_350 : memref<1x!tpu.dma_semaphore, #tpu.memory_space<semaphore_mem>> -> memref<!tpu.dma_semaphore, #tpu.memory_space<semaphore_mem>>
      %dma_wait3A_352 = arith.constant 0 : i32
      %dma_wait3A_353 = arith.constant 0 : i32
      %dma_wait3A_354 = tpu.memref_slice %arg7[%dma_wait3A_342, %dma_wait3A_352, %dma_wait3A_353] : memref<4x128x32xf32, #tpu.memory_space<vmem>> -> memref<1x128x32xf32, #tpu.memory_space<vmem>>
      %dma_wait3A_355 = tpu.memref_squeeze %dma_wait3A_354 : memref<1x128x32xf32, #tpu.memory_space<vmem>> -> memref<128x32xf32, #tpu.memory_space<vmem>>
      %dma_wait3A_356 = arith.constant 0 : i32
      %dma_wait3A_357 = tpu.memref_slice %arg2[%add3A_341, %dma_wait3A_356] : memref<163840x32xf32, #tpu.memory_space<hbm>> -> memref<128x32xf32, #tpu.memory_space<hbm>>
      tpu.wait_dma2 semaphore(%dma_wait3A_351 : memref<!tpu.dma_semaphore, #tpu.memory_space<semaphore_mem>>) src(%dma_wait3A_357 : memref<128x32xf32, #tpu.memory_space<hbm>>) dst(%dma_wait3A_355 : memref<128x32xf32, #tpu.memory_space<vmem>>)
      %dma_start3A_358 = arith.constant 1 : i32
      %dma_start3A_359 = arith.constant 1 : i32
      %dma_start3A_360 = arith.constant 0 : i32
      %dma_start3A_361 = arith.constant 0 : i32
      %dma_start3A_362 = tpu.memref_slice %arg7[%dma_start3A_358, %dma_start3A_360, %dma_start3A_361] : memref<4x128x32xf32, #tpu.memory_space<vmem>> -> memref<1x128x32xf32, #tpu.memory_space<vmem>>
      %dma_start3A_363 = tpu.memref_squeeze %dma_start3A_362 : memref<1x128x32xf32, #tpu.memory_space<vmem>> -> memref<128x32xf32, #tpu.memory_space<vmem>>
      %dma_start3A_364 = arith.constant 0 : i32
      %dma_start3A_365 = tpu.memref_slice %arg6[%add3A_338, %dma_start3A_364] : memref<80x128xi32, #tpu.memory_space<vmem>> -> memref<1x128xi32, #tpu.memory_space<vmem>>
      %dma_start3A_366 = tpu.memref_squeeze %dma_start3A_365 : memref<1x128xi32, #tpu.memory_space<vmem>> -> memref<128xi32, #tpu.memory_space<vmem>>
      %dma_start3A_367 = arith.constant 0 : i32
      %dma_start3A_368 = arith.constant 0 : i32
      %dma_start3A_369 = tpu.memref_slice %arg8[%dma_start3A_367, %dma_start3A_368] : memref<10112x32xf32, #tpu.memory_space<vmem_shared>> -> memref<10112x32xf32, #tpu.memory_space<vmem_shared>>
      %dma_start3A_370 = tpu.memref_slice %arg10[%dma_start3A_359] : memref<4x!tpu.dma_semaphore, #tpu.memory_space<semaphore_mem>> -> memref<1x!tpu.dma_semaphore, #tpu.memory_space<semaphore_mem>>
      %dma_start3A_371 = tpu.memref_squeeze %dma_start3A_370 : memref<1x!tpu.dma_semaphore, #tpu.memory_space<semaphore_mem>> -> memref<!tpu.dma_semaphore, #tpu.memory_space<semaphore_mem>>
      tpu.enqueue_indirect_dma source(%dma_start3A_363 : memref<128x32xf32, #tpu.memory_space<vmem>>) target(%dma_start3A_369 : memref<10112x32xf32, #tpu.memory_space<vmem_shared>>) offsets(%dma_start3A_366 : memref<128xi32, #tpu.memory_space<vmem>>) semaphore(%dma_start3A_371 : memref<!tpu.dma_semaphore, #tpu.memory_space<semaphore_mem>>) {add = true}
      %mul3A_372 = arith.constant 4 : i32
      %mul3A_373 = arith.muli %scan3A_297, %mul3A_372 : i32
      %add3A_374 = arith.constant 2 : i32
      %add3A_375 = arith.addi %mul3A_373, %add3A_374 : i32
      %mul3A_376 = arith.constant 128 : i32
      %mul3A_377 = arith.muli %add3A_375, %mul3A_376 : i32
      %add3A_378 = arith.addi %mul3A_0, %mul3A_377 : i32
      %dma_wait3A_379 = arith.constant 2 : i32
      %dma_wait3A_380 = arith.constant 2 : i32
      %dma_wait3A_381 = arith.constant 0 : i32
      %dma_wait3A_382 = arith.constant 0 : i32
      %dma_wait3A_383 = tpu.memref_slice %arg7[%dma_wait3A_379, %dma_wait3A_381, %dma_wait3A_382] : memref<4x128x32xf32, #tpu.memory_space<vmem>> -> memref<1x128x32xf32, #tpu.memory_space<vmem>>
      %dma_wait3A_384 = tpu.memref_squeeze %dma_wait3A_383 : memref<1x128x32xf32, #tpu.memory_space<vmem>> -> memref<128x32xf32, #tpu.memory_space<vmem>>
      %dma_wait3A_385 = arith.constant 0 : i32
      %dma_wait3A_386 = tpu.memref_slice %arg2[%add3A_378, %dma_wait3A_385] : memref<163840x32xf32, #tpu.memory_space<hbm>> -> memref<128x32xf32, #tpu.memory_space<hbm>>
      %dma_wait3A_387 = tpu.memref_slice %arg9[%dma_wait3A_380] : memref<4x!tpu.dma_semaphore, #tpu.memory_space<semaphore_mem>> -> memref<1x!tpu.dma_semaphore, #tpu.memory_space<semaphore_mem>>
      %dma_wait3A_388 = tpu.memref_squeeze %dma_wait3A_387 : memref<1x!tpu.dma_semaphore, #tpu.memory_space<semaphore_mem>> -> memref<!tpu.dma_semaphore, #tpu.memory_space<semaphore_mem>>
      %dma_wait3A_389 = arith.constant 0 : i32
      %dma_wait3A_390 = arith.constant 0 : i32
      %dma_wait3A_391 = tpu.memref_slice %arg7[%dma_wait3A_379, %dma_wait3A_389, %dma_wait3A_390] : memref<4x128x32xf32, #tpu.memory_space<vmem>> -> memref<1x128x32xf32, #tpu.memory_space<vmem>>
      %dma_wait3A_392 = tpu.memref_squeeze %dma_wait3A_391 : memref<1x128x32xf32, #tpu.memory_space<vmem>> -> memref<128x32xf32, #tpu.memory_space<vmem>>
      %dma_wait3A_393 = arith.constant 0 : i32
      %dma_wait3A_394 = tpu.memref_slice %arg2[%add3A_378, %dma_wait3A_393] : memref<163840x32xf32, #tpu.memory_space<hbm>> -> memref<128x32xf32, #tpu.memory_space<hbm>>
      tpu.wait_dma2 semaphore(%dma_wait3A_388 : memref<!tpu.dma_semaphore, #tpu.memory_space<semaphore_mem>>) src(%dma_wait3A_394 : memref<128x32xf32, #tpu.memory_space<hbm>>) dst(%dma_wait3A_392 : memref<128x32xf32, #tpu.memory_space<vmem>>)
      %dma_start3A_395 = arith.constant 2 : i32
      %dma_start3A_396 = arith.constant 2 : i32
      %dma_start3A_397 = arith.constant 0 : i32
      %dma_start3A_398 = arith.constant 0 : i32
      %dma_start3A_399 = tpu.memref_slice %arg7[%dma_start3A_395, %dma_start3A_397, %dma_start3A_398] : memref<4x128x32xf32, #tpu.memory_space<vmem>> -> memref<1x128x32xf32, #tpu.memory_space<vmem>>
      %dma_start3A_400 = tpu.memref_squeeze %dma_start3A_399 : memref<1x128x32xf32, #tpu.memory_space<vmem>> -> memref<128x32xf32, #tpu.memory_space<vmem>>
      %dma_start3A_401 = arith.constant 0 : i32
      %dma_start3A_402 = tpu.memref_slice %arg6[%add3A_375, %dma_start3A_401] : memref<80x128xi32, #tpu.memory_space<vmem>> -> memref<1x128xi32, #tpu.memory_space<vmem>>
      %dma_start3A_403 = tpu.memref_squeeze %dma_start3A_402 : memref<1x128xi32, #tpu.memory_space<vmem>> -> memref<128xi32, #tpu.memory_space<vmem>>
      %dma_start3A_404 = arith.constant 0 : i32
      %dma_start3A_405 = arith.constant 0 : i32
      %dma_start3A_406 = tpu.memref_slice %arg8[%dma_start3A_404, %dma_start3A_405] : memref<10112x32xf32, #tpu.memory_space<vmem_shared>> -> memref<10112x32xf32, #tpu.memory_space<vmem_shared>>
      %dma_start3A_407 = tpu.memref_slice %arg10[%dma_start3A_396] : memref<4x!tpu.dma_semaphore, #tpu.memory_space<semaphore_mem>> -> memref<1x!tpu.dma_semaphore, #tpu.memory_space<semaphore_mem>>
      %dma_start3A_408 = tpu.memref_squeeze %dma_start3A_407 : memref<1x!tpu.dma_semaphore, #tpu.memory_space<semaphore_mem>> -> memref<!tpu.dma_semaphore, #tpu.memory_space<semaphore_mem>>
      tpu.enqueue_indirect_dma source(%dma_start3A_400 : memref<128x32xf32, #tpu.memory_space<vmem>>) target(%dma_start3A_406 : memref<10112x32xf32, #tpu.memory_space<vmem_shared>>) offsets(%dma_start3A_403 : memref<128xi32, #tpu.memory_space<vmem>>) semaphore(%dma_start3A_408 : memref<!tpu.dma_semaphore, #tpu.memory_space<semaphore_mem>>) {add = true}
      %mul3A_409 = arith.constant 4 : i32
      %mul3A_410 = arith.muli %scan3A_297, %mul3A_409 : i32
      %add3A_411 = arith.constant 3 : i32
      %add3A_412 = arith.addi %mul3A_410, %add3A_411 : i32
      %mul3A_413 = arith.constant 128 : i32
      %mul3A_414 = arith.muli %add3A_412, %mul3A_413 : i32
      %add3A_415 = arith.addi %mul3A_0, %mul3A_414 : i32
      %dma_wait3A_416 = arith.constant 3 : i32
      %dma_wait3A_417 = arith.constant 3 : i32
      %dma_wait3A_418 = arith.constant 0 : i32
      %dma_wait3A_419 = arith.constant 0 : i32
      %dma_wait3A_420 = tpu.memref_slice %arg7[%dma_wait3A_416, %dma_wait3A_418, %dma_wait3A_419] : memref<4x128x32xf32, #tpu.memory_space<vmem>> -> memref<1x128x32xf32, #tpu.memory_space<vmem>>
      %dma_wait3A_421 = tpu.memref_squeeze %dma_wait3A_420 : memref<1x128x32xf32, #tpu.memory_space<vmem>> -> memref<128x32xf32, #tpu.memory_space<vmem>>
      %dma_wait3A_422 = arith.constant 0 : i32
      %dma_wait3A_423 = tpu.memref_slice %arg2[%add3A_415, %dma_wait3A_422] : memref<163840x32xf32, #tpu.memory_space<hbm>> -> memref<128x32xf32, #tpu.memory_space<hbm>>
      %dma_wait3A_424 = tpu.memref_slice %arg9[%dma_wait3A_417] : memref<4x!tpu.dma_semaphore, #tpu.memory_space<semaphore_mem>> -> memref<1x!tpu.dma_semaphore, #tpu.memory_space<semaphore_mem>>
      %dma_wait3A_425 = tpu.memref_squeeze %dma_wait3A_424 : memref<1x!tpu.dma_semaphore, #tpu.memory_space<semaphore_mem>> -> memref<!tpu.dma_semaphore, #tpu.memory_space<semaphore_mem>>
      %dma_wait3A_426 = arith.constant 0 : i32
      %dma_wait3A_427 = arith.constant 0 : i32
      %dma_wait3A_428 = tpu.memref_slice %arg7[%dma_wait3A_416, %dma_wait3A_426, %dma_wait3A_427] : memref<4x128x32xf32, #tpu.memory_space<vmem>> -> memref<1x128x32xf32, #tpu.memory_space<vmem>>
      %dma_wait3A_429 = tpu.memref_squeeze %dma_wait3A_428 : memref<1x128x32xf32, #tpu.memory_space<vmem>> -> memref<128x32xf32, #tpu.memory_space<vmem>>
      %dma_wait3A_430 = arith.constant 0 : i32
      %dma_wait3A_431 = tpu.memref_slice %arg2[%add3A_415, %dma_wait3A_430] : memref<163840x32xf32, #tpu.memory_space<hbm>> -> memref<128x32xf32, #tpu.memory_space<hbm>>
      tpu.wait_dma2 semaphore(%dma_wait3A_425 : memref<!tpu.dma_semaphore, #tpu.memory_space<semaphore_mem>>) src(%dma_wait3A_431 : memref<128x32xf32, #tpu.memory_space<hbm>>) dst(%dma_wait3A_429 : memref<128x32xf32, #tpu.memory_space<vmem>>)
      %dma_start3A_432 = arith.constant 3 : i32
      %dma_start3A_433 = arith.constant 3 : i32
      %dma_start3A_434 = arith.constant 0 : i32
      %dma_start3A_435 = arith.constant 0 : i32
      %dma_start3A_436 = tpu.memref_slice %arg7[%dma_start3A_432, %dma_start3A_434, %dma_start3A_435] : memref<4x128x32xf32, #tpu.memory_space<vmem>> -> memref<1x128x32xf32, #tpu.memory_space<vmem>>
      %dma_start3A_437 = tpu.memref_squeeze %dma_start3A_436 : memref<1x128x32xf32, #tpu.memory_space<vmem>> -> memref<128x32xf32, #tpu.memory_space<vmem>>
      %dma_start3A_438 = arith.constant 0 : i32
      %dma_start3A_439 = tpu.memref_slice %arg6[%add3A_412, %dma_start3A_438] : memref<80x128xi32, #tpu.memory_space<vmem>> -> memref<1x128xi32, #tpu.memory_space<vmem>>
      %dma_start3A_440 = tpu.memref_squeeze %dma_start3A_439 : memref<1x128xi32, #tpu.memory_space<vmem>> -> memref<128xi32, #tpu.memory_space<vmem>>
      %dma_start3A_441 = arith.constant 0 : i32
      %dma_start3A_442 = arith.constant 0 : i32
      %dma_start3A_443 = tpu.memref_slice %arg8[%dma_start3A_441, %dma_start3A_442] : memref<10112x32xf32, #tpu.memory_space<vmem_shared>> -> memref<10112x32xf32, #tpu.memory_space<vmem_shared>>
      %dma_start3A_444 = tpu.memref_slice %arg10[%dma_start3A_433] : memref<4x!tpu.dma_semaphore, #tpu.memory_space<semaphore_mem>> -> memref<1x!tpu.dma_semaphore, #tpu.memory_space<semaphore_mem>>
      %dma_start3A_445 = tpu.memref_squeeze %dma_start3A_444 : memref<1x!tpu.dma_semaphore, #tpu.memory_space<semaphore_mem>> -> memref<!tpu.dma_semaphore, #tpu.memory_space<semaphore_mem>>
      tpu.enqueue_indirect_dma source(%dma_start3A_437 : memref<128x32xf32, #tpu.memory_space<vmem>>) target(%dma_start3A_443 : memref<10112x32xf32, #tpu.memory_space<vmem_shared>>) offsets(%dma_start3A_440 : memref<128xi32, #tpu.memory_space<vmem>>) semaphore(%dma_start3A_445 : memref<!tpu.dma_semaphore, #tpu.memory_space<semaphore_mem>>) {add = true}
      %add3A_446 = arith.constant 1 : i32
      %add3A_447 = arith.addi %scan3A_297, %add3A_446 : i32
      %mul3A_448 = arith.constant 4 : i32
      %mul3A_449 = arith.muli %add3A_447, %mul3A_448 : i32
      %add3A_450 = arith.constant 0 : i32
      %add3A_451 = arith.addi %mul3A_449, %add3A_450 : i32
      %lt3A = arith.constant 80 : i32
      %lt3A_452 = arith.cmpi slt, %add3A_451, %lt3A : i32
      %convert_element_type3A = arith.extui %lt3A_452 : i1 to i32
      %cond3A = arith.constant 0 : i32
      %cond3A_453 = arith.cmpi ne, %convert_element_type3A, %cond3A : i32
      scf.if %cond3A_453 {
        %dma_wait3A_487 = arith.constant 0 : i32
        %dma_wait3A_488 = arith.constant 0 : i32
        %dma_wait3A_489 = arith.constant 0 : i32
        %dma_wait3A_490 = arith.constant 0 : i32
        %dma_wait3A_491 = tpu.memref_slice %arg7[%dma_wait3A_487, %dma_wait3A_489, %dma_wait3A_490] : memref<4x128x32xf32, #tpu.memory_space<vmem>> -> memref<1x128x32xf32, #tpu.memory_space<vmem>>
        %dma_wait3A_492 = tpu.memref_squeeze %dma_wait3A_491 : memref<1x128x32xf32, #tpu.memory_space<vmem>> -> memref<128x32xf32, #tpu.memory_space<vmem>>
        %dma_wait3A_493 = arith.constant 0 : i32
        %dma_wait3A_494 = arith.constant 0 : i32
        %dma_wait3A_495 = tpu.memref_slice %arg8[%dma_wait3A_493, %dma_wait3A_494] : memref<10112x32xf32, #tpu.memory_space<vmem_shared>> -> memref<128x32xf32, #tpu.memory_space<vmem_shared>>
        %dma_wait3A_496 = tpu.memref_slice %arg10[%dma_wait3A_488] : memref<4x!tpu.dma_semaphore, #tpu.memory_space<semaphore_mem>> -> memref<1x!tpu.dma_semaphore, #tpu.memory_space<semaphore_mem>>
        %dma_wait3A_497 = tpu.memref_squeeze %dma_wait3A_496 : memref<1x!tpu.dma_semaphore, #tpu.memory_space<semaphore_mem>> -> memref<!tpu.dma_semaphore, #tpu.memory_space<semaphore_mem>>
        %dma_wait3A_498 = arith.constant 0 : i32
        %dma_wait3A_499 = arith.constant 0 : i32
        %dma_wait3A_500 = tpu.memref_slice %arg8[%dma_wait3A_498, %dma_wait3A_499] : memref<10112x32xf32, #tpu.memory_space<vmem_shared>> -> memref<128x32xf32, #tpu.memory_space<vmem_shared>>
        %dma_wait3A_501 = arith.constant 0 : i32
        %dma_wait3A_502 = arith.constant 0 : i32
        %dma_wait3A_503 = tpu.memref_slice %arg7[%dma_wait3A_487, %dma_wait3A_501, %dma_wait3A_502] : memref<4x128x32xf32, #tpu.memory_space<vmem>> -> memref<1x128x32xf32, #tpu.memory_space<vmem>>
        %dma_wait3A_504 = tpu.memref_squeeze %dma_wait3A_503 : memref<1x128x32xf32, #tpu.memory_space<vmem>> -> memref<128x32xf32, #tpu.memory_space<vmem>>
        tpu.wait_dma2 semaphore(%dma_wait3A_497 : memref<!tpu.dma_semaphore, #tpu.memory_space<semaphore_mem>>) src(%dma_wait3A_504 : memref<128x32xf32, #tpu.memory_space<vmem>>) dst(%dma_wait3A_500 : memref<128x32xf32, #tpu.memory_space<vmem_shared>>)
        %mul3A_505 = arith.constant 128 : i32
        %mul3A_506 = arith.muli %add3A_451, %mul3A_505 : i32
        %add3A_507 = arith.addi %mul3A_0, %mul3A_506 : i32
        %dma_start3A_508 = arith.constant 0 : i32
        %dma_start3A_509 = arith.constant 0 : i32
        %dma_start3A_510 = arith.constant 0 : i32
        %dma_start3A_511 = arith.constant 0 : i32
        %dma_start3A_512 = tpu.memref_slice %arg7[%dma_start3A_508, %dma_start3A_510, %dma_start3A_511] : memref<4x128x32xf32, #tpu.memory_space<vmem>> -> memref<1x128x32xf32, #tpu.memory_space<vmem>>
        %dma_start3A_513 = tpu.memref_squeeze %dma_start3A_512 : memref<1x128x32xf32, #tpu.memory_space<vmem>> -> memref<128x32xf32, #tpu.memory_space<vmem>>
        %dma_start3A_514 = arith.constant 0 : i32
        %dma_start3A_515 = tpu.memref_slice %arg2[%add3A_507, %dma_start3A_514] : memref<163840x32xf32, #tpu.memory_space<hbm>> -> memref<128x32xf32, #tpu.memory_space<hbm>>
        %dma_start3A_516 = tpu.memref_slice %arg9[%dma_start3A_509] : memref<4x!tpu.dma_semaphore, #tpu.memory_space<semaphore_mem>> -> memref<1x!tpu.dma_semaphore, #tpu.memory_space<semaphore_mem>>
        %dma_start3A_517 = tpu.memref_squeeze %dma_start3A_516 : memref<1x!tpu.dma_semaphore, #tpu.memory_space<semaphore_mem>> -> memref<!tpu.dma_semaphore, #tpu.memory_space<semaphore_mem>>
        %dma_start3A_518 = arith.constant 0 : i32
        %dma_start3A_519 = arith.constant 0 : i32
        %dma_start3A_520 = tpu.memref_slice %arg7[%dma_start3A_508, %dma_start3A_518, %dma_start3A_519] : memref<4x128x32xf32, #tpu.memory_space<vmem>> -> memref<1x128x32xf32, #tpu.memory_space<vmem>>
        %dma_start3A_521 = tpu.memref_squeeze %dma_start3A_520 : memref<1x128x32xf32, #tpu.memory_space<vmem>> -> memref<128x32xf32, #tpu.memory_space<vmem>>
        %dma_start3A_522 = arith.constant 0 : i32
        %dma_start3A_523 = tpu.memref_slice %arg2[%add3A_507, %dma_start3A_522] : memref<163840x32xf32, #tpu.memory_space<hbm>> -> memref<128x32xf32, #tpu.memory_space<hbm>>
        tpu.enqueue_dma source(%dma_start3A_523 : memref<128x32xf32, #tpu.memory_space<hbm>>) target(%dma_start3A_521 : memref<128x32xf32, #tpu.memory_space<vmem>>) target_semaphore(%dma_start3A_517 : memref<!tpu.dma_semaphore, #tpu.memory_space<semaphore_mem>>)
      } else {
      }
      %add3A_454 = arith.constant 1 : i32
      %add3A_455 = arith.addi %scan3A_297, %add3A_454 : i32
      %mul3A_456 = arith.constant 4 : i32
      %mul3A_457 = arith.muli %add3A_455, %mul3A_456 : i32
      %add3A_458 = arith.constant 1 : i32
      %add3A_459 = arith.addi %mul3A_457, %add3A_458 : i32
      %lt3A_460 = arith.constant 80 : i32
      %lt3A_461 = arith.cmpi slt, %add3A_459, %lt3A_460 : i32
      %convert_element_type3A_462 = arith.extui %lt3A_461 : i1 to i32
      %cond3A_463 = arith.constant 0 : i32
      %cond3A_464 = arith.cmpi ne, %convert_element_type3A_462, %cond3A_463 : i32
      scf.if %cond3A_464 {
        %dma_wait3A_487 = arith.constant 1 : i32
        %dma_wait3A_488 = arith.constant 1 : i32
        %dma_wait3A_489 = arith.constant 0 : i32
        %dma_wait3A_490 = arith.constant 0 : i32
        %dma_wait3A_491 = tpu.memref_slice %arg7[%dma_wait3A_487, %dma_wait3A_489, %dma_wait3A_490] : memref<4x128x32xf32, #tpu.memory_space<vmem>> -> memref<1x128x32xf32, #tpu.memory_space<vmem>>
        %dma_wait3A_492 = tpu.memref_squeeze %dma_wait3A_491 : memref<1x128x32xf32, #tpu.memory_space<vmem>> -> memref<128x32xf32, #tpu.memory_space<vmem>>
        %dma_wait3A_493 = arith.constant 0 : i32
        %dma_wait3A_494 = arith.constant 0 : i32
        %dma_wait3A_495 = tpu.memref_slice %arg8[%dma_wait3A_493, %dma_wait3A_494] : memref<10112x32xf32, #tpu.memory_space<vmem_shared>> -> memref<128x32xf32, #tpu.memory_space<vmem_shared>>
        %dma_wait3A_496 = tpu.memref_slice %arg10[%dma_wait3A_488] : memref<4x!tpu.dma_semaphore, #tpu.memory_space<semaphore_mem>> -> memref<1x!tpu.dma_semaphore, #tpu.memory_space<semaphore_mem>>
        %dma_wait3A_497 = tpu.memref_squeeze %dma_wait3A_496 : memref<1x!tpu.dma_semaphore, #tpu.memory_space<semaphore_mem>> -> memref<!tpu.dma_semaphore, #tpu.memory_space<semaphore_mem>>
        %dma_wait3A_498 = arith.constant 0 : i32
        %dma_wait3A_499 = arith.constant 0 : i32
        %dma_wait3A_500 = tpu.memref_slice %arg8[%dma_wait3A_498, %dma_wait3A_499] : memref<10112x32xf32, #tpu.memory_space<vmem_shared>> -> memref<128x32xf32, #tpu.memory_space<vmem_shared>>
        %dma_wait3A_501 = arith.constant 0 : i32
        %dma_wait3A_502 = arith.constant 0 : i32
        %dma_wait3A_503 = tpu.memref_slice %arg7[%dma_wait3A_487, %dma_wait3A_501, %dma_wait3A_502] : memref<4x128x32xf32, #tpu.memory_space<vmem>> -> memref<1x128x32xf32, #tpu.memory_space<vmem>>
        %dma_wait3A_504 = tpu.memref_squeeze %dma_wait3A_503 : memref<1x128x32xf32, #tpu.memory_space<vmem>> -> memref<128x32xf32, #tpu.memory_space<vmem>>
        tpu.wait_dma2 semaphore(%dma_wait3A_497 : memref<!tpu.dma_semaphore, #tpu.memory_space<semaphore_mem>>) src(%dma_wait3A_504 : memref<128x32xf32, #tpu.memory_space<vmem>>) dst(%dma_wait3A_500 : memref<128x32xf32, #tpu.memory_space<vmem_shared>>)
        %mul3A_505 = arith.constant 128 : i32
        %mul3A_506 = arith.muli %add3A_459, %mul3A_505 : i32
        %add3A_507 = arith.addi %mul3A_0, %mul3A_506 : i32
        %dma_start3A_508 = arith.constant 1 : i32
        %dma_start3A_509 = arith.constant 1 : i32
        %dma_start3A_510 = arith.constant 0 : i32
        %dma_start3A_511 = arith.constant 0 : i32
        %dma_start3A_512 = tpu.memref_slice %arg7[%dma_start3A_508, %dma_start3A_510, %dma_start3A_511] : memref<4x128x32xf32, #tpu.memory_space<vmem>> -> memref<1x128x32xf32, #tpu.memory_space<vmem>>
        %dma_start3A_513 = tpu.memref_squeeze %dma_start3A_512 : memref<1x128x32xf32, #tpu.memory_space<vmem>> -> memref<128x32xf32, #tpu.memory_space<vmem>>
        %dma_start3A_514 = arith.constant 0 : i32
        %dma_start3A_515 = tpu.memref_slice %arg2[%add3A_507, %dma_start3A_514] : memref<163840x32xf32, #tpu.memory_space<hbm>> -> memref<128x32xf32, #tpu.memory_space<hbm>>
        %dma_start3A_516 = tpu.memref_slice %arg9[%dma_start3A_509] : memref<4x!tpu.dma_semaphore, #tpu.memory_space<semaphore_mem>> -> memref<1x!tpu.dma_semaphore, #tpu.memory_space<semaphore_mem>>
        %dma_start3A_517 = tpu.memref_squeeze %dma_start3A_516 : memref<1x!tpu.dma_semaphore, #tpu.memory_space<semaphore_mem>> -> memref<!tpu.dma_semaphore, #tpu.memory_space<semaphore_mem>>
        %dma_start3A_518 = arith.constant 0 : i32
        %dma_start3A_519 = arith.constant 0 : i32
        %dma_start3A_520 = tpu.memref_slice %arg7[%dma_start3A_508, %dma_start3A_518, %dma_start3A_519] : memref<4x128x32xf32, #tpu.memory_space<vmem>> -> memref<1x128x32xf32, #tpu.memory_space<vmem>>
        %dma_start3A_521 = tpu.memref_squeeze %dma_start3A_520 : memref<1x128x32xf32, #tpu.memory_space<vmem>> -> memref<128x32xf32, #tpu.memory_space<vmem>>
        %dma_start3A_522 = arith.constant 0 : i32
        %dma_start3A_523 = tpu.memref_slice %arg2[%add3A_507, %dma_start3A_522] : memref<163840x32xf32, #tpu.memory_space<hbm>> -> memref<128x32xf32, #tpu.memory_space<hbm>>
        tpu.enqueue_dma source(%dma_start3A_523 : memref<128x32xf32, #tpu.memory_space<hbm>>) target(%dma_start3A_521 : memref<128x32xf32, #tpu.memory_space<vmem>>) target_semaphore(%dma_start3A_517 : memref<!tpu.dma_semaphore, #tpu.memory_space<semaphore_mem>>)
      } else {
      }
      %add3A_465 = arith.constant 1 : i32
      %add3A_466 = arith.addi %scan3A_297, %add3A_465 : i32
      %mul3A_467 = arith.constant 4 : i32
      %mul3A_468 = arith.muli %add3A_466, %mul3A_467 : i32
      %add3A_469 = arith.constant 2 : i32
      %add3A_470 = arith.addi %mul3A_468, %add3A_469 : i32
      %lt3A_471 = arith.constant 80 : i32
      %lt3A_472 = arith.cmpi slt, %add3A_470, %lt3A_471 : i32
      %convert_element_type3A_473 = arith.extui %lt3A_472 : i1 to i32
      %cond3A_474 = arith.constant 0 : i32
      %cond3A_475 = arith.cmpi ne, %convert_element_type3A_473, %cond3A_474 : i32
      scf.if %cond3A_475 {
        %dma_wait3A_487 = arith.constant 2 : i32
        %dma_wait3A_488 = arith.constant 2 : i32
        %dma_wait3A_489 = arith.constant 0 : i32
        %dma_wait3A_490 = arith.constant 0 : i32
        %dma_wait3A_491 = tpu.memref_slice %arg7[%dma_wait3A_487, %dma_wait3A_489, %dma_wait3A_490] : memref<4x128x32xf32, #tpu.memory_space<vmem>> -> memref<1x128x32xf32, #tpu.memory_space<vmem>>
        %dma_wait3A_492 = tpu.memref_squeeze %dma_wait3A_491 : memref<1x128x32xf32, #tpu.memory_space<vmem>> -> memref<128x32xf32, #tpu.memory_space<vmem>>
        %dma_wait3A_493 = arith.constant 0 : i32
        %dma_wait3A_494 = arith.constant 0 : i32
        %dma_wait3A_495 = tpu.memref_slice %arg8[%dma_wait3A_493, %dma_wait3A_494] : memref<10112x32xf32, #tpu.memory_space<vmem_shared>> -> memref<128x32xf32, #tpu.memory_space<vmem_shared>>
        %dma_wait3A_496 = tpu.memref_slice %arg10[%dma_wait3A_488] : memref<4x!tpu.dma_semaphore, #tpu.memory_space<semaphore_mem>> -> memref<1x!tpu.dma_semaphore, #tpu.memory_space<semaphore_mem>>
        %dma_wait3A_497 = tpu.memref_squeeze %dma_wait3A_496 : memref<1x!tpu.dma_semaphore, #tpu.memory_space<semaphore_mem>> -> memref<!tpu.dma_semaphore, #tpu.memory_space<semaphore_mem>>
        %dma_wait3A_498 = arith.constant 0 : i32
        %dma_wait3A_499 = arith.constant 0 : i32
        %dma_wait3A_500 = tpu.memref_slice %arg8[%dma_wait3A_498, %dma_wait3A_499] : memref<10112x32xf32, #tpu.memory_space<vmem_shared>> -> memref<128x32xf32, #tpu.memory_space<vmem_shared>>
        %dma_wait3A_501 = arith.constant 0 : i32
        %dma_wait3A_502 = arith.constant 0 : i32
        %dma_wait3A_503 = tpu.memref_slice %arg7[%dma_wait3A_487, %dma_wait3A_501, %dma_wait3A_502] : memref<4x128x32xf32, #tpu.memory_space<vmem>> -> memref<1x128x32xf32, #tpu.memory_space<vmem>>
        %dma_wait3A_504 = tpu.memref_squeeze %dma_wait3A_503 : memref<1x128x32xf32, #tpu.memory_space<vmem>> -> memref<128x32xf32, #tpu.memory_space<vmem>>
        tpu.wait_dma2 semaphore(%dma_wait3A_497 : memref<!tpu.dma_semaphore, #tpu.memory_space<semaphore_mem>>) src(%dma_wait3A_504 : memref<128x32xf32, #tpu.memory_space<vmem>>) dst(%dma_wait3A_500 : memref<128x32xf32, #tpu.memory_space<vmem_shared>>)
        %mul3A_505 = arith.constant 128 : i32
        %mul3A_506 = arith.muli %add3A_470, %mul3A_505 : i32
        %add3A_507 = arith.addi %mul3A_0, %mul3A_506 : i32
        %dma_start3A_508 = arith.constant 2 : i32
        %dma_start3A_509 = arith.constant 2 : i32
        %dma_start3A_510 = arith.constant 0 : i32
        %dma_start3A_511 = arith.constant 0 : i32
        %dma_start3A_512 = tpu.memref_slice %arg7[%dma_start3A_508, %dma_start3A_510, %dma_start3A_511] : memref<4x128x32xf32, #tpu.memory_space<vmem>> -> memref<1x128x32xf32, #tpu.memory_space<vmem>>
        %dma_start3A_513 = tpu.memref_squeeze %dma_start3A_512 : memref<1x128x32xf32, #tpu.memory_space<vmem>> -> memref<128x32xf32, #tpu.memory_space<vmem>>
        %dma_start3A_514 = arith.constant 0 : i32
        %dma_start3A_515 = tpu.memref_slice %arg2[%add3A_507, %dma_start3A_514] : memref<163840x32xf32, #tpu.memory_space<hbm>> -> memref<128x32xf32, #tpu.memory_space<hbm>>
        %dma_start3A_516 = tpu.memref_slice %arg9[%dma_start3A_509] : memref<4x!tpu.dma_semaphore, #tpu.memory_space<semaphore_mem>> -> memref<1x!tpu.dma_semaphore, #tpu.memory_space<semaphore_mem>>
        %dma_start3A_517 = tpu.memref_squeeze %dma_start3A_516 : memref<1x!tpu.dma_semaphore, #tpu.memory_space<semaphore_mem>> -> memref<!tpu.dma_semaphore, #tpu.memory_space<semaphore_mem>>
        %dma_start3A_518 = arith.constant 0 : i32
        %dma_start3A_519 = arith.constant 0 : i32
        %dma_start3A_520 = tpu.memref_slice %arg7[%dma_start3A_508, %dma_start3A_518, %dma_start3A_519] : memref<4x128x32xf32, #tpu.memory_space<vmem>> -> memref<1x128x32xf32, #tpu.memory_space<vmem>>
        %dma_start3A_521 = tpu.memref_squeeze %dma_start3A_520 : memref<1x128x32xf32, #tpu.memory_space<vmem>> -> memref<128x32xf32, #tpu.memory_space<vmem>>
        %dma_start3A_522 = arith.constant 0 : i32
        %dma_start3A_523 = tpu.memref_slice %arg2[%add3A_507, %dma_start3A_522] : memref<163840x32xf32, #tpu.memory_space<hbm>> -> memref<128x32xf32, #tpu.memory_space<hbm>>
        tpu.enqueue_dma source(%dma_start3A_523 : memref<128x32xf32, #tpu.memory_space<hbm>>) target(%dma_start3A_521 : memref<128x32xf32, #tpu.memory_space<vmem>>) target_semaphore(%dma_start3A_517 : memref<!tpu.dma_semaphore, #tpu.memory_space<semaphore_mem>>)
      } else {
      }
      %add3A_476 = arith.constant 1 : i32
      %add3A_477 = arith.addi %scan3A_297, %add3A_476 : i32
      %mul3A_478 = arith.constant 4 : i32
      %mul3A_479 = arith.muli %add3A_477, %mul3A_478 : i32
      %add3A_480 = arith.constant 3 : i32
      %add3A_481 = arith.addi %mul3A_479, %add3A_480 : i32
      %lt3A_482 = arith.constant 80 : i32
      %lt3A_483 = arith.cmpi slt, %add3A_481, %lt3A_482 : i32
      %convert_element_type3A_484 = arith.extui %lt3A_483 : i1 to i32
      %cond3A_485 = arith.constant 0 : i32
      %cond3A_486 = arith.cmpi ne, %convert_element_type3A_484, %cond3A_485 : i32
      scf.if %cond3A_486 {
        %dma_wait3A_487 = arith.constant 3 : i32
        %dma_wait3A_488 = arith.constant 3 : i32
        %dma_wait3A_489 = arith.constant 0 : i32
        %dma_wait3A_490 = arith.constant 0 : i32
        %dma_wait3A_491 = tpu.memref_slice %arg7[%dma_wait3A_487, %dma_wait3A_489, %dma_wait3A_490] : memref<4x128x32xf32, #tpu.memory_space<vmem>> -> memref<1x128x32xf32, #tpu.memory_space<vmem>>
        %dma_wait3A_492 = tpu.memref_squeeze %dma_wait3A_491 : memref<1x128x32xf32, #tpu.memory_space<vmem>> -> memref<128x32xf32, #tpu.memory_space<vmem>>
        %dma_wait3A_493 = arith.constant 0 : i32
        %dma_wait3A_494 = arith.constant 0 : i32
        %dma_wait3A_495 = tpu.memref_slice %arg8[%dma_wait3A_493, %dma_wait3A_494] : memref<10112x32xf32, #tpu.memory_space<vmem_shared>> -> memref<128x32xf32, #tpu.memory_space<vmem_shared>>
        %dma_wait3A_496 = tpu.memref_slice %arg10[%dma_wait3A_488] : memref<4x!tpu.dma_semaphore, #tpu.memory_space<semaphore_mem>> -> memref<1x!tpu.dma_semaphore, #tpu.memory_space<semaphore_mem>>
        %dma_wait3A_497 = tpu.memref_squeeze %dma_wait3A_496 : memref<1x!tpu.dma_semaphore, #tpu.memory_space<semaphore_mem>> -> memref<!tpu.dma_semaphore, #tpu.memory_space<semaphore_mem>>
        %dma_wait3A_498 = arith.constant 0 : i32
        %dma_wait3A_499 = arith.constant 0 : i32
        %dma_wait3A_500 = tpu.memref_slice %arg8[%dma_wait3A_498, %dma_wait3A_499] : memref<10112x32xf32, #tpu.memory_space<vmem_shared>> -> memref<128x32xf32, #tpu.memory_space<vmem_shared>>
        %dma_wait3A_501 = arith.constant 0 : i32
        %dma_wait3A_502 = arith.constant 0 : i32
        %dma_wait3A_503 = tpu.memref_slice %arg7[%dma_wait3A_487, %dma_wait3A_501, %dma_wait3A_502] : memref<4x128x32xf32, #tpu.memory_space<vmem>> -> memref<1x128x32xf32, #tpu.memory_space<vmem>>
        %dma_wait3A_504 = tpu.memref_squeeze %dma_wait3A_503 : memref<1x128x32xf32, #tpu.memory_space<vmem>> -> memref<128x32xf32, #tpu.memory_space<vmem>>
        tpu.wait_dma2 semaphore(%dma_wait3A_497 : memref<!tpu.dma_semaphore, #tpu.memory_space<semaphore_mem>>) src(%dma_wait3A_504 : memref<128x32xf32, #tpu.memory_space<vmem>>) dst(%dma_wait3A_500 : memref<128x32xf32, #tpu.memory_space<vmem_shared>>)
        %mul3A_505 = arith.constant 128 : i32
        %mul3A_506 = arith.muli %add3A_481, %mul3A_505 : i32
        %add3A_507 = arith.addi %mul3A_0, %mul3A_506 : i32
        %dma_start3A_508 = arith.constant 3 : i32
        %dma_start3A_509 = arith.constant 3 : i32
        %dma_start3A_510 = arith.constant 0 : i32
        %dma_start3A_511 = arith.constant 0 : i32
        %dma_start3A_512 = tpu.memref_slice %arg7[%dma_start3A_508, %dma_start3A_510, %dma_start3A_511] : memref<4x128x32xf32, #tpu.memory_space<vmem>> -> memref<1x128x32xf32, #tpu.memory_space<vmem>>
        %dma_start3A_513 = tpu.memref_squeeze %dma_start3A_512 : memref<1x128x32xf32, #tpu.memory_space<vmem>> -> memref<128x32xf32, #tpu.memory_space<vmem>>
        %dma_start3A_514 = arith.constant 0 : i32
        %dma_start3A_515 = tpu.memref_slice %arg2[%add3A_507, %dma_start3A_514] : memref<163840x32xf32, #tpu.memory_space<hbm>> -> memref<128x32xf32, #tpu.memory_space<hbm>>
        %dma_start3A_516 = tpu.memref_slice %arg9[%dma_start3A_509] : memref<4x!tpu.dma_semaphore, #tpu.memory_space<semaphore_mem>> -> memref<1x!tpu.dma_semaphore, #tpu.memory_space<semaphore_mem>>
        %dma_start3A_517 = tpu.memref_squeeze %dma_start3A_516 : memref<1x!tpu.dma_semaphore, #tpu.memory_space<semaphore_mem>> -> memref<!tpu.dma_semaphore, #tpu.memory_space<semaphore_mem>>
        %dma_start3A_518 = arith.constant 0 : i32
        %dma_start3A_519 = arith.constant 0 : i32
        %dma_start3A_520 = tpu.memref_slice %arg7[%dma_start3A_508, %dma_start3A_518, %dma_start3A_519] : memref<4x128x32xf32, #tpu.memory_space<vmem>> -> memref<1x128x32xf32, #tpu.memory_space<vmem>>
        %dma_start3A_521 = tpu.memref_squeeze %dma_start3A_520 : memref<1x128x32xf32, #tpu.memory_space<vmem>> -> memref<128x32xf32, #tpu.memory_space<vmem>>
        %dma_start3A_522 = arith.constant 0 : i32
        %dma_start3A_523 = tpu.memref_slice %arg2[%add3A_507, %dma_start3A_522] : memref<163840x32xf32, #tpu.memory_space<hbm>> -> memref<128x32xf32, #tpu.memory_space<hbm>>
        tpu.enqueue_dma source(%dma_start3A_523 : memref<128x32xf32, #tpu.memory_space<hbm>>) target(%dma_start3A_521 : memref<128x32xf32, #tpu.memory_space<vmem>>) target_semaphore(%dma_start3A_517 : memref<!tpu.dma_semaphore, #tpu.memory_space<semaphore_mem>>)
      } else {
      }
    }
    %scan3A_77 = arith.constant 20 : i32
    %dma_wait3A = arith.constant 0 : i32
    %dma_wait3A_78 = arith.constant 0 : i32
    %dma_wait3A_79 = arith.constant 0 : i32
    %dma_wait3A_80 = arith.constant 0 : i32
    %dma_wait3A_81 = tpu.memref_slice %arg7[%dma_wait3A, %dma_wait3A_79, %dma_wait3A_80] : memref<4x128x32xf32, #tpu.memory_space<vmem>> -> memref<1x128x32xf32, #tpu.memory_space<vmem>>
    %dma_wait3A_82 = tpu.memref_squeeze %dma_wait3A_81 : memref<1x128x32xf32, #tpu.memory_space<vmem>> -> memref<128x32xf32, #tpu.memory_space<vmem>>
    %dma_wait3A_83 = arith.constant 0 : i32
    %dma_wait3A_84 = arith.constant 0 : i32
    %dma_wait3A_85 = tpu.memref_slice %arg8[%dma_wait3A_83, %dma_wait3A_84] : memref<10112x32xf32, #tpu.memory_space<vmem_shared>> -> memref<128x32xf32, #tpu.memory_space<vmem_shared>>
    %dma_wait3A_86 = tpu.memref_slice %arg10[%dma_wait3A_78] : memref<4x!tpu.dma_semaphore, #tpu.memory_space<semaphore_mem>> -> memref<1x!tpu.dma_semaphore, #tpu.memory_space<semaphore_mem>>
    %dma_wait3A_87 = tpu.memref_squeeze %dma_wait3A_86 : memref<1x!tpu.dma_semaphore, #tpu.memory_space<semaphore_mem>> -> memref<!tpu.dma_semaphore, #tpu.memory_space<semaphore_mem>>
    %dma_wait3A_88 = arith.constant 0 : i32
    %dma_wait3A_89 = arith.constant 0 : i32
    %dma_wait3A_90 = tpu.memref_slice %arg8[%dma_wait3A_88, %dma_wait3A_89] : memref<10112x32xf32, #tpu.memory_space<vmem_shared>> -> memref<128x32xf32, #tpu.memory_space<vmem_shared>>
    %dma_wait3A_91 = arith.constant 0 : i32
    %dma_wait3A_92 = arith.constant 0 : i32
    %dma_wait3A_93 = tpu.memref_slice %arg7[%dma_wait3A, %dma_wait3A_91, %dma_wait3A_92] : memref<4x128x32xf32, #tpu.memory_space<vmem>> -> memref<1x128x32xf32, #tpu.memory_space<vmem>>
    %dma_wait3A_94 = tpu.memref_squeeze %dma_wait3A_93 : memref<1x128x32xf32, #tpu.memory_space<vmem>> -> memref<128x32xf32, #tpu.memory_space<vmem>>
    tpu.wait_dma2 semaphore(%dma_wait3A_87 : memref<!tpu.dma_semaphore, #tpu.memory_space<semaphore_mem>>) src(%dma_wait3A_94 : memref<128x32xf32, #tpu.memory_space<vmem>>) dst(%dma_wait3A_90 : memref<128x32xf32, #tpu.memory_space<vmem_shared>>)
    %dma_wait3A_95 = arith.constant 1 : i32
    %dma_wait3A_96 = arith.constant 1 : i32
    %dma_wait3A_97 = arith.constant 0 : i32
    %dma_wait3A_98 = arith.constant 0 : i32
    %dma_wait3A_99 = tpu.memref_slice %arg7[%dma_wait3A_95, %dma_wait3A_97, %dma_wait3A_98] : memref<4x128x32xf32, #tpu.memory_space<vmem>> -> memref<1x128x32xf32, #tpu.memory_space<vmem>>
    %dma_wait3A_100 = tpu.memref_squeeze %dma_wait3A_99 : memref<1x128x32xf32, #tpu.memory_space<vmem>> -> memref<128x32xf32, #tpu.memory_space<vmem>>
    %dma_wait3A_101 = arith.constant 0 : i32
    %dma_wait3A_102 = arith.constant 0 : i32
    %dma_wait3A_103 = tpu.memref_slice %arg8[%dma_wait3A_101, %dma_wait3A_102] : memref<10112x32xf32, #tpu.memory_space<vmem_shared>> -> memref<128x32xf32, #tpu.memory_space<vmem_shared>>
    %dma_wait3A_104 = tpu.memref_slice %arg10[%dma_wait3A_96] : memref<4x!tpu.dma_semaphore, #tpu.memory_space<semaphore_mem>> -> memref<1x!tpu.dma_semaphore, #tpu.memory_space<semaphore_mem>>
    %dma_wait3A_105 = tpu.memref_squeeze %dma_wait3A_104 : memref<1x!tpu.dma_semaphore, #tpu.memory_space<semaphore_mem>> -> memref<!tpu.dma_semaphore, #tpu.memory_space<semaphore_mem>>
    %dma_wait3A_106 = arith.constant 0 : i32
    %dma_wait3A_107 = arith.constant 0 : i32
    %dma_wait3A_108 = tpu.memref_slice %arg8[%dma_wait3A_106, %dma_wait3A_107] : memref<10112x32xf32, #tpu.memory_space<vmem_shared>> -> memref<128x32xf32, #tpu.memory_space<vmem_shared>>
    %dma_wait3A_109 = arith.constant 0 : i32
    %dma_wait3A_110 = arith.constant 0 : i32
    %dma_wait3A_111 = tpu.memref_slice %arg7[%dma_wait3A_95, %dma_wait3A_109, %dma_wait3A_110] : memref<4x128x32xf32, #tpu.memory_space<vmem>> -> memref<1x128x32xf32, #tpu.memory_space<vmem>>
    %dma_wait3A_112 = tpu.memref_squeeze %dma_wait3A_111 : memref<1x128x32xf32, #tpu.memory_space<vmem>> -> memref<128x32xf32, #tpu.memory_space<vmem>>
    tpu.wait_dma2 semaphore(%dma_wait3A_105 : memref<!tpu.dma_semaphore, #tpu.memory_space<semaphore_mem>>) src(%dma_wait3A_112 : memref<128x32xf32, #tpu.memory_space<vmem>>) dst(%dma_wait3A_108 : memref<128x32xf32, #tpu.memory_space<vmem_shared>>)
    %dma_wait3A_113 = arith.constant 2 : i32
    %dma_wait3A_114 = arith.constant 2 : i32
    %dma_wait3A_115 = arith.constant 0 : i32
    %dma_wait3A_116 = arith.constant 0 : i32
    %dma_wait3A_117 = tpu.memref_slice %arg7[%dma_wait3A_113, %dma_wait3A_115, %dma_wait3A_116] : memref<4x128x32xf32, #tpu.memory_space<vmem>> -> memref<1x128x32xf32, #tpu.memory_space<vmem>>
    %dma_wait3A_118 = tpu.memref_squeeze %dma_wait3A_117 : memref<1x128x32xf32, #tpu.memory_space<vmem>> -> memref<128x32xf32, #tpu.memory_space<vmem>>
    %dma_wait3A_119 = arith.constant 0 : i32
    %dma_wait3A_120 = arith.constant 0 : i32
    %dma_wait3A_121 = tpu.memref_slice %arg8[%dma_wait3A_119, %dma_wait3A_120] : memref<10112x32xf32, #tpu.memory_space<vmem_shared>> -> memref<128x32xf32, #tpu.memory_space<vmem_shared>>
    %dma_wait3A_122 = tpu.memref_slice %arg10[%dma_wait3A_114] : memref<4x!tpu.dma_semaphore, #tpu.memory_space<semaphore_mem>> -> memref<1x!tpu.dma_semaphore, #tpu.memory_space<semaphore_mem>>
    %dma_wait3A_123 = tpu.memref_squeeze %dma_wait3A_122 : memref<1x!tpu.dma_semaphore, #tpu.memory_space<semaphore_mem>> -> memref<!tpu.dma_semaphore, #tpu.memory_space<semaphore_mem>>
    %dma_wait3A_124 = arith.constant 0 : i32
    %dma_wait3A_125 = arith.constant 0 : i32
    %dma_wait3A_126 = tpu.memref_slice %arg8[%dma_wait3A_124, %dma_wait3A_125] : memref<10112x32xf32, #tpu.memory_space<vmem_shared>> -> memref<128x32xf32, #tpu.memory_space<vmem_shared>>
    %dma_wait3A_127 = arith.constant 0 : i32
    %dma_wait3A_128 = arith.constant 0 : i32
    %dma_wait3A_129 = tpu.memref_slice %arg7[%dma_wait3A_113, %dma_wait3A_127, %dma_wait3A_128] : memref<4x128x32xf32, #tpu.memory_space<vmem>> -> memref<1x128x32xf32, #tpu.memory_space<vmem>>
    %dma_wait3A_130 = tpu.memref_squeeze %dma_wait3A_129 : memref<1x128x32xf32, #tpu.memory_space<vmem>> -> memref<128x32xf32, #tpu.memory_space<vmem>>
    tpu.wait_dma2 semaphore(%dma_wait3A_123 : memref<!tpu.dma_semaphore, #tpu.memory_space<semaphore_mem>>) src(%dma_wait3A_130 : memref<128x32xf32, #tpu.memory_space<vmem>>) dst(%dma_wait3A_126 : memref<128x32xf32, #tpu.memory_space<vmem_shared>>)
    %dma_wait3A_131 = arith.constant 3 : i32
    %dma_wait3A_132 = arith.constant 3 : i32
    %dma_wait3A_133 = arith.constant 0 : i32
    %dma_wait3A_134 = arith.constant 0 : i32
    %dma_wait3A_135 = tpu.memref_slice %arg7[%dma_wait3A_131, %dma_wait3A_133, %dma_wait3A_134] : memref<4x128x32xf32, #tpu.memory_space<vmem>> -> memref<1x128x32xf32, #tpu.memory_space<vmem>>
    %dma_wait3A_136 = tpu.memref_squeeze %dma_wait3A_135 : memref<1x128x32xf32, #tpu.memory_space<vmem>> -> memref<128x32xf32, #tpu.memory_space<vmem>>
    %dma_wait3A_137 = arith.constant 0 : i32
    %dma_wait3A_138 = arith.constant 0 : i32
    %dma_wait3A_139 = tpu.memref_slice %arg8[%dma_wait3A_137, %dma_wait3A_138] : memref<10112x32xf32, #tpu.memory_space<vmem_shared>> -> memref<128x32xf32, #tpu.memory_space<vmem_shared>>
    %dma_wait3A_140 = tpu.memref_slice %arg10[%dma_wait3A_132] : memref<4x!tpu.dma_semaphore, #tpu.memory_space<semaphore_mem>> -> memref<1x!tpu.dma_semaphore, #tpu.memory_space<semaphore_mem>>
    %dma_wait3A_141 = tpu.memref_squeeze %dma_wait3A_140 : memref<1x!tpu.dma_semaphore, #tpu.memory_space<semaphore_mem>> -> memref<!tpu.dma_semaphore, #tpu.memory_space<semaphore_mem>>
    %dma_wait3A_142 = arith.constant 0 : i32
    %dma_wait3A_143 = arith.constant 0 : i32
    %dma_wait3A_144 = tpu.memref_slice %arg8[%dma_wait3A_142, %dma_wait3A_143] : memref<10112x32xf32, #tpu.memory_space<vmem_shared>> -> memref<128x32xf32, #tpu.memory_space<vmem_shared>>
    %dma_wait3A_145 = arith.constant 0 : i32
    %dma_wait3A_146 = arith.constant 0 : i32
    %dma_wait3A_147 = tpu.memref_slice %arg7[%dma_wait3A_131, %dma_wait3A_145, %dma_wait3A_146] : memref<4x128x32xf32, #tpu.memory_space<vmem>> -> memref<1x128x32xf32, #tpu.memory_space<vmem>>
    %dma_wait3A_148 = tpu.memref_squeeze %dma_wait3A_147 : memref<1x128x32xf32, #tpu.memory_space<vmem>> -> memref<128x32xf32, #tpu.memory_space<vmem>>
    tpu.wait_dma2 semaphore(%dma_wait3A_141 : memref<!tpu.dma_semaphore, #tpu.memory_space<semaphore_mem>>) src(%dma_wait3A_148 : memref<128x32xf32, #tpu.memory_space<vmem>>) dst(%dma_wait3A_144 : memref<128x32xf32, #tpu.memory_space<vmem_shared>>)
    %barrier3A_149 = arith.constant 0 : index
    tpu.barrier barrier_id(%barrier3A_149)
    %mul3A_150 = arith.constant 5120 : i32
    %mul3A_151 = arith.muli %arg0, %mul3A_150 : i32
    %add3A_152 = arith.addi %mul3A_0, %mul3A_151 : i32
    %mul3A_153 = arith.constant 40 : i32
    %mul3A_154 = arith.muli %arg0, %mul3A_153 : i32
    %add3A_155 = arith.constant 0 : i32
    %add3A_156 = arith.addi %mul3A_154, %add3A_155 : i32
    %dma_start3A_157 = arith.constant 0 : i32
    %dma_start3A_158 = arith.constant 0 : i32
    %dma_start3A_159 = arith.constant 0 : i32
    %dma_start3A_160 = arith.constant 0 : i32
    %dma_start3A_161 = tpu.memref_slice %arg7[%dma_start3A_157, %dma_start3A_159, %dma_start3A_160] : memref<4x128x32xf32, #tpu.memory_space<vmem>> -> memref<1x128x32xf32, #tpu.memory_space<vmem>>
    %dma_start3A_162 = tpu.memref_squeeze %dma_start3A_161 : memref<1x128x32xf32, #tpu.memory_space<vmem>> -> memref<128x32xf32, #tpu.memory_space<vmem>>
    %dma_start3A_163 = arith.constant 0 : i32
    %dma_start3A_164 = tpu.memref_slice %arg6[%add3A_156, %dma_start3A_163] : memref<80x128xi32, #tpu.memory_space<vmem>> -> memref<1x128xi32, #tpu.memory_space<vmem>>
    %dma_start3A_165 = tpu.memref_squeeze %dma_start3A_164 : memref<1x128xi32, #tpu.memory_space<vmem>> -> memref<128xi32, #tpu.memory_space<vmem>>
    %dma_start3A_166 = arith.constant 0 : i32
    %dma_start3A_167 = arith.constant 0 : i32
    %dma_start3A_168 = tpu.memref_slice %arg8[%dma_start3A_166, %dma_start3A_167] : memref<10112x32xf32, #tpu.memory_space<vmem_shared>> -> memref<10112x32xf32, #tpu.memory_space<vmem_shared>>
    %dma_start3A_169 = tpu.memref_slice %arg9[%dma_start3A_158] : memref<4x!tpu.dma_semaphore, #tpu.memory_space<semaphore_mem>> -> memref<1x!tpu.dma_semaphore, #tpu.memory_space<semaphore_mem>>
    %dma_start3A_170 = tpu.memref_squeeze %dma_start3A_169 : memref<1x!tpu.dma_semaphore, #tpu.memory_space<semaphore_mem>> -> memref<!tpu.dma_semaphore, #tpu.memory_space<semaphore_mem>>
    tpu.enqueue_indirect_dma source(%dma_start3A_168 : memref<10112x32xf32, #tpu.memory_space<vmem_shared>>) target(%dma_start3A_162 : memref<128x32xf32, #tpu.memory_space<vmem>>) offsets(%dma_start3A_165 : memref<128xi32, #tpu.memory_space<vmem>>) semaphore(%dma_start3A_170 : memref<!tpu.dma_semaphore, #tpu.memory_space<semaphore_mem>>)
    %add3A_171 = arith.constant 1 : i32
    %add3A_172 = arith.addi %mul3A_154, %add3A_171 : i32
    %dma_start3A_173 = arith.constant 1 : i32
    %dma_start3A_174 = arith.constant 1 : i32
    %dma_start3A_175 = arith.constant 0 : i32
    %dma_start3A_176 = arith.constant 0 : i32
    %dma_start3A_177 = tpu.memref_slice %arg7[%dma_start3A_173, %dma_start3A_175, %dma_start3A_176] : memref<4x128x32xf32, #tpu.memory_space<vmem>> -> memref<1x128x32xf32, #tpu.memory_space<vmem>>
    %dma_start3A_178 = tpu.memref_squeeze %dma_start3A_177 : memref<1x128x32xf32, #tpu.memory_space<vmem>> -> memref<128x32xf32, #tpu.memory_space<vmem>>
    %dma_start3A_179 = arith.constant 0 : i32
    %dma_start3A_180 = tpu.memref_slice %arg6[%add3A_172, %dma_start3A_179] : memref<80x128xi32, #tpu.memory_space<vmem>> -> memref<1x128xi32, #tpu.memory_space<vmem>>
    %dma_start3A_181 = tpu.memref_squeeze %dma_start3A_180 : memref<1x128xi32, #tpu.memory_space<vmem>> -> memref<128xi32, #tpu.memory_space<vmem>>
    %dma_start3A_182 = arith.constant 0 : i32
    %dma_start3A_183 = arith.constant 0 : i32
    %dma_start3A_184 = tpu.memref_slice %arg8[%dma_start3A_182, %dma_start3A_183] : memref<10112x32xf32, #tpu.memory_space<vmem_shared>> -> memref<10112x32xf32, #tpu.memory_space<vmem_shared>>
    %dma_start3A_185 = tpu.memref_slice %arg9[%dma_start3A_174] : memref<4x!tpu.dma_semaphore, #tpu.memory_space<semaphore_mem>> -> memref<1x!tpu.dma_semaphore, #tpu.memory_space<semaphore_mem>>
    %dma_start3A_186 = tpu.memref_squeeze %dma_start3A_185 : memref<1x!tpu.dma_semaphore, #tpu.memory_space<semaphore_mem>> -> memref<!tpu.dma_semaphore, #tpu.memory_space<semaphore_mem>>
    tpu.enqueue_indirect_dma source(%dma_start3A_184 : memref<10112x32xf32, #tpu.memory_space<vmem_shared>>) target(%dma_start3A_178 : memref<128x32xf32, #tpu.memory_space<vmem>>) offsets(%dma_start3A_181 : memref<128xi32, #tpu.memory_space<vmem>>) semaphore(%dma_start3A_186 : memref<!tpu.dma_semaphore, #tpu.memory_space<semaphore_mem>>)
    %add3A_187 = arith.constant 2 : i32
    %add3A_188 = arith.addi %mul3A_154, %add3A_187 : i32
    %dma_start3A_189 = arith.constant 2 : i32
    %dma_start3A_190 = arith.constant 2 : i32
    %dma_start3A_191 = arith.constant 0 : i32
    %dma_start3A_192 = arith.constant 0 : i32
    %dma_start3A_193 = tpu.memref_slice %arg7[%dma_start3A_189, %dma_start3A_191, %dma_start3A_192] : memref<4x128x32xf32, #tpu.memory_space<vmem>> -> memref<1x128x32xf32, #tpu.memory_space<vmem>>
    %dma_start3A_194 = tpu.memref_squeeze %dma_start3A_193 : memref<1x128x32xf32, #tpu.memory_space<vmem>> -> memref<128x32xf32, #tpu.memory_space<vmem>>
    %dma_start3A_195 = arith.constant 0 : i32
    %dma_start3A_196 = tpu.memref_slice %arg6[%add3A_188, %dma_start3A_195] : memref<80x128xi32, #tpu.memory_space<vmem>> -> memref<1x128xi32, #tpu.memory_space<vmem>>
    %dma_start3A_197 = tpu.memref_squeeze %dma_start3A_196 : memref<1x128xi32, #tpu.memory_space<vmem>> -> memref<128xi32, #tpu.memory_space<vmem>>
    %dma_start3A_198 = arith.constant 0 : i32
    %dma_start3A_199 = arith.constant 0 : i32
    %dma_start3A_200 = tpu.memref_slice %arg8[%dma_start3A_198, %dma_start3A_199] : memref<10112x32xf32, #tpu.memory_space<vmem_shared>> -> memref<10112x32xf32, #tpu.memory_space<vmem_shared>>
    %dma_start3A_201 = tpu.memref_slice %arg9[%dma_start3A_190] : memref<4x!tpu.dma_semaphore, #tpu.memory_space<semaphore_mem>> -> memref<1x!tpu.dma_semaphore, #tpu.memory_space<semaphore_mem>>
    %dma_start3A_202 = tpu.memref_squeeze %dma_start3A_201 : memref<1x!tpu.dma_semaphore, #tpu.memory_space<semaphore_mem>> -> memref<!tpu.dma_semaphore, #tpu.memory_space<semaphore_mem>>
    tpu.enqueue_indirect_dma source(%dma_start3A_200 : memref<10112x32xf32, #tpu.memory_space<vmem_shared>>) target(%dma_start3A_194 : memref<128x32xf32, #tpu.memory_space<vmem>>) offsets(%dma_start3A_197 : memref<128xi32, #tpu.memory_space<vmem>>) semaphore(%dma_start3A_202 : memref<!tpu.dma_semaphore, #tpu.memory_space<semaphore_mem>>)
    %add3A_203 = arith.constant 3 : i32
    %add3A_204 = arith.addi %mul3A_154, %add3A_203 : i32
    %dma_start3A_205 = arith.constant 3 : i32
    %dma_start3A_206 = arith.constant 3 : i32
    %dma_start3A_207 = arith.constant 0 : i32
    %dma_start3A_208 = arith.constant 0 : i32
    %dma_start3A_209 = tpu.memref_slice %arg7[%dma_start3A_205, %dma_start3A_207, %dma_start3A_208] : memref<4x128x32xf32, #tpu.memory_space<vmem>> -> memref<1x128x32xf32, #tpu.memory_space<vmem>>
    %dma_start3A_210 = tpu.memref_squeeze %dma_start3A_209 : memref<1x128x32xf32, #tpu.memory_space<vmem>> -> memref<128x32xf32, #tpu.memory_space<vmem>>
    %dma_start3A_211 = arith.constant 0 : i32
    %dma_start3A_212 = tpu.memref_slice %arg6[%add3A_204, %dma_start3A_211] : memref<80x128xi32, #tpu.memory_space<vmem>> -> memref<1x128xi32, #tpu.memory_space<vmem>>
    %dma_start3A_213 = tpu.memref_squeeze %dma_start3A_212 : memref<1x128xi32, #tpu.memory_space<vmem>> -> memref<128xi32, #tpu.memory_space<vmem>>
    %dma_start3A_214 = arith.constant 0 : i32
    %dma_start3A_215 = arith.constant 0 : i32
    %dma_start3A_216 = tpu.memref_slice %arg8[%dma_start3A_214, %dma_start3A_215] : memref<10112x32xf32, #tpu.memory_space<vmem_shared>> -> memref<10112x32xf32, #tpu.memory_space<vmem_shared>>
    %dma_start3A_217 = tpu.memref_slice %arg9[%dma_start3A_206] : memref<4x!tpu.dma_semaphore, #tpu.memory_space<semaphore_mem>> -> memref<1x!tpu.dma_semaphore, #tpu.memory_space<semaphore_mem>>
    %dma_start3A_218 = tpu.memref_squeeze %dma_start3A_217 : memref<1x!tpu.dma_semaphore, #tpu.memory_space<semaphore_mem>> -> memref<!tpu.dma_semaphore, #tpu.memory_space<semaphore_mem>>
    tpu.enqueue_indirect_dma source(%dma_start3A_216 : memref<10112x32xf32, #tpu.memory_space<vmem_shared>>) target(%dma_start3A_210 : memref<128x32xf32, #tpu.memory_space<vmem>>) offsets(%dma_start3A_213 : memref<128xi32, #tpu.memory_space<vmem>>) semaphore(%dma_start3A_218 : memref<!tpu.dma_semaphore, #tpu.memory_space<semaphore_mem>>)
    %scan3A_219 = arith.constant 0 : i32
    %scan3A_220 = arith.constant 0 : i32
    %scan3A_221 = arith.constant 10 : i32
    %scan3A_222 = arith.addi %scan3A_220, %scan3A_221 : i32
    %scan3A_223 = arith.constant 1 : i32
    scf.for %scan3A_297 = %scan3A_220 to %scan3A_222 step %scan3A_223  : i32 {
      %mul3A_298 = arith.constant 4 : i32
      %mul3A_299 = arith.muli %scan3A_297, %mul3A_298 : i32
      %add3A_300 = arith.constant 0 : i32
      %add3A_301 = arith.addi %mul3A_299, %add3A_300 : i32
      %add3A_302 = arith.addi %mul3A_154, %add3A_301 : i32
      %dma_wait3A_303 = arith.constant 0 : i32
      %dma_wait3A_304 = arith.constant 0 : i32
      %dma_wait3A_305 = arith.constant 0 : i32
      %dma_wait3A_306 = arith.constant 0 : i32
      %dma_wait3A_307 = tpu.memref_slice %arg7[%dma_wait3A_303, %dma_wait3A_305, %dma_wait3A_306] : memref<4x128x32xf32, #tpu.memory_space<vmem>> -> memref<1x128x32xf32, #tpu.memory_space<vmem>>
      %dma_wait3A_308 = tpu.memref_squeeze %dma_wait3A_307 : memref<1x128x32xf32, #tpu.memory_space<vmem>> -> memref<128x32xf32, #tpu.memory_space<vmem>>
      %dma_wait3A_309 = arith.constant 0 : i32
      %dma_wait3A_310 = tpu.memref_slice %arg6[%add3A_302, %dma_wait3A_309] : memref<80x128xi32, #tpu.memory_space<vmem>> -> memref<1x128xi32, #tpu.memory_space<vmem>>
      %dma_wait3A_311 = tpu.memref_squeeze %dma_wait3A_310 : memref<1x128xi32, #tpu.memory_space<vmem>> -> memref<128xi32, #tpu.memory_space<vmem>>
      %dma_wait3A_312 = arith.constant 0 : i32
      %dma_wait3A_313 = arith.constant 0 : i32
      %dma_wait3A_314 = tpu.memref_slice %arg8[%dma_wait3A_312, %dma_wait3A_313] : memref<10112x32xf32, #tpu.memory_space<vmem_shared>> -> memref<10112x32xf32, #tpu.memory_space<vmem_shared>>
      %dma_wait3A_315 = tpu.memref_slice %arg9[%dma_wait3A_304] : memref<4x!tpu.dma_semaphore, #tpu.memory_space<semaphore_mem>> -> memref<1x!tpu.dma_semaphore, #tpu.memory_space<semaphore_mem>>
      %dma_wait3A_316 = tpu.memref_squeeze %dma_wait3A_315 : memref<1x!tpu.dma_semaphore, #tpu.memory_space<semaphore_mem>> -> memref<!tpu.dma_semaphore, #tpu.memory_space<semaphore_mem>>
      tpu.wait_indirect_dma semaphore(%dma_wait3A_316 : memref<!tpu.dma_semaphore, #tpu.memory_space<semaphore_mem>>) src(%dma_wait3A_314 : memref<10112x32xf32, #tpu.memory_space<vmem_shared>>) dst(%dma_wait3A_308 : memref<128x32xf32, #tpu.memory_space<vmem>>)
      %mul3A_317 = arith.constant 128 : i32
      %mul3A_318 = arith.muli %add3A_301, %mul3A_317 : i32
      %add3A_319 = arith.addi %add3A_152, %mul3A_318 : i32
      %dma_start3A_320 = arith.constant 0 : i32
      %dma_start3A_321 = arith.constant 0 : i32
      %dma_start3A_322 = arith.constant 0 : i32
      %dma_start3A_323 = arith.constant 0 : i32
      %dma_start3A_324 = tpu.memref_slice %arg7[%dma_start3A_320, %dma_start3A_322, %dma_start3A_323] : memref<4x128x32xf32, #tpu.memory_space<vmem>> -> memref<1x128x32xf32, #tpu.memory_space<vmem>>
      %dma_start3A_325 = tpu.memref_squeeze %dma_start3A_324 : memref<1x128x32xf32, #tpu.memory_space<vmem>> -> memref<128x32xf32, #tpu.memory_space<vmem>>
      %dma_start3A_326 = arith.constant 0 : i32
      %dma_start3A_327 = tpu.memref_slice %arg5[%add3A_319, %dma_start3A_326] : memref<163840x32xf32, #tpu.memory_space<hbm>> -> memref<128x32xf32, #tpu.memory_space<hbm>>
      %dma_start3A_328 = tpu.memref_slice %arg10[%dma_start3A_321] : memref<4x!tpu.dma_semaphore, #tpu.memory_space<semaphore_mem>> -> memref<1x!tpu.dma_semaphore, #tpu.memory_space<semaphore_mem>>
      %dma_start3A_329 = tpu.memref_squeeze %dma_start3A_328 : memref<1x!tpu.dma_semaphore, #tpu.memory_space<semaphore_mem>> -> memref<!tpu.dma_semaphore, #tpu.memory_space<semaphore_mem>>
      %dma_start3A_330 = arith.constant 0 : i32
      %dma_start3A_331 = tpu.memref_slice %arg5[%add3A_319, %dma_start3A_330] : memref<163840x32xf32, #tpu.memory_space<hbm>> -> memref<128x32xf32, #tpu.memory_space<hbm>>
      %dma_start3A_332 = arith.constant 0 : i32
      %dma_start3A_333 = arith.constant 0 : i32
      %dma_start3A_334 = tpu.memref_slice %arg7[%dma_start3A_320, %dma_start3A_332, %dma_start3A_333] : memref<4x128x32xf32, #tpu.memory_space<vmem>> -> memref<1x128x32xf32, #tpu.memory_space<vmem>>
      %dma_start3A_335 = tpu.memref_squeeze %dma_start3A_334 : memref<1x128x32xf32, #tpu.memory_space<vmem>> -> memref<128x32xf32, #tpu.memory_space<vmem>>
      tpu.enqueue_dma source(%dma_start3A_335 : memref<128x32xf32, #tpu.memory_space<vmem>>) target(%dma_start3A_331 : memref<128x32xf32, #tpu.memory_space<hbm>>) target_semaphore(%dma_start3A_329 : memref<!tpu.dma_semaphore, #tpu.memory_space<semaphore_mem>>)
      %mul3A_336 = arith.constant 4 : i32
      %mul3A_337 = arith.muli %scan3A_297, %mul3A_336 : i32
      %add3A_338 = arith.constant 1 : i32
      %add3A_339 = arith.addi %mul3A_337, %add3A_338 : i32
      %add3A_340 = arith.addi %mul3A_154, %add3A_339 : i32
      %dma_wait3A_341 = arith.constant 1 : i32
      %dma_wait3A_342 = arith.constant 1 : i32
      %dma_wait3A_343 = arith.constant 0 : i32
      %dma_wait3A_344 = arith.constant 0 : i32
      %dma_wait3A_345 = tpu.memref_slice %arg7[%dma_wait3A_341, %dma_wait3A_343, %dma_wait3A_344] : memref<4x128x32xf32, #tpu.memory_space<vmem>> -> memref<1x128x32xf32, #tpu.memory_space<vmem>>
      %dma_wait3A_346 = tpu.memref_squeeze %dma_wait3A_345 : memref<1x128x32xf32, #tpu.memory_space<vmem>> -> memref<128x32xf32, #tpu.memory_space<vmem>>
      %dma_wait3A_347 = arith.constant 0 : i32
      %dma_wait3A_348 = tpu.memref_slice %arg6[%add3A_340, %dma_wait3A_347] : memref<80x128xi32, #tpu.memory_space<vmem>> -> memref<1x128xi32, #tpu.memory_space<vmem>>
      %dma_wait3A_349 = tpu.memref_squeeze %dma_wait3A_348 : memref<1x128xi32, #tpu.memory_space<vmem>> -> memref<128xi32, #tpu.memory_space<vmem>>
      %dma_wait3A_350 = arith.constant 0 : i32
      %dma_wait3A_351 = arith.constant 0 : i32
      %dma_wait3A_352 = tpu.memref_slice %arg8[%dma_wait3A_350, %dma_wait3A_351] : memref<10112x32xf32, #tpu.memory_space<vmem_shared>> -> memref<10112x32xf32, #tpu.memory_space<vmem_shared>>
      %dma_wait3A_353 = tpu.memref_slice %arg9[%dma_wait3A_342] : memref<4x!tpu.dma_semaphore, #tpu.memory_space<semaphore_mem>> -> memref<1x!tpu.dma_semaphore, #tpu.memory_space<semaphore_mem>>
      %dma_wait3A_354 = tpu.memref_squeeze %dma_wait3A_353 : memref<1x!tpu.dma_semaphore, #tpu.memory_space<semaphore_mem>> -> memref<!tpu.dma_semaphore, #tpu.memory_space<semaphore_mem>>
      tpu.wait_indirect_dma semaphore(%dma_wait3A_354 : memref<!tpu.dma_semaphore, #tpu.memory_space<semaphore_mem>>) src(%dma_wait3A_352 : memref<10112x32xf32, #tpu.memory_space<vmem_shared>>) dst(%dma_wait3A_346 : memref<128x32xf32, #tpu.memory_space<vmem>>)
      %mul3A_355 = arith.constant 128 : i32
      %mul3A_356 = arith.muli %add3A_339, %mul3A_355 : i32
      %add3A_357 = arith.addi %add3A_152, %mul3A_356 : i32
      %dma_start3A_358 = arith.constant 1 : i32
      %dma_start3A_359 = arith.constant 1 : i32
      %dma_start3A_360 = arith.constant 0 : i32
      %dma_start3A_361 = arith.constant 0 : i32
      %dma_start3A_362 = tpu.memref_slice %arg7[%dma_start3A_358, %dma_start3A_360, %dma_start3A_361] : memref<4x128x32xf32, #tpu.memory_space<vmem>> -> memref<1x128x32xf32, #tpu.memory_space<vmem>>
      %dma_start3A_363 = tpu.memref_squeeze %dma_start3A_362 : memref<1x128x32xf32, #tpu.memory_space<vmem>> -> memref<128x32xf32, #tpu.memory_space<vmem>>
      %dma_start3A_364 = arith.constant 0 : i32
      %dma_start3A_365 = tpu.memref_slice %arg5[%add3A_357, %dma_start3A_364] : memref<163840x32xf32, #tpu.memory_space<hbm>> -> memref<128x32xf32, #tpu.memory_space<hbm>>
      %dma_start3A_366 = tpu.memref_slice %arg10[%dma_start3A_359] : memref<4x!tpu.dma_semaphore, #tpu.memory_space<semaphore_mem>> -> memref<1x!tpu.dma_semaphore, #tpu.memory_space<semaphore_mem>>
      %dma_start3A_367 = tpu.memref_squeeze %dma_start3A_366 : memref<1x!tpu.dma_semaphore, #tpu.memory_space<semaphore_mem>> -> memref<!tpu.dma_semaphore, #tpu.memory_space<semaphore_mem>>
      %dma_start3A_368 = arith.constant 0 : i32
      %dma_start3A_369 = tpu.memref_slice %arg5[%add3A_357, %dma_start3A_368] : memref<163840x32xf32, #tpu.memory_space<hbm>> -> memref<128x32xf32, #tpu.memory_space<hbm>>
      %dma_start3A_370 = arith.constant 0 : i32
      %dma_start3A_371 = arith.constant 0 : i32
      %dma_start3A_372 = tpu.memref_slice %arg7[%dma_start3A_358, %dma_start3A_370, %dma_start3A_371] : memref<4x128x32xf32, #tpu.memory_space<vmem>> -> memref<1x128x32xf32, #tpu.memory_space<vmem>>
      %dma_start3A_373 = tpu.memref_squeeze %dma_start3A_372 : memref<1x128x32xf32, #tpu.memory_space<vmem>> -> memref<128x32xf32, #tpu.memory_space<vmem>>
      tpu.enqueue_dma source(%dma_start3A_373 : memref<128x32xf32, #tpu.memory_space<vmem>>) target(%dma_start3A_369 : memref<128x32xf32, #tpu.memory_space<hbm>>) target_semaphore(%dma_start3A_367 : memref<!tpu.dma_semaphore, #tpu.memory_space<semaphore_mem>>)
      %mul3A_374 = arith.constant 4 : i32
      %mul3A_375 = arith.muli %scan3A_297, %mul3A_374 : i32
      %add3A_376 = arith.constant 2 : i32
      %add3A_377 = arith.addi %mul3A_375, %add3A_376 : i32
      %add3A_378 = arith.addi %mul3A_154, %add3A_377 : i32
      %dma_wait3A_379 = arith.constant 2 : i32
      %dma_wait3A_380 = arith.constant 2 : i32
      %dma_wait3A_381 = arith.constant 0 : i32
      %dma_wait3A_382 = arith.constant 0 : i32
      %dma_wait3A_383 = tpu.memref_slice %arg7[%dma_wait3A_379, %dma_wait3A_381, %dma_wait3A_382] : memref<4x128x32xf32, #tpu.memory_space<vmem>> -> memref<1x128x32xf32, #tpu.memory_space<vmem>>
      %dma_wait3A_384 = tpu.memref_squeeze %dma_wait3A_383 : memref<1x128x32xf32, #tpu.memory_space<vmem>> -> memref<128x32xf32, #tpu.memory_space<vmem>>
      %dma_wait3A_385 = arith.constant 0 : i32
      %dma_wait3A_386 = tpu.memref_slice %arg6[%add3A_378, %dma_wait3A_385] : memref<80x128xi32, #tpu.memory_space<vmem>> -> memref<1x128xi32, #tpu.memory_space<vmem>>
      %dma_wait3A_387 = tpu.memref_squeeze %dma_wait3A_386 : memref<1x128xi32, #tpu.memory_space<vmem>> -> memref<128xi32, #tpu.memory_space<vmem>>
      %dma_wait3A_388 = arith.constant 0 : i32
      %dma_wait3A_389 = arith.constant 0 : i32
      %dma_wait3A_390 = tpu.memref_slice %arg8[%dma_wait3A_388, %dma_wait3A_389] : memref<10112x32xf32, #tpu.memory_space<vmem_shared>> -> memref<10112x32xf32, #tpu.memory_space<vmem_shared>>
      %dma_wait3A_391 = tpu.memref_slice %arg9[%dma_wait3A_380] : memref<4x!tpu.dma_semaphore, #tpu.memory_space<semaphore_mem>> -> memref<1x!tpu.dma_semaphore, #tpu.memory_space<semaphore_mem>>
      %dma_wait3A_392 = tpu.memref_squeeze %dma_wait3A_391 : memref<1x!tpu.dma_semaphore, #tpu.memory_space<semaphore_mem>> -> memref<!tpu.dma_semaphore, #tpu.memory_space<semaphore_mem>>
      tpu.wait_indirect_dma semaphore(%dma_wait3A_392 : memref<!tpu.dma_semaphore, #tpu.memory_space<semaphore_mem>>) src(%dma_wait3A_390 : memref<10112x32xf32, #tpu.memory_space<vmem_shared>>) dst(%dma_wait3A_384 : memref<128x32xf32, #tpu.memory_space<vmem>>)
      %mul3A_393 = arith.constant 128 : i32
      %mul3A_394 = arith.muli %add3A_377, %mul3A_393 : i32
      %add3A_395 = arith.addi %add3A_152, %mul3A_394 : i32
      %dma_start3A_396 = arith.constant 2 : i32
      %dma_start3A_397 = arith.constant 2 : i32
      %dma_start3A_398 = arith.constant 0 : i32
      %dma_start3A_399 = arith.constant 0 : i32
      %dma_start3A_400 = tpu.memref_slice %arg7[%dma_start3A_396, %dma_start3A_398, %dma_start3A_399] : memref<4x128x32xf32, #tpu.memory_space<vmem>> -> memref<1x128x32xf32, #tpu.memory_space<vmem>>
      %dma_start3A_401 = tpu.memref_squeeze %dma_start3A_400 : memref<1x128x32xf32, #tpu.memory_space<vmem>> -> memref<128x32xf32, #tpu.memory_space<vmem>>
      %dma_start3A_402 = arith.constant 0 : i32
      %dma_start3A_403 = tpu.memref_slice %arg5[%add3A_395, %dma_start3A_402] : memref<163840x32xf32, #tpu.memory_space<hbm>> -> memref<128x32xf32, #tpu.memory_space<hbm>>
      %dma_start3A_404 = tpu.memref_slice %arg10[%dma_start3A_397] : memref<4x!tpu.dma_semaphore, #tpu.memory_space<semaphore_mem>> -> memref<1x!tpu.dma_semaphore, #tpu.memory_space<semaphore_mem>>
      %dma_start3A_405 = tpu.memref_squeeze %dma_start3A_404 : memref<1x!tpu.dma_semaphore, #tpu.memory_space<semaphore_mem>> -> memref<!tpu.dma_semaphore, #tpu.memory_space<semaphore_mem>>
      %dma_start3A_406 = arith.constant 0 : i32
      %dma_start3A_407 = tpu.memref_slice %arg5[%add3A_395, %dma_start3A_406] : memref<163840x32xf32, #tpu.memory_space<hbm>> -> memref<128x32xf32, #tpu.memory_space<hbm>>
      %dma_start3A_408 = arith.constant 0 : i32
      %dma_start3A_409 = arith.constant 0 : i32
      %dma_start3A_410 = tpu.memref_slice %arg7[%dma_start3A_396, %dma_start3A_408, %dma_start3A_409] : memref<4x128x32xf32, #tpu.memory_space<vmem>> -> memref<1x128x32xf32, #tpu.memory_space<vmem>>
      %dma_start3A_411 = tpu.memref_squeeze %dma_start3A_410 : memref<1x128x32xf32, #tpu.memory_space<vmem>> -> memref<128x32xf32, #tpu.memory_space<vmem>>
      tpu.enqueue_dma source(%dma_start3A_411 : memref<128x32xf32, #tpu.memory_space<vmem>>) target(%dma_start3A_407 : memref<128x32xf32, #tpu.memory_space<hbm>>) target_semaphore(%dma_start3A_405 : memref<!tpu.dma_semaphore, #tpu.memory_space<semaphore_mem>>)
      %mul3A_412 = arith.constant 4 : i32
      %mul3A_413 = arith.muli %scan3A_297, %mul3A_412 : i32
      %add3A_414 = arith.constant 3 : i32
      %add3A_415 = arith.addi %mul3A_413, %add3A_414 : i32
      %add3A_416 = arith.addi %mul3A_154, %add3A_415 : i32
      %dma_wait3A_417 = arith.constant 3 : i32
      %dma_wait3A_418 = arith.constant 3 : i32
      %dma_wait3A_419 = arith.constant 0 : i32
      %dma_wait3A_420 = arith.constant 0 : i32
      %dma_wait3A_421 = tpu.memref_slice %arg7[%dma_wait3A_417, %dma_wait3A_419, %dma_wait3A_420] : memref<4x128x32xf32, #tpu.memory_space<vmem>> -> memref<1x128x32xf32, #tpu.memory_space<vmem>>
      %dma_wait3A_422 = tpu.memref_squeeze %dma_wait3A_421 : memref<1x128x32xf32, #tpu.memory_space<vmem>> -> memref<128x32xf32, #tpu.memory_space<vmem>>
      %dma_wait3A_423 = arith.constant 0 : i32
      %dma_wait3A_424 = tpu.memref_slice %arg6[%add3A_416, %dma_wait3A_423] : memref<80x128xi32, #tpu.memory_space<vmem>> -> memref<1x128xi32, #tpu.memory_space<vmem>>
      %dma_wait3A_425 = tpu.memref_squeeze %dma_wait3A_424 : memref<1x128xi32, #tpu.memory_space<vmem>> -> memref<128xi32, #tpu.memory_space<vmem>>
      %dma_wait3A_426 = arith.constant 0 : i32
      %dma_wait3A_427 = arith.constant 0 : i32
      %dma_wait3A_428 = tpu.memref_slice %arg8[%dma_wait3A_426, %dma_wait3A_427] : memref<10112x32xf32, #tpu.memory_space<vmem_shared>> -> memref<10112x32xf32, #tpu.memory_space<vmem_shared>>
      %dma_wait3A_429 = tpu.memref_slice %arg9[%dma_wait3A_418] : memref<4x!tpu.dma_semaphore, #tpu.memory_space<semaphore_mem>> -> memref<1x!tpu.dma_semaphore, #tpu.memory_space<semaphore_mem>>
      %dma_wait3A_430 = tpu.memref_squeeze %dma_wait3A_429 : memref<1x!tpu.dma_semaphore, #tpu.memory_space<semaphore_mem>> -> memref<!tpu.dma_semaphore, #tpu.memory_space<semaphore_mem>>
      tpu.wait_indirect_dma semaphore(%dma_wait3A_430 : memref<!tpu.dma_semaphore, #tpu.memory_space<semaphore_mem>>) src(%dma_wait3A_428 : memref<10112x32xf32, #tpu.memory_space<vmem_shared>>) dst(%dma_wait3A_422 : memref<128x32xf32, #tpu.memory_space<vmem>>)
      %mul3A_431 = arith.constant 128 : i32
      %mul3A_432 = arith.muli %add3A_415, %mul3A_431 : i32
      %add3A_433 = arith.addi %add3A_152, %mul3A_432 : i32
      %dma_start3A_434 = arith.constant 3 : i32
      %dma_start3A_435 = arith.constant 3 : i32
      %dma_start3A_436 = arith.constant 0 : i32
      %dma_start3A_437 = arith.constant 0 : i32
      %dma_start3A_438 = tpu.memref_slice %arg7[%dma_start3A_434, %dma_start3A_436, %dma_start3A_437] : memref<4x128x32xf32, #tpu.memory_space<vmem>> -> memref<1x128x32xf32, #tpu.memory_space<vmem>>
      %dma_start3A_439 = tpu.memref_squeeze %dma_start3A_438 : memref<1x128x32xf32, #tpu.memory_space<vmem>> -> memref<128x32xf32, #tpu.memory_space<vmem>>
      %dma_start3A_440 = arith.constant 0 : i32
      %dma_start3A_441 = tpu.memref_slice %arg5[%add3A_433, %dma_start3A_440] : memref<163840x32xf32, #tpu.memory_space<hbm>> -> memref<128x32xf32, #tpu.memory_space<hbm>>
      %dma_start3A_442 = tpu.memref_slice %arg10[%dma_start3A_435] : memref<4x!tpu.dma_semaphore, #tpu.memory_space<semaphore_mem>> -> memref<1x!tpu.dma_semaphore, #tpu.memory_space<semaphore_mem>>
      %dma_start3A_443 = tpu.memref_squeeze %dma_start3A_442 : memref<1x!tpu.dma_semaphore, #tpu.memory_space<semaphore_mem>> -> memref<!tpu.dma_semaphore, #tpu.memory_space<semaphore_mem>>
      %dma_start3A_444 = arith.constant 0 : i32
      %dma_start3A_445 = tpu.memref_slice %arg5[%add3A_433, %dma_start3A_444] : memref<163840x32xf32, #tpu.memory_space<hbm>> -> memref<128x32xf32, #tpu.memory_space<hbm>>
      %dma_start3A_446 = arith.constant 0 : i32
      %dma_start3A_447 = arith.constant 0 : i32
      %dma_start3A_448 = tpu.memref_slice %arg7[%dma_start3A_434, %dma_start3A_446, %dma_start3A_447] : memref<4x128x32xf32, #tpu.memory_space<vmem>> -> memref<1x128x32xf32, #tpu.memory_space<vmem>>
      %dma_start3A_449 = tpu.memref_squeeze %dma_start3A_448 : memref<1x128x32xf32, #tpu.memory_space<vmem>> -> memref<128x32xf32, #tpu.memory_space<vmem>>
      tpu.enqueue_dma source(%dma_start3A_449 : memref<128x32xf32, #tpu.memory_space<vmem>>) target(%dma_start3A_445 : memref<128x32xf32, #tpu.memory_space<hbm>>) target_semaphore(%dma_start3A_443 : memref<!tpu.dma_semaphore, #tpu.memory_space<semaphore_mem>>)
      %add3A_450 = arith.constant 1 : i32
      %add3A_451 = arith.addi %scan3A_297, %add3A_450 : i32
      %mul3A_452 = arith.constant 4 : i32
      %mul3A_453 = arith.muli %add3A_451, %mul3A_452 : i32
      %add3A_454 = arith.constant 0 : i32
      %add3A_455 = arith.addi %mul3A_453, %add3A_454 : i32
      %lt3A = arith.constant 40 : i32
      %lt3A_456 = arith.cmpi slt, %add3A_455, %lt3A : i32
      %convert_element_type3A = arith.extui %lt3A_456 : i1 to i32
      %cond3A = arith.constant 0 : i32
      %cond3A_457 = arith.cmpi ne, %convert_element_type3A, %cond3A : i32
      scf.if %cond3A_457 {
        %dma_wait3A_491 = arith.constant 0 : i32
        %dma_wait3A_492 = arith.constant 0 : i32
        %dma_wait3A_493 = arith.constant 0 : i32
        %dma_wait3A_494 = arith.constant 0 : i32
        %dma_wait3A_495 = tpu.memref_slice %arg7[%dma_wait3A_491, %dma_wait3A_493, %dma_wait3A_494] : memref<4x128x32xf32, #tpu.memory_space<vmem>> -> memref<1x128x32xf32, #tpu.memory_space<vmem>>
        %dma_wait3A_496 = tpu.memref_squeeze %dma_wait3A_495 : memref<1x128x32xf32, #tpu.memory_space<vmem>> -> memref<128x32xf32, #tpu.memory_space<vmem>>
        %dma_wait3A_497 = arith.constant 0 : i32
        %dma_wait3A_498 = arith.constant 0 : i32
        %dma_wait3A_499 = tpu.memref_slice %arg5[%dma_wait3A_497, %dma_wait3A_498] : memref<163840x32xf32, #tpu.memory_space<hbm>> -> memref<128x32xf32, #tpu.memory_space<hbm>>
        %dma_wait3A_500 = tpu.memref_slice %arg10[%dma_wait3A_492] : memref<4x!tpu.dma_semaphore, #tpu.memory_space<semaphore_mem>> -> memref<1x!tpu.dma_semaphore, #tpu.memory_space<semaphore_mem>>
        %dma_wait3A_501 = tpu.memref_squeeze %dma_wait3A_500 : memref<1x!tpu.dma_semaphore, #tpu.memory_space<semaphore_mem>> -> memref<!tpu.dma_semaphore, #tpu.memory_space<semaphore_mem>>
        %dma_wait3A_502 = arith.constant 0 : i32
        %dma_wait3A_503 = arith.constant 0 : i32
        %dma_wait3A_504 = tpu.memref_slice %arg5[%dma_wait3A_502, %dma_wait3A_503] : memref<163840x32xf32, #tpu.memory_space<hbm>> -> memref<128x32xf32, #tpu.memory_space<hbm>>
        %dma_wait3A_505 = arith.constant 0 : i32
        %dma_wait3A_506 = arith.constant 0 : i32
        %dma_wait3A_507 = tpu.memref_slice %arg7[%dma_wait3A_491, %dma_wait3A_505, %dma_wait3A_506] : memref<4x128x32xf32, #tpu.memory_space<vmem>> -> memref<1x128x32xf32, #tpu.memory_space<vmem>>
        %dma_wait3A_508 = tpu.memref_squeeze %dma_wait3A_507 : memref<1x128x32xf32, #tpu.memory_space<vmem>> -> memref<128x32xf32, #tpu.memory_space<vmem>>
        tpu.wait_dma2 semaphore(%dma_wait3A_501 : memref<!tpu.dma_semaphore, #tpu.memory_space<semaphore_mem>>) src(%dma_wait3A_508 : memref<128x32xf32, #tpu.memory_space<vmem>>) dst(%dma_wait3A_504 : memref<128x32xf32, #tpu.memory_space<hbm>>)
        %add3A_509 = arith.addi %mul3A_154, %add3A_455 : i32
        %dma_start3A_510 = arith.constant 0 : i32
        %dma_start3A_511 = arith.constant 0 : i32
        %dma_start3A_512 = arith.constant 0 : i32
        %dma_start3A_513 = arith.constant 0 : i32
        %dma_start3A_514 = tpu.memref_slice %arg7[%dma_start3A_510, %dma_start3A_512, %dma_start3A_513] : memref<4x128x32xf32, #tpu.memory_space<vmem>> -> memref<1x128x32xf32, #tpu.memory_space<vmem>>
        %dma_start3A_515 = tpu.memref_squeeze %dma_start3A_514 : memref<1x128x32xf32, #tpu.memory_space<vmem>> -> memref<128x32xf32, #tpu.memory_space<vmem>>
        %dma_start3A_516 = arith.constant 0 : i32
        %dma_start3A_517 = tpu.memref_slice %arg6[%add3A_509, %dma_start3A_516] : memref<80x128xi32, #tpu.memory_space<vmem>> -> memref<1x128xi32, #tpu.memory_space<vmem>>
        %dma_start3A_518 = tpu.memref_squeeze %dma_start3A_517 : memref<1x128xi32, #tpu.memory_space<vmem>> -> memref<128xi32, #tpu.memory_space<vmem>>
        %dma_start3A_519 = arith.constant 0 : i32
        %dma_start3A_520 = arith.constant 0 : i32
        %dma_start3A_521 = tpu.memref_slice %arg8[%dma_start3A_519, %dma_start3A_520] : memref<10112x32xf32, #tpu.memory_space<vmem_shared>> -> memref<10112x32xf32, #tpu.memory_space<vmem_shared>>
        %dma_start3A_522 = tpu.memref_slice %arg9[%dma_start3A_511] : memref<4x!tpu.dma_semaphore, #tpu.memory_space<semaphore_mem>> -> memref<1x!tpu.dma_semaphore, #tpu.memory_space<semaphore_mem>>
        %dma_start3A_523 = tpu.memref_squeeze %dma_start3A_522 : memref<1x!tpu.dma_semaphore, #tpu.memory_space<semaphore_mem>> -> memref<!tpu.dma_semaphore, #tpu.memory_space<semaphore_mem>>
        tpu.enqueue_indirect_dma source(%dma_start3A_521 : memref<10112x32xf32, #tpu.memory_space<vmem_shared>>) target(%dma_start3A_515 : memref<128x32xf32, #tpu.memory_space<vmem>>) offsets(%dma_start3A_518 : memref<128xi32, #tpu.memory_space<vmem>>) semaphore(%dma_start3A_523 : memref<!tpu.dma_semaphore, #tpu.memory_space<semaphore_mem>>)
      } else {
      }
      %add3A_458 = arith.constant 1 : i32
      %add3A_459 = arith.addi %scan3A_297, %add3A_458 : i32
      %mul3A_460 = arith.constant 4 : i32
      %mul3A_461 = arith.muli %add3A_459, %mul3A_460 : i32
      %add3A_462 = arith.constant 1 : i32
      %add3A_463 = arith.addi %mul3A_461, %add3A_462 : i32
      %lt3A_464 = arith.constant 40 : i32
      %lt3A_465 = arith.cmpi slt, %add3A_463, %lt3A_464 : i32
      %convert_element_type3A_466 = arith.extui %lt3A_465 : i1 to i32
      %cond3A_467 = arith.constant 0 : i32
      %cond3A_468 = arith.cmpi ne, %convert_element_type3A_466, %cond3A_467 : i32
      scf.if %cond3A_468 {
        %dma_wait3A_491 = arith.constant 1 : i32
        %dma_wait3A_492 = arith.constant 1 : i32
        %dma_wait3A_493 = arith.constant 0 : i32
        %dma_wait3A_494 = arith.constant 0 : i32
        %dma_wait3A_495 = tpu.memref_slice %arg7[%dma_wait3A_491, %dma_wait3A_493, %dma_wait3A_494] : memref<4x128x32xf32, #tpu.memory_space<vmem>> -> memref<1x128x32xf32, #tpu.memory_space<vmem>>
        %dma_wait3A_496 = tpu.memref_squeeze %dma_wait3A_495 : memref<1x128x32xf32, #tpu.memory_space<vmem>> -> memref<128x32xf32, #tpu.memory_space<vmem>>
        %dma_wait3A_497 = arith.constant 0 : i32
        %dma_wait3A_498 = arith.constant 0 : i32
        %dma_wait3A_499 = tpu.memref_slice %arg5[%dma_wait3A_497, %dma_wait3A_498] : memref<163840x32xf32, #tpu.memory_space<hbm>> -> memref<128x32xf32, #tpu.memory_space<hbm>>
        %dma_wait3A_500 = tpu.memref_slice %arg10[%dma_wait3A_492] : memref<4x!tpu.dma_semaphore, #tpu.memory_space<semaphore_mem>> -> memref<1x!tpu.dma_semaphore, #tpu.memory_space<semaphore_mem>>
        %dma_wait3A_501 = tpu.memref_squeeze %dma_wait3A_500 : memref<1x!tpu.dma_semaphore, #tpu.memory_space<semaphore_mem>> -> memref<!tpu.dma_semaphore, #tpu.memory_space<semaphore_mem>>
        %dma_wait3A_502 = arith.constant 0 : i32
        %dma_wait3A_503 = arith.constant 0 : i32
        %dma_wait3A_504 = tpu.memref_slice %arg5[%dma_wait3A_502, %dma_wait3A_503] : memref<163840x32xf32, #tpu.memory_space<hbm>> -> memref<128x32xf32, #tpu.memory_space<hbm>>
        %dma_wait3A_505 = arith.constant 0 : i32
        %dma_wait3A_506 = arith.constant 0 : i32
        %dma_wait3A_507 = tpu.memref_slice %arg7[%dma_wait3A_491, %dma_wait3A_505, %dma_wait3A_506] : memref<4x128x32xf32, #tpu.memory_space<vmem>> -> memref<1x128x32xf32, #tpu.memory_space<vmem>>
        %dma_wait3A_508 = tpu.memref_squeeze %dma_wait3A_507 : memref<1x128x32xf32, #tpu.memory_space<vmem>> -> memref<128x32xf32, #tpu.memory_space<vmem>>
        tpu.wait_dma2 semaphore(%dma_wait3A_501 : memref<!tpu.dma_semaphore, #tpu.memory_space<semaphore_mem>>) src(%dma_wait3A_508 : memref<128x32xf32, #tpu.memory_space<vmem>>) dst(%dma_wait3A_504 : memref<128x32xf32, #tpu.memory_space<hbm>>)
        %add3A_509 = arith.addi %mul3A_154, %add3A_463 : i32
        %dma_start3A_510 = arith.constant 1 : i32
        %dma_start3A_511 = arith.constant 1 : i32
        %dma_start3A_512 = arith.constant 0 : i32
        %dma_start3A_513 = arith.constant 0 : i32
        %dma_start3A_514 = tpu.memref_slice %arg7[%dma_start3A_510, %dma_start3A_512, %dma_start3A_513] : memref<4x128x32xf32, #tpu.memory_space<vmem>> -> memref<1x128x32xf32, #tpu.memory_space<vmem>>
        %dma_start3A_515 = tpu.memref_squeeze %dma_start3A_514 : memref<1x128x32xf32, #tpu.memory_space<vmem>> -> memref<128x32xf32, #tpu.memory_space<vmem>>
        %dma_start3A_516 = arith.constant 0 : i32
        %dma_start3A_517 = tpu.memref_slice %arg6[%add3A_509, %dma_start3A_516] : memref<80x128xi32, #tpu.memory_space<vmem>> -> memref<1x128xi32, #tpu.memory_space<vmem>>
        %dma_start3A_518 = tpu.memref_squeeze %dma_start3A_517 : memref<1x128xi32, #tpu.memory_space<vmem>> -> memref<128xi32, #tpu.memory_space<vmem>>
        %dma_start3A_519 = arith.constant 0 : i32
        %dma_start3A_520 = arith.constant 0 : i32
        %dma_start3A_521 = tpu.memref_slice %arg8[%dma_start3A_519, %dma_start3A_520] : memref<10112x32xf32, #tpu.memory_space<vmem_shared>> -> memref<10112x32xf32, #tpu.memory_space<vmem_shared>>
        %dma_start3A_522 = tpu.memref_slice %arg9[%dma_start3A_511] : memref<4x!tpu.dma_semaphore, #tpu.memory_space<semaphore_mem>> -> memref<1x!tpu.dma_semaphore, #tpu.memory_space<semaphore_mem>>
        %dma_start3A_523 = tpu.memref_squeeze %dma_start3A_522 : memref<1x!tpu.dma_semaphore, #tpu.memory_space<semaphore_mem>> -> memref<!tpu.dma_semaphore, #tpu.memory_space<semaphore_mem>>
        tpu.enqueue_indirect_dma source(%dma_start3A_521 : memref<10112x32xf32, #tpu.memory_space<vmem_shared>>) target(%dma_start3A_515 : memref<128x32xf32, #tpu.memory_space<vmem>>) offsets(%dma_start3A_518 : memref<128xi32, #tpu.memory_space<vmem>>) semaphore(%dma_start3A_523 : memref<!tpu.dma_semaphore, #tpu.memory_space<semaphore_mem>>)
      } else {
      }
      %add3A_469 = arith.constant 1 : i32
      %add3A_470 = arith.addi %scan3A_297, %add3A_469 : i32
      %mul3A_471 = arith.constant 4 : i32
      %mul3A_472 = arith.muli %add3A_470, %mul3A_471 : i32
      %add3A_473 = arith.constant 2 : i32
      %add3A_474 = arith.addi %mul3A_472, %add3A_473 : i32
      %lt3A_475 = arith.constant 40 : i32
      %lt3A_476 = arith.cmpi slt, %add3A_474, %lt3A_475 : i32
      %convert_element_type3A_477 = arith.extui %lt3A_476 : i1 to i32
      %cond3A_478 = arith.constant 0 : i32
      %cond3A_479 = arith.cmpi ne, %convert_element_type3A_477, %cond3A_478 : i32
      scf.if %cond3A_479 {
        %dma_wait3A_491 = arith.constant 2 : i32
        %dma_wait3A_492 = arith.constant 2 : i32
        %dma_wait3A_493 = arith.constant 0 : i32
        %dma_wait3A_494 = arith.constant 0 : i32
        %dma_wait3A_495 = tpu.memref_slice %arg7[%dma_wait3A_491, %dma_wait3A_493, %dma_wait3A_494] : memref<4x128x32xf32, #tpu.memory_space<vmem>> -> memref<1x128x32xf32, #tpu.memory_space<vmem>>
        %dma_wait3A_496 = tpu.memref_squeeze %dma_wait3A_495 : memref<1x128x32xf32, #tpu.memory_space<vmem>> -> memref<128x32xf32, #tpu.memory_space<vmem>>
        %dma_wait3A_497 = arith.constant 0 : i32
        %dma_wait3A_498 = arith.constant 0 : i32
        %dma_wait3A_499 = tpu.memref_slice %arg5[%dma_wait3A_497, %dma_wait3A_498] : memref<163840x32xf32, #tpu.memory_space<hbm>> -> memref<128x32xf32, #tpu.memory_space<hbm>>
        %dma_wait3A_500 = tpu.memref_slice %arg10[%dma_wait3A_492] : memref<4x!tpu.dma_semaphore, #tpu.memory_space<semaphore_mem>> -> memref<1x!tpu.dma_semaphore, #tpu.memory_space<semaphore_mem>>
        %dma_wait3A_501 = tpu.memref_squeeze %dma_wait3A_500 : memref<1x!tpu.dma_semaphore, #tpu.memory_space<semaphore_mem>> -> memref<!tpu.dma_semaphore, #tpu.memory_space<semaphore_mem>>
        %dma_wait3A_502 = arith.constant 0 : i32
        %dma_wait3A_503 = arith.constant 0 : i32
        %dma_wait3A_504 = tpu.memref_slice %arg5[%dma_wait3A_502, %dma_wait3A_503] : memref<163840x32xf32, #tpu.memory_space<hbm>> -> memref<128x32xf32, #tpu.memory_space<hbm>>
        %dma_wait3A_505 = arith.constant 0 : i32
        %dma_wait3A_506 = arith.constant 0 : i32
        %dma_wait3A_507 = tpu.memref_slice %arg7[%dma_wait3A_491, %dma_wait3A_505, %dma_wait3A_506] : memref<4x128x32xf32, #tpu.memory_space<vmem>> -> memref<1x128x32xf32, #tpu.memory_space<vmem>>
        %dma_wait3A_508 = tpu.memref_squeeze %dma_wait3A_507 : memref<1x128x32xf32, #tpu.memory_space<vmem>> -> memref<128x32xf32, #tpu.memory_space<vmem>>
        tpu.wait_dma2 semaphore(%dma_wait3A_501 : memref<!tpu.dma_semaphore, #tpu.memory_space<semaphore_mem>>) src(%dma_wait3A_508 : memref<128x32xf32, #tpu.memory_space<vmem>>) dst(%dma_wait3A_504 : memref<128x32xf32, #tpu.memory_space<hbm>>)
        %add3A_509 = arith.addi %mul3A_154, %add3A_474 : i32
        %dma_start3A_510 = arith.constant 2 : i32
        %dma_start3A_511 = arith.constant 2 : i32
        %dma_start3A_512 = arith.constant 0 : i32
        %dma_start3A_513 = arith.constant 0 : i32
        %dma_start3A_514 = tpu.memref_slice %arg7[%dma_start3A_510, %dma_start3A_512, %dma_start3A_513] : memref<4x128x32xf32, #tpu.memory_space<vmem>> -> memref<1x128x32xf32, #tpu.memory_space<vmem>>
        %dma_start3A_515 = tpu.memref_squeeze %dma_start3A_514 : memref<1x128x32xf32, #tpu.memory_space<vmem>> -> memref<128x32xf32, #tpu.memory_space<vmem>>
        %dma_start3A_516 = arith.constant 0 : i32
        %dma_start3A_517 = tpu.memref_slice %arg6[%add3A_509, %dma_start3A_516] : memref<80x128xi32, #tpu.memory_space<vmem>> -> memref<1x128xi32, #tpu.memory_space<vmem>>
        %dma_start3A_518 = tpu.memref_squeeze %dma_start3A_517 : memref<1x128xi32, #tpu.memory_space<vmem>> -> memref<128xi32, #tpu.memory_space<vmem>>
        %dma_start3A_519 = arith.constant 0 : i32
        %dma_start3A_520 = arith.constant 0 : i32
        %dma_start3A_521 = tpu.memref_slice %arg8[%dma_start3A_519, %dma_start3A_520] : memref<10112x32xf32, #tpu.memory_space<vmem_shared>> -> memref<10112x32xf32, #tpu.memory_space<vmem_shared>>
        %dma_start3A_522 = tpu.memref_slice %arg9[%dma_start3A_511] : memref<4x!tpu.dma_semaphore, #tpu.memory_space<semaphore_mem>> -> memref<1x!tpu.dma_semaphore, #tpu.memory_space<semaphore_mem>>
        %dma_start3A_523 = tpu.memref_squeeze %dma_start3A_522 : memref<1x!tpu.dma_semaphore, #tpu.memory_space<semaphore_mem>> -> memref<!tpu.dma_semaphore, #tpu.memory_space<semaphore_mem>>
        tpu.enqueue_indirect_dma source(%dma_start3A_521 : memref<10112x32xf32, #tpu.memory_space<vmem_shared>>) target(%dma_start3A_515 : memref<128x32xf32, #tpu.memory_space<vmem>>) offsets(%dma_start3A_518 : memref<128xi32, #tpu.memory_space<vmem>>) semaphore(%dma_start3A_523 : memref<!tpu.dma_semaphore, #tpu.memory_space<semaphore_mem>>)
      } else {
      }
      %add3A_480 = arith.constant 1 : i32
      %add3A_481 = arith.addi %scan3A_297, %add3A_480 : i32
      %mul3A_482 = arith.constant 4 : i32
      %mul3A_483 = arith.muli %add3A_481, %mul3A_482 : i32
      %add3A_484 = arith.constant 3 : i32
      %add3A_485 = arith.addi %mul3A_483, %add3A_484 : i32
      %lt3A_486 = arith.constant 40 : i32
      %lt3A_487 = arith.cmpi slt, %add3A_485, %lt3A_486 : i32
      %convert_element_type3A_488 = arith.extui %lt3A_487 : i1 to i32
      %cond3A_489 = arith.constant 0 : i32
      %cond3A_490 = arith.cmpi ne, %convert_element_type3A_488, %cond3A_489 : i32
      scf.if %cond3A_490 {
        %dma_wait3A_491 = arith.constant 3 : i32
        %dma_wait3A_492 = arith.constant 3 : i32
        %dma_wait3A_493 = arith.constant 0 : i32
        %dma_wait3A_494 = arith.constant 0 : i32
        %dma_wait3A_495 = tpu.memref_slice %arg7[%dma_wait3A_491, %dma_wait3A_493, %dma_wait3A_494] : memref<4x128x32xf32, #tpu.memory_space<vmem>> -> memref<1x128x32xf32, #tpu.memory_space<vmem>>
        %dma_wait3A_496 = tpu.memref_squeeze %dma_wait3A_495 : memref<1x128x32xf32, #tpu.memory_space<vmem>> -> memref<128x32xf32, #tpu.memory_space<vmem>>
        %dma_wait3A_497 = arith.constant 0 : i32
        %dma_wait3A_498 = arith.constant 0 : i32
        %dma_wait3A_499 = tpu.memref_slice %arg5[%dma_wait3A_497, %dma_wait3A_498] : memref<163840x32xf32, #tpu.memory_space<hbm>> -> memref<128x32xf32, #tpu.memory_space<hbm>>
        %dma_wait3A_500 = tpu.memref_slice %arg10[%dma_wait3A_492] : memref<4x!tpu.dma_semaphore, #tpu.memory_space<semaphore_mem>> -> memref<1x!tpu.dma_semaphore, #tpu.memory_space<semaphore_mem>>
        %dma_wait3A_501 = tpu.memref_squeeze %dma_wait3A_500 : memref<1x!tpu.dma_semaphore, #tpu.memory_space<semaphore_mem>> -> memref<!tpu.dma_semaphore, #tpu.memory_space<semaphore_mem>>
        %dma_wait3A_502 = arith.constant 0 : i32
        %dma_wait3A_503 = arith.constant 0 : i32
        %dma_wait3A_504 = tpu.memref_slice %arg5[%dma_wait3A_502, %dma_wait3A_503] : memref<163840x32xf32, #tpu.memory_space<hbm>> -> memref<128x32xf32, #tpu.memory_space<hbm>>
        %dma_wait3A_505 = arith.constant 0 : i32
        %dma_wait3A_506 = arith.constant 0 : i32
        %dma_wait3A_507 = tpu.memref_slice %arg7[%dma_wait3A_491, %dma_wait3A_505, %dma_wait3A_506] : memref<4x128x32xf32, #tpu.memory_space<vmem>> -> memref<1x128x32xf32, #tpu.memory_space<vmem>>
        %dma_wait3A_508 = tpu.memref_squeeze %dma_wait3A_507 : memref<1x128x32xf32, #tpu.memory_space<vmem>> -> memref<128x32xf32, #tpu.memory_space<vmem>>
        tpu.wait_dma2 semaphore(%dma_wait3A_501 : memref<!tpu.dma_semaphore, #tpu.memory_space<semaphore_mem>>) src(%dma_wait3A_508 : memref<128x32xf32, #tpu.memory_space<vmem>>) dst(%dma_wait3A_504 : memref<128x32xf32, #tpu.memory_space<hbm>>)
        %add3A_509 = arith.addi %mul3A_154, %add3A_485 : i32
        %dma_start3A_510 = arith.constant 3 : i32
        %dma_start3A_511 = arith.constant 3 : i32
        %dma_start3A_512 = arith.constant 0 : i32
        %dma_start3A_513 = arith.constant 0 : i32
        %dma_start3A_514 = tpu.memref_slice %arg7[%dma_start3A_510, %dma_start3A_512, %dma_start3A_513] : memref<4x128x32xf32, #tpu.memory_space<vmem>> -> memref<1x128x32xf32, #tpu.memory_space<vmem>>
        %dma_start3A_515 = tpu.memref_squeeze %dma_start3A_514 : memref<1x128x32xf32, #tpu.memory_space<vmem>> -> memref<128x32xf32, #tpu.memory_space<vmem>>
        %dma_start3A_516 = arith.constant 0 : i32
        %dma_start3A_517 = tpu.memref_slice %arg6[%add3A_509, %dma_start3A_516] : memref<80x128xi32, #tpu.memory_space<vmem>> -> memref<1x128xi32, #tpu.memory_space<vmem>>
        %dma_start3A_518 = tpu.memref_squeeze %dma_start3A_517 : memref<1x128xi32, #tpu.memory_space<vmem>> -> memref<128xi32, #tpu.memory_space<vmem>>
        %dma_start3A_519 = arith.constant 0 : i32
        %dma_start3A_520 = arith.constant 0 : i32
        %dma_start3A_521 = tpu.memref_slice %arg8[%dma_start3A_519, %dma_start3A_520] : memref<10112x32xf32, #tpu.memory_space<vmem_shared>> -> memref<10112x32xf32, #tpu.memory_space<vmem_shared>>
        %dma_start3A_522 = tpu.memref_slice %arg9[%dma_start3A_511] : memref<4x!tpu.dma_semaphore, #tpu.memory_space<semaphore_mem>> -> memref<1x!tpu.dma_semaphore, #tpu.memory_space<semaphore_mem>>
        %dma_start3A_523 = tpu.memref_squeeze %dma_start3A_522 : memref<1x!tpu.dma_semaphore, #tpu.memory_space<semaphore_mem>> -> memref<!tpu.dma_semaphore, #tpu.memory_space<semaphore_mem>>
        tpu.enqueue_indirect_dma source(%dma_start3A_521 : memref<10112x32xf32, #tpu.memory_space<vmem_shared>>) target(%dma_start3A_515 : memref<128x32xf32, #tpu.memory_space<vmem>>) offsets(%dma_start3A_518 : memref<128xi32, #tpu.memory_space<vmem>>) semaphore(%dma_start3A_523 : memref<!tpu.dma_semaphore, #tpu.memory_space<semaphore_mem>>)
      } else {
      }
    }
    %scan3A_224 = arith.constant 10 : i32
    %dma_wait3A_225 = arith.constant 0 : i32
    %dma_wait3A_226 = arith.constant 0 : i32
    %dma_wait3A_227 = arith.constant 0 : i32
    %dma_wait3A_228 = arith.constant 0 : i32
    %dma_wait3A_229 = tpu.memref_slice %arg7[%dma_wait3A_225, %dma_wait3A_227, %dma_wait3A_228] : memref<4x128x32xf32, #tpu.memory_space<vmem>> -> memref<1x128x32xf32, #tpu.memory_space<vmem>>
    %dma_wait3A_230 = tpu.memref_squeeze %dma_wait3A_229 : memref<1x128x32xf32, #tpu.memory_space<vmem>> -> memref<128x32xf32, #tpu.memory_space<vmem>>
    %dma_wait3A_231 = arith.constant 0 : i32
    %dma_wait3A_232 = arith.constant 0 : i32
    %dma_wait3A_233 = tpu.memref_slice %arg5[%dma_wait3A_231, %dma_wait3A_232] : memref<163840x32xf32, #tpu.memory_space<hbm>> -> memref<128x32xf32, #tpu.memory_space<hbm>>
    %dma_wait3A_234 = tpu.memref_slice %arg10[%dma_wait3A_226] : memref<4x!tpu.dma_semaphore, #tpu.memory_space<semaphore_mem>> -> memref<1x!tpu.dma_semaphore, #tpu.memory_space<semaphore_mem>>
    %dma_wait3A_235 = tpu.memref_squeeze %dma_wait3A_234 : memref<1x!tpu.dma_semaphore, #tpu.memory_space<semaphore_mem>> -> memref<!tpu.dma_semaphore, #tpu.memory_space<semaphore_mem>>
    %dma_wait3A_236 = arith.constant 0 : i32
    %dma_wait3A_237 = arith.constant 0 : i32
    %dma_wait3A_238 = tpu.memref_slice %arg5[%dma_wait3A_236, %dma_wait3A_237] : memref<163840x32xf32, #tpu.memory_space<hbm>> -> memref<128x32xf32, #tpu.memory_space<hbm>>
    %dma_wait3A_239 = arith.constant 0 : i32
    %dma_wait3A_240 = arith.constant 0 : i32
    %dma_wait3A_241 = tpu.memref_slice %arg7[%dma_wait3A_225, %dma_wait3A_239, %dma_wait3A_240] : memref<4x128x32xf32, #tpu.memory_space<vmem>> -> memref<1x128x32xf32, #tpu.memory_space<vmem>>
    %dma_wait3A_242 = tpu.memref_squeeze %dma_wait3A_241 : memref<1x128x32xf32, #tpu.memory_space<vmem>> -> memref<128x32xf32, #tpu.memory_space<vmem>>
    tpu.wait_dma2 semaphore(%dma_wait3A_235 : memref<!tpu.dma_semaphore, #tpu.memory_space<semaphore_mem>>) src(%dma_wait3A_242 : memref<128x32xf32, #tpu.memory_space<vmem>>) dst(%dma_wait3A_238 : memref<128x32xf32, #tpu.memory_space<hbm>>)
    %dma_wait3A_243 = arith.constant 1 : i32
    %dma_wait3A_244 = arith.constant 1 : i32
    %dma_wait3A_245 = arith.constant 0 : i32
    %dma_wait3A_246 = arith.constant 0 : i32
    %dma_wait3A_247 = tpu.memref_slice %arg7[%dma_wait3A_243, %dma_wait3A_245, %dma_wait3A_246] : memref<4x128x32xf32, #tpu.memory_space<vmem>> -> memref<1x128x32xf32, #tpu.memory_space<vmem>>
    %dma_wait3A_248 = tpu.memref_squeeze %dma_wait3A_247 : memref<1x128x32xf32, #tpu.memory_space<vmem>> -> memref<128x32xf32, #tpu.memory_space<vmem>>
    %dma_wait3A_249 = arith.constant 0 : i32
    %dma_wait3A_250 = arith.constant 0 : i32
    %dma_wait3A_251 = tpu.memref_slice %arg5[%dma_wait3A_249, %dma_wait3A_250] : memref<163840x32xf32, #tpu.memory_space<hbm>> -> memref<128x32xf32, #tpu.memory_space<hbm>>
    %dma_wait3A_252 = tpu.memref_slice %arg10[%dma_wait3A_244] : memref<4x!tpu.dma_semaphore, #tpu.memory_space<semaphore_mem>> -> memref<1x!tpu.dma_semaphore, #tpu.memory_space<semaphore_mem>>
    %dma_wait3A_253 = tpu.memref_squeeze %dma_wait3A_252 : memref<1x!tpu.dma_semaphore, #tpu.memory_space<semaphore_mem>> -> memref<!tpu.dma_semaphore, #tpu.memory_space<semaphore_mem>>
    %dma_wait3A_254 = arith.constant 0 : i32
    %dma_wait3A_255 = arith.constant 0 : i32
    %dma_wait3A_256 = tpu.memref_slice %arg5[%dma_wait3A_254, %dma_wait3A_255] : memref<163840x32xf32, #tpu.memory_space<hbm>> -> memref<128x32xf32, #tpu.memory_space<hbm>>
    %dma_wait3A_257 = arith.constant 0 : i32
    %dma_wait3A_258 = arith.constant 0 : i32
    %dma_wait3A_259 = tpu.memref_slice %arg7[%dma_wait3A_243, %dma_wait3A_257, %dma_wait3A_258] : memref<4x128x32xf32, #tpu.memory_space<vmem>> -> memref<1x128x32xf32, #tpu.memory_space<vmem>>
    %dma_wait3A_260 = tpu.memref_squeeze %dma_wait3A_259 : memref<1x128x32xf32, #tpu.memory_space<vmem>> -> memref<128x32xf32, #tpu.memory_space<vmem>>
    tpu.wait_dma2 semaphore(%dma_wait3A_253 : memref<!tpu.dma_semaphore, #tpu.memory_space<semaphore_mem>>) src(%dma_wait3A_260 : memref<128x32xf32, #tpu.memory_space<vmem>>) dst(%dma_wait3A_256 : memref<128x32xf32, #tpu.memory_space<hbm>>)
    %dma_wait3A_261 = arith.constant 2 : i32
    %dma_wait3A_262 = arith.constant 2 : i32
    %dma_wait3A_263 = arith.constant 0 : i32
    %dma_wait3A_264 = arith.constant 0 : i32
    %dma_wait3A_265 = tpu.memref_slice %arg7[%dma_wait3A_261, %dma_wait3A_263, %dma_wait3A_264] : memref<4x128x32xf32, #tpu.memory_space<vmem>> -> memref<1x128x32xf32, #tpu.memory_space<vmem>>
    %dma_wait3A_266 = tpu.memref_squeeze %dma_wait3A_265 : memref<1x128x32xf32, #tpu.memory_space<vmem>> -> memref<128x32xf32, #tpu.memory_space<vmem>>
    %dma_wait3A_267 = arith.constant 0 : i32
    %dma_wait3A_268 = arith.constant 0 : i32
    %dma_wait3A_269 = tpu.memref_slice %arg5[%dma_wait3A_267, %dma_wait3A_268] : memref<163840x32xf32, #tpu.memory_space<hbm>> -> memref<128x32xf32, #tpu.memory_space<hbm>>
    %dma_wait3A_270 = tpu.memref_slice %arg10[%dma_wait3A_262] : memref<4x!tpu.dma_semaphore, #tpu.memory_space<semaphore_mem>> -> memref<1x!tpu.dma_semaphore, #tpu.memory_space<semaphore_mem>>
    %dma_wait3A_271 = tpu.memref_squeeze %dma_wait3A_270 : memref<1x!tpu.dma_semaphore, #tpu.memory_space<semaphore_mem>> -> memref<!tpu.dma_semaphore, #tpu.memory_space<semaphore_mem>>
    %dma_wait3A_272 = arith.constant 0 : i32
    %dma_wait3A_273 = arith.constant 0 : i32
    %dma_wait3A_274 = tpu.memref_slice %arg5[%dma_wait3A_272, %dma_wait3A_273] : memref<163840x32xf32, #tpu.memory_space<hbm>> -> memref<128x32xf32, #tpu.memory_space<hbm>>
    %dma_wait3A_275 = arith.constant 0 : i32
    %dma_wait3A_276 = arith.constant 0 : i32
    %dma_wait3A_277 = tpu.memref_slice %arg7[%dma_wait3A_261, %dma_wait3A_275, %dma_wait3A_276] : memref<4x128x32xf32, #tpu.memory_space<vmem>> -> memref<1x128x32xf32, #tpu.memory_space<vmem>>
    %dma_wait3A_278 = tpu.memref_squeeze %dma_wait3A_277 : memref<1x128x32xf32, #tpu.memory_space<vmem>> -> memref<128x32xf32, #tpu.memory_space<vmem>>
    tpu.wait_dma2 semaphore(%dma_wait3A_271 : memref<!tpu.dma_semaphore, #tpu.memory_space<semaphore_mem>>) src(%dma_wait3A_278 : memref<128x32xf32, #tpu.memory_space<vmem>>) dst(%dma_wait3A_274 : memref<128x32xf32, #tpu.memory_space<hbm>>)
    %dma_wait3A_279 = arith.constant 3 : i32
    %dma_wait3A_280 = arith.constant 3 : i32
    %dma_wait3A_281 = arith.constant 0 : i32
    %dma_wait3A_282 = arith.constant 0 : i32
    %dma_wait3A_283 = tpu.memref_slice %arg7[%dma_wait3A_279, %dma_wait3A_281, %dma_wait3A_282] : memref<4x128x32xf32, #tpu.memory_space<vmem>> -> memref<1x128x32xf32, #tpu.memory_space<vmem>>
    %dma_wait3A_284 = tpu.memref_squeeze %dma_wait3A_283 : memref<1x128x32xf32, #tpu.memory_space<vmem>> -> memref<128x32xf32, #tpu.memory_space<vmem>>
    %dma_wait3A_285 = arith.constant 0 : i32
    %dma_wait3A_286 = arith.constant 0 : i32
    %dma_wait3A_287 = tpu.memref_slice %arg5[%dma_wait3A_285, %dma_wait3A_286] : memref<163840x32xf32, #tpu.memory_space<hbm>> -> memref<128x32xf32, #tpu.memory_space<hbm>>
    %dma_wait3A_288 = tpu.memref_slice %arg10[%dma_wait3A_280] : memref<4x!tpu.dma_semaphore, #tpu.memory_space<semaphore_mem>> -> memref<1x!tpu.dma_semaphore, #tpu.memory_space<semaphore_mem>>
    %dma_wait3A_289 = tpu.memref_squeeze %dma_wait3A_288 : memref<1x!tpu.dma_semaphore, #tpu.memory_space<semaphore_mem>> -> memref<!tpu.dma_semaphore, #tpu.memory_space<semaphore_mem>>
    %dma_wait3A_290 = arith.constant 0 : i32
    %dma_wait3A_291 = arith.constant 0 : i32
    %dma_wait3A_292 = tpu.memref_slice %arg5[%dma_wait3A_290, %dma_wait3A_291] : memref<163840x32xf32, #tpu.memory_space<hbm>> -> memref<128x32xf32, #tpu.memory_space<hbm>>
    %dma_wait3A_293 = arith.constant 0 : i32
    %dma_wait3A_294 = arith.constant 0 : i32
    %dma_wait3A_295 = tpu.memref_slice %arg7[%dma_wait3A_279, %dma_wait3A_293, %dma_wait3A_294] : memref<4x128x32xf32, #tpu.memory_space<vmem>> -> memref<1x128x32xf32, #tpu.memory_space<vmem>>
    %dma_wait3A_296 = tpu.memref_squeeze %dma_wait3A_295 : memref<1x128x32xf32, #tpu.memory_space<vmem>> -> memref<128x32xf32, #tpu.memory_space<vmem>>
    tpu.wait_dma2 semaphore(%dma_wait3A_289 : memref<!tpu.dma_semaphore, #tpu.memory_space<semaphore_mem>>) src(%dma_wait3A_296 : memref<128x32xf32, #tpu.memory_space<vmem>>) dst(%dma_wait3A_292 : memref<128x32xf32, #tpu.memory_space<hbm>>)
    return
  }
}

#map = affine_map<(d0, d1) -> (0, 0)>
#map1 = affine_map<(d0, d1) -> (0, 0, 0)>
module attributes {stable_mosaic.version = 14 : i64} {
  func.func @k(%arg0: i32, %arg1: i32, %arg2: memref<10112x128xbf16, #tpu.memory_space<hbm>>, %arg3: memref<32x40x128xi32, #tpu.memory_space<hbm>>, %arg4: memref<32x40x128xi32, #tpu.memory_space<hbm>>, %arg5: memref<163840x128xbf16, #tpu.memory_space<hbm>>, %arg6: memref<163840x128xbf16, #tpu.memory_space<hbm>>, %arg7: memref<40x128xi32, #tpu.memory_space<vmem>>, %arg8: memref<40x128xi32, #tpu.memory_space<vmem>>, %arg9: memref<4x128x128xbf16, #tpu.memory_space<vmem>>, %arg10: memref<4x!tpu.dma_semaphore, #tpu.memory_space<semaphore_mem>>, %arg11: memref<4x!tpu.dma_semaphore, #tpu.memory_space<semaphore_mem>>) attributes {dimension_semantics = [#tpu.dimension_semantics<core_parallel>, #tpu.dimension_semantics<subcore_parallel>], iteration_bounds = array<i64: 2, 16>, scalar_prefetch = 0 : i64, scratch_operands = 5 : i64, tpu.core_type = #tpu.core_type<sc_vector_subcore>, window_params = [{transform_indices = #map}, {transform_indices = #map1}, {transform_indices = #map1}, {transform_indices = #map}, {transform_indices = #map}]} {
    %mul3A = arith.constant 2 : i32
    %mul3A_0 = arith.muli %arg1, %mul3A : i32
    %add3A = arith.addi %mul3A_0, %arg0 : i32
    %mul3A_1 = arith.constant 5120 : i32
    %mul3A_2 = arith.muli %add3A, %mul3A_1 : i32
    "tpu.region"() ({
      %run_scoped3A = tpu.sem_alloc : memref<!tpu.dma_semaphore, #tpu.memory_space<semaphore_mem>>
      %dma_start3A_276 = arith.constant 0 : i32
      %dma_start3A_277 = arith.constant 0 : i32
      %dma_start3A_278 = tpu.memref_slice %arg3[%add3A, %dma_start3A_276, %dma_start3A_277] : memref<32x40x128xi32, #tpu.memory_space<hbm>> -> memref<1x40x128xi32, #tpu.memory_space<hbm>>
      %dma_start3A_279 = tpu.memref_squeeze %dma_start3A_278 : memref<1x40x128xi32, #tpu.memory_space<hbm>> -> memref<40x128xi32, #tpu.memory_space<hbm>>
      %dma_start3A_280 = arith.constant 0 : i32
      %dma_start3A_281 = arith.constant 0 : i32
      %dma_start3A_282 = tpu.memref_slice %arg3[%add3A, %dma_start3A_280, %dma_start3A_281] : memref<32x40x128xi32, #tpu.memory_space<hbm>> -> memref<1x40x128xi32, #tpu.memory_space<hbm>>
      %dma_start3A_283 = tpu.memref_squeeze %dma_start3A_282 : memref<1x40x128xi32, #tpu.memory_space<hbm>> -> memref<40x128xi32, #tpu.memory_space<hbm>>
      tpu.enqueue_dma source(%dma_start3A_283 : memref<40x128xi32, #tpu.memory_space<hbm>>) target(%arg7 : memref<40x128xi32, #tpu.memory_space<vmem>>) target_semaphore(%run_scoped3A : memref<!tpu.dma_semaphore, #tpu.memory_space<semaphore_mem>>)
      %dma_wait3A_284 = arith.constant 0 : i32
      %dma_wait3A_285 = arith.constant 0 : i32
      %dma_wait3A_286 = tpu.memref_slice %arg3[%add3A, %dma_wait3A_284, %dma_wait3A_285] : memref<32x40x128xi32, #tpu.memory_space<hbm>> -> memref<1x40x128xi32, #tpu.memory_space<hbm>>
      %dma_wait3A_287 = tpu.memref_squeeze %dma_wait3A_286 : memref<1x40x128xi32, #tpu.memory_space<hbm>> -> memref<40x128xi32, #tpu.memory_space<hbm>>
      %dma_wait3A_288 = arith.constant 0 : i32
      %dma_wait3A_289 = arith.constant 0 : i32
      %dma_wait3A_290 = tpu.memref_slice %arg3[%add3A, %dma_wait3A_288, %dma_wait3A_289] : memref<32x40x128xi32, #tpu.memory_space<hbm>> -> memref<1x40x128xi32, #tpu.memory_space<hbm>>
      %dma_wait3A_291 = tpu.memref_squeeze %dma_wait3A_290 : memref<1x40x128xi32, #tpu.memory_space<hbm>> -> memref<40x128xi32, #tpu.memory_space<hbm>>
      tpu.wait_dma2 semaphore(%run_scoped3A : memref<!tpu.dma_semaphore, #tpu.memory_space<semaphore_mem>>) src(%dma_wait3A_291 : memref<40x128xi32, #tpu.memory_space<hbm>>) dst(%arg7 : memref<40x128xi32, #tpu.memory_space<vmem>>)
      tpu.yield
    }) : () -> ()
    "tpu.region"() ({
      %run_scoped3A = tpu.sem_alloc : memref<!tpu.dma_semaphore, #tpu.memory_space<semaphore_mem>>
      %dma_start3A_276 = arith.constant 0 : i32
      %dma_start3A_277 = arith.constant 0 : i32
      %dma_start3A_278 = tpu.memref_slice %arg4[%add3A, %dma_start3A_276, %dma_start3A_277] : memref<32x40x128xi32, #tpu.memory_space<hbm>> -> memref<1x40x128xi32, #tpu.memory_space<hbm>>
      %dma_start3A_279 = tpu.memref_squeeze %dma_start3A_278 : memref<1x40x128xi32, #tpu.memory_space<hbm>> -> memref<40x128xi32, #tpu.memory_space<hbm>>
      %dma_start3A_280 = arith.constant 0 : i32
      %dma_start3A_281 = arith.constant 0 : i32
      %dma_start3A_282 = tpu.memref_slice %arg4[%add3A, %dma_start3A_280, %dma_start3A_281] : memref<32x40x128xi32, #tpu.memory_space<hbm>> -> memref<1x40x128xi32, #tpu.memory_space<hbm>>
      %dma_start3A_283 = tpu.memref_squeeze %dma_start3A_282 : memref<1x40x128xi32, #tpu.memory_space<hbm>> -> memref<40x128xi32, #tpu.memory_space<hbm>>
      tpu.enqueue_dma source(%dma_start3A_283 : memref<40x128xi32, #tpu.memory_space<hbm>>) target(%arg8 : memref<40x128xi32, #tpu.memory_space<vmem>>) target_semaphore(%run_scoped3A : memref<!tpu.dma_semaphore, #tpu.memory_space<semaphore_mem>>)
      %dma_wait3A_284 = arith.constant 0 : i32
      %dma_wait3A_285 = arith.constant 0 : i32
      %dma_wait3A_286 = tpu.memref_slice %arg4[%add3A, %dma_wait3A_284, %dma_wait3A_285] : memref<32x40x128xi32, #tpu.memory_space<hbm>> -> memref<1x40x128xi32, #tpu.memory_space<hbm>>
      %dma_wait3A_287 = tpu.memref_squeeze %dma_wait3A_286 : memref<1x40x128xi32, #tpu.memory_space<hbm>> -> memref<40x128xi32, #tpu.memory_space<hbm>>
      %dma_wait3A_288 = arith.constant 0 : i32
      %dma_wait3A_289 = arith.constant 0 : i32
      %dma_wait3A_290 = tpu.memref_slice %arg4[%add3A, %dma_wait3A_288, %dma_wait3A_289] : memref<32x40x128xi32, #tpu.memory_space<hbm>> -> memref<1x40x128xi32, #tpu.memory_space<hbm>>
      %dma_wait3A_291 = tpu.memref_squeeze %dma_wait3A_290 : memref<1x40x128xi32, #tpu.memory_space<hbm>> -> memref<40x128xi32, #tpu.memory_space<hbm>>
      tpu.wait_dma2 semaphore(%run_scoped3A : memref<!tpu.dma_semaphore, #tpu.memory_space<semaphore_mem>>) src(%dma_wait3A_291 : memref<40x128xi32, #tpu.memory_space<hbm>>) dst(%arg8 : memref<40x128xi32, #tpu.memory_space<vmem>>)
      tpu.yield
    }) : () -> ()
    %dma_start3A = arith.constant 0 : i32
    %dma_start3A_3 = arith.constant 0 : i32
    %dma_start3A_4 = arith.constant 0 : i32
    %dma_start3A_5 = arith.constant 0 : i32
    %dma_start3A_6 = arith.constant 0 : i32
    %dma_start3A_7 = tpu.memref_slice %arg9[%dma_start3A_3, %dma_start3A_5, %dma_start3A_6] : memref<4x128x128xbf16, #tpu.memory_space<vmem>> -> memref<1x128x128xbf16, #tpu.memory_space<vmem>>
    %dma_start3A_8 = tpu.memref_squeeze %dma_start3A_7 : memref<1x128x128xbf16, #tpu.memory_space<vmem>> -> memref<128x128xbf16, #tpu.memory_space<vmem>>
    %dma_start3A_9 = arith.constant 0 : i32
    %dma_start3A_10 = tpu.memref_slice %arg7[%dma_start3A, %dma_start3A_9] : memref<40x128xi32, #tpu.memory_space<vmem>> -> memref<1x128xi32, #tpu.memory_space<vmem>>
    %dma_start3A_11 = tpu.memref_squeeze %dma_start3A_10 : memref<1x128xi32, #tpu.memory_space<vmem>> -> memref<128xi32, #tpu.memory_space<vmem>>
    %dma_start3A_12 = arith.constant 0 : i32
    %dma_start3A_13 = arith.constant 0 : i32
    %dma_start3A_14 = tpu.memref_slice %arg2[%dma_start3A_12, %dma_start3A_13] : memref<10112x128xbf16, #tpu.memory_space<hbm>> -> memref<10112x128xbf16, #tpu.memory_space<hbm>>
    %dma_start3A_15 = tpu.memref_slice %arg10[%dma_start3A_4] : memref<4x!tpu.dma_semaphore, #tpu.memory_space<semaphore_mem>> -> memref<1x!tpu.dma_semaphore, #tpu.memory_space<semaphore_mem>>
    %dma_start3A_16 = tpu.memref_squeeze %dma_start3A_15 : memref<1x!tpu.dma_semaphore, #tpu.memory_space<semaphore_mem>> -> memref<!tpu.dma_semaphore, #tpu.memory_space<semaphore_mem>>
    tpu.enqueue_indirect_dma source(%dma_start3A_14 : memref<10112x128xbf16, #tpu.memory_space<hbm>>) target(%dma_start3A_8 : memref<128x128xbf16, #tpu.memory_space<vmem>>) offsets(%dma_start3A_11 : memref<128xi32, #tpu.memory_space<vmem>>) semaphore(%dma_start3A_16 : memref<!tpu.dma_semaphore, #tpu.memory_space<semaphore_mem>>)
    %dma_start3A_17 = arith.constant 1 : i32
    %dma_start3A_18 = arith.constant 1 : i32
    %dma_start3A_19 = arith.constant 1 : i32
    %dma_start3A_20 = arith.constant 0 : i32
    %dma_start3A_21 = arith.constant 0 : i32
    %dma_start3A_22 = tpu.memref_slice %arg9[%dma_start3A_18, %dma_start3A_20, %dma_start3A_21] : memref<4x128x128xbf16, #tpu.memory_space<vmem>> -> memref<1x128x128xbf16, #tpu.memory_space<vmem>>
    %dma_start3A_23 = tpu.memref_squeeze %dma_start3A_22 : memref<1x128x128xbf16, #tpu.memory_space<vmem>> -> memref<128x128xbf16, #tpu.memory_space<vmem>>
    %dma_start3A_24 = arith.constant 0 : i32
    %dma_start3A_25 = tpu.memref_slice %arg7[%dma_start3A_17, %dma_start3A_24] : memref<40x128xi32, #tpu.memory_space<vmem>> -> memref<1x128xi32, #tpu.memory_space<vmem>>
    %dma_start3A_26 = tpu.memref_squeeze %dma_start3A_25 : memref<1x128xi32, #tpu.memory_space<vmem>> -> memref<128xi32, #tpu.memory_space<vmem>>
    %dma_start3A_27 = arith.constant 0 : i32
    %dma_start3A_28 = arith.constant 0 : i32
    %dma_start3A_29 = tpu.memref_slice %arg2[%dma_start3A_27, %dma_start3A_28] : memref<10112x128xbf16, #tpu.memory_space<hbm>> -> memref<10112x128xbf16, #tpu.memory_space<hbm>>
    %dma_start3A_30 = tpu.memref_slice %arg10[%dma_start3A_19] : memref<4x!tpu.dma_semaphore, #tpu.memory_space<semaphore_mem>> -> memref<1x!tpu.dma_semaphore, #tpu.memory_space<semaphore_mem>>
    %dma_start3A_31 = tpu.memref_squeeze %dma_start3A_30 : memref<1x!tpu.dma_semaphore, #tpu.memory_space<semaphore_mem>> -> memref<!tpu.dma_semaphore, #tpu.memory_space<semaphore_mem>>
    tpu.enqueue_indirect_dma source(%dma_start3A_29 : memref<10112x128xbf16, #tpu.memory_space<hbm>>) target(%dma_start3A_23 : memref<128x128xbf16, #tpu.memory_space<vmem>>) offsets(%dma_start3A_26 : memref<128xi32, #tpu.memory_space<vmem>>) semaphore(%dma_start3A_31 : memref<!tpu.dma_semaphore, #tpu.memory_space<semaphore_mem>>)
    %dma_start3A_32 = arith.constant 2 : i32
    %dma_start3A_33 = arith.constant 2 : i32
    %dma_start3A_34 = arith.constant 2 : i32
    %dma_start3A_35 = arith.constant 0 : i32
    %dma_start3A_36 = arith.constant 0 : i32
    %dma_start3A_37 = tpu.memref_slice %arg9[%dma_start3A_33, %dma_start3A_35, %dma_start3A_36] : memref<4x128x128xbf16, #tpu.memory_space<vmem>> -> memref<1x128x128xbf16, #tpu.memory_space<vmem>>
    %dma_start3A_38 = tpu.memref_squeeze %dma_start3A_37 : memref<1x128x128xbf16, #tpu.memory_space<vmem>> -> memref<128x128xbf16, #tpu.memory_space<vmem>>
    %dma_start3A_39 = arith.constant 0 : i32
    %dma_start3A_40 = tpu.memref_slice %arg7[%dma_start3A_32, %dma_start3A_39] : memref<40x128xi32, #tpu.memory_space<vmem>> -> memref<1x128xi32, #tpu.memory_space<vmem>>
    %dma_start3A_41 = tpu.memref_squeeze %dma_start3A_40 : memref<1x128xi32, #tpu.memory_space<vmem>> -> memref<128xi32, #tpu.memory_space<vmem>>
    %dma_start3A_42 = arith.constant 0 : i32
    %dma_start3A_43 = arith.constant 0 : i32
    %dma_start3A_44 = tpu.memref_slice %arg2[%dma_start3A_42, %dma_start3A_43] : memref<10112x128xbf16, #tpu.memory_space<hbm>> -> memref<10112x128xbf16, #tpu.memory_space<hbm>>
    %dma_start3A_45 = tpu.memref_slice %arg10[%dma_start3A_34] : memref<4x!tpu.dma_semaphore, #tpu.memory_space<semaphore_mem>> -> memref<1x!tpu.dma_semaphore, #tpu.memory_space<semaphore_mem>>
    %dma_start3A_46 = tpu.memref_squeeze %dma_start3A_45 : memref<1x!tpu.dma_semaphore, #tpu.memory_space<semaphore_mem>> -> memref<!tpu.dma_semaphore, #tpu.memory_space<semaphore_mem>>
    tpu.enqueue_indirect_dma source(%dma_start3A_44 : memref<10112x128xbf16, #tpu.memory_space<hbm>>) target(%dma_start3A_38 : memref<128x128xbf16, #tpu.memory_space<vmem>>) offsets(%dma_start3A_41 : memref<128xi32, #tpu.memory_space<vmem>>) semaphore(%dma_start3A_46 : memref<!tpu.dma_semaphore, #tpu.memory_space<semaphore_mem>>)
    %dma_start3A_47 = arith.constant 3 : i32
    %dma_start3A_48 = arith.constant 3 : i32
    %dma_start3A_49 = arith.constant 3 : i32
    %dma_start3A_50 = arith.constant 0 : i32
    %dma_start3A_51 = arith.constant 0 : i32
    %dma_start3A_52 = tpu.memref_slice %arg9[%dma_start3A_48, %dma_start3A_50, %dma_start3A_51] : memref<4x128x128xbf16, #tpu.memory_space<vmem>> -> memref<1x128x128xbf16, #tpu.memory_space<vmem>>
    %dma_start3A_53 = tpu.memref_squeeze %dma_start3A_52 : memref<1x128x128xbf16, #tpu.memory_space<vmem>> -> memref<128x128xbf16, #tpu.memory_space<vmem>>
    %dma_start3A_54 = arith.constant 0 : i32
    %dma_start3A_55 = tpu.memref_slice %arg7[%dma_start3A_47, %dma_start3A_54] : memref<40x128xi32, #tpu.memory_space<vmem>> -> memref<1x128xi32, #tpu.memory_space<vmem>>
    %dma_start3A_56 = tpu.memref_squeeze %dma_start3A_55 : memref<1x128xi32, #tpu.memory_space<vmem>> -> memref<128xi32, #tpu.memory_space<vmem>>
    %dma_start3A_57 = arith.constant 0 : i32
    %dma_start3A_58 = arith.constant 0 : i32
    %dma_start3A_59 = tpu.memref_slice %arg2[%dma_start3A_57, %dma_start3A_58] : memref<10112x128xbf16, #tpu.memory_space<hbm>> -> memref<10112x128xbf16, #tpu.memory_space<hbm>>
    %dma_start3A_60 = tpu.memref_slice %arg10[%dma_start3A_49] : memref<4x!tpu.dma_semaphore, #tpu.memory_space<semaphore_mem>> -> memref<1x!tpu.dma_semaphore, #tpu.memory_space<semaphore_mem>>
    %dma_start3A_61 = tpu.memref_squeeze %dma_start3A_60 : memref<1x!tpu.dma_semaphore, #tpu.memory_space<semaphore_mem>> -> memref<!tpu.dma_semaphore, #tpu.memory_space<semaphore_mem>>
    tpu.enqueue_indirect_dma source(%dma_start3A_59 : memref<10112x128xbf16, #tpu.memory_space<hbm>>) target(%dma_start3A_53 : memref<128x128xbf16, #tpu.memory_space<vmem>>) offsets(%dma_start3A_56 : memref<128xi32, #tpu.memory_space<vmem>>) semaphore(%dma_start3A_61 : memref<!tpu.dma_semaphore, #tpu.memory_space<semaphore_mem>>)
    %scan3A = arith.constant 0 : i32
    %scan3A_62 = arith.constant 0 : i32
    %scan3A_63 = arith.constant 10 : i32
    %scan3A_64 = arith.addi %scan3A_62, %scan3A_63 : i32
    %scan3A_65 = arith.constant 1 : i32
    scf.for %scan3A_276 = %scan3A_62 to %scan3A_64 step %scan3A_65  : i32 {
      %mul3A_277 = arith.constant 4 : i32
      %mul3A_278 = arith.muli %scan3A_276, %mul3A_277 : i32
      %add3A_279 = arith.constant 0 : i32
      %add3A_280 = arith.addi %mul3A_278, %add3A_279 : i32
      %dma_wait3A_281 = arith.constant 0 : i32
      %dma_wait3A_282 = arith.constant 0 : i32
      %dma_wait3A_283 = arith.constant 0 : i32
      %dma_wait3A_284 = arith.constant 0 : i32
      %dma_wait3A_285 = arith.constant 0 : i32
      %dma_wait3A_286 = tpu.memref_slice %arg9[%dma_wait3A_282, %dma_wait3A_284, %dma_wait3A_285] : memref<4x128x128xbf16, #tpu.memory_space<vmem>> -> memref<1x128x128xbf16, #tpu.memory_space<vmem>>
      %dma_wait3A_287 = tpu.memref_squeeze %dma_wait3A_286 : memref<1x128x128xbf16, #tpu.memory_space<vmem>> -> memref<128x128xbf16, #tpu.memory_space<vmem>>
      %dma_wait3A_288 = arith.constant 0 : i32
      %dma_wait3A_289 = tpu.memref_slice %arg7[%dma_wait3A_281, %dma_wait3A_288] : memref<40x128xi32, #tpu.memory_space<vmem>> -> memref<1x128xi32, #tpu.memory_space<vmem>>
      %dma_wait3A_290 = tpu.memref_squeeze %dma_wait3A_289 : memref<1x128xi32, #tpu.memory_space<vmem>> -> memref<128xi32, #tpu.memory_space<vmem>>
      %dma_wait3A_291 = arith.constant 0 : i32
      %dma_wait3A_292 = arith.constant 0 : i32
      %dma_wait3A_293 = tpu.memref_slice %arg2[%dma_wait3A_291, %dma_wait3A_292] : memref<10112x128xbf16, #tpu.memory_space<hbm>> -> memref<10112x128xbf16, #tpu.memory_space<hbm>>
      %dma_wait3A_294 = tpu.memref_slice %arg10[%dma_wait3A_283] : memref<4x!tpu.dma_semaphore, #tpu.memory_space<semaphore_mem>> -> memref<1x!tpu.dma_semaphore, #tpu.memory_space<semaphore_mem>>
      %dma_wait3A_295 = tpu.memref_squeeze %dma_wait3A_294 : memref<1x!tpu.dma_semaphore, #tpu.memory_space<semaphore_mem>> -> memref<!tpu.dma_semaphore, #tpu.memory_space<semaphore_mem>>
      tpu.wait_indirect_dma semaphore(%dma_wait3A_295 : memref<!tpu.dma_semaphore, #tpu.memory_space<semaphore_mem>>) src(%dma_wait3A_293 : memref<10112x128xbf16, #tpu.memory_space<hbm>>) dst(%dma_wait3A_287 : memref<128x128xbf16, #tpu.memory_space<vmem>>)
      %mul3A_296 = arith.constant 128 : i32
      %mul3A_297 = arith.muli %add3A_280, %mul3A_296 : i32
      %add3A_298 = arith.addi %mul3A_2, %mul3A_297 : i32
      %dma_start3A_299 = arith.constant 0 : i32
      %dma_start3A_300 = arith.constant 0 : i32
      %dma_start3A_301 = arith.constant 0 : i32
      %dma_start3A_302 = arith.constant 0 : i32
      %dma_start3A_303 = tpu.memref_slice %arg9[%dma_start3A_299, %dma_start3A_301, %dma_start3A_302] : memref<4x128x128xbf16, #tpu.memory_space<vmem>> -> memref<1x128x128xbf16, #tpu.memory_space<vmem>>
      %dma_start3A_304 = tpu.memref_squeeze %dma_start3A_303 : memref<1x128x128xbf16, #tpu.memory_space<vmem>> -> memref<128x128xbf16, #tpu.memory_space<vmem>>
      %dma_start3A_305 = arith.constant 0 : i32
      %dma_start3A_306 = tpu.memref_slice %arg5[%add3A_298, %dma_start3A_305] : memref<163840x128xbf16, #tpu.memory_space<hbm>> -> memref<128x128xbf16, #tpu.memory_space<hbm>>
      %dma_start3A_307 = tpu.memref_slice %arg11[%dma_start3A_300] : memref<4x!tpu.dma_semaphore, #tpu.memory_space<semaphore_mem>> -> memref<1x!tpu.dma_semaphore, #tpu.memory_space<semaphore_mem>>
      %dma_start3A_308 = tpu.memref_squeeze %dma_start3A_307 : memref<1x!tpu.dma_semaphore, #tpu.memory_space<semaphore_mem>> -> memref<!tpu.dma_semaphore, #tpu.memory_space<semaphore_mem>>
      %dma_start3A_309 = arith.constant 0 : i32
      %dma_start3A_310 = tpu.memref_slice %arg5[%add3A_298, %dma_start3A_309] : memref<163840x128xbf16, #tpu.memory_space<hbm>> -> memref<128x128xbf16, #tpu.memory_space<hbm>>
      %dma_start3A_311 = arith.constant 0 : i32
      %dma_start3A_312 = arith.constant 0 : i32
      %dma_start3A_313 = tpu.memref_slice %arg9[%dma_start3A_299, %dma_start3A_311, %dma_start3A_312] : memref<4x128x128xbf16, #tpu.memory_space<vmem>> -> memref<1x128x128xbf16, #tpu.memory_space<vmem>>
      %dma_start3A_314 = tpu.memref_squeeze %dma_start3A_313 : memref<1x128x128xbf16, #tpu.memory_space<vmem>> -> memref<128x128xbf16, #tpu.memory_space<vmem>>
      tpu.enqueue_dma source(%dma_start3A_314 : memref<128x128xbf16, #tpu.memory_space<vmem>>) target(%dma_start3A_310 : memref<128x128xbf16, #tpu.memory_space<hbm>>) target_semaphore(%dma_start3A_308 : memref<!tpu.dma_semaphore, #tpu.memory_space<semaphore_mem>>)
      %mul3A_315 = arith.constant 4 : i32
      %mul3A_316 = arith.muli %scan3A_276, %mul3A_315 : i32
      %add3A_317 = arith.constant 1 : i32
      %add3A_318 = arith.addi %mul3A_316, %add3A_317 : i32
      %dma_wait3A_319 = arith.constant 1 : i32
      %dma_wait3A_320 = arith.constant 1 : i32
      %dma_wait3A_321 = arith.constant 1 : i32
      %dma_wait3A_322 = arith.constant 0 : i32
      %dma_wait3A_323 = arith.constant 0 : i32
      %dma_wait3A_324 = tpu.memref_slice %arg9[%dma_wait3A_320, %dma_wait3A_322, %dma_wait3A_323] : memref<4x128x128xbf16, #tpu.memory_space<vmem>> -> memref<1x128x128xbf16, #tpu.memory_space<vmem>>
      %dma_wait3A_325 = tpu.memref_squeeze %dma_wait3A_324 : memref<1x128x128xbf16, #tpu.memory_space<vmem>> -> memref<128x128xbf16, #tpu.memory_space<vmem>>
      %dma_wait3A_326 = arith.constant 0 : i32
      %dma_wait3A_327 = tpu.memref_slice %arg7[%dma_wait3A_319, %dma_wait3A_326] : memref<40x128xi32, #tpu.memory_space<vmem>> -> memref<1x128xi32, #tpu.memory_space<vmem>>
      %dma_wait3A_328 = tpu.memref_squeeze %dma_wait3A_327 : memref<1x128xi32, #tpu.memory_space<vmem>> -> memref<128xi32, #tpu.memory_space<vmem>>
      %dma_wait3A_329 = arith.constant 0 : i32
      %dma_wait3A_330 = arith.constant 0 : i32
      %dma_wait3A_331 = tpu.memref_slice %arg2[%dma_wait3A_329, %dma_wait3A_330] : memref<10112x128xbf16, #tpu.memory_space<hbm>> -> memref<10112x128xbf16, #tpu.memory_space<hbm>>
      %dma_wait3A_332 = tpu.memref_slice %arg10[%dma_wait3A_321] : memref<4x!tpu.dma_semaphore, #tpu.memory_space<semaphore_mem>> -> memref<1x!tpu.dma_semaphore, #tpu.memory_space<semaphore_mem>>
      %dma_wait3A_333 = tpu.memref_squeeze %dma_wait3A_332 : memref<1x!tpu.dma_semaphore, #tpu.memory_space<semaphore_mem>> -> memref<!tpu.dma_semaphore, #tpu.memory_space<semaphore_mem>>
      tpu.wait_indirect_dma semaphore(%dma_wait3A_333 : memref<!tpu.dma_semaphore, #tpu.memory_space<semaphore_mem>>) src(%dma_wait3A_331 : memref<10112x128xbf16, #tpu.memory_space<hbm>>) dst(%dma_wait3A_325 : memref<128x128xbf16, #tpu.memory_space<vmem>>)
      %mul3A_334 = arith.constant 128 : i32
      %mul3A_335 = arith.muli %add3A_318, %mul3A_334 : i32
      %add3A_336 = arith.addi %mul3A_2, %mul3A_335 : i32
      %dma_start3A_337 = arith.constant 1 : i32
      %dma_start3A_338 = arith.constant 1 : i32
      %dma_start3A_339 = arith.constant 0 : i32
      %dma_start3A_340 = arith.constant 0 : i32
      %dma_start3A_341 = tpu.memref_slice %arg9[%dma_start3A_337, %dma_start3A_339, %dma_start3A_340] : memref<4x128x128xbf16, #tpu.memory_space<vmem>> -> memref<1x128x128xbf16, #tpu.memory_space<vmem>>
      %dma_start3A_342 = tpu.memref_squeeze %dma_start3A_341 : memref<1x128x128xbf16, #tpu.memory_space<vmem>> -> memref<128x128xbf16, #tpu.memory_space<vmem>>
      %dma_start3A_343 = arith.constant 0 : i32
      %dma_start3A_344 = tpu.memref_slice %arg5[%add3A_336, %dma_start3A_343] : memref<163840x128xbf16, #tpu.memory_space<hbm>> -> memref<128x128xbf16, #tpu.memory_space<hbm>>
      %dma_start3A_345 = tpu.memref_slice %arg11[%dma_start3A_338] : memref<4x!tpu.dma_semaphore, #tpu.memory_space<semaphore_mem>> -> memref<1x!tpu.dma_semaphore, #tpu.memory_space<semaphore_mem>>
      %dma_start3A_346 = tpu.memref_squeeze %dma_start3A_345 : memref<1x!tpu.dma_semaphore, #tpu.memory_space<semaphore_mem>> -> memref<!tpu.dma_semaphore, #tpu.memory_space<semaphore_mem>>
      %dma_start3A_347 = arith.constant 0 : i32
      %dma_start3A_348 = tpu.memref_slice %arg5[%add3A_336, %dma_start3A_347] : memref<163840x128xbf16, #tpu.memory_space<hbm>> -> memref<128x128xbf16, #tpu.memory_space<hbm>>
      %dma_start3A_349 = arith.constant 0 : i32
      %dma_start3A_350 = arith.constant 0 : i32
      %dma_start3A_351 = tpu.memref_slice %arg9[%dma_start3A_337, %dma_start3A_349, %dma_start3A_350] : memref<4x128x128xbf16, #tpu.memory_space<vmem>> -> memref<1x128x128xbf16, #tpu.memory_space<vmem>>
      %dma_start3A_352 = tpu.memref_squeeze %dma_start3A_351 : memref<1x128x128xbf16, #tpu.memory_space<vmem>> -> memref<128x128xbf16, #tpu.memory_space<vmem>>
      tpu.enqueue_dma source(%dma_start3A_352 : memref<128x128xbf16, #tpu.memory_space<vmem>>) target(%dma_start3A_348 : memref<128x128xbf16, #tpu.memory_space<hbm>>) target_semaphore(%dma_start3A_346 : memref<!tpu.dma_semaphore, #tpu.memory_space<semaphore_mem>>)
      %mul3A_353 = arith.constant 4 : i32
      %mul3A_354 = arith.muli %scan3A_276, %mul3A_353 : i32
      %add3A_355 = arith.constant 2 : i32
      %add3A_356 = arith.addi %mul3A_354, %add3A_355 : i32
      %dma_wait3A_357 = arith.constant 2 : i32
      %dma_wait3A_358 = arith.constant 2 : i32
      %dma_wait3A_359 = arith.constant 2 : i32
      %dma_wait3A_360 = arith.constant 0 : i32
      %dma_wait3A_361 = arith.constant 0 : i32
      %dma_wait3A_362 = tpu.memref_slice %arg9[%dma_wait3A_358, %dma_wait3A_360, %dma_wait3A_361] : memref<4x128x128xbf16, #tpu.memory_space<vmem>> -> memref<1x128x128xbf16, #tpu.memory_space<vmem>>
      %dma_wait3A_363 = tpu.memref_squeeze %dma_wait3A_362 : memref<1x128x128xbf16, #tpu.memory_space<vmem>> -> memref<128x128xbf16, #tpu.memory_space<vmem>>
      %dma_wait3A_364 = arith.constant 0 : i32
      %dma_wait3A_365 = tpu.memref_slice %arg7[%dma_wait3A_357, %dma_wait3A_364] : memref<40x128xi32, #tpu.memory_space<vmem>> -> memref<1x128xi32, #tpu.memory_space<vmem>>
      %dma_wait3A_366 = tpu.memref_squeeze %dma_wait3A_365 : memref<1x128xi32, #tpu.memory_space<vmem>> -> memref<128xi32, #tpu.memory_space<vmem>>
      %dma_wait3A_367 = arith.constant 0 : i32
      %dma_wait3A_368 = arith.constant 0 : i32
      %dma_wait3A_369 = tpu.memref_slice %arg2[%dma_wait3A_367, %dma_wait3A_368] : memref<10112x128xbf16, #tpu.memory_space<hbm>> -> memref<10112x128xbf16, #tpu.memory_space<hbm>>
      %dma_wait3A_370 = tpu.memref_slice %arg10[%dma_wait3A_359] : memref<4x!tpu.dma_semaphore, #tpu.memory_space<semaphore_mem>> -> memref<1x!tpu.dma_semaphore, #tpu.memory_space<semaphore_mem>>
      %dma_wait3A_371 = tpu.memref_squeeze %dma_wait3A_370 : memref<1x!tpu.dma_semaphore, #tpu.memory_space<semaphore_mem>> -> memref<!tpu.dma_semaphore, #tpu.memory_space<semaphore_mem>>
      tpu.wait_indirect_dma semaphore(%dma_wait3A_371 : memref<!tpu.dma_semaphore, #tpu.memory_space<semaphore_mem>>) src(%dma_wait3A_369 : memref<10112x128xbf16, #tpu.memory_space<hbm>>) dst(%dma_wait3A_363 : memref<128x128xbf16, #tpu.memory_space<vmem>>)
      %mul3A_372 = arith.constant 128 : i32
      %mul3A_373 = arith.muli %add3A_356, %mul3A_372 : i32
      %add3A_374 = arith.addi %mul3A_2, %mul3A_373 : i32
      %dma_start3A_375 = arith.constant 2 : i32
      %dma_start3A_376 = arith.constant 2 : i32
      %dma_start3A_377 = arith.constant 0 : i32
      %dma_start3A_378 = arith.constant 0 : i32
      %dma_start3A_379 = tpu.memref_slice %arg9[%dma_start3A_375, %dma_start3A_377, %dma_start3A_378] : memref<4x128x128xbf16, #tpu.memory_space<vmem>> -> memref<1x128x128xbf16, #tpu.memory_space<vmem>>
      %dma_start3A_380 = tpu.memref_squeeze %dma_start3A_379 : memref<1x128x128xbf16, #tpu.memory_space<vmem>> -> memref<128x128xbf16, #tpu.memory_space<vmem>>
      %dma_start3A_381 = arith.constant 0 : i32
      %dma_start3A_382 = tpu.memref_slice %arg5[%add3A_374, %dma_start3A_381] : memref<163840x128xbf16, #tpu.memory_space<hbm>> -> memref<128x128xbf16, #tpu.memory_space<hbm>>
      %dma_start3A_383 = tpu.memref_slice %arg11[%dma_start3A_376] : memref<4x!tpu.dma_semaphore, #tpu.memory_space<semaphore_mem>> -> memref<1x!tpu.dma_semaphore, #tpu.memory_space<semaphore_mem>>
      %dma_start3A_384 = tpu.memref_squeeze %dma_start3A_383 : memref<1x!tpu.dma_semaphore, #tpu.memory_space<semaphore_mem>> -> memref<!tpu.dma_semaphore, #tpu.memory_space<semaphore_mem>>
      %dma_start3A_385 = arith.constant 0 : i32
      %dma_start3A_386 = tpu.memref_slice %arg5[%add3A_374, %dma_start3A_385] : memref<163840x128xbf16, #tpu.memory_space<hbm>> -> memref<128x128xbf16, #tpu.memory_space<hbm>>
      %dma_start3A_387 = arith.constant 0 : i32
      %dma_start3A_388 = arith.constant 0 : i32
      %dma_start3A_389 = tpu.memref_slice %arg9[%dma_start3A_375, %dma_start3A_387, %dma_start3A_388] : memref<4x128x128xbf16, #tpu.memory_space<vmem>> -> memref<1x128x128xbf16, #tpu.memory_space<vmem>>
      %dma_start3A_390 = tpu.memref_squeeze %dma_start3A_389 : memref<1x128x128xbf16, #tpu.memory_space<vmem>> -> memref<128x128xbf16, #tpu.memory_space<vmem>>
      tpu.enqueue_dma source(%dma_start3A_390 : memref<128x128xbf16, #tpu.memory_space<vmem>>) target(%dma_start3A_386 : memref<128x128xbf16, #tpu.memory_space<hbm>>) target_semaphore(%dma_start3A_384 : memref<!tpu.dma_semaphore, #tpu.memory_space<semaphore_mem>>)
      %mul3A_391 = arith.constant 4 : i32
      %mul3A_392 = arith.muli %scan3A_276, %mul3A_391 : i32
      %add3A_393 = arith.constant 3 : i32
      %add3A_394 = arith.addi %mul3A_392, %add3A_393 : i32
      %dma_wait3A_395 = arith.constant 3 : i32
      %dma_wait3A_396 = arith.constant 3 : i32
      %dma_wait3A_397 = arith.constant 3 : i32
      %dma_wait3A_398 = arith.constant 0 : i32
      %dma_wait3A_399 = arith.constant 0 : i32
      %dma_wait3A_400 = tpu.memref_slice %arg9[%dma_wait3A_396, %dma_wait3A_398, %dma_wait3A_399] : memref<4x128x128xbf16, #tpu.memory_space<vmem>> -> memref<1x128x128xbf16, #tpu.memory_space<vmem>>
      %dma_wait3A_401 = tpu.memref_squeeze %dma_wait3A_400 : memref<1x128x128xbf16, #tpu.memory_space<vmem>> -> memref<128x128xbf16, #tpu.memory_space<vmem>>
      %dma_wait3A_402 = arith.constant 0 : i32
      %dma_wait3A_403 = tpu.memref_slice %arg7[%dma_wait3A_395, %dma_wait3A_402] : memref<40x128xi32, #tpu.memory_space<vmem>> -> memref<1x128xi32, #tpu.memory_space<vmem>>
      %dma_wait3A_404 = tpu.memref_squeeze %dma_wait3A_403 : memref<1x128xi32, #tpu.memory_space<vmem>> -> memref<128xi32, #tpu.memory_space<vmem>>
      %dma_wait3A_405 = arith.constant 0 : i32
      %dma_wait3A_406 = arith.constant 0 : i32
      %dma_wait3A_407 = tpu.memref_slice %arg2[%dma_wait3A_405, %dma_wait3A_406] : memref<10112x128xbf16, #tpu.memory_space<hbm>> -> memref<10112x128xbf16, #tpu.memory_space<hbm>>
      %dma_wait3A_408 = tpu.memref_slice %arg10[%dma_wait3A_397] : memref<4x!tpu.dma_semaphore, #tpu.memory_space<semaphore_mem>> -> memref<1x!tpu.dma_semaphore, #tpu.memory_space<semaphore_mem>>
      %dma_wait3A_409 = tpu.memref_squeeze %dma_wait3A_408 : memref<1x!tpu.dma_semaphore, #tpu.memory_space<semaphore_mem>> -> memref<!tpu.dma_semaphore, #tpu.memory_space<semaphore_mem>>
      tpu.wait_indirect_dma semaphore(%dma_wait3A_409 : memref<!tpu.dma_semaphore, #tpu.memory_space<semaphore_mem>>) src(%dma_wait3A_407 : memref<10112x128xbf16, #tpu.memory_space<hbm>>) dst(%dma_wait3A_401 : memref<128x128xbf16, #tpu.memory_space<vmem>>)
      %mul3A_410 = arith.constant 128 : i32
      %mul3A_411 = arith.muli %add3A_394, %mul3A_410 : i32
      %add3A_412 = arith.addi %mul3A_2, %mul3A_411 : i32
      %dma_start3A_413 = arith.constant 3 : i32
      %dma_start3A_414 = arith.constant 3 : i32
      %dma_start3A_415 = arith.constant 0 : i32
      %dma_start3A_416 = arith.constant 0 : i32
      %dma_start3A_417 = tpu.memref_slice %arg9[%dma_start3A_413, %dma_start3A_415, %dma_start3A_416] : memref<4x128x128xbf16, #tpu.memory_space<vmem>> -> memref<1x128x128xbf16, #tpu.memory_space<vmem>>
      %dma_start3A_418 = tpu.memref_squeeze %dma_start3A_417 : memref<1x128x128xbf16, #tpu.memory_space<vmem>> -> memref<128x128xbf16, #tpu.memory_space<vmem>>
      %dma_start3A_419 = arith.constant 0 : i32
      %dma_start3A_420 = tpu.memref_slice %arg5[%add3A_412, %dma_start3A_419] : memref<163840x128xbf16, #tpu.memory_space<hbm>> -> memref<128x128xbf16, #tpu.memory_space<hbm>>
      %dma_start3A_421 = tpu.memref_slice %arg11[%dma_start3A_414] : memref<4x!tpu.dma_semaphore, #tpu.memory_space<semaphore_mem>> -> memref<1x!tpu.dma_semaphore, #tpu.memory_space<semaphore_mem>>
      %dma_start3A_422 = tpu.memref_squeeze %dma_start3A_421 : memref<1x!tpu.dma_semaphore, #tpu.memory_space<semaphore_mem>> -> memref<!tpu.dma_semaphore, #tpu.memory_space<semaphore_mem>>
      %dma_start3A_423 = arith.constant 0 : i32
      %dma_start3A_424 = tpu.memref_slice %arg5[%add3A_412, %dma_start3A_423] : memref<163840x128xbf16, #tpu.memory_space<hbm>> -> memref<128x128xbf16, #tpu.memory_space<hbm>>
      %dma_start3A_425 = arith.constant 0 : i32
      %dma_start3A_426 = arith.constant 0 : i32
      %dma_start3A_427 = tpu.memref_slice %arg9[%dma_start3A_413, %dma_start3A_425, %dma_start3A_426] : memref<4x128x128xbf16, #tpu.memory_space<vmem>> -> memref<1x128x128xbf16, #tpu.memory_space<vmem>>
      %dma_start3A_428 = tpu.memref_squeeze %dma_start3A_427 : memref<1x128x128xbf16, #tpu.memory_space<vmem>> -> memref<128x128xbf16, #tpu.memory_space<vmem>>
      tpu.enqueue_dma source(%dma_start3A_428 : memref<128x128xbf16, #tpu.memory_space<vmem>>) target(%dma_start3A_424 : memref<128x128xbf16, #tpu.memory_space<hbm>>) target_semaphore(%dma_start3A_422 : memref<!tpu.dma_semaphore, #tpu.memory_space<semaphore_mem>>)
      %add3A_429 = arith.constant 1 : i32
      %add3A_430 = arith.addi %scan3A_276, %add3A_429 : i32
      %mul3A_431 = arith.constant 4 : i32
      %mul3A_432 = arith.muli %add3A_430, %mul3A_431 : i32
      %add3A_433 = arith.constant 0 : i32
      %add3A_434 = arith.addi %mul3A_432, %add3A_433 : i32
      %lt3A = arith.constant 40 : i32
      %lt3A_435 = arith.cmpi slt, %add3A_434, %lt3A : i32
      %convert_element_type3A = arith.extui %lt3A_435 : i1 to i32
      %cond3A = arith.constant 0 : i32
      %cond3A_436 = arith.cmpi ne, %convert_element_type3A, %cond3A : i32
      scf.if %cond3A_436 {
        %dma_wait3A_470 = arith.constant 0 : i32
        %dma_wait3A_471 = arith.constant 0 : i32
        %dma_wait3A_472 = arith.constant 0 : i32
        %dma_wait3A_473 = arith.constant 0 : i32
        %dma_wait3A_474 = tpu.memref_slice %arg9[%dma_wait3A_470, %dma_wait3A_472, %dma_wait3A_473] : memref<4x128x128xbf16, #tpu.memory_space<vmem>> -> memref<1x128x128xbf16, #tpu.memory_space<vmem>>
        %dma_wait3A_475 = tpu.memref_squeeze %dma_wait3A_474 : memref<1x128x128xbf16, #tpu.memory_space<vmem>> -> memref<128x128xbf16, #tpu.memory_space<vmem>>
        %dma_wait3A_476 = arith.constant 0 : i32
        %dma_wait3A_477 = arith.constant 0 : i32
        %dma_wait3A_478 = tpu.memref_slice %arg5[%dma_wait3A_476, %dma_wait3A_477] : memref<163840x128xbf16, #tpu.memory_space<hbm>> -> memref<128x128xbf16, #tpu.memory_space<hbm>>
        %dma_wait3A_479 = tpu.memref_slice %arg11[%dma_wait3A_471] : memref<4x!tpu.dma_semaphore, #tpu.memory_space<semaphore_mem>> -> memref<1x!tpu.dma_semaphore, #tpu.memory_space<semaphore_mem>>
        %dma_wait3A_480 = tpu.memref_squeeze %dma_wait3A_479 : memref<1x!tpu.dma_semaphore, #tpu.memory_space<semaphore_mem>> -> memref<!tpu.dma_semaphore, #tpu.memory_space<semaphore_mem>>
        %dma_wait3A_481 = arith.constant 0 : i32
        %dma_wait3A_482 = arith.constant 0 : i32
        %dma_wait3A_483 = tpu.memref_slice %arg5[%dma_wait3A_481, %dma_wait3A_482] : memref<163840x128xbf16, #tpu.memory_space<hbm>> -> memref<128x128xbf16, #tpu.memory_space<hbm>>
        %dma_wait3A_484 = arith.constant 0 : i32
        %dma_wait3A_485 = arith.constant 0 : i32
        %dma_wait3A_486 = tpu.memref_slice %arg9[%dma_wait3A_470, %dma_wait3A_484, %dma_wait3A_485] : memref<4x128x128xbf16, #tpu.memory_space<vmem>> -> memref<1x128x128xbf16, #tpu.memory_space<vmem>>
        %dma_wait3A_487 = tpu.memref_squeeze %dma_wait3A_486 : memref<1x128x128xbf16, #tpu.memory_space<vmem>> -> memref<128x128xbf16, #tpu.memory_space<vmem>>
        tpu.wait_dma2 semaphore(%dma_wait3A_480 : memref<!tpu.dma_semaphore, #tpu.memory_space<semaphore_mem>>) src(%dma_wait3A_487 : memref<128x128xbf16, #tpu.memory_space<vmem>>) dst(%dma_wait3A_483 : memref<128x128xbf16, #tpu.memory_space<hbm>>)
        %dma_start3A_488 = arith.constant 0 : i32
        %dma_start3A_489 = arith.constant 0 : i32
        %dma_start3A_490 = arith.constant 0 : i32
        %dma_start3A_491 = arith.constant 0 : i32
        %dma_start3A_492 = tpu.memref_slice %arg9[%dma_start3A_488, %dma_start3A_490, %dma_start3A_491] : memref<4x128x128xbf16, #tpu.memory_space<vmem>> -> memref<1x128x128xbf16, #tpu.memory_space<vmem>>
        %dma_start3A_493 = tpu.memref_squeeze %dma_start3A_492 : memref<1x128x128xbf16, #tpu.memory_space<vmem>> -> memref<128x128xbf16, #tpu.memory_space<vmem>>
        %dma_start3A_494 = arith.constant 0 : i32
        %dma_start3A_495 = tpu.memref_slice %arg7[%add3A_434, %dma_start3A_494] : memref<40x128xi32, #tpu.memory_space<vmem>> -> memref<1x128xi32, #tpu.memory_space<vmem>>
        %dma_start3A_496 = tpu.memref_squeeze %dma_start3A_495 : memref<1x128xi32, #tpu.memory_space<vmem>> -> memref<128xi32, #tpu.memory_space<vmem>>
        %dma_start3A_497 = arith.constant 0 : i32
        %dma_start3A_498 = arith.constant 0 : i32
        %dma_start3A_499 = tpu.memref_slice %arg2[%dma_start3A_497, %dma_start3A_498] : memref<10112x128xbf16, #tpu.memory_space<hbm>> -> memref<10112x128xbf16, #tpu.memory_space<hbm>>
        %dma_start3A_500 = tpu.memref_slice %arg10[%dma_start3A_489] : memref<4x!tpu.dma_semaphore, #tpu.memory_space<semaphore_mem>> -> memref<1x!tpu.dma_semaphore, #tpu.memory_space<semaphore_mem>>
        %dma_start3A_501 = tpu.memref_squeeze %dma_start3A_500 : memref<1x!tpu.dma_semaphore, #tpu.memory_space<semaphore_mem>> -> memref<!tpu.dma_semaphore, #tpu.memory_space<semaphore_mem>>
        tpu.enqueue_indirect_dma source(%dma_start3A_499 : memref<10112x128xbf16, #tpu.memory_space<hbm>>) target(%dma_start3A_493 : memref<128x128xbf16, #tpu.memory_space<vmem>>) offsets(%dma_start3A_496 : memref<128xi32, #tpu.memory_space<vmem>>) semaphore(%dma_start3A_501 : memref<!tpu.dma_semaphore, #tpu.memory_space<semaphore_mem>>)
      } else {
      }
      %add3A_437 = arith.constant 1 : i32
      %add3A_438 = arith.addi %scan3A_276, %add3A_437 : i32
      %mul3A_439 = arith.constant 4 : i32
      %mul3A_440 = arith.muli %add3A_438, %mul3A_439 : i32
      %add3A_441 = arith.constant 1 : i32
      %add3A_442 = arith.addi %mul3A_440, %add3A_441 : i32
      %lt3A_443 = arith.constant 40 : i32
      %lt3A_444 = arith.cmpi slt, %add3A_442, %lt3A_443 : i32
      %convert_element_type3A_445 = arith.extui %lt3A_444 : i1 to i32
      %cond3A_446 = arith.constant 0 : i32
      %cond3A_447 = arith.cmpi ne, %convert_element_type3A_445, %cond3A_446 : i32
      scf.if %cond3A_447 {
        %dma_wait3A_470 = arith.constant 1 : i32
        %dma_wait3A_471 = arith.constant 1 : i32
        %dma_wait3A_472 = arith.constant 0 : i32
        %dma_wait3A_473 = arith.constant 0 : i32
        %dma_wait3A_474 = tpu.memref_slice %arg9[%dma_wait3A_470, %dma_wait3A_472, %dma_wait3A_473] : memref<4x128x128xbf16, #tpu.memory_space<vmem>> -> memref<1x128x128xbf16, #tpu.memory_space<vmem>>
        %dma_wait3A_475 = tpu.memref_squeeze %dma_wait3A_474 : memref<1x128x128xbf16, #tpu.memory_space<vmem>> -> memref<128x128xbf16, #tpu.memory_space<vmem>>
        %dma_wait3A_476 = arith.constant 0 : i32
        %dma_wait3A_477 = arith.constant 0 : i32
        %dma_wait3A_478 = tpu.memref_slice %arg5[%dma_wait3A_476, %dma_wait3A_477] : memref<163840x128xbf16, #tpu.memory_space<hbm>> -> memref<128x128xbf16, #tpu.memory_space<hbm>>
        %dma_wait3A_479 = tpu.memref_slice %arg11[%dma_wait3A_471] : memref<4x!tpu.dma_semaphore, #tpu.memory_space<semaphore_mem>> -> memref<1x!tpu.dma_semaphore, #tpu.memory_space<semaphore_mem>>
        %dma_wait3A_480 = tpu.memref_squeeze %dma_wait3A_479 : memref<1x!tpu.dma_semaphore, #tpu.memory_space<semaphore_mem>> -> memref<!tpu.dma_semaphore, #tpu.memory_space<semaphore_mem>>
        %dma_wait3A_481 = arith.constant 0 : i32
        %dma_wait3A_482 = arith.constant 0 : i32
        %dma_wait3A_483 = tpu.memref_slice %arg5[%dma_wait3A_481, %dma_wait3A_482] : memref<163840x128xbf16, #tpu.memory_space<hbm>> -> memref<128x128xbf16, #tpu.memory_space<hbm>>
        %dma_wait3A_484 = arith.constant 0 : i32
        %dma_wait3A_485 = arith.constant 0 : i32
        %dma_wait3A_486 = tpu.memref_slice %arg9[%dma_wait3A_470, %dma_wait3A_484, %dma_wait3A_485] : memref<4x128x128xbf16, #tpu.memory_space<vmem>> -> memref<1x128x128xbf16, #tpu.memory_space<vmem>>
        %dma_wait3A_487 = tpu.memref_squeeze %dma_wait3A_486 : memref<1x128x128xbf16, #tpu.memory_space<vmem>> -> memref<128x128xbf16, #tpu.memory_space<vmem>>
        tpu.wait_dma2 semaphore(%dma_wait3A_480 : memref<!tpu.dma_semaphore, #tpu.memory_space<semaphore_mem>>) src(%dma_wait3A_487 : memref<128x128xbf16, #tpu.memory_space<vmem>>) dst(%dma_wait3A_483 : memref<128x128xbf16, #tpu.memory_space<hbm>>)
        %dma_start3A_488 = arith.constant 1 : i32
        %dma_start3A_489 = arith.constant 1 : i32
        %dma_start3A_490 = arith.constant 0 : i32
        %dma_start3A_491 = arith.constant 0 : i32
        %dma_start3A_492 = tpu.memref_slice %arg9[%dma_start3A_488, %dma_start3A_490, %dma_start3A_491] : memref<4x128x128xbf16, #tpu.memory_space<vmem>> -> memref<1x128x128xbf16, #tpu.memory_space<vmem>>
        %dma_start3A_493 = tpu.memref_squeeze %dma_start3A_492 : memref<1x128x128xbf16, #tpu.memory_space<vmem>> -> memref<128x128xbf16, #tpu.memory_space<vmem>>
        %dma_start3A_494 = arith.constant 0 : i32
        %dma_start3A_495 = tpu.memref_slice %arg7[%add3A_442, %dma_start3A_494] : memref<40x128xi32, #tpu.memory_space<vmem>> -> memref<1x128xi32, #tpu.memory_space<vmem>>
        %dma_start3A_496 = tpu.memref_squeeze %dma_start3A_495 : memref<1x128xi32, #tpu.memory_space<vmem>> -> memref<128xi32, #tpu.memory_space<vmem>>
        %dma_start3A_497 = arith.constant 0 : i32
        %dma_start3A_498 = arith.constant 0 : i32
        %dma_start3A_499 = tpu.memref_slice %arg2[%dma_start3A_497, %dma_start3A_498] : memref<10112x128xbf16, #tpu.memory_space<hbm>> -> memref<10112x128xbf16, #tpu.memory_space<hbm>>
        %dma_start3A_500 = tpu.memref_slice %arg10[%dma_start3A_489] : memref<4x!tpu.dma_semaphore, #tpu.memory_space<semaphore_mem>> -> memref<1x!tpu.dma_semaphore, #tpu.memory_space<semaphore_mem>>
        %dma_start3A_501 = tpu.memref_squeeze %dma_start3A_500 : memref<1x!tpu.dma_semaphore, #tpu.memory_space<semaphore_mem>> -> memref<!tpu.dma_semaphore, #tpu.memory_space<semaphore_mem>>
        tpu.enqueue_indirect_dma source(%dma_start3A_499 : memref<10112x128xbf16, #tpu.memory_space<hbm>>) target(%dma_start3A_493 : memref<128x128xbf16, #tpu.memory_space<vmem>>) offsets(%dma_start3A_496 : memref<128xi32, #tpu.memory_space<vmem>>) semaphore(%dma_start3A_501 : memref<!tpu.dma_semaphore, #tpu.memory_space<semaphore_mem>>)
      } else {
      }
      %add3A_448 = arith.constant 1 : i32
      %add3A_449 = arith.addi %scan3A_276, %add3A_448 : i32
      %mul3A_450 = arith.constant 4 : i32
      %mul3A_451 = arith.muli %add3A_449, %mul3A_450 : i32
      %add3A_452 = arith.constant 2 : i32
      %add3A_453 = arith.addi %mul3A_451, %add3A_452 : i32
      %lt3A_454 = arith.constant 40 : i32
      %lt3A_455 = arith.cmpi slt, %add3A_453, %lt3A_454 : i32
      %convert_element_type3A_456 = arith.extui %lt3A_455 : i1 to i32
      %cond3A_457 = arith.constant 0 : i32
      %cond3A_458 = arith.cmpi ne, %convert_element_type3A_456, %cond3A_457 : i32
      scf.if %cond3A_458 {
        %dma_wait3A_470 = arith.constant 2 : i32
        %dma_wait3A_471 = arith.constant 2 : i32
        %dma_wait3A_472 = arith.constant 0 : i32
        %dma_wait3A_473 = arith.constant 0 : i32
        %dma_wait3A_474 = tpu.memref_slice %arg9[%dma_wait3A_470, %dma_wait3A_472, %dma_wait3A_473] : memref<4x128x128xbf16, #tpu.memory_space<vmem>> -> memref<1x128x128xbf16, #tpu.memory_space<vmem>>
        %dma_wait3A_475 = tpu.memref_squeeze %dma_wait3A_474 : memref<1x128x128xbf16, #tpu.memory_space<vmem>> -> memref<128x128xbf16, #tpu.memory_space<vmem>>
        %dma_wait3A_476 = arith.constant 0 : i32
        %dma_wait3A_477 = arith.constant 0 : i32
        %dma_wait3A_478 = tpu.memref_slice %arg5[%dma_wait3A_476, %dma_wait3A_477] : memref<163840x128xbf16, #tpu.memory_space<hbm>> -> memref<128x128xbf16, #tpu.memory_space<hbm>>
        %dma_wait3A_479 = tpu.memref_slice %arg11[%dma_wait3A_471] : memref<4x!tpu.dma_semaphore, #tpu.memory_space<semaphore_mem>> -> memref<1x!tpu.dma_semaphore, #tpu.memory_space<semaphore_mem>>
        %dma_wait3A_480 = tpu.memref_squeeze %dma_wait3A_479 : memref<1x!tpu.dma_semaphore, #tpu.memory_space<semaphore_mem>> -> memref<!tpu.dma_semaphore, #tpu.memory_space<semaphore_mem>>
        %dma_wait3A_481 = arith.constant 0 : i32
        %dma_wait3A_482 = arith.constant 0 : i32
        %dma_wait3A_483 = tpu.memref_slice %arg5[%dma_wait3A_481, %dma_wait3A_482] : memref<163840x128xbf16, #tpu.memory_space<hbm>> -> memref<128x128xbf16, #tpu.memory_space<hbm>>
        %dma_wait3A_484 = arith.constant 0 : i32
        %dma_wait3A_485 = arith.constant 0 : i32
        %dma_wait3A_486 = tpu.memref_slice %arg9[%dma_wait3A_470, %dma_wait3A_484, %dma_wait3A_485] : memref<4x128x128xbf16, #tpu.memory_space<vmem>> -> memref<1x128x128xbf16, #tpu.memory_space<vmem>>
        %dma_wait3A_487 = tpu.memref_squeeze %dma_wait3A_486 : memref<1x128x128xbf16, #tpu.memory_space<vmem>> -> memref<128x128xbf16, #tpu.memory_space<vmem>>
        tpu.wait_dma2 semaphore(%dma_wait3A_480 : memref<!tpu.dma_semaphore, #tpu.memory_space<semaphore_mem>>) src(%dma_wait3A_487 : memref<128x128xbf16, #tpu.memory_space<vmem>>) dst(%dma_wait3A_483 : memref<128x128xbf16, #tpu.memory_space<hbm>>)
        %dma_start3A_488 = arith.constant 2 : i32
        %dma_start3A_489 = arith.constant 2 : i32
        %dma_start3A_490 = arith.constant 0 : i32
        %dma_start3A_491 = arith.constant 0 : i32
        %dma_start3A_492 = tpu.memref_slice %arg9[%dma_start3A_488, %dma_start3A_490, %dma_start3A_491] : memref<4x128x128xbf16, #tpu.memory_space<vmem>> -> memref<1x128x128xbf16, #tpu.memory_space<vmem>>
        %dma_start3A_493 = tpu.memref_squeeze %dma_start3A_492 : memref<1x128x128xbf16, #tpu.memory_space<vmem>> -> memref<128x128xbf16, #tpu.memory_space<vmem>>
        %dma_start3A_494 = arith.constant 0 : i32
        %dma_start3A_495 = tpu.memref_slice %arg7[%add3A_453, %dma_start3A_494] : memref<40x128xi32, #tpu.memory_space<vmem>> -> memref<1x128xi32, #tpu.memory_space<vmem>>
        %dma_start3A_496 = tpu.memref_squeeze %dma_start3A_495 : memref<1x128xi32, #tpu.memory_space<vmem>> -> memref<128xi32, #tpu.memory_space<vmem>>
        %dma_start3A_497 = arith.constant 0 : i32
        %dma_start3A_498 = arith.constant 0 : i32
        %dma_start3A_499 = tpu.memref_slice %arg2[%dma_start3A_497, %dma_start3A_498] : memref<10112x128xbf16, #tpu.memory_space<hbm>> -> memref<10112x128xbf16, #tpu.memory_space<hbm>>
        %dma_start3A_500 = tpu.memref_slice %arg10[%dma_start3A_489] : memref<4x!tpu.dma_semaphore, #tpu.memory_space<semaphore_mem>> -> memref<1x!tpu.dma_semaphore, #tpu.memory_space<semaphore_mem>>
        %dma_start3A_501 = tpu.memref_squeeze %dma_start3A_500 : memref<1x!tpu.dma_semaphore, #tpu.memory_space<semaphore_mem>> -> memref<!tpu.dma_semaphore, #tpu.memory_space<semaphore_mem>>
        tpu.enqueue_indirect_dma source(%dma_start3A_499 : memref<10112x128xbf16, #tpu.memory_space<hbm>>) target(%dma_start3A_493 : memref<128x128xbf16, #tpu.memory_space<vmem>>) offsets(%dma_start3A_496 : memref<128xi32, #tpu.memory_space<vmem>>) semaphore(%dma_start3A_501 : memref<!tpu.dma_semaphore, #tpu.memory_space<semaphore_mem>>)
      } else {
      }
      %add3A_459 = arith.constant 1 : i32
      %add3A_460 = arith.addi %scan3A_276, %add3A_459 : i32
      %mul3A_461 = arith.constant 4 : i32
      %mul3A_462 = arith.muli %add3A_460, %mul3A_461 : i32
      %add3A_463 = arith.constant 3 : i32
      %add3A_464 = arith.addi %mul3A_462, %add3A_463 : i32
      %lt3A_465 = arith.constant 40 : i32
      %lt3A_466 = arith.cmpi slt, %add3A_464, %lt3A_465 : i32
      %convert_element_type3A_467 = arith.extui %lt3A_466 : i1 to i32
      %cond3A_468 = arith.constant 0 : i32
      %cond3A_469 = arith.cmpi ne, %convert_element_type3A_467, %cond3A_468 : i32
      scf.if %cond3A_469 {
        %dma_wait3A_470 = arith.constant 3 : i32
        %dma_wait3A_471 = arith.constant 3 : i32
        %dma_wait3A_472 = arith.constant 0 : i32
        %dma_wait3A_473 = arith.constant 0 : i32
        %dma_wait3A_474 = tpu.memref_slice %arg9[%dma_wait3A_470, %dma_wait3A_472, %dma_wait3A_473] : memref<4x128x128xbf16, #tpu.memory_space<vmem>> -> memref<1x128x128xbf16, #tpu.memory_space<vmem>>
        %dma_wait3A_475 = tpu.memref_squeeze %dma_wait3A_474 : memref<1x128x128xbf16, #tpu.memory_space<vmem>> -> memref<128x128xbf16, #tpu.memory_space<vmem>>
        %dma_wait3A_476 = arith.constant 0 : i32
        %dma_wait3A_477 = arith.constant 0 : i32
        %dma_wait3A_478 = tpu.memref_slice %arg5[%dma_wait3A_476, %dma_wait3A_477] : memref<163840x128xbf16, #tpu.memory_space<hbm>> -> memref<128x128xbf16, #tpu.memory_space<hbm>>
        %dma_wait3A_479 = tpu.memref_slice %arg11[%dma_wait3A_471] : memref<4x!tpu.dma_semaphore, #tpu.memory_space<semaphore_mem>> -> memref<1x!tpu.dma_semaphore, #tpu.memory_space<semaphore_mem>>
        %dma_wait3A_480 = tpu.memref_squeeze %dma_wait3A_479 : memref<1x!tpu.dma_semaphore, #tpu.memory_space<semaphore_mem>> -> memref<!tpu.dma_semaphore, #tpu.memory_space<semaphore_mem>>
        %dma_wait3A_481 = arith.constant 0 : i32
        %dma_wait3A_482 = arith.constant 0 : i32
        %dma_wait3A_483 = tpu.memref_slice %arg5[%dma_wait3A_481, %dma_wait3A_482] : memref<163840x128xbf16, #tpu.memory_space<hbm>> -> memref<128x128xbf16, #tpu.memory_space<hbm>>
        %dma_wait3A_484 = arith.constant 0 : i32
        %dma_wait3A_485 = arith.constant 0 : i32
        %dma_wait3A_486 = tpu.memref_slice %arg9[%dma_wait3A_470, %dma_wait3A_484, %dma_wait3A_485] : memref<4x128x128xbf16, #tpu.memory_space<vmem>> -> memref<1x128x128xbf16, #tpu.memory_space<vmem>>
        %dma_wait3A_487 = tpu.memref_squeeze %dma_wait3A_486 : memref<1x128x128xbf16, #tpu.memory_space<vmem>> -> memref<128x128xbf16, #tpu.memory_space<vmem>>
        tpu.wait_dma2 semaphore(%dma_wait3A_480 : memref<!tpu.dma_semaphore, #tpu.memory_space<semaphore_mem>>) src(%dma_wait3A_487 : memref<128x128xbf16, #tpu.memory_space<vmem>>) dst(%dma_wait3A_483 : memref<128x128xbf16, #tpu.memory_space<hbm>>)
        %dma_start3A_488 = arith.constant 3 : i32
        %dma_start3A_489 = arith.constant 3 : i32
        %dma_start3A_490 = arith.constant 0 : i32
        %dma_start3A_491 = arith.constant 0 : i32
        %dma_start3A_492 = tpu.memref_slice %arg9[%dma_start3A_488, %dma_start3A_490, %dma_start3A_491] : memref<4x128x128xbf16, #tpu.memory_space<vmem>> -> memref<1x128x128xbf16, #tpu.memory_space<vmem>>
        %dma_start3A_493 = tpu.memref_squeeze %dma_start3A_492 : memref<1x128x128xbf16, #tpu.memory_space<vmem>> -> memref<128x128xbf16, #tpu.memory_space<vmem>>
        %dma_start3A_494 = arith.constant 0 : i32
        %dma_start3A_495 = tpu.memref_slice %arg7[%add3A_464, %dma_start3A_494] : memref<40x128xi32, #tpu.memory_space<vmem>> -> memref<1x128xi32, #tpu.memory_space<vmem>>
        %dma_start3A_496 = tpu.memref_squeeze %dma_start3A_495 : memref<1x128xi32, #tpu.memory_space<vmem>> -> memref<128xi32, #tpu.memory_space<vmem>>
        %dma_start3A_497 = arith.constant 0 : i32
        %dma_start3A_498 = arith.constant 0 : i32
        %dma_start3A_499 = tpu.memref_slice %arg2[%dma_start3A_497, %dma_start3A_498] : memref<10112x128xbf16, #tpu.memory_space<hbm>> -> memref<10112x128xbf16, #tpu.memory_space<hbm>>
        %dma_start3A_500 = tpu.memref_slice %arg10[%dma_start3A_489] : memref<4x!tpu.dma_semaphore, #tpu.memory_space<semaphore_mem>> -> memref<1x!tpu.dma_semaphore, #tpu.memory_space<semaphore_mem>>
        %dma_start3A_501 = tpu.memref_squeeze %dma_start3A_500 : memref<1x!tpu.dma_semaphore, #tpu.memory_space<semaphore_mem>> -> memref<!tpu.dma_semaphore, #tpu.memory_space<semaphore_mem>>
        tpu.enqueue_indirect_dma source(%dma_start3A_499 : memref<10112x128xbf16, #tpu.memory_space<hbm>>) target(%dma_start3A_493 : memref<128x128xbf16, #tpu.memory_space<vmem>>) offsets(%dma_start3A_496 : memref<128xi32, #tpu.memory_space<vmem>>) semaphore(%dma_start3A_501 : memref<!tpu.dma_semaphore, #tpu.memory_space<semaphore_mem>>)
      } else {
      }
    }
    %scan3A_66 = arith.constant 10 : i32
    %dma_wait3A = arith.constant 0 : i32
    %dma_wait3A_67 = arith.constant 0 : i32
    %dma_wait3A_68 = arith.constant 0 : i32
    %dma_wait3A_69 = arith.constant 0 : i32
    %dma_wait3A_70 = tpu.memref_slice %arg9[%dma_wait3A, %dma_wait3A_68, %dma_wait3A_69] : memref<4x128x128xbf16, #tpu.memory_space<vmem>> -> memref<1x128x128xbf16, #tpu.memory_space<vmem>>
    %dma_wait3A_71 = tpu.memref_squeeze %dma_wait3A_70 : memref<1x128x128xbf16, #tpu.memory_space<vmem>> -> memref<128x128xbf16, #tpu.memory_space<vmem>>
    %dma_wait3A_72 = arith.constant 0 : i32
    %dma_wait3A_73 = arith.constant 0 : i32
    %dma_wait3A_74 = tpu.memref_slice %arg5[%dma_wait3A_72, %dma_wait3A_73] : memref<163840x128xbf16, #tpu.memory_space<hbm>> -> memref<128x128xbf16, #tpu.memory_space<hbm>>
    %dma_wait3A_75 = tpu.memref_slice %arg11[%dma_wait3A_67] : memref<4x!tpu.dma_semaphore, #tpu.memory_space<semaphore_mem>> -> memref<1x!tpu.dma_semaphore, #tpu.memory_space<semaphore_mem>>
    %dma_wait3A_76 = tpu.memref_squeeze %dma_wait3A_75 : memref<1x!tpu.dma_semaphore, #tpu.memory_space<semaphore_mem>> -> memref<!tpu.dma_semaphore, #tpu.memory_space<semaphore_mem>>
    %dma_wait3A_77 = arith.constant 0 : i32
    %dma_wait3A_78 = arith.constant 0 : i32
    %dma_wait3A_79 = tpu.memref_slice %arg5[%dma_wait3A_77, %dma_wait3A_78] : memref<163840x128xbf16, #tpu.memory_space<hbm>> -> memref<128x128xbf16, #tpu.memory_space<hbm>>
    %dma_wait3A_80 = arith.constant 0 : i32
    %dma_wait3A_81 = arith.constant 0 : i32
    %dma_wait3A_82 = tpu.memref_slice %arg9[%dma_wait3A, %dma_wait3A_80, %dma_wait3A_81] : memref<4x128x128xbf16, #tpu.memory_space<vmem>> -> memref<1x128x128xbf16, #tpu.memory_space<vmem>>
    %dma_wait3A_83 = tpu.memref_squeeze %dma_wait3A_82 : memref<1x128x128xbf16, #tpu.memory_space<vmem>> -> memref<128x128xbf16, #tpu.memory_space<vmem>>
    tpu.wait_dma2 semaphore(%dma_wait3A_76 : memref<!tpu.dma_semaphore, #tpu.memory_space<semaphore_mem>>) src(%dma_wait3A_83 : memref<128x128xbf16, #tpu.memory_space<vmem>>) dst(%dma_wait3A_79 : memref<128x128xbf16, #tpu.memory_space<hbm>>)
    %dma_wait3A_84 = arith.constant 1 : i32
    %dma_wait3A_85 = arith.constant 1 : i32
    %dma_wait3A_86 = arith.constant 0 : i32
    %dma_wait3A_87 = arith.constant 0 : i32
    %dma_wait3A_88 = tpu.memref_slice %arg9[%dma_wait3A_84, %dma_wait3A_86, %dma_wait3A_87] : memref<4x128x128xbf16, #tpu.memory_space<vmem>> -> memref<1x128x128xbf16, #tpu.memory_space<vmem>>
    %dma_wait3A_89 = tpu.memref_squeeze %dma_wait3A_88 : memref<1x128x128xbf16, #tpu.memory_space<vmem>> -> memref<128x128xbf16, #tpu.memory_space<vmem>>
    %dma_wait3A_90 = arith.constant 0 : i32
    %dma_wait3A_91 = arith.constant 0 : i32
    %dma_wait3A_92 = tpu.memref_slice %arg5[%dma_wait3A_90, %dma_wait3A_91] : memref<163840x128xbf16, #tpu.memory_space<hbm>> -> memref<128x128xbf16, #tpu.memory_space<hbm>>
    %dma_wait3A_93 = tpu.memref_slice %arg11[%dma_wait3A_85] : memref<4x!tpu.dma_semaphore, #tpu.memory_space<semaphore_mem>> -> memref<1x!tpu.dma_semaphore, #tpu.memory_space<semaphore_mem>>
    %dma_wait3A_94 = tpu.memref_squeeze %dma_wait3A_93 : memref<1x!tpu.dma_semaphore, #tpu.memory_space<semaphore_mem>> -> memref<!tpu.dma_semaphore, #tpu.memory_space<semaphore_mem>>
    %dma_wait3A_95 = arith.constant 0 : i32
    %dma_wait3A_96 = arith.constant 0 : i32
    %dma_wait3A_97 = tpu.memref_slice %arg5[%dma_wait3A_95, %dma_wait3A_96] : memref<163840x128xbf16, #tpu.memory_space<hbm>> -> memref<128x128xbf16, #tpu.memory_space<hbm>>
    %dma_wait3A_98 = arith.constant 0 : i32
    %dma_wait3A_99 = arith.constant 0 : i32
    %dma_wait3A_100 = tpu.memref_slice %arg9[%dma_wait3A_84, %dma_wait3A_98, %dma_wait3A_99] : memref<4x128x128xbf16, #tpu.memory_space<vmem>> -> memref<1x128x128xbf16, #tpu.memory_space<vmem>>
    %dma_wait3A_101 = tpu.memref_squeeze %dma_wait3A_100 : memref<1x128x128xbf16, #tpu.memory_space<vmem>> -> memref<128x128xbf16, #tpu.memory_space<vmem>>
    tpu.wait_dma2 semaphore(%dma_wait3A_94 : memref<!tpu.dma_semaphore, #tpu.memory_space<semaphore_mem>>) src(%dma_wait3A_101 : memref<128x128xbf16, #tpu.memory_space<vmem>>) dst(%dma_wait3A_97 : memref<128x128xbf16, #tpu.memory_space<hbm>>)
    %dma_wait3A_102 = arith.constant 2 : i32
    %dma_wait3A_103 = arith.constant 2 : i32
    %dma_wait3A_104 = arith.constant 0 : i32
    %dma_wait3A_105 = arith.constant 0 : i32
    %dma_wait3A_106 = tpu.memref_slice %arg9[%dma_wait3A_102, %dma_wait3A_104, %dma_wait3A_105] : memref<4x128x128xbf16, #tpu.memory_space<vmem>> -> memref<1x128x128xbf16, #tpu.memory_space<vmem>>
    %dma_wait3A_107 = tpu.memref_squeeze %dma_wait3A_106 : memref<1x128x128xbf16, #tpu.memory_space<vmem>> -> memref<128x128xbf16, #tpu.memory_space<vmem>>
    %dma_wait3A_108 = arith.constant 0 : i32
    %dma_wait3A_109 = arith.constant 0 : i32
    %dma_wait3A_110 = tpu.memref_slice %arg5[%dma_wait3A_108, %dma_wait3A_109] : memref<163840x128xbf16, #tpu.memory_space<hbm>> -> memref<128x128xbf16, #tpu.memory_space<hbm>>
    %dma_wait3A_111 = tpu.memref_slice %arg11[%dma_wait3A_103] : memref<4x!tpu.dma_semaphore, #tpu.memory_space<semaphore_mem>> -> memref<1x!tpu.dma_semaphore, #tpu.memory_space<semaphore_mem>>
    %dma_wait3A_112 = tpu.memref_squeeze %dma_wait3A_111 : memref<1x!tpu.dma_semaphore, #tpu.memory_space<semaphore_mem>> -> memref<!tpu.dma_semaphore, #tpu.memory_space<semaphore_mem>>
    %dma_wait3A_113 = arith.constant 0 : i32
    %dma_wait3A_114 = arith.constant 0 : i32
    %dma_wait3A_115 = tpu.memref_slice %arg5[%dma_wait3A_113, %dma_wait3A_114] : memref<163840x128xbf16, #tpu.memory_space<hbm>> -> memref<128x128xbf16, #tpu.memory_space<hbm>>
    %dma_wait3A_116 = arith.constant 0 : i32
    %dma_wait3A_117 = arith.constant 0 : i32
    %dma_wait3A_118 = tpu.memref_slice %arg9[%dma_wait3A_102, %dma_wait3A_116, %dma_wait3A_117] : memref<4x128x128xbf16, #tpu.memory_space<vmem>> -> memref<1x128x128xbf16, #tpu.memory_space<vmem>>
    %dma_wait3A_119 = tpu.memref_squeeze %dma_wait3A_118 : memref<1x128x128xbf16, #tpu.memory_space<vmem>> -> memref<128x128xbf16, #tpu.memory_space<vmem>>
    tpu.wait_dma2 semaphore(%dma_wait3A_112 : memref<!tpu.dma_semaphore, #tpu.memory_space<semaphore_mem>>) src(%dma_wait3A_119 : memref<128x128xbf16, #tpu.memory_space<vmem>>) dst(%dma_wait3A_115 : memref<128x128xbf16, #tpu.memory_space<hbm>>)
    %dma_wait3A_120 = arith.constant 3 : i32
    %dma_wait3A_121 = arith.constant 3 : i32
    %dma_wait3A_122 = arith.constant 0 : i32
    %dma_wait3A_123 = arith.constant 0 : i32
    %dma_wait3A_124 = tpu.memref_slice %arg9[%dma_wait3A_120, %dma_wait3A_122, %dma_wait3A_123] : memref<4x128x128xbf16, #tpu.memory_space<vmem>> -> memref<1x128x128xbf16, #tpu.memory_space<vmem>>
    %dma_wait3A_125 = tpu.memref_squeeze %dma_wait3A_124 : memref<1x128x128xbf16, #tpu.memory_space<vmem>> -> memref<128x128xbf16, #tpu.memory_space<vmem>>
    %dma_wait3A_126 = arith.constant 0 : i32
    %dma_wait3A_127 = arith.constant 0 : i32
    %dma_wait3A_128 = tpu.memref_slice %arg5[%dma_wait3A_126, %dma_wait3A_127] : memref<163840x128xbf16, #tpu.memory_space<hbm>> -> memref<128x128xbf16, #tpu.memory_space<hbm>>
    %dma_wait3A_129 = tpu.memref_slice %arg11[%dma_wait3A_121] : memref<4x!tpu.dma_semaphore, #tpu.memory_space<semaphore_mem>> -> memref<1x!tpu.dma_semaphore, #tpu.memory_space<semaphore_mem>>
    %dma_wait3A_130 = tpu.memref_squeeze %dma_wait3A_129 : memref<1x!tpu.dma_semaphore, #tpu.memory_space<semaphore_mem>> -> memref<!tpu.dma_semaphore, #tpu.memory_space<semaphore_mem>>
    %dma_wait3A_131 = arith.constant 0 : i32
    %dma_wait3A_132 = arith.constant 0 : i32
    %dma_wait3A_133 = tpu.memref_slice %arg5[%dma_wait3A_131, %dma_wait3A_132] : memref<163840x128xbf16, #tpu.memory_space<hbm>> -> memref<128x128xbf16, #tpu.memory_space<hbm>>
    %dma_wait3A_134 = arith.constant 0 : i32
    %dma_wait3A_135 = arith.constant 0 : i32
    %dma_wait3A_136 = tpu.memref_slice %arg9[%dma_wait3A_120, %dma_wait3A_134, %dma_wait3A_135] : memref<4x128x128xbf16, #tpu.memory_space<vmem>> -> memref<1x128x128xbf16, #tpu.memory_space<vmem>>
    %dma_wait3A_137 = tpu.memref_squeeze %dma_wait3A_136 : memref<1x128x128xbf16, #tpu.memory_space<vmem>> -> memref<128x128xbf16, #tpu.memory_space<vmem>>
    tpu.wait_dma2 semaphore(%dma_wait3A_130 : memref<!tpu.dma_semaphore, #tpu.memory_space<semaphore_mem>>) src(%dma_wait3A_137 : memref<128x128xbf16, #tpu.memory_space<vmem>>) dst(%dma_wait3A_133 : memref<128x128xbf16, #tpu.memory_space<hbm>>)
    %dma_start3A_138 = arith.constant 0 : i32
    %dma_start3A_139 = arith.constant 0 : i32
    %dma_start3A_140 = arith.constant 0 : i32
    %dma_start3A_141 = arith.constant 0 : i32
    %dma_start3A_142 = arith.constant 0 : i32
    %dma_start3A_143 = tpu.memref_slice %arg9[%dma_start3A_139, %dma_start3A_141, %dma_start3A_142] : memref<4x128x128xbf16, #tpu.memory_space<vmem>> -> memref<1x128x128xbf16, #tpu.memory_space<vmem>>
    %dma_start3A_144 = tpu.memref_squeeze %dma_start3A_143 : memref<1x128x128xbf16, #tpu.memory_space<vmem>> -> memref<128x128xbf16, #tpu.memory_space<vmem>>
    %dma_start3A_145 = arith.constant 0 : i32
    %dma_start3A_146 = tpu.memref_slice %arg8[%dma_start3A_138, %dma_start3A_145] : memref<40x128xi32, #tpu.memory_space<vmem>> -> memref<1x128xi32, #tpu.memory_space<vmem>>
    %dma_start3A_147 = tpu.memref_squeeze %dma_start3A_146 : memref<1x128xi32, #tpu.memory_space<vmem>> -> memref<128xi32, #tpu.memory_space<vmem>>
    %dma_start3A_148 = arith.constant 0 : i32
    %dma_start3A_149 = arith.constant 0 : i32
    %dma_start3A_150 = tpu.memref_slice %arg2[%dma_start3A_148, %dma_start3A_149] : memref<10112x128xbf16, #tpu.memory_space<hbm>> -> memref<10112x128xbf16, #tpu.memory_space<hbm>>
    %dma_start3A_151 = tpu.memref_slice %arg10[%dma_start3A_140] : memref<4x!tpu.dma_semaphore, #tpu.memory_space<semaphore_mem>> -> memref<1x!tpu.dma_semaphore, #tpu.memory_space<semaphore_mem>>
    %dma_start3A_152 = tpu.memref_squeeze %dma_start3A_151 : memref<1x!tpu.dma_semaphore, #tpu.memory_space<semaphore_mem>> -> memref<!tpu.dma_semaphore, #tpu.memory_space<semaphore_mem>>
    tpu.enqueue_indirect_dma source(%dma_start3A_150 : memref<10112x128xbf16, #tpu.memory_space<hbm>>) target(%dma_start3A_144 : memref<128x128xbf16, #tpu.memory_space<vmem>>) offsets(%dma_start3A_147 : memref<128xi32, #tpu.memory_space<vmem>>) semaphore(%dma_start3A_152 : memref<!tpu.dma_semaphore, #tpu.memory_space<semaphore_mem>>)
    %dma_start3A_153 = arith.constant 1 : i32
    %dma_start3A_154 = arith.constant 1 : i32
    %dma_start3A_155 = arith.constant 1 : i32
    %dma_start3A_156 = arith.constant 0 : i32
    %dma_start3A_157 = arith.constant 0 : i32
    %dma_start3A_158 = tpu.memref_slice %arg9[%dma_start3A_154, %dma_start3A_156, %dma_start3A_157] : memref<4x128x128xbf16, #tpu.memory_space<vmem>> -> memref<1x128x128xbf16, #tpu.memory_space<vmem>>
    %dma_start3A_159 = tpu.memref_squeeze %dma_start3A_158 : memref<1x128x128xbf16, #tpu.memory_space<vmem>> -> memref<128x128xbf16, #tpu.memory_space<vmem>>
    %dma_start3A_160 = arith.constant 0 : i32
    %dma_start3A_161 = tpu.memref_slice %arg8[%dma_start3A_153, %dma_start3A_160] : memref<40x128xi32, #tpu.memory_space<vmem>> -> memref<1x128xi32, #tpu.memory_space<vmem>>
    %dma_start3A_162 = tpu.memref_squeeze %dma_start3A_161 : memref<1x128xi32, #tpu.memory_space<vmem>> -> memref<128xi32, #tpu.memory_space<vmem>>
    %dma_start3A_163 = arith.constant 0 : i32
    %dma_start3A_164 = arith.constant 0 : i32
    %dma_start3A_165 = tpu.memref_slice %arg2[%dma_start3A_163, %dma_start3A_164] : memref<10112x128xbf16, #tpu.memory_space<hbm>> -> memref<10112x128xbf16, #tpu.memory_space<hbm>>
    %dma_start3A_166 = tpu.memref_slice %arg10[%dma_start3A_155] : memref<4x!tpu.dma_semaphore, #tpu.memory_space<semaphore_mem>> -> memref<1x!tpu.dma_semaphore, #tpu.memory_space<semaphore_mem>>
    %dma_start3A_167 = tpu.memref_squeeze %dma_start3A_166 : memref<1x!tpu.dma_semaphore, #tpu.memory_space<semaphore_mem>> -> memref<!tpu.dma_semaphore, #tpu.memory_space<semaphore_mem>>
    tpu.enqueue_indirect_dma source(%dma_start3A_165 : memref<10112x128xbf16, #tpu.memory_space<hbm>>) target(%dma_start3A_159 : memref<128x128xbf16, #tpu.memory_space<vmem>>) offsets(%dma_start3A_162 : memref<128xi32, #tpu.memory_space<vmem>>) semaphore(%dma_start3A_167 : memref<!tpu.dma_semaphore, #tpu.memory_space<semaphore_mem>>)
    %dma_start3A_168 = arith.constant 2 : i32
    %dma_start3A_169 = arith.constant 2 : i32
    %dma_start3A_170 = arith.constant 2 : i32
    %dma_start3A_171 = arith.constant 0 : i32
    %dma_start3A_172 = arith.constant 0 : i32
    %dma_start3A_173 = tpu.memref_slice %arg9[%dma_start3A_169, %dma_start3A_171, %dma_start3A_172] : memref<4x128x128xbf16, #tpu.memory_space<vmem>> -> memref<1x128x128xbf16, #tpu.memory_space<vmem>>
    %dma_start3A_174 = tpu.memref_squeeze %dma_start3A_173 : memref<1x128x128xbf16, #tpu.memory_space<vmem>> -> memref<128x128xbf16, #tpu.memory_space<vmem>>
    %dma_start3A_175 = arith.constant 0 : i32
    %dma_start3A_176 = tpu.memref_slice %arg8[%dma_start3A_168, %dma_start3A_175] : memref<40x128xi32, #tpu.memory_space<vmem>> -> memref<1x128xi32, #tpu.memory_space<vmem>>
    %dma_start3A_177 = tpu.memref_squeeze %dma_start3A_176 : memref<1x128xi32, #tpu.memory_space<vmem>> -> memref<128xi32, #tpu.memory_space<vmem>>
    %dma_start3A_178 = arith.constant 0 : i32
    %dma_start3A_179 = arith.constant 0 : i32
    %dma_start3A_180 = tpu.memref_slice %arg2[%dma_start3A_178, %dma_start3A_179] : memref<10112x128xbf16, #tpu.memory_space<hbm>> -> memref<10112x128xbf16, #tpu.memory_space<hbm>>
    %dma_start3A_181 = tpu.memref_slice %arg10[%dma_start3A_170] : memref<4x!tpu.dma_semaphore, #tpu.memory_space<semaphore_mem>> -> memref<1x!tpu.dma_semaphore, #tpu.memory_space<semaphore_mem>>
    %dma_start3A_182 = tpu.memref_squeeze %dma_start3A_181 : memref<1x!tpu.dma_semaphore, #tpu.memory_space<semaphore_mem>> -> memref<!tpu.dma_semaphore, #tpu.memory_space<semaphore_mem>>
    tpu.enqueue_indirect_dma source(%dma_start3A_180 : memref<10112x128xbf16, #tpu.memory_space<hbm>>) target(%dma_start3A_174 : memref<128x128xbf16, #tpu.memory_space<vmem>>) offsets(%dma_start3A_177 : memref<128xi32, #tpu.memory_space<vmem>>) semaphore(%dma_start3A_182 : memref<!tpu.dma_semaphore, #tpu.memory_space<semaphore_mem>>)
    %dma_start3A_183 = arith.constant 3 : i32
    %dma_start3A_184 = arith.constant 3 : i32
    %dma_start3A_185 = arith.constant 3 : i32
    %dma_start3A_186 = arith.constant 0 : i32
    %dma_start3A_187 = arith.constant 0 : i32
    %dma_start3A_188 = tpu.memref_slice %arg9[%dma_start3A_184, %dma_start3A_186, %dma_start3A_187] : memref<4x128x128xbf16, #tpu.memory_space<vmem>> -> memref<1x128x128xbf16, #tpu.memory_space<vmem>>
    %dma_start3A_189 = tpu.memref_squeeze %dma_start3A_188 : memref<1x128x128xbf16, #tpu.memory_space<vmem>> -> memref<128x128xbf16, #tpu.memory_space<vmem>>
    %dma_start3A_190 = arith.constant 0 : i32
    %dma_start3A_191 = tpu.memref_slice %arg8[%dma_start3A_183, %dma_start3A_190] : memref<40x128xi32, #tpu.memory_space<vmem>> -> memref<1x128xi32, #tpu.memory_space<vmem>>
    %dma_start3A_192 = tpu.memref_squeeze %dma_start3A_191 : memref<1x128xi32, #tpu.memory_space<vmem>> -> memref<128xi32, #tpu.memory_space<vmem>>
    %dma_start3A_193 = arith.constant 0 : i32
    %dma_start3A_194 = arith.constant 0 : i32
    %dma_start3A_195 = tpu.memref_slice %arg2[%dma_start3A_193, %dma_start3A_194] : memref<10112x128xbf16, #tpu.memory_space<hbm>> -> memref<10112x128xbf16, #tpu.memory_space<hbm>>
    %dma_start3A_196 = tpu.memref_slice %arg10[%dma_start3A_185] : memref<4x!tpu.dma_semaphore, #tpu.memory_space<semaphore_mem>> -> memref<1x!tpu.dma_semaphore, #tpu.memory_space<semaphore_mem>>
    %dma_start3A_197 = tpu.memref_squeeze %dma_start3A_196 : memref<1x!tpu.dma_semaphore, #tpu.memory_space<semaphore_mem>> -> memref<!tpu.dma_semaphore, #tpu.memory_space<semaphore_mem>>
    tpu.enqueue_indirect_dma source(%dma_start3A_195 : memref<10112x128xbf16, #tpu.memory_space<hbm>>) target(%dma_start3A_189 : memref<128x128xbf16, #tpu.memory_space<vmem>>) offsets(%dma_start3A_192 : memref<128xi32, #tpu.memory_space<vmem>>) semaphore(%dma_start3A_197 : memref<!tpu.dma_semaphore, #tpu.memory_space<semaphore_mem>>)
    %scan3A_198 = arith.constant 0 : i32
    %scan3A_199 = arith.constant 0 : i32
    %scan3A_200 = arith.constant 10 : i32
    %scan3A_201 = arith.addi %scan3A_199, %scan3A_200 : i32
    %scan3A_202 = arith.constant 1 : i32
    scf.for %scan3A_276 = %scan3A_199 to %scan3A_201 step %scan3A_202  : i32 {
      %mul3A_277 = arith.constant 4 : i32
      %mul3A_278 = arith.muli %scan3A_276, %mul3A_277 : i32
      %add3A_279 = arith.constant 0 : i32
      %add3A_280 = arith.addi %mul3A_278, %add3A_279 : i32
      %dma_wait3A_281 = arith.constant 0 : i32
      %dma_wait3A_282 = arith.constant 0 : i32
      %dma_wait3A_283 = arith.constant 0 : i32
      %dma_wait3A_284 = arith.constant 0 : i32
      %dma_wait3A_285 = arith.constant 0 : i32
      %dma_wait3A_286 = tpu.memref_slice %arg9[%dma_wait3A_282, %dma_wait3A_284, %dma_wait3A_285] : memref<4x128x128xbf16, #tpu.memory_space<vmem>> -> memref<1x128x128xbf16, #tpu.memory_space<vmem>>
      %dma_wait3A_287 = tpu.memref_squeeze %dma_wait3A_286 : memref<1x128x128xbf16, #tpu.memory_space<vmem>> -> memref<128x128xbf16, #tpu.memory_space<vmem>>
      %dma_wait3A_288 = arith.constant 0 : i32
      %dma_wait3A_289 = tpu.memref_slice %arg8[%dma_wait3A_281, %dma_wait3A_288] : memref<40x128xi32, #tpu.memory_space<vmem>> -> memref<1x128xi32, #tpu.memory_space<vmem>>
      %dma_wait3A_290 = tpu.memref_squeeze %dma_wait3A_289 : memref<1x128xi32, #tpu.memory_space<vmem>> -> memref<128xi32, #tpu.memory_space<vmem>>
      %dma_wait3A_291 = arith.constant 0 : i32
      %dma_wait3A_292 = arith.constant 0 : i32
      %dma_wait3A_293 = tpu.memref_slice %arg2[%dma_wait3A_291, %dma_wait3A_292] : memref<10112x128xbf16, #tpu.memory_space<hbm>> -> memref<10112x128xbf16, #tpu.memory_space<hbm>>
      %dma_wait3A_294 = tpu.memref_slice %arg10[%dma_wait3A_283] : memref<4x!tpu.dma_semaphore, #tpu.memory_space<semaphore_mem>> -> memref<1x!tpu.dma_semaphore, #tpu.memory_space<semaphore_mem>>
      %dma_wait3A_295 = tpu.memref_squeeze %dma_wait3A_294 : memref<1x!tpu.dma_semaphore, #tpu.memory_space<semaphore_mem>> -> memref<!tpu.dma_semaphore, #tpu.memory_space<semaphore_mem>>
      tpu.wait_indirect_dma semaphore(%dma_wait3A_295 : memref<!tpu.dma_semaphore, #tpu.memory_space<semaphore_mem>>) src(%dma_wait3A_293 : memref<10112x128xbf16, #tpu.memory_space<hbm>>) dst(%dma_wait3A_287 : memref<128x128xbf16, #tpu.memory_space<vmem>>)
      %mul3A_296 = arith.constant 128 : i32
      %mul3A_297 = arith.muli %add3A_280, %mul3A_296 : i32
      %add3A_298 = arith.addi %mul3A_2, %mul3A_297 : i32
      %dma_start3A_299 = arith.constant 0 : i32
      %dma_start3A_300 = arith.constant 0 : i32
      %dma_start3A_301 = arith.constant 0 : i32
      %dma_start3A_302 = arith.constant 0 : i32
      %dma_start3A_303 = tpu.memref_slice %arg9[%dma_start3A_299, %dma_start3A_301, %dma_start3A_302] : memref<4x128x128xbf16, #tpu.memory_space<vmem>> -> memref<1x128x128xbf16, #tpu.memory_space<vmem>>
      %dma_start3A_304 = tpu.memref_squeeze %dma_start3A_303 : memref<1x128x128xbf16, #tpu.memory_space<vmem>> -> memref<128x128xbf16, #tpu.memory_space<vmem>>
      %dma_start3A_305 = arith.constant 0 : i32
      %dma_start3A_306 = tpu.memref_slice %arg6[%add3A_298, %dma_start3A_305] : memref<163840x128xbf16, #tpu.memory_space<hbm>> -> memref<128x128xbf16, #tpu.memory_space<hbm>>
      %dma_start3A_307 = tpu.memref_slice %arg11[%dma_start3A_300] : memref<4x!tpu.dma_semaphore, #tpu.memory_space<semaphore_mem>> -> memref<1x!tpu.dma_semaphore, #tpu.memory_space<semaphore_mem>>
      %dma_start3A_308 = tpu.memref_squeeze %dma_start3A_307 : memref<1x!tpu.dma_semaphore, #tpu.memory_space<semaphore_mem>> -> memref<!tpu.dma_semaphore, #tpu.memory_space<semaphore_mem>>
      %dma_start3A_309 = arith.constant 0 : i32
      %dma_start3A_310 = tpu.memref_slice %arg6[%add3A_298, %dma_start3A_309] : memref<163840x128xbf16, #tpu.memory_space<hbm>> -> memref<128x128xbf16, #tpu.memory_space<hbm>>
      %dma_start3A_311 = arith.constant 0 : i32
      %dma_start3A_312 = arith.constant 0 : i32
      %dma_start3A_313 = tpu.memref_slice %arg9[%dma_start3A_299, %dma_start3A_311, %dma_start3A_312] : memref<4x128x128xbf16, #tpu.memory_space<vmem>> -> memref<1x128x128xbf16, #tpu.memory_space<vmem>>
      %dma_start3A_314 = tpu.memref_squeeze %dma_start3A_313 : memref<1x128x128xbf16, #tpu.memory_space<vmem>> -> memref<128x128xbf16, #tpu.memory_space<vmem>>
      tpu.enqueue_dma source(%dma_start3A_314 : memref<128x128xbf16, #tpu.memory_space<vmem>>) target(%dma_start3A_310 : memref<128x128xbf16, #tpu.memory_space<hbm>>) target_semaphore(%dma_start3A_308 : memref<!tpu.dma_semaphore, #tpu.memory_space<semaphore_mem>>)
      %mul3A_315 = arith.constant 4 : i32
      %mul3A_316 = arith.muli %scan3A_276, %mul3A_315 : i32
      %add3A_317 = arith.constant 1 : i32
      %add3A_318 = arith.addi %mul3A_316, %add3A_317 : i32
      %dma_wait3A_319 = arith.constant 1 : i32
      %dma_wait3A_320 = arith.constant 1 : i32
      %dma_wait3A_321 = arith.constant 1 : i32
      %dma_wait3A_322 = arith.constant 0 : i32
      %dma_wait3A_323 = arith.constant 0 : i32
      %dma_wait3A_324 = tpu.memref_slice %arg9[%dma_wait3A_320, %dma_wait3A_322, %dma_wait3A_323] : memref<4x128x128xbf16, #tpu.memory_space<vmem>> -> memref<1x128x128xbf16, #tpu.memory_space<vmem>>
      %dma_wait3A_325 = tpu.memref_squeeze %dma_wait3A_324 : memref<1x128x128xbf16, #tpu.memory_space<vmem>> -> memref<128x128xbf16, #tpu.memory_space<vmem>>
      %dma_wait3A_326 = arith.constant 0 : i32
      %dma_wait3A_327 = tpu.memref_slice %arg8[%dma_wait3A_319, %dma_wait3A_326] : memref<40x128xi32, #tpu.memory_space<vmem>> -> memref<1x128xi32, #tpu.memory_space<vmem>>
      %dma_wait3A_328 = tpu.memref_squeeze %dma_wait3A_327 : memref<1x128xi32, #tpu.memory_space<vmem>> -> memref<128xi32, #tpu.memory_space<vmem>>
      %dma_wait3A_329 = arith.constant 0 : i32
      %dma_wait3A_330 = arith.constant 0 : i32
      %dma_wait3A_331 = tpu.memref_slice %arg2[%dma_wait3A_329, %dma_wait3A_330] : memref<10112x128xbf16, #tpu.memory_space<hbm>> -> memref<10112x128xbf16, #tpu.memory_space<hbm>>
      %dma_wait3A_332 = tpu.memref_slice %arg10[%dma_wait3A_321] : memref<4x!tpu.dma_semaphore, #tpu.memory_space<semaphore_mem>> -> memref<1x!tpu.dma_semaphore, #tpu.memory_space<semaphore_mem>>
      %dma_wait3A_333 = tpu.memref_squeeze %dma_wait3A_332 : memref<1x!tpu.dma_semaphore, #tpu.memory_space<semaphore_mem>> -> memref<!tpu.dma_semaphore, #tpu.memory_space<semaphore_mem>>
      tpu.wait_indirect_dma semaphore(%dma_wait3A_333 : memref<!tpu.dma_semaphore, #tpu.memory_space<semaphore_mem>>) src(%dma_wait3A_331 : memref<10112x128xbf16, #tpu.memory_space<hbm>>) dst(%dma_wait3A_325 : memref<128x128xbf16, #tpu.memory_space<vmem>>)
      %mul3A_334 = arith.constant 128 : i32
      %mul3A_335 = arith.muli %add3A_318, %mul3A_334 : i32
      %add3A_336 = arith.addi %mul3A_2, %mul3A_335 : i32
      %dma_start3A_337 = arith.constant 1 : i32
      %dma_start3A_338 = arith.constant 1 : i32
      %dma_start3A_339 = arith.constant 0 : i32
      %dma_start3A_340 = arith.constant 0 : i32
      %dma_start3A_341 = tpu.memref_slice %arg9[%dma_start3A_337, %dma_start3A_339, %dma_start3A_340] : memref<4x128x128xbf16, #tpu.memory_space<vmem>> -> memref<1x128x128xbf16, #tpu.memory_space<vmem>>
      %dma_start3A_342 = tpu.memref_squeeze %dma_start3A_341 : memref<1x128x128xbf16, #tpu.memory_space<vmem>> -> memref<128x128xbf16, #tpu.memory_space<vmem>>
      %dma_start3A_343 = arith.constant 0 : i32
      %dma_start3A_344 = tpu.memref_slice %arg6[%add3A_336, %dma_start3A_343] : memref<163840x128xbf16, #tpu.memory_space<hbm>> -> memref<128x128xbf16, #tpu.memory_space<hbm>>
      %dma_start3A_345 = tpu.memref_slice %arg11[%dma_start3A_338] : memref<4x!tpu.dma_semaphore, #tpu.memory_space<semaphore_mem>> -> memref<1x!tpu.dma_semaphore, #tpu.memory_space<semaphore_mem>>
      %dma_start3A_346 = tpu.memref_squeeze %dma_start3A_345 : memref<1x!tpu.dma_semaphore, #tpu.memory_space<semaphore_mem>> -> memref<!tpu.dma_semaphore, #tpu.memory_space<semaphore_mem>>
      %dma_start3A_347 = arith.constant 0 : i32
      %dma_start3A_348 = tpu.memref_slice %arg6[%add3A_336, %dma_start3A_347] : memref<163840x128xbf16, #tpu.memory_space<hbm>> -> memref<128x128xbf16, #tpu.memory_space<hbm>>
      %dma_start3A_349 = arith.constant 0 : i32
      %dma_start3A_350 = arith.constant 0 : i32
      %dma_start3A_351 = tpu.memref_slice %arg9[%dma_start3A_337, %dma_start3A_349, %dma_start3A_350] : memref<4x128x128xbf16, #tpu.memory_space<vmem>> -> memref<1x128x128xbf16, #tpu.memory_space<vmem>>
      %dma_start3A_352 = tpu.memref_squeeze %dma_start3A_351 : memref<1x128x128xbf16, #tpu.memory_space<vmem>> -> memref<128x128xbf16, #tpu.memory_space<vmem>>
      tpu.enqueue_dma source(%dma_start3A_352 : memref<128x128xbf16, #tpu.memory_space<vmem>>) target(%dma_start3A_348 : memref<128x128xbf16, #tpu.memory_space<hbm>>) target_semaphore(%dma_start3A_346 : memref<!tpu.dma_semaphore, #tpu.memory_space<semaphore_mem>>)
      %mul3A_353 = arith.constant 4 : i32
      %mul3A_354 = arith.muli %scan3A_276, %mul3A_353 : i32
      %add3A_355 = arith.constant 2 : i32
      %add3A_356 = arith.addi %mul3A_354, %add3A_355 : i32
      %dma_wait3A_357 = arith.constant 2 : i32
      %dma_wait3A_358 = arith.constant 2 : i32
      %dma_wait3A_359 = arith.constant 2 : i32
      %dma_wait3A_360 = arith.constant 0 : i32
      %dma_wait3A_361 = arith.constant 0 : i32
      %dma_wait3A_362 = tpu.memref_slice %arg9[%dma_wait3A_358, %dma_wait3A_360, %dma_wait3A_361] : memref<4x128x128xbf16, #tpu.memory_space<vmem>> -> memref<1x128x128xbf16, #tpu.memory_space<vmem>>
      %dma_wait3A_363 = tpu.memref_squeeze %dma_wait3A_362 : memref<1x128x128xbf16, #tpu.memory_space<vmem>> -> memref<128x128xbf16, #tpu.memory_space<vmem>>
      %dma_wait3A_364 = arith.constant 0 : i32
      %dma_wait3A_365 = tpu.memref_slice %arg8[%dma_wait3A_357, %dma_wait3A_364] : memref<40x128xi32, #tpu.memory_space<vmem>> -> memref<1x128xi32, #tpu.memory_space<vmem>>
      %dma_wait3A_366 = tpu.memref_squeeze %dma_wait3A_365 : memref<1x128xi32, #tpu.memory_space<vmem>> -> memref<128xi32, #tpu.memory_space<vmem>>
      %dma_wait3A_367 = arith.constant 0 : i32
      %dma_wait3A_368 = arith.constant 0 : i32
      %dma_wait3A_369 = tpu.memref_slice %arg2[%dma_wait3A_367, %dma_wait3A_368] : memref<10112x128xbf16, #tpu.memory_space<hbm>> -> memref<10112x128xbf16, #tpu.memory_space<hbm>>
      %dma_wait3A_370 = tpu.memref_slice %arg10[%dma_wait3A_359] : memref<4x!tpu.dma_semaphore, #tpu.memory_space<semaphore_mem>> -> memref<1x!tpu.dma_semaphore, #tpu.memory_space<semaphore_mem>>
      %dma_wait3A_371 = tpu.memref_squeeze %dma_wait3A_370 : memref<1x!tpu.dma_semaphore, #tpu.memory_space<semaphore_mem>> -> memref<!tpu.dma_semaphore, #tpu.memory_space<semaphore_mem>>
      tpu.wait_indirect_dma semaphore(%dma_wait3A_371 : memref<!tpu.dma_semaphore, #tpu.memory_space<semaphore_mem>>) src(%dma_wait3A_369 : memref<10112x128xbf16, #tpu.memory_space<hbm>>) dst(%dma_wait3A_363 : memref<128x128xbf16, #tpu.memory_space<vmem>>)
      %mul3A_372 = arith.constant 128 : i32
      %mul3A_373 = arith.muli %add3A_356, %mul3A_372 : i32
      %add3A_374 = arith.addi %mul3A_2, %mul3A_373 : i32
      %dma_start3A_375 = arith.constant 2 : i32
      %dma_start3A_376 = arith.constant 2 : i32
      %dma_start3A_377 = arith.constant 0 : i32
      %dma_start3A_378 = arith.constant 0 : i32
      %dma_start3A_379 = tpu.memref_slice %arg9[%dma_start3A_375, %dma_start3A_377, %dma_start3A_378] : memref<4x128x128xbf16, #tpu.memory_space<vmem>> -> memref<1x128x128xbf16, #tpu.memory_space<vmem>>
      %dma_start3A_380 = tpu.memref_squeeze %dma_start3A_379 : memref<1x128x128xbf16, #tpu.memory_space<vmem>> -> memref<128x128xbf16, #tpu.memory_space<vmem>>
      %dma_start3A_381 = arith.constant 0 : i32
      %dma_start3A_382 = tpu.memref_slice %arg6[%add3A_374, %dma_start3A_381] : memref<163840x128xbf16, #tpu.memory_space<hbm>> -> memref<128x128xbf16, #tpu.memory_space<hbm>>
      %dma_start3A_383 = tpu.memref_slice %arg11[%dma_start3A_376] : memref<4x!tpu.dma_semaphore, #tpu.memory_space<semaphore_mem>> -> memref<1x!tpu.dma_semaphore, #tpu.memory_space<semaphore_mem>>
      %dma_start3A_384 = tpu.memref_squeeze %dma_start3A_383 : memref<1x!tpu.dma_semaphore, #tpu.memory_space<semaphore_mem>> -> memref<!tpu.dma_semaphore, #tpu.memory_space<semaphore_mem>>
      %dma_start3A_385 = arith.constant 0 : i32
      %dma_start3A_386 = tpu.memref_slice %arg6[%add3A_374, %dma_start3A_385] : memref<163840x128xbf16, #tpu.memory_space<hbm>> -> memref<128x128xbf16, #tpu.memory_space<hbm>>
      %dma_start3A_387 = arith.constant 0 : i32
      %dma_start3A_388 = arith.constant 0 : i32
      %dma_start3A_389 = tpu.memref_slice %arg9[%dma_start3A_375, %dma_start3A_387, %dma_start3A_388] : memref<4x128x128xbf16, #tpu.memory_space<vmem>> -> memref<1x128x128xbf16, #tpu.memory_space<vmem>>
      %dma_start3A_390 = tpu.memref_squeeze %dma_start3A_389 : memref<1x128x128xbf16, #tpu.memory_space<vmem>> -> memref<128x128xbf16, #tpu.memory_space<vmem>>
      tpu.enqueue_dma source(%dma_start3A_390 : memref<128x128xbf16, #tpu.memory_space<vmem>>) target(%dma_start3A_386 : memref<128x128xbf16, #tpu.memory_space<hbm>>) target_semaphore(%dma_start3A_384 : memref<!tpu.dma_semaphore, #tpu.memory_space<semaphore_mem>>)
      %mul3A_391 = arith.constant 4 : i32
      %mul3A_392 = arith.muli %scan3A_276, %mul3A_391 : i32
      %add3A_393 = arith.constant 3 : i32
      %add3A_394 = arith.addi %mul3A_392, %add3A_393 : i32
      %dma_wait3A_395 = arith.constant 3 : i32
      %dma_wait3A_396 = arith.constant 3 : i32
      %dma_wait3A_397 = arith.constant 3 : i32
      %dma_wait3A_398 = arith.constant 0 : i32
      %dma_wait3A_399 = arith.constant 0 : i32
      %dma_wait3A_400 = tpu.memref_slice %arg9[%dma_wait3A_396, %dma_wait3A_398, %dma_wait3A_399] : memref<4x128x128xbf16, #tpu.memory_space<vmem>> -> memref<1x128x128xbf16, #tpu.memory_space<vmem>>
      %dma_wait3A_401 = tpu.memref_squeeze %dma_wait3A_400 : memref<1x128x128xbf16, #tpu.memory_space<vmem>> -> memref<128x128xbf16, #tpu.memory_space<vmem>>
      %dma_wait3A_402 = arith.constant 0 : i32
      %dma_wait3A_403 = tpu.memref_slice %arg8[%dma_wait3A_395, %dma_wait3A_402] : memref<40x128xi32, #tpu.memory_space<vmem>> -> memref<1x128xi32, #tpu.memory_space<vmem>>
      %dma_wait3A_404 = tpu.memref_squeeze %dma_wait3A_403 : memref<1x128xi32, #tpu.memory_space<vmem>> -> memref<128xi32, #tpu.memory_space<vmem>>
      %dma_wait3A_405 = arith.constant 0 : i32
      %dma_wait3A_406 = arith.constant 0 : i32
      %dma_wait3A_407 = tpu.memref_slice %arg2[%dma_wait3A_405, %dma_wait3A_406] : memref<10112x128xbf16, #tpu.memory_space<hbm>> -> memref<10112x128xbf16, #tpu.memory_space<hbm>>
      %dma_wait3A_408 = tpu.memref_slice %arg10[%dma_wait3A_397] : memref<4x!tpu.dma_semaphore, #tpu.memory_space<semaphore_mem>> -> memref<1x!tpu.dma_semaphore, #tpu.memory_space<semaphore_mem>>
      %dma_wait3A_409 = tpu.memref_squeeze %dma_wait3A_408 : memref<1x!tpu.dma_semaphore, #tpu.memory_space<semaphore_mem>> -> memref<!tpu.dma_semaphore, #tpu.memory_space<semaphore_mem>>
      tpu.wait_indirect_dma semaphore(%dma_wait3A_409 : memref<!tpu.dma_semaphore, #tpu.memory_space<semaphore_mem>>) src(%dma_wait3A_407 : memref<10112x128xbf16, #tpu.memory_space<hbm>>) dst(%dma_wait3A_401 : memref<128x128xbf16, #tpu.memory_space<vmem>>)
      %mul3A_410 = arith.constant 128 : i32
      %mul3A_411 = arith.muli %add3A_394, %mul3A_410 : i32
      %add3A_412 = arith.addi %mul3A_2, %mul3A_411 : i32
      %dma_start3A_413 = arith.constant 3 : i32
      %dma_start3A_414 = arith.constant 3 : i32
      %dma_start3A_415 = arith.constant 0 : i32
      %dma_start3A_416 = arith.constant 0 : i32
      %dma_start3A_417 = tpu.memref_slice %arg9[%dma_start3A_413, %dma_start3A_415, %dma_start3A_416] : memref<4x128x128xbf16, #tpu.memory_space<vmem>> -> memref<1x128x128xbf16, #tpu.memory_space<vmem>>
      %dma_start3A_418 = tpu.memref_squeeze %dma_start3A_417 : memref<1x128x128xbf16, #tpu.memory_space<vmem>> -> memref<128x128xbf16, #tpu.memory_space<vmem>>
      %dma_start3A_419 = arith.constant 0 : i32
      %dma_start3A_420 = tpu.memref_slice %arg6[%add3A_412, %dma_start3A_419] : memref<163840x128xbf16, #tpu.memory_space<hbm>> -> memref<128x128xbf16, #tpu.memory_space<hbm>>
      %dma_start3A_421 = tpu.memref_slice %arg11[%dma_start3A_414] : memref<4x!tpu.dma_semaphore, #tpu.memory_space<semaphore_mem>> -> memref<1x!tpu.dma_semaphore, #tpu.memory_space<semaphore_mem>>
      %dma_start3A_422 = tpu.memref_squeeze %dma_start3A_421 : memref<1x!tpu.dma_semaphore, #tpu.memory_space<semaphore_mem>> -> memref<!tpu.dma_semaphore, #tpu.memory_space<semaphore_mem>>
      %dma_start3A_423 = arith.constant 0 : i32
      %dma_start3A_424 = tpu.memref_slice %arg6[%add3A_412, %dma_start3A_423] : memref<163840x128xbf16, #tpu.memory_space<hbm>> -> memref<128x128xbf16, #tpu.memory_space<hbm>>
      %dma_start3A_425 = arith.constant 0 : i32
      %dma_start3A_426 = arith.constant 0 : i32
      %dma_start3A_427 = tpu.memref_slice %arg9[%dma_start3A_413, %dma_start3A_425, %dma_start3A_426] : memref<4x128x128xbf16, #tpu.memory_space<vmem>> -> memref<1x128x128xbf16, #tpu.memory_space<vmem>>
      %dma_start3A_428 = tpu.memref_squeeze %dma_start3A_427 : memref<1x128x128xbf16, #tpu.memory_space<vmem>> -> memref<128x128xbf16, #tpu.memory_space<vmem>>
      tpu.enqueue_dma source(%dma_start3A_428 : memref<128x128xbf16, #tpu.memory_space<vmem>>) target(%dma_start3A_424 : memref<128x128xbf16, #tpu.memory_space<hbm>>) target_semaphore(%dma_start3A_422 : memref<!tpu.dma_semaphore, #tpu.memory_space<semaphore_mem>>)
      %add3A_429 = arith.constant 1 : i32
      %add3A_430 = arith.addi %scan3A_276, %add3A_429 : i32
      %mul3A_431 = arith.constant 4 : i32
      %mul3A_432 = arith.muli %add3A_430, %mul3A_431 : i32
      %add3A_433 = arith.constant 0 : i32
      %add3A_434 = arith.addi %mul3A_432, %add3A_433 : i32
      %lt3A = arith.constant 40 : i32
      %lt3A_435 = arith.cmpi slt, %add3A_434, %lt3A : i32
      %convert_element_type3A = arith.extui %lt3A_435 : i1 to i32
      %cond3A = arith.constant 0 : i32
      %cond3A_436 = arith.cmpi ne, %convert_element_type3A, %cond3A : i32
      scf.if %cond3A_436 {
        %dma_wait3A_470 = arith.constant 0 : i32
        %dma_wait3A_471 = arith.constant 0 : i32
        %dma_wait3A_472 = arith.constant 0 : i32
        %dma_wait3A_473 = arith.constant 0 : i32
        %dma_wait3A_474 = tpu.memref_slice %arg9[%dma_wait3A_470, %dma_wait3A_472, %dma_wait3A_473] : memref<4x128x128xbf16, #tpu.memory_space<vmem>> -> memref<1x128x128xbf16, #tpu.memory_space<vmem>>
        %dma_wait3A_475 = tpu.memref_squeeze %dma_wait3A_474 : memref<1x128x128xbf16, #tpu.memory_space<vmem>> -> memref<128x128xbf16, #tpu.memory_space<vmem>>
        %dma_wait3A_476 = arith.constant 0 : i32
        %dma_wait3A_477 = arith.constant 0 : i32
        %dma_wait3A_478 = tpu.memref_slice %arg6[%dma_wait3A_476, %dma_wait3A_477] : memref<163840x128xbf16, #tpu.memory_space<hbm>> -> memref<128x128xbf16, #tpu.memory_space<hbm>>
        %dma_wait3A_479 = tpu.memref_slice %arg11[%dma_wait3A_471] : memref<4x!tpu.dma_semaphore, #tpu.memory_space<semaphore_mem>> -> memref<1x!tpu.dma_semaphore, #tpu.memory_space<semaphore_mem>>
        %dma_wait3A_480 = tpu.memref_squeeze %dma_wait3A_479 : memref<1x!tpu.dma_semaphore, #tpu.memory_space<semaphore_mem>> -> memref<!tpu.dma_semaphore, #tpu.memory_space<semaphore_mem>>
        %dma_wait3A_481 = arith.constant 0 : i32
        %dma_wait3A_482 = arith.constant 0 : i32
        %dma_wait3A_483 = tpu.memref_slice %arg6[%dma_wait3A_481, %dma_wait3A_482] : memref<163840x128xbf16, #tpu.memory_space<hbm>> -> memref<128x128xbf16, #tpu.memory_space<hbm>>
        %dma_wait3A_484 = arith.constant 0 : i32
        %dma_wait3A_485 = arith.constant 0 : i32
        %dma_wait3A_486 = tpu.memref_slice %arg9[%dma_wait3A_470, %dma_wait3A_484, %dma_wait3A_485] : memref<4x128x128xbf16, #tpu.memory_space<vmem>> -> memref<1x128x128xbf16, #tpu.memory_space<vmem>>
        %dma_wait3A_487 = tpu.memref_squeeze %dma_wait3A_486 : memref<1x128x128xbf16, #tpu.memory_space<vmem>> -> memref<128x128xbf16, #tpu.memory_space<vmem>>
        tpu.wait_dma2 semaphore(%dma_wait3A_480 : memref<!tpu.dma_semaphore, #tpu.memory_space<semaphore_mem>>) src(%dma_wait3A_487 : memref<128x128xbf16, #tpu.memory_space<vmem>>) dst(%dma_wait3A_483 : memref<128x128xbf16, #tpu.memory_space<hbm>>)
        %dma_start3A_488 = arith.constant 0 : i32
        %dma_start3A_489 = arith.constant 0 : i32
        %dma_start3A_490 = arith.constant 0 : i32
        %dma_start3A_491 = arith.constant 0 : i32
        %dma_start3A_492 = tpu.memref_slice %arg9[%dma_start3A_488, %dma_start3A_490, %dma_start3A_491] : memref<4x128x128xbf16, #tpu.memory_space<vmem>> -> memref<1x128x128xbf16, #tpu.memory_space<vmem>>
        %dma_start3A_493 = tpu.memref_squeeze %dma_start3A_492 : memref<1x128x128xbf16, #tpu.memory_space<vmem>> -> memref<128x128xbf16, #tpu.memory_space<vmem>>
        %dma_start3A_494 = arith.constant 0 : i32
        %dma_start3A_495 = tpu.memref_slice %arg8[%add3A_434, %dma_start3A_494] : memref<40x128xi32, #tpu.memory_space<vmem>> -> memref<1x128xi32, #tpu.memory_space<vmem>>
        %dma_start3A_496 = tpu.memref_squeeze %dma_start3A_495 : memref<1x128xi32, #tpu.memory_space<vmem>> -> memref<128xi32, #tpu.memory_space<vmem>>
        %dma_start3A_497 = arith.constant 0 : i32
        %dma_start3A_498 = arith.constant 0 : i32
        %dma_start3A_499 = tpu.memref_slice %arg2[%dma_start3A_497, %dma_start3A_498] : memref<10112x128xbf16, #tpu.memory_space<hbm>> -> memref<10112x128xbf16, #tpu.memory_space<hbm>>
        %dma_start3A_500 = tpu.memref_slice %arg10[%dma_start3A_489] : memref<4x!tpu.dma_semaphore, #tpu.memory_space<semaphore_mem>> -> memref<1x!tpu.dma_semaphore, #tpu.memory_space<semaphore_mem>>
        %dma_start3A_501 = tpu.memref_squeeze %dma_start3A_500 : memref<1x!tpu.dma_semaphore, #tpu.memory_space<semaphore_mem>> -> memref<!tpu.dma_semaphore, #tpu.memory_space<semaphore_mem>>
        tpu.enqueue_indirect_dma source(%dma_start3A_499 : memref<10112x128xbf16, #tpu.memory_space<hbm>>) target(%dma_start3A_493 : memref<128x128xbf16, #tpu.memory_space<vmem>>) offsets(%dma_start3A_496 : memref<128xi32, #tpu.memory_space<vmem>>) semaphore(%dma_start3A_501 : memref<!tpu.dma_semaphore, #tpu.memory_space<semaphore_mem>>)
      } else {
      }
      %add3A_437 = arith.constant 1 : i32
      %add3A_438 = arith.addi %scan3A_276, %add3A_437 : i32
      %mul3A_439 = arith.constant 4 : i32
      %mul3A_440 = arith.muli %add3A_438, %mul3A_439 : i32
      %add3A_441 = arith.constant 1 : i32
      %add3A_442 = arith.addi %mul3A_440, %add3A_441 : i32
      %lt3A_443 = arith.constant 40 : i32
      %lt3A_444 = arith.cmpi slt, %add3A_442, %lt3A_443 : i32
      %convert_element_type3A_445 = arith.extui %lt3A_444 : i1 to i32
      %cond3A_446 = arith.constant 0 : i32
      %cond3A_447 = arith.cmpi ne, %convert_element_type3A_445, %cond3A_446 : i32
      scf.if %cond3A_447 {
        %dma_wait3A_470 = arith.constant 1 : i32
        %dma_wait3A_471 = arith.constant 1 : i32
        %dma_wait3A_472 = arith.constant 0 : i32
        %dma_wait3A_473 = arith.constant 0 : i32
        %dma_wait3A_474 = tpu.memref_slice %arg9[%dma_wait3A_470, %dma_wait3A_472, %dma_wait3A_473] : memref<4x128x128xbf16, #tpu.memory_space<vmem>> -> memref<1x128x128xbf16, #tpu.memory_space<vmem>>
        %dma_wait3A_475 = tpu.memref_squeeze %dma_wait3A_474 : memref<1x128x128xbf16, #tpu.memory_space<vmem>> -> memref<128x128xbf16, #tpu.memory_space<vmem>>
        %dma_wait3A_476 = arith.constant 0 : i32
        %dma_wait3A_477 = arith.constant 0 : i32
        %dma_wait3A_478 = tpu.memref_slice %arg6[%dma_wait3A_476, %dma_wait3A_477] : memref<163840x128xbf16, #tpu.memory_space<hbm>> -> memref<128x128xbf16, #tpu.memory_space<hbm>>
        %dma_wait3A_479 = tpu.memref_slice %arg11[%dma_wait3A_471] : memref<4x!tpu.dma_semaphore, #tpu.memory_space<semaphore_mem>> -> memref<1x!tpu.dma_semaphore, #tpu.memory_space<semaphore_mem>>
        %dma_wait3A_480 = tpu.memref_squeeze %dma_wait3A_479 : memref<1x!tpu.dma_semaphore, #tpu.memory_space<semaphore_mem>> -> memref<!tpu.dma_semaphore, #tpu.memory_space<semaphore_mem>>
        %dma_wait3A_481 = arith.constant 0 : i32
        %dma_wait3A_482 = arith.constant 0 : i32
        %dma_wait3A_483 = tpu.memref_slice %arg6[%dma_wait3A_481, %dma_wait3A_482] : memref<163840x128xbf16, #tpu.memory_space<hbm>> -> memref<128x128xbf16, #tpu.memory_space<hbm>>
        %dma_wait3A_484 = arith.constant 0 : i32
        %dma_wait3A_485 = arith.constant 0 : i32
        %dma_wait3A_486 = tpu.memref_slice %arg9[%dma_wait3A_470, %dma_wait3A_484, %dma_wait3A_485] : memref<4x128x128xbf16, #tpu.memory_space<vmem>> -> memref<1x128x128xbf16, #tpu.memory_space<vmem>>
        %dma_wait3A_487 = tpu.memref_squeeze %dma_wait3A_486 : memref<1x128x128xbf16, #tpu.memory_space<vmem>> -> memref<128x128xbf16, #tpu.memory_space<vmem>>
        tpu.wait_dma2 semaphore(%dma_wait3A_480 : memref<!tpu.dma_semaphore, #tpu.memory_space<semaphore_mem>>) src(%dma_wait3A_487 : memref<128x128xbf16, #tpu.memory_space<vmem>>) dst(%dma_wait3A_483 : memref<128x128xbf16, #tpu.memory_space<hbm>>)
        %dma_start3A_488 = arith.constant 1 : i32
        %dma_start3A_489 = arith.constant 1 : i32
        %dma_start3A_490 = arith.constant 0 : i32
        %dma_start3A_491 = arith.constant 0 : i32
        %dma_start3A_492 = tpu.memref_slice %arg9[%dma_start3A_488, %dma_start3A_490, %dma_start3A_491] : memref<4x128x128xbf16, #tpu.memory_space<vmem>> -> memref<1x128x128xbf16, #tpu.memory_space<vmem>>
        %dma_start3A_493 = tpu.memref_squeeze %dma_start3A_492 : memref<1x128x128xbf16, #tpu.memory_space<vmem>> -> memref<128x128xbf16, #tpu.memory_space<vmem>>
        %dma_start3A_494 = arith.constant 0 : i32
        %dma_start3A_495 = tpu.memref_slice %arg8[%add3A_442, %dma_start3A_494] : memref<40x128xi32, #tpu.memory_space<vmem>> -> memref<1x128xi32, #tpu.memory_space<vmem>>
        %dma_start3A_496 = tpu.memref_squeeze %dma_start3A_495 : memref<1x128xi32, #tpu.memory_space<vmem>> -> memref<128xi32, #tpu.memory_space<vmem>>
        %dma_start3A_497 = arith.constant 0 : i32
        %dma_start3A_498 = arith.constant 0 : i32
        %dma_start3A_499 = tpu.memref_slice %arg2[%dma_start3A_497, %dma_start3A_498] : memref<10112x128xbf16, #tpu.memory_space<hbm>> -> memref<10112x128xbf16, #tpu.memory_space<hbm>>
        %dma_start3A_500 = tpu.memref_slice %arg10[%dma_start3A_489] : memref<4x!tpu.dma_semaphore, #tpu.memory_space<semaphore_mem>> -> memref<1x!tpu.dma_semaphore, #tpu.memory_space<semaphore_mem>>
        %dma_start3A_501 = tpu.memref_squeeze %dma_start3A_500 : memref<1x!tpu.dma_semaphore, #tpu.memory_space<semaphore_mem>> -> memref<!tpu.dma_semaphore, #tpu.memory_space<semaphore_mem>>
        tpu.enqueue_indirect_dma source(%dma_start3A_499 : memref<10112x128xbf16, #tpu.memory_space<hbm>>) target(%dma_start3A_493 : memref<128x128xbf16, #tpu.memory_space<vmem>>) offsets(%dma_start3A_496 : memref<128xi32, #tpu.memory_space<vmem>>) semaphore(%dma_start3A_501 : memref<!tpu.dma_semaphore, #tpu.memory_space<semaphore_mem>>)
      } else {
      }
      %add3A_448 = arith.constant 1 : i32
      %add3A_449 = arith.addi %scan3A_276, %add3A_448 : i32
      %mul3A_450 = arith.constant 4 : i32
      %mul3A_451 = arith.muli %add3A_449, %mul3A_450 : i32
      %add3A_452 = arith.constant 2 : i32
      %add3A_453 = arith.addi %mul3A_451, %add3A_452 : i32
      %lt3A_454 = arith.constant 40 : i32
      %lt3A_455 = arith.cmpi slt, %add3A_453, %lt3A_454 : i32
      %convert_element_type3A_456 = arith.extui %lt3A_455 : i1 to i32
      %cond3A_457 = arith.constant 0 : i32
      %cond3A_458 = arith.cmpi ne, %convert_element_type3A_456, %cond3A_457 : i32
      scf.if %cond3A_458 {
        %dma_wait3A_470 = arith.constant 2 : i32
        %dma_wait3A_471 = arith.constant 2 : i32
        %dma_wait3A_472 = arith.constant 0 : i32
        %dma_wait3A_473 = arith.constant 0 : i32
        %dma_wait3A_474 = tpu.memref_slice %arg9[%dma_wait3A_470, %dma_wait3A_472, %dma_wait3A_473] : memref<4x128x128xbf16, #tpu.memory_space<vmem>> -> memref<1x128x128xbf16, #tpu.memory_space<vmem>>
        %dma_wait3A_475 = tpu.memref_squeeze %dma_wait3A_474 : memref<1x128x128xbf16, #tpu.memory_space<vmem>> -> memref<128x128xbf16, #tpu.memory_space<vmem>>
        %dma_wait3A_476 = arith.constant 0 : i32
        %dma_wait3A_477 = arith.constant 0 : i32
        %dma_wait3A_478 = tpu.memref_slice %arg6[%dma_wait3A_476, %dma_wait3A_477] : memref<163840x128xbf16, #tpu.memory_space<hbm>> -> memref<128x128xbf16, #tpu.memory_space<hbm>>
        %dma_wait3A_479 = tpu.memref_slice %arg11[%dma_wait3A_471] : memref<4x!tpu.dma_semaphore, #tpu.memory_space<semaphore_mem>> -> memref<1x!tpu.dma_semaphore, #tpu.memory_space<semaphore_mem>>
        %dma_wait3A_480 = tpu.memref_squeeze %dma_wait3A_479 : memref<1x!tpu.dma_semaphore, #tpu.memory_space<semaphore_mem>> -> memref<!tpu.dma_semaphore, #tpu.memory_space<semaphore_mem>>
        %dma_wait3A_481 = arith.constant 0 : i32
        %dma_wait3A_482 = arith.constant 0 : i32
        %dma_wait3A_483 = tpu.memref_slice %arg6[%dma_wait3A_481, %dma_wait3A_482] : memref<163840x128xbf16, #tpu.memory_space<hbm>> -> memref<128x128xbf16, #tpu.memory_space<hbm>>
        %dma_wait3A_484 = arith.constant 0 : i32
        %dma_wait3A_485 = arith.constant 0 : i32
        %dma_wait3A_486 = tpu.memref_slice %arg9[%dma_wait3A_470, %dma_wait3A_484, %dma_wait3A_485] : memref<4x128x128xbf16, #tpu.memory_space<vmem>> -> memref<1x128x128xbf16, #tpu.memory_space<vmem>>
        %dma_wait3A_487 = tpu.memref_squeeze %dma_wait3A_486 : memref<1x128x128xbf16, #tpu.memory_space<vmem>> -> memref<128x128xbf16, #tpu.memory_space<vmem>>
        tpu.wait_dma2 semaphore(%dma_wait3A_480 : memref<!tpu.dma_semaphore, #tpu.memory_space<semaphore_mem>>) src(%dma_wait3A_487 : memref<128x128xbf16, #tpu.memory_space<vmem>>) dst(%dma_wait3A_483 : memref<128x128xbf16, #tpu.memory_space<hbm>>)
        %dma_start3A_488 = arith.constant 2 : i32
        %dma_start3A_489 = arith.constant 2 : i32
        %dma_start3A_490 = arith.constant 0 : i32
        %dma_start3A_491 = arith.constant 0 : i32
        %dma_start3A_492 = tpu.memref_slice %arg9[%dma_start3A_488, %dma_start3A_490, %dma_start3A_491] : memref<4x128x128xbf16, #tpu.memory_space<vmem>> -> memref<1x128x128xbf16, #tpu.memory_space<vmem>>
        %dma_start3A_493 = tpu.memref_squeeze %dma_start3A_492 : memref<1x128x128xbf16, #tpu.memory_space<vmem>> -> memref<128x128xbf16, #tpu.memory_space<vmem>>
        %dma_start3A_494 = arith.constant 0 : i32
        %dma_start3A_495 = tpu.memref_slice %arg8[%add3A_453, %dma_start3A_494] : memref<40x128xi32, #tpu.memory_space<vmem>> -> memref<1x128xi32, #tpu.memory_space<vmem>>
        %dma_start3A_496 = tpu.memref_squeeze %dma_start3A_495 : memref<1x128xi32, #tpu.memory_space<vmem>> -> memref<128xi32, #tpu.memory_space<vmem>>
        %dma_start3A_497 = arith.constant 0 : i32
        %dma_start3A_498 = arith.constant 0 : i32
        %dma_start3A_499 = tpu.memref_slice %arg2[%dma_start3A_497, %dma_start3A_498] : memref<10112x128xbf16, #tpu.memory_space<hbm>> -> memref<10112x128xbf16, #tpu.memory_space<hbm>>
        %dma_start3A_500 = tpu.memref_slice %arg10[%dma_start3A_489] : memref<4x!tpu.dma_semaphore, #tpu.memory_space<semaphore_mem>> -> memref<1x!tpu.dma_semaphore, #tpu.memory_space<semaphore_mem>>
        %dma_start3A_501 = tpu.memref_squeeze %dma_start3A_500 : memref<1x!tpu.dma_semaphore, #tpu.memory_space<semaphore_mem>> -> memref<!tpu.dma_semaphore, #tpu.memory_space<semaphore_mem>>
        tpu.enqueue_indirect_dma source(%dma_start3A_499 : memref<10112x128xbf16, #tpu.memory_space<hbm>>) target(%dma_start3A_493 : memref<128x128xbf16, #tpu.memory_space<vmem>>) offsets(%dma_start3A_496 : memref<128xi32, #tpu.memory_space<vmem>>) semaphore(%dma_start3A_501 : memref<!tpu.dma_semaphore, #tpu.memory_space<semaphore_mem>>)
      } else {
      }
      %add3A_459 = arith.constant 1 : i32
      %add3A_460 = arith.addi %scan3A_276, %add3A_459 : i32
      %mul3A_461 = arith.constant 4 : i32
      %mul3A_462 = arith.muli %add3A_460, %mul3A_461 : i32
      %add3A_463 = arith.constant 3 : i32
      %add3A_464 = arith.addi %mul3A_462, %add3A_463 : i32
      %lt3A_465 = arith.constant 40 : i32
      %lt3A_466 = arith.cmpi slt, %add3A_464, %lt3A_465 : i32
      %convert_element_type3A_467 = arith.extui %lt3A_466 : i1 to i32
      %cond3A_468 = arith.constant 0 : i32
      %cond3A_469 = arith.cmpi ne, %convert_element_type3A_467, %cond3A_468 : i32
      scf.if %cond3A_469 {
        %dma_wait3A_470 = arith.constant 3 : i32
        %dma_wait3A_471 = arith.constant 3 : i32
        %dma_wait3A_472 = arith.constant 0 : i32
        %dma_wait3A_473 = arith.constant 0 : i32
        %dma_wait3A_474 = tpu.memref_slice %arg9[%dma_wait3A_470, %dma_wait3A_472, %dma_wait3A_473] : memref<4x128x128xbf16, #tpu.memory_space<vmem>> -> memref<1x128x128xbf16, #tpu.memory_space<vmem>>
        %dma_wait3A_475 = tpu.memref_squeeze %dma_wait3A_474 : memref<1x128x128xbf16, #tpu.memory_space<vmem>> -> memref<128x128xbf16, #tpu.memory_space<vmem>>
        %dma_wait3A_476 = arith.constant 0 : i32
        %dma_wait3A_477 = arith.constant 0 : i32
        %dma_wait3A_478 = tpu.memref_slice %arg6[%dma_wait3A_476, %dma_wait3A_477] : memref<163840x128xbf16, #tpu.memory_space<hbm>> -> memref<128x128xbf16, #tpu.memory_space<hbm>>
        %dma_wait3A_479 = tpu.memref_slice %arg11[%dma_wait3A_471] : memref<4x!tpu.dma_semaphore, #tpu.memory_space<semaphore_mem>> -> memref<1x!tpu.dma_semaphore, #tpu.memory_space<semaphore_mem>>
        %dma_wait3A_480 = tpu.memref_squeeze %dma_wait3A_479 : memref<1x!tpu.dma_semaphore, #tpu.memory_space<semaphore_mem>> -> memref<!tpu.dma_semaphore, #tpu.memory_space<semaphore_mem>>
        %dma_wait3A_481 = arith.constant 0 : i32
        %dma_wait3A_482 = arith.constant 0 : i32
        %dma_wait3A_483 = tpu.memref_slice %arg6[%dma_wait3A_481, %dma_wait3A_482] : memref<163840x128xbf16, #tpu.memory_space<hbm>> -> memref<128x128xbf16, #tpu.memory_space<hbm>>
        %dma_wait3A_484 = arith.constant 0 : i32
        %dma_wait3A_485 = arith.constant 0 : i32
        %dma_wait3A_486 = tpu.memref_slice %arg9[%dma_wait3A_470, %dma_wait3A_484, %dma_wait3A_485] : memref<4x128x128xbf16, #tpu.memory_space<vmem>> -> memref<1x128x128xbf16, #tpu.memory_space<vmem>>
        %dma_wait3A_487 = tpu.memref_squeeze %dma_wait3A_486 : memref<1x128x128xbf16, #tpu.memory_space<vmem>> -> memref<128x128xbf16, #tpu.memory_space<vmem>>
        tpu.wait_dma2 semaphore(%dma_wait3A_480 : memref<!tpu.dma_semaphore, #tpu.memory_space<semaphore_mem>>) src(%dma_wait3A_487 : memref<128x128xbf16, #tpu.memory_space<vmem>>) dst(%dma_wait3A_483 : memref<128x128xbf16, #tpu.memory_space<hbm>>)
        %dma_start3A_488 = arith.constant 3 : i32
        %dma_start3A_489 = arith.constant 3 : i32
        %dma_start3A_490 = arith.constant 0 : i32
        %dma_start3A_491 = arith.constant 0 : i32
        %dma_start3A_492 = tpu.memref_slice %arg9[%dma_start3A_488, %dma_start3A_490, %dma_start3A_491] : memref<4x128x128xbf16, #tpu.memory_space<vmem>> -> memref<1x128x128xbf16, #tpu.memory_space<vmem>>
        %dma_start3A_493 = tpu.memref_squeeze %dma_start3A_492 : memref<1x128x128xbf16, #tpu.memory_space<vmem>> -> memref<128x128xbf16, #tpu.memory_space<vmem>>
        %dma_start3A_494 = arith.constant 0 : i32
        %dma_start3A_495 = tpu.memref_slice %arg8[%add3A_464, %dma_start3A_494] : memref<40x128xi32, #tpu.memory_space<vmem>> -> memref<1x128xi32, #tpu.memory_space<vmem>>
        %dma_start3A_496 = tpu.memref_squeeze %dma_start3A_495 : memref<1x128xi32, #tpu.memory_space<vmem>> -> memref<128xi32, #tpu.memory_space<vmem>>
        %dma_start3A_497 = arith.constant 0 : i32
        %dma_start3A_498 = arith.constant 0 : i32
        %dma_start3A_499 = tpu.memref_slice %arg2[%dma_start3A_497, %dma_start3A_498] : memref<10112x128xbf16, #tpu.memory_space<hbm>> -> memref<10112x128xbf16, #tpu.memory_space<hbm>>
        %dma_start3A_500 = tpu.memref_slice %arg10[%dma_start3A_489] : memref<4x!tpu.dma_semaphore, #tpu.memory_space<semaphore_mem>> -> memref<1x!tpu.dma_semaphore, #tpu.memory_space<semaphore_mem>>
        %dma_start3A_501 = tpu.memref_squeeze %dma_start3A_500 : memref<1x!tpu.dma_semaphore, #tpu.memory_space<semaphore_mem>> -> memref<!tpu.dma_semaphore, #tpu.memory_space<semaphore_mem>>
        tpu.enqueue_indirect_dma source(%dma_start3A_499 : memref<10112x128xbf16, #tpu.memory_space<hbm>>) target(%dma_start3A_493 : memref<128x128xbf16, #tpu.memory_space<vmem>>) offsets(%dma_start3A_496 : memref<128xi32, #tpu.memory_space<vmem>>) semaphore(%dma_start3A_501 : memref<!tpu.dma_semaphore, #tpu.memory_space<semaphore_mem>>)
      } else {
      }
    }
    %scan3A_203 = arith.constant 10 : i32
    %dma_wait3A_204 = arith.constant 0 : i32
    %dma_wait3A_205 = arith.constant 0 : i32
    %dma_wait3A_206 = arith.constant 0 : i32
    %dma_wait3A_207 = arith.constant 0 : i32
    %dma_wait3A_208 = tpu.memref_slice %arg9[%dma_wait3A_204, %dma_wait3A_206, %dma_wait3A_207] : memref<4x128x128xbf16, #tpu.memory_space<vmem>> -> memref<1x128x128xbf16, #tpu.memory_space<vmem>>
    %dma_wait3A_209 = tpu.memref_squeeze %dma_wait3A_208 : memref<1x128x128xbf16, #tpu.memory_space<vmem>> -> memref<128x128xbf16, #tpu.memory_space<vmem>>
    %dma_wait3A_210 = arith.constant 0 : i32
    %dma_wait3A_211 = arith.constant 0 : i32
    %dma_wait3A_212 = tpu.memref_slice %arg6[%dma_wait3A_210, %dma_wait3A_211] : memref<163840x128xbf16, #tpu.memory_space<hbm>> -> memref<128x128xbf16, #tpu.memory_space<hbm>>
    %dma_wait3A_213 = tpu.memref_slice %arg11[%dma_wait3A_205] : memref<4x!tpu.dma_semaphore, #tpu.memory_space<semaphore_mem>> -> memref<1x!tpu.dma_semaphore, #tpu.memory_space<semaphore_mem>>
    %dma_wait3A_214 = tpu.memref_squeeze %dma_wait3A_213 : memref<1x!tpu.dma_semaphore, #tpu.memory_space<semaphore_mem>> -> memref<!tpu.dma_semaphore, #tpu.memory_space<semaphore_mem>>
    %dma_wait3A_215 = arith.constant 0 : i32
    %dma_wait3A_216 = arith.constant 0 : i32
    %dma_wait3A_217 = tpu.memref_slice %arg6[%dma_wait3A_215, %dma_wait3A_216] : memref<163840x128xbf16, #tpu.memory_space<hbm>> -> memref<128x128xbf16, #tpu.memory_space<hbm>>
    %dma_wait3A_218 = arith.constant 0 : i32
    %dma_wait3A_219 = arith.constant 0 : i32
    %dma_wait3A_220 = tpu.memref_slice %arg9[%dma_wait3A_204, %dma_wait3A_218, %dma_wait3A_219] : memref<4x128x128xbf16, #tpu.memory_space<vmem>> -> memref<1x128x128xbf16, #tpu.memory_space<vmem>>
    %dma_wait3A_221 = tpu.memref_squeeze %dma_wait3A_220 : memref<1x128x128xbf16, #tpu.memory_space<vmem>> -> memref<128x128xbf16, #tpu.memory_space<vmem>>
    tpu.wait_dma2 semaphore(%dma_wait3A_214 : memref<!tpu.dma_semaphore, #tpu.memory_space<semaphore_mem>>) src(%dma_wait3A_221 : memref<128x128xbf16, #tpu.memory_space<vmem>>) dst(%dma_wait3A_217 : memref<128x128xbf16, #tpu.memory_space<hbm>>)
    %dma_wait3A_222 = arith.constant 1 : i32
    %dma_wait3A_223 = arith.constant 1 : i32
    %dma_wait3A_224 = arith.constant 0 : i32
    %dma_wait3A_225 = arith.constant 0 : i32
    %dma_wait3A_226 = tpu.memref_slice %arg9[%dma_wait3A_222, %dma_wait3A_224, %dma_wait3A_225] : memref<4x128x128xbf16, #tpu.memory_space<vmem>> -> memref<1x128x128xbf16, #tpu.memory_space<vmem>>
    %dma_wait3A_227 = tpu.memref_squeeze %dma_wait3A_226 : memref<1x128x128xbf16, #tpu.memory_space<vmem>> -> memref<128x128xbf16, #tpu.memory_space<vmem>>
    %dma_wait3A_228 = arith.constant 0 : i32
    %dma_wait3A_229 = arith.constant 0 : i32
    %dma_wait3A_230 = tpu.memref_slice %arg6[%dma_wait3A_228, %dma_wait3A_229] : memref<163840x128xbf16, #tpu.memory_space<hbm>> -> memref<128x128xbf16, #tpu.memory_space<hbm>>
    %dma_wait3A_231 = tpu.memref_slice %arg11[%dma_wait3A_223] : memref<4x!tpu.dma_semaphore, #tpu.memory_space<semaphore_mem>> -> memref<1x!tpu.dma_semaphore, #tpu.memory_space<semaphore_mem>>
    %dma_wait3A_232 = tpu.memref_squeeze %dma_wait3A_231 : memref<1x!tpu.dma_semaphore, #tpu.memory_space<semaphore_mem>> -> memref<!tpu.dma_semaphore, #tpu.memory_space<semaphore_mem>>
    %dma_wait3A_233 = arith.constant 0 : i32
    %dma_wait3A_234 = arith.constant 0 : i32
    %dma_wait3A_235 = tpu.memref_slice %arg6[%dma_wait3A_233, %dma_wait3A_234] : memref<163840x128xbf16, #tpu.memory_space<hbm>> -> memref<128x128xbf16, #tpu.memory_space<hbm>>
    %dma_wait3A_236 = arith.constant 0 : i32
    %dma_wait3A_237 = arith.constant 0 : i32
    %dma_wait3A_238 = tpu.memref_slice %arg9[%dma_wait3A_222, %dma_wait3A_236, %dma_wait3A_237] : memref<4x128x128xbf16, #tpu.memory_space<vmem>> -> memref<1x128x128xbf16, #tpu.memory_space<vmem>>
    %dma_wait3A_239 = tpu.memref_squeeze %dma_wait3A_238 : memref<1x128x128xbf16, #tpu.memory_space<vmem>> -> memref<128x128xbf16, #tpu.memory_space<vmem>>
    tpu.wait_dma2 semaphore(%dma_wait3A_232 : memref<!tpu.dma_semaphore, #tpu.memory_space<semaphore_mem>>) src(%dma_wait3A_239 : memref<128x128xbf16, #tpu.memory_space<vmem>>) dst(%dma_wait3A_235 : memref<128x128xbf16, #tpu.memory_space<hbm>>)
    %dma_wait3A_240 = arith.constant 2 : i32
    %dma_wait3A_241 = arith.constant 2 : i32
    %dma_wait3A_242 = arith.constant 0 : i32
    %dma_wait3A_243 = arith.constant 0 : i32
    %dma_wait3A_244 = tpu.memref_slice %arg9[%dma_wait3A_240, %dma_wait3A_242, %dma_wait3A_243] : memref<4x128x128xbf16, #tpu.memory_space<vmem>> -> memref<1x128x128xbf16, #tpu.memory_space<vmem>>
    %dma_wait3A_245 = tpu.memref_squeeze %dma_wait3A_244 : memref<1x128x128xbf16, #tpu.memory_space<vmem>> -> memref<128x128xbf16, #tpu.memory_space<vmem>>
    %dma_wait3A_246 = arith.constant 0 : i32
    %dma_wait3A_247 = arith.constant 0 : i32
    %dma_wait3A_248 = tpu.memref_slice %arg6[%dma_wait3A_246, %dma_wait3A_247] : memref<163840x128xbf16, #tpu.memory_space<hbm>> -> memref<128x128xbf16, #tpu.memory_space<hbm>>
    %dma_wait3A_249 = tpu.memref_slice %arg11[%dma_wait3A_241] : memref<4x!tpu.dma_semaphore, #tpu.memory_space<semaphore_mem>> -> memref<1x!tpu.dma_semaphore, #tpu.memory_space<semaphore_mem>>
    %dma_wait3A_250 = tpu.memref_squeeze %dma_wait3A_249 : memref<1x!tpu.dma_semaphore, #tpu.memory_space<semaphore_mem>> -> memref<!tpu.dma_semaphore, #tpu.memory_space<semaphore_mem>>
    %dma_wait3A_251 = arith.constant 0 : i32
    %dma_wait3A_252 = arith.constant 0 : i32
    %dma_wait3A_253 = tpu.memref_slice %arg6[%dma_wait3A_251, %dma_wait3A_252] : memref<163840x128xbf16, #tpu.memory_space<hbm>> -> memref<128x128xbf16, #tpu.memory_space<hbm>>
    %dma_wait3A_254 = arith.constant 0 : i32
    %dma_wait3A_255 = arith.constant 0 : i32
    %dma_wait3A_256 = tpu.memref_slice %arg9[%dma_wait3A_240, %dma_wait3A_254, %dma_wait3A_255] : memref<4x128x128xbf16, #tpu.memory_space<vmem>> -> memref<1x128x128xbf16, #tpu.memory_space<vmem>>
    %dma_wait3A_257 = tpu.memref_squeeze %dma_wait3A_256 : memref<1x128x128xbf16, #tpu.memory_space<vmem>> -> memref<128x128xbf16, #tpu.memory_space<vmem>>
    tpu.wait_dma2 semaphore(%dma_wait3A_250 : memref<!tpu.dma_semaphore, #tpu.memory_space<semaphore_mem>>) src(%dma_wait3A_257 : memref<128x128xbf16, #tpu.memory_space<vmem>>) dst(%dma_wait3A_253 : memref<128x128xbf16, #tpu.memory_space<hbm>>)
    %dma_wait3A_258 = arith.constant 3 : i32
    %dma_wait3A_259 = arith.constant 3 : i32
    %dma_wait3A_260 = arith.constant 0 : i32
    %dma_wait3A_261 = arith.constant 0 : i32
    %dma_wait3A_262 = tpu.memref_slice %arg9[%dma_wait3A_258, %dma_wait3A_260, %dma_wait3A_261] : memref<4x128x128xbf16, #tpu.memory_space<vmem>> -> memref<1x128x128xbf16, #tpu.memory_space<vmem>>
    %dma_wait3A_263 = tpu.memref_squeeze %dma_wait3A_262 : memref<1x128x128xbf16, #tpu.memory_space<vmem>> -> memref<128x128xbf16, #tpu.memory_space<vmem>>
    %dma_wait3A_264 = arith.constant 0 : i32
    %dma_wait3A_265 = arith.constant 0 : i32
    %dma_wait3A_266 = tpu.memref_slice %arg6[%dma_wait3A_264, %dma_wait3A_265] : memref<163840x128xbf16, #tpu.memory_space<hbm>> -> memref<128x128xbf16, #tpu.memory_space<hbm>>
    %dma_wait3A_267 = tpu.memref_slice %arg11[%dma_wait3A_259] : memref<4x!tpu.dma_semaphore, #tpu.memory_space<semaphore_mem>> -> memref<1x!tpu.dma_semaphore, #tpu.memory_space<semaphore_mem>>
    %dma_wait3A_268 = tpu.memref_squeeze %dma_wait3A_267 : memref<1x!tpu.dma_semaphore, #tpu.memory_space<semaphore_mem>> -> memref<!tpu.dma_semaphore, #tpu.memory_space<semaphore_mem>>
    %dma_wait3A_269 = arith.constant 0 : i32
    %dma_wait3A_270 = arith.constant 0 : i32
    %dma_wait3A_271 = tpu.memref_slice %arg6[%dma_wait3A_269, %dma_wait3A_270] : memref<163840x128xbf16, #tpu.memory_space<hbm>> -> memref<128x128xbf16, #tpu.memory_space<hbm>>
    %dma_wait3A_272 = arith.constant 0 : i32
    %dma_wait3A_273 = arith.constant 0 : i32
    %dma_wait3A_274 = tpu.memref_slice %arg9[%dma_wait3A_258, %dma_wait3A_272, %dma_wait3A_273] : memref<4x128x128xbf16, #tpu.memory_space<vmem>> -> memref<1x128x128xbf16, #tpu.memory_space<vmem>>
    %dma_wait3A_275 = tpu.memref_squeeze %dma_wait3A_274 : memref<1x128x128xbf16, #tpu.memory_space<vmem>> -> memref<128x128xbf16, #tpu.memory_space<vmem>>
    tpu.wait_dma2 semaphore(%dma_wait3A_268 : memref<!tpu.dma_semaphore, #tpu.memory_space<semaphore_mem>>) src(%dma_wait3A_275 : memref<128x128xbf16, #tpu.memory_space<vmem>>) dst(%dma_wait3A_271 : memref<128x128xbf16, #tpu.memory_space<hbm>>)
    return
  }
}

#map = affine_map<(d0, d1) -> (0, 0)>
#map1 = affine_map<(d0, d1) -> (0, 0, 0)>
module attributes {stable_mosaic.version = 14 : i64} {
  func.func @k(%arg0: i32, %arg1: i32, %arg2: memref<163840x32xf32, #tpu.memory_space<hbm>>, %arg3: memref<16x80x128xi32, #tpu.memory_space<hbm>>, %arg4: memref<632x32xf32, #tpu.memory_space<hbm>>, %arg5: memref<2x10112x32xf32, #tpu.memory_space<hbm>>, %arg6: memref<80x128xi32, #tpu.memory_space<vmem>>, %arg7: memref<4x128x32xf32, #tpu.memory_space<vmem>>, %arg8: memref<10112x32xf32, #tpu.memory_space<vmem_shared>>, %arg9: memref<4x!tpu.dma_semaphore, #tpu.memory_space<semaphore_mem>>, %arg10: memref<4x!tpu.dma_semaphore, #tpu.memory_space<semaphore_mem>>) attributes {dimension_semantics = [#tpu.dimension_semantics<core_parallel>, #tpu.dimension_semantics<subcore_parallel>], iteration_bounds = array<i64: 2, 16>, scalar_prefetch = 0 : i64, scratch_operands = 5 : i64, tpu.core_type = #tpu.core_type<sc_vector_subcore>, window_params = [{transform_indices = #map}, {transform_indices = #map1}, {transform_indices = #map}, {transform_indices = #map1}]} {
    %mul3A = arith.constant 10240 : i32
    %mul3A_0 = arith.muli %arg1, %mul3A : i32
    %mul3A_1 = arith.constant 5120 : i32
    %mul3A_2 = arith.muli %arg0, %mul3A_1 : i32
    %add3A = arith.addi %mul3A_0, %mul3A_2 : i32
    %mul3A_3 = arith.constant 40 : i32
    %mul3A_4 = arith.muli %arg0, %mul3A_3 : i32
    "tpu.region"() ({
      %run_scoped3A = tpu.sem_alloc : memref<!tpu.dma_semaphore, #tpu.memory_space<semaphore_mem>>
      %dma_start3A_159 = arith.constant 0 : i32
      %dma_start3A_160 = arith.constant 0 : i32
      %dma_start3A_161 = tpu.memref_slice %arg3[%arg1, %dma_start3A_159, %dma_start3A_160] : memref<16x80x128xi32, #tpu.memory_space<hbm>> -> memref<1x80x128xi32, #tpu.memory_space<hbm>>
      %dma_start3A_162 = tpu.memref_squeeze %dma_start3A_161 : memref<1x80x128xi32, #tpu.memory_space<hbm>> -> memref<80x128xi32, #tpu.memory_space<hbm>>
      %dma_start3A_163 = arith.constant 0 : i32
      %dma_start3A_164 = arith.constant 0 : i32
      %dma_start3A_165 = tpu.memref_slice %arg3[%arg1, %dma_start3A_163, %dma_start3A_164] : memref<16x80x128xi32, #tpu.memory_space<hbm>> -> memref<1x80x128xi32, #tpu.memory_space<hbm>>
      %dma_start3A_166 = tpu.memref_squeeze %dma_start3A_165 : memref<1x80x128xi32, #tpu.memory_space<hbm>> -> memref<80x128xi32, #tpu.memory_space<hbm>>
      tpu.enqueue_dma source(%dma_start3A_166 : memref<80x128xi32, #tpu.memory_space<hbm>>) target(%arg6 : memref<80x128xi32, #tpu.memory_space<vmem>>) target_semaphore(%run_scoped3A : memref<!tpu.dma_semaphore, #tpu.memory_space<semaphore_mem>>)
      %dma_wait3A_167 = arith.constant 0 : i32
      %dma_wait3A_168 = arith.constant 0 : i32
      %dma_wait3A_169 = tpu.memref_slice %arg3[%arg1, %dma_wait3A_167, %dma_wait3A_168] : memref<16x80x128xi32, #tpu.memory_space<hbm>> -> memref<1x80x128xi32, #tpu.memory_space<hbm>>
      %dma_wait3A_170 = tpu.memref_squeeze %dma_wait3A_169 : memref<1x80x128xi32, #tpu.memory_space<hbm>> -> memref<80x128xi32, #tpu.memory_space<hbm>>
      %dma_wait3A_171 = arith.constant 0 : i32
      %dma_wait3A_172 = arith.constant 0 : i32
      %dma_wait3A_173 = tpu.memref_slice %arg3[%arg1, %dma_wait3A_171, %dma_wait3A_172] : memref<16x80x128xi32, #tpu.memory_space<hbm>> -> memref<1x80x128xi32, #tpu.memory_space<hbm>>
      %dma_wait3A_174 = tpu.memref_squeeze %dma_wait3A_173 : memref<1x80x128xi32, #tpu.memory_space<hbm>> -> memref<80x128xi32, #tpu.memory_space<hbm>>
      tpu.wait_dma2 semaphore(%run_scoped3A : memref<!tpu.dma_semaphore, #tpu.memory_space<semaphore_mem>>) src(%dma_wait3A_174 : memref<80x128xi32, #tpu.memory_space<hbm>>) dst(%arg6 : memref<80x128xi32, #tpu.memory_space<vmem>>)
      tpu.yield
    }) : () -> ()
    %mul3A_5 = arith.constant 632 : i32
    %mul3A_6 = arith.muli %arg1, %mul3A_5 : i32
    "tpu.region"() ({
      %run_scoped3A = tpu.sem_alloc : memref<!tpu.dma_semaphore, #tpu.memory_space<semaphore_mem>>
      %dma_start3A_159 = arith.constant 0 : i32
      %dma_start3A_160 = tpu.memref_slice %arg8[%mul3A_6, %dma_start3A_159] : memref<10112x32xf32, #tpu.memory_space<vmem_shared>> -> memref<632x32xf32, #tpu.memory_space<vmem_shared>>
      tpu.enqueue_dma source(%arg4 : memref<632x32xf32, #tpu.memory_space<hbm>>) target(%dma_start3A_160 : memref<632x32xf32, #tpu.memory_space<vmem_shared>>) target_semaphore(%run_scoped3A : memref<!tpu.dma_semaphore, #tpu.memory_space<semaphore_mem>>)
      %dma_wait3A_161 = arith.constant 0 : i32
      %dma_wait3A_162 = tpu.memref_slice %arg8[%mul3A_6, %dma_wait3A_161] : memref<10112x32xf32, #tpu.memory_space<vmem_shared>> -> memref<632x32xf32, #tpu.memory_space<vmem_shared>>
      tpu.wait_dma2 semaphore(%run_scoped3A : memref<!tpu.dma_semaphore, #tpu.memory_space<semaphore_mem>>) src(%arg4 : memref<632x32xf32, #tpu.memory_space<hbm>>) dst(%dma_wait3A_162 : memref<632x32xf32, #tpu.memory_space<vmem_shared>>)
      tpu.yield
    }) : () -> ()
    %barrier3A = arith.constant 0 : index
    tpu.barrier barrier_id(%barrier3A)
    %add3A_7 = arith.constant 0 : i32
    %add3A_8 = arith.addi %add3A, %add3A_7 : i32
    %dma_start3A = arith.constant 0 : i32
    %dma_start3A_9 = arith.constant 0 : i32
    %dma_start3A_10 = arith.constant 0 : i32
    %dma_start3A_11 = arith.constant 0 : i32
    %dma_start3A_12 = tpu.memref_slice %arg7[%dma_start3A, %dma_start3A_10, %dma_start3A_11] : memref<4x128x32xf32, #tpu.memory_space<vmem>> -> memref<1x128x32xf32, #tpu.memory_space<vmem>>
    %dma_start3A_13 = tpu.memref_squeeze %dma_start3A_12 : memref<1x128x32xf32, #tpu.memory_space<vmem>> -> memref<128x32xf32, #tpu.memory_space<vmem>>
    %dma_start3A_14 = arith.constant 0 : i32
    %dma_start3A_15 = tpu.memref_slice %arg2[%add3A_8, %dma_start3A_14] : memref<163840x32xf32, #tpu.memory_space<hbm>> -> memref<128x32xf32, #tpu.memory_space<hbm>>
    %dma_start3A_16 = tpu.memref_slice %arg9[%dma_start3A_9] : memref<4x!tpu.dma_semaphore, #tpu.memory_space<semaphore_mem>> -> memref<1x!tpu.dma_semaphore, #tpu.memory_space<semaphore_mem>>
    %dma_start3A_17 = tpu.memref_squeeze %dma_start3A_16 : memref<1x!tpu.dma_semaphore, #tpu.memory_space<semaphore_mem>> -> memref<!tpu.dma_semaphore, #tpu.memory_space<semaphore_mem>>
    %dma_start3A_18 = arith.constant 0 : i32
    %dma_start3A_19 = arith.constant 0 : i32
    %dma_start3A_20 = tpu.memref_slice %arg7[%dma_start3A, %dma_start3A_18, %dma_start3A_19] : memref<4x128x32xf32, #tpu.memory_space<vmem>> -> memref<1x128x32xf32, #tpu.memory_space<vmem>>
    %dma_start3A_21 = tpu.memref_squeeze %dma_start3A_20 : memref<1x128x32xf32, #tpu.memory_space<vmem>> -> memref<128x32xf32, #tpu.memory_space<vmem>>
    %dma_start3A_22 = arith.constant 0 : i32
    %dma_start3A_23 = tpu.memref_slice %arg2[%add3A_8, %dma_start3A_22] : memref<163840x32xf32, #tpu.memory_space<hbm>> -> memref<128x32xf32, #tpu.memory_space<hbm>>
    tpu.enqueue_dma source(%dma_start3A_23 : memref<128x32xf32, #tpu.memory_space<hbm>>) target(%dma_start3A_21 : memref<128x32xf32, #tpu.memory_space<vmem>>) target_semaphore(%dma_start3A_17 : memref<!tpu.dma_semaphore, #tpu.memory_space<semaphore_mem>>)
    %add3A_24 = arith.constant 128 : i32
    %add3A_25 = arith.addi %add3A, %add3A_24 : i32
    %dma_start3A_26 = arith.constant 1 : i32
    %dma_start3A_27 = arith.constant 1 : i32
    %dma_start3A_28 = arith.constant 0 : i32
    %dma_start3A_29 = arith.constant 0 : i32
    %dma_start3A_30 = tpu.memref_slice %arg7[%dma_start3A_26, %dma_start3A_28, %dma_start3A_29] : memref<4x128x32xf32, #tpu.memory_space<vmem>> -> memref<1x128x32xf32, #tpu.memory_space<vmem>>
    %dma_start3A_31 = tpu.memref_squeeze %dma_start3A_30 : memref<1x128x32xf32, #tpu.memory_space<vmem>> -> memref<128x32xf32, #tpu.memory_space<vmem>>
    %dma_start3A_32 = arith.constant 0 : i32
    %dma_start3A_33 = tpu.memref_slice %arg2[%add3A_25, %dma_start3A_32] : memref<163840x32xf32, #tpu.memory_space<hbm>> -> memref<128x32xf32, #tpu.memory_space<hbm>>
    %dma_start3A_34 = tpu.memref_slice %arg9[%dma_start3A_27] : memref<4x!tpu.dma_semaphore, #tpu.memory_space<semaphore_mem>> -> memref<1x!tpu.dma_semaphore, #tpu.memory_space<semaphore_mem>>
    %dma_start3A_35 = tpu.memref_squeeze %dma_start3A_34 : memref<1x!tpu.dma_semaphore, #tpu.memory_space<semaphore_mem>> -> memref<!tpu.dma_semaphore, #tpu.memory_space<semaphore_mem>>
    %dma_start3A_36 = arith.constant 0 : i32
    %dma_start3A_37 = arith.constant 0 : i32
    %dma_start3A_38 = tpu.memref_slice %arg7[%dma_start3A_26, %dma_start3A_36, %dma_start3A_37] : memref<4x128x32xf32, #tpu.memory_space<vmem>> -> memref<1x128x32xf32, #tpu.memory_space<vmem>>
    %dma_start3A_39 = tpu.memref_squeeze %dma_start3A_38 : memref<1x128x32xf32, #tpu.memory_space<vmem>> -> memref<128x32xf32, #tpu.memory_space<vmem>>
    %dma_start3A_40 = arith.constant 0 : i32
    %dma_start3A_41 = tpu.memref_slice %arg2[%add3A_25, %dma_start3A_40] : memref<163840x32xf32, #tpu.memory_space<hbm>> -> memref<128x32xf32, #tpu.memory_space<hbm>>
    tpu.enqueue_dma source(%dma_start3A_41 : memref<128x32xf32, #tpu.memory_space<hbm>>) target(%dma_start3A_39 : memref<128x32xf32, #tpu.memory_space<vmem>>) target_semaphore(%dma_start3A_35 : memref<!tpu.dma_semaphore, #tpu.memory_space<semaphore_mem>>)
    %add3A_42 = arith.constant 256 : i32
    %add3A_43 = arith.addi %add3A, %add3A_42 : i32
    %dma_start3A_44 = arith.constant 2 : i32
    %dma_start3A_45 = arith.constant 2 : i32
    %dma_start3A_46 = arith.constant 0 : i32
    %dma_start3A_47 = arith.constant 0 : i32
    %dma_start3A_48 = tpu.memref_slice %arg7[%dma_start3A_44, %dma_start3A_46, %dma_start3A_47] : memref<4x128x32xf32, #tpu.memory_space<vmem>> -> memref<1x128x32xf32, #tpu.memory_space<vmem>>
    %dma_start3A_49 = tpu.memref_squeeze %dma_start3A_48 : memref<1x128x32xf32, #tpu.memory_space<vmem>> -> memref<128x32xf32, #tpu.memory_space<vmem>>
    %dma_start3A_50 = arith.constant 0 : i32
    %dma_start3A_51 = tpu.memref_slice %arg2[%add3A_43, %dma_start3A_50] : memref<163840x32xf32, #tpu.memory_space<hbm>> -> memref<128x32xf32, #tpu.memory_space<hbm>>
    %dma_start3A_52 = tpu.memref_slice %arg9[%dma_start3A_45] : memref<4x!tpu.dma_semaphore, #tpu.memory_space<semaphore_mem>> -> memref<1x!tpu.dma_semaphore, #tpu.memory_space<semaphore_mem>>
    %dma_start3A_53 = tpu.memref_squeeze %dma_start3A_52 : memref<1x!tpu.dma_semaphore, #tpu.memory_space<semaphore_mem>> -> memref<!tpu.dma_semaphore, #tpu.memory_space<semaphore_mem>>
    %dma_start3A_54 = arith.constant 0 : i32
    %dma_start3A_55 = arith.constant 0 : i32
    %dma_start3A_56 = tpu.memref_slice %arg7[%dma_start3A_44, %dma_start3A_54, %dma_start3A_55] : memref<4x128x32xf32, #tpu.memory_space<vmem>> -> memref<1x128x32xf32, #tpu.memory_space<vmem>>
    %dma_start3A_57 = tpu.memref_squeeze %dma_start3A_56 : memref<1x128x32xf32, #tpu.memory_space<vmem>> -> memref<128x32xf32, #tpu.memory_space<vmem>>
    %dma_start3A_58 = arith.constant 0 : i32
    %dma_start3A_59 = tpu.memref_slice %arg2[%add3A_43, %dma_start3A_58] : memref<163840x32xf32, #tpu.memory_space<hbm>> -> memref<128x32xf32, #tpu.memory_space<hbm>>
    tpu.enqueue_dma source(%dma_start3A_59 : memref<128x32xf32, #tpu.memory_space<hbm>>) target(%dma_start3A_57 : memref<128x32xf32, #tpu.memory_space<vmem>>) target_semaphore(%dma_start3A_53 : memref<!tpu.dma_semaphore, #tpu.memory_space<semaphore_mem>>)
    %add3A_60 = arith.constant 384 : i32
    %add3A_61 = arith.addi %add3A, %add3A_60 : i32
    %dma_start3A_62 = arith.constant 3 : i32
    %dma_start3A_63 = arith.constant 3 : i32
    %dma_start3A_64 = arith.constant 0 : i32
    %dma_start3A_65 = arith.constant 0 : i32
    %dma_start3A_66 = tpu.memref_slice %arg7[%dma_start3A_62, %dma_start3A_64, %dma_start3A_65] : memref<4x128x32xf32, #tpu.memory_space<vmem>> -> memref<1x128x32xf32, #tpu.memory_space<vmem>>
    %dma_start3A_67 = tpu.memref_squeeze %dma_start3A_66 : memref<1x128x32xf32, #tpu.memory_space<vmem>> -> memref<128x32xf32, #tpu.memory_space<vmem>>
    %dma_start3A_68 = arith.constant 0 : i32
    %dma_start3A_69 = tpu.memref_slice %arg2[%add3A_61, %dma_start3A_68] : memref<163840x32xf32, #tpu.memory_space<hbm>> -> memref<128x32xf32, #tpu.memory_space<hbm>>
    %dma_start3A_70 = tpu.memref_slice %arg9[%dma_start3A_63] : memref<4x!tpu.dma_semaphore, #tpu.memory_space<semaphore_mem>> -> memref<1x!tpu.dma_semaphore, #tpu.memory_space<semaphore_mem>>
    %dma_start3A_71 = tpu.memref_squeeze %dma_start3A_70 : memref<1x!tpu.dma_semaphore, #tpu.memory_space<semaphore_mem>> -> memref<!tpu.dma_semaphore, #tpu.memory_space<semaphore_mem>>
    %dma_start3A_72 = arith.constant 0 : i32
    %dma_start3A_73 = arith.constant 0 : i32
    %dma_start3A_74 = tpu.memref_slice %arg7[%dma_start3A_62, %dma_start3A_72, %dma_start3A_73] : memref<4x128x32xf32, #tpu.memory_space<vmem>> -> memref<1x128x32xf32, #tpu.memory_space<vmem>>
    %dma_start3A_75 = tpu.memref_squeeze %dma_start3A_74 : memref<1x128x32xf32, #tpu.memory_space<vmem>> -> memref<128x32xf32, #tpu.memory_space<vmem>>
    %dma_start3A_76 = arith.constant 0 : i32
    %dma_start3A_77 = tpu.memref_slice %arg2[%add3A_61, %dma_start3A_76] : memref<163840x32xf32, #tpu.memory_space<hbm>> -> memref<128x32xf32, #tpu.memory_space<hbm>>
    tpu.enqueue_dma source(%dma_start3A_77 : memref<128x32xf32, #tpu.memory_space<hbm>>) target(%dma_start3A_75 : memref<128x32xf32, #tpu.memory_space<vmem>>) target_semaphore(%dma_start3A_71 : memref<!tpu.dma_semaphore, #tpu.memory_space<semaphore_mem>>)
    %scan3A = arith.constant 0 : i32
    %scan3A_78 = arith.constant 0 : i32
    %scan3A_79 = arith.constant 10 : i32
    %scan3A_80 = arith.addi %scan3A_78, %scan3A_79 : i32
    %scan3A_81 = arith.constant 1 : i32
    scf.for %scan3A_159 = %scan3A_78 to %scan3A_80 step %scan3A_81  : i32 {
      %mul3A_160 = arith.constant 4 : i32
      %mul3A_161 = arith.muli %scan3A_159, %mul3A_160 : i32
      %add3A_162 = arith.constant 0 : i32
      %add3A_163 = arith.addi %mul3A_161, %add3A_162 : i32
      %mul3A_164 = arith.constant 128 : i32
      %mul3A_165 = arith.muli %add3A_163, %mul3A_164 : i32
      %add3A_166 = arith.addi %add3A, %mul3A_165 : i32
      %dma_wait3A_167 = arith.constant 0 : i32
      %dma_wait3A_168 = arith.constant 0 : i32
      %dma_wait3A_169 = arith.constant 0 : i32
      %dma_wait3A_170 = arith.constant 0 : i32
      %dma_wait3A_171 = tpu.memref_slice %arg7[%dma_wait3A_167, %dma_wait3A_169, %dma_wait3A_170] : memref<4x128x32xf32, #tpu.memory_space<vmem>> -> memref<1x128x32xf32, #tpu.memory_space<vmem>>
      %dma_wait3A_172 = tpu.memref_squeeze %dma_wait3A_171 : memref<1x128x32xf32, #tpu.memory_space<vmem>> -> memref<128x32xf32, #tpu.memory_space<vmem>>
      %dma_wait3A_173 = arith.constant 0 : i32
      %dma_wait3A_174 = tpu.memref_slice %arg2[%add3A_166, %dma_wait3A_173] : memref<163840x32xf32, #tpu.memory_space<hbm>> -> memref<128x32xf32, #tpu.memory_space<hbm>>
      %dma_wait3A_175 = tpu.memref_slice %arg9[%dma_wait3A_168] : memref<4x!tpu.dma_semaphore, #tpu.memory_space<semaphore_mem>> -> memref<1x!tpu.dma_semaphore, #tpu.memory_space<semaphore_mem>>
      %dma_wait3A_176 = tpu.memref_squeeze %dma_wait3A_175 : memref<1x!tpu.dma_semaphore, #tpu.memory_space<semaphore_mem>> -> memref<!tpu.dma_semaphore, #tpu.memory_space<semaphore_mem>>
      %dma_wait3A_177 = arith.constant 0 : i32
      %dma_wait3A_178 = arith.constant 0 : i32
      %dma_wait3A_179 = tpu.memref_slice %arg7[%dma_wait3A_167, %dma_wait3A_177, %dma_wait3A_178] : memref<4x128x32xf32, #tpu.memory_space<vmem>> -> memref<1x128x32xf32, #tpu.memory_space<vmem>>
      %dma_wait3A_180 = tpu.memref_squeeze %dma_wait3A_179 : memref<1x128x32xf32, #tpu.memory_space<vmem>> -> memref<128x32xf32, #tpu.memory_space<vmem>>
      %dma_wait3A_181 = arith.constant 0 : i32
      %dma_wait3A_182 = tpu.memref_slice %arg2[%add3A_166, %dma_wait3A_181] : memref<163840x32xf32, #tpu.memory_space<hbm>> -> memref<128x32xf32, #tpu.memory_space<hbm>>
      tpu.wait_dma2 semaphore(%dma_wait3A_176 : memref<!tpu.dma_semaphore, #tpu.memory_space<semaphore_mem>>) src(%dma_wait3A_182 : memref<128x32xf32, #tpu.memory_space<hbm>>) dst(%dma_wait3A_180 : memref<128x32xf32, #tpu.memory_space<vmem>>)
      %add3A_183 = arith.addi %mul3A_4, %add3A_163 : i32
      %dma_start3A_184 = arith.constant 0 : i32
      %dma_start3A_185 = arith.constant 0 : i32
      %dma_start3A_186 = arith.constant 0 : i32
      %dma_start3A_187 = arith.constant 0 : i32
      %dma_start3A_188 = tpu.memref_slice %arg7[%dma_start3A_184, %dma_start3A_186, %dma_start3A_187] : memref<4x128x32xf32, #tpu.memory_space<vmem>> -> memref<1x128x32xf32, #tpu.memory_space<vmem>>
      %dma_start3A_189 = tpu.memref_squeeze %dma_start3A_188 : memref<1x128x32xf32, #tpu.memory_space<vmem>> -> memref<128x32xf32, #tpu.memory_space<vmem>>
      %dma_start3A_190 = arith.constant 0 : i32
      %dma_start3A_191 = tpu.memref_slice %arg6[%add3A_183, %dma_start3A_190] : memref<80x128xi32, #tpu.memory_space<vmem>> -> memref<1x128xi32, #tpu.memory_space<vmem>>
      %dma_start3A_192 = tpu.memref_squeeze %dma_start3A_191 : memref<1x128xi32, #tpu.memory_space<vmem>> -> memref<128xi32, #tpu.memory_space<vmem>>
      %dma_start3A_193 = arith.constant 0 : i32
      %dma_start3A_194 = arith.constant 0 : i32
      %dma_start3A_195 = tpu.memref_slice %arg8[%dma_start3A_193, %dma_start3A_194] : memref<10112x32xf32, #tpu.memory_space<vmem_shared>> -> memref<10112x32xf32, #tpu.memory_space<vmem_shared>>
      %dma_start3A_196 = tpu.memref_slice %arg10[%dma_start3A_185] : memref<4x!tpu.dma_semaphore, #tpu.memory_space<semaphore_mem>> -> memref<1x!tpu.dma_semaphore, #tpu.memory_space<semaphore_mem>>
      %dma_start3A_197 = tpu.memref_squeeze %dma_start3A_196 : memref<1x!tpu.dma_semaphore, #tpu.memory_space<semaphore_mem>> -> memref<!tpu.dma_semaphore, #tpu.memory_space<semaphore_mem>>
      tpu.enqueue_indirect_dma source(%dma_start3A_189 : memref<128x32xf32, #tpu.memory_space<vmem>>) target(%dma_start3A_195 : memref<10112x32xf32, #tpu.memory_space<vmem_shared>>) offsets(%dma_start3A_192 : memref<128xi32, #tpu.memory_space<vmem>>) semaphore(%dma_start3A_197 : memref<!tpu.dma_semaphore, #tpu.memory_space<semaphore_mem>>) {add = true}
      %mul3A_198 = arith.constant 4 : i32
      %mul3A_199 = arith.muli %scan3A_159, %mul3A_198 : i32
      %add3A_200 = arith.constant 1 : i32
      %add3A_201 = arith.addi %mul3A_199, %add3A_200 : i32
      %mul3A_202 = arith.constant 128 : i32
      %mul3A_203 = arith.muli %add3A_201, %mul3A_202 : i32
      %add3A_204 = arith.addi %add3A, %mul3A_203 : i32
      %dma_wait3A_205 = arith.constant 1 : i32
      %dma_wait3A_206 = arith.constant 1 : i32
      %dma_wait3A_207 = arith.constant 0 : i32
      %dma_wait3A_208 = arith.constant 0 : i32
      %dma_wait3A_209 = tpu.memref_slice %arg7[%dma_wait3A_205, %dma_wait3A_207, %dma_wait3A_208] : memref<4x128x32xf32, #tpu.memory_space<vmem>> -> memref<1x128x32xf32, #tpu.memory_space<vmem>>
      %dma_wait3A_210 = tpu.memref_squeeze %dma_wait3A_209 : memref<1x128x32xf32, #tpu.memory_space<vmem>> -> memref<128x32xf32, #tpu.memory_space<vmem>>
      %dma_wait3A_211 = arith.constant 0 : i32
      %dma_wait3A_212 = tpu.memref_slice %arg2[%add3A_204, %dma_wait3A_211] : memref<163840x32xf32, #tpu.memory_space<hbm>> -> memref<128x32xf32, #tpu.memory_space<hbm>>
      %dma_wait3A_213 = tpu.memref_slice %arg9[%dma_wait3A_206] : memref<4x!tpu.dma_semaphore, #tpu.memory_space<semaphore_mem>> -> memref<1x!tpu.dma_semaphore, #tpu.memory_space<semaphore_mem>>
      %dma_wait3A_214 = tpu.memref_squeeze %dma_wait3A_213 : memref<1x!tpu.dma_semaphore, #tpu.memory_space<semaphore_mem>> -> memref<!tpu.dma_semaphore, #tpu.memory_space<semaphore_mem>>
      %dma_wait3A_215 = arith.constant 0 : i32
      %dma_wait3A_216 = arith.constant 0 : i32
      %dma_wait3A_217 = tpu.memref_slice %arg7[%dma_wait3A_205, %dma_wait3A_215, %dma_wait3A_216] : memref<4x128x32xf32, #tpu.memory_space<vmem>> -> memref<1x128x32xf32, #tpu.memory_space<vmem>>
      %dma_wait3A_218 = tpu.memref_squeeze %dma_wait3A_217 : memref<1x128x32xf32, #tpu.memory_space<vmem>> -> memref<128x32xf32, #tpu.memory_space<vmem>>
      %dma_wait3A_219 = arith.constant 0 : i32
      %dma_wait3A_220 = tpu.memref_slice %arg2[%add3A_204, %dma_wait3A_219] : memref<163840x32xf32, #tpu.memory_space<hbm>> -> memref<128x32xf32, #tpu.memory_space<hbm>>
      tpu.wait_dma2 semaphore(%dma_wait3A_214 : memref<!tpu.dma_semaphore, #tpu.memory_space<semaphore_mem>>) src(%dma_wait3A_220 : memref<128x32xf32, #tpu.memory_space<hbm>>) dst(%dma_wait3A_218 : memref<128x32xf32, #tpu.memory_space<vmem>>)
      %add3A_221 = arith.addi %mul3A_4, %add3A_201 : i32
      %dma_start3A_222 = arith.constant 1 : i32
      %dma_start3A_223 = arith.constant 1 : i32
      %dma_start3A_224 = arith.constant 0 : i32
      %dma_start3A_225 = arith.constant 0 : i32
      %dma_start3A_226 = tpu.memref_slice %arg7[%dma_start3A_222, %dma_start3A_224, %dma_start3A_225] : memref<4x128x32xf32, #tpu.memory_space<vmem>> -> memref<1x128x32xf32, #tpu.memory_space<vmem>>
      %dma_start3A_227 = tpu.memref_squeeze %dma_start3A_226 : memref<1x128x32xf32, #tpu.memory_space<vmem>> -> memref<128x32xf32, #tpu.memory_space<vmem>>
      %dma_start3A_228 = arith.constant 0 : i32
      %dma_start3A_229 = tpu.memref_slice %arg6[%add3A_221, %dma_start3A_228] : memref<80x128xi32, #tpu.memory_space<vmem>> -> memref<1x128xi32, #tpu.memory_space<vmem>>
      %dma_start3A_230 = tpu.memref_squeeze %dma_start3A_229 : memref<1x128xi32, #tpu.memory_space<vmem>> -> memref<128xi32, #tpu.memory_space<vmem>>
      %dma_start3A_231 = arith.constant 0 : i32
      %dma_start3A_232 = arith.constant 0 : i32
      %dma_start3A_233 = tpu.memref_slice %arg8[%dma_start3A_231, %dma_start3A_232] : memref<10112x32xf32, #tpu.memory_space<vmem_shared>> -> memref<10112x32xf32, #tpu.memory_space<vmem_shared>>
      %dma_start3A_234 = tpu.memref_slice %arg10[%dma_start3A_223] : memref<4x!tpu.dma_semaphore, #tpu.memory_space<semaphore_mem>> -> memref<1x!tpu.dma_semaphore, #tpu.memory_space<semaphore_mem>>
      %dma_start3A_235 = tpu.memref_squeeze %dma_start3A_234 : memref<1x!tpu.dma_semaphore, #tpu.memory_space<semaphore_mem>> -> memref<!tpu.dma_semaphore, #tpu.memory_space<semaphore_mem>>
      tpu.enqueue_indirect_dma source(%dma_start3A_227 : memref<128x32xf32, #tpu.memory_space<vmem>>) target(%dma_start3A_233 : memref<10112x32xf32, #tpu.memory_space<vmem_shared>>) offsets(%dma_start3A_230 : memref<128xi32, #tpu.memory_space<vmem>>) semaphore(%dma_start3A_235 : memref<!tpu.dma_semaphore, #tpu.memory_space<semaphore_mem>>) {add = true}
      %mul3A_236 = arith.constant 4 : i32
      %mul3A_237 = arith.muli %scan3A_159, %mul3A_236 : i32
      %add3A_238 = arith.constant 2 : i32
      %add3A_239 = arith.addi %mul3A_237, %add3A_238 : i32
      %mul3A_240 = arith.constant 128 : i32
      %mul3A_241 = arith.muli %add3A_239, %mul3A_240 : i32
      %add3A_242 = arith.addi %add3A, %mul3A_241 : i32
      %dma_wait3A_243 = arith.constant 2 : i32
      %dma_wait3A_244 = arith.constant 2 : i32
      %dma_wait3A_245 = arith.constant 0 : i32
      %dma_wait3A_246 = arith.constant 0 : i32
      %dma_wait3A_247 = tpu.memref_slice %arg7[%dma_wait3A_243, %dma_wait3A_245, %dma_wait3A_246] : memref<4x128x32xf32, #tpu.memory_space<vmem>> -> memref<1x128x32xf32, #tpu.memory_space<vmem>>
      %dma_wait3A_248 = tpu.memref_squeeze %dma_wait3A_247 : memref<1x128x32xf32, #tpu.memory_space<vmem>> -> memref<128x32xf32, #tpu.memory_space<vmem>>
      %dma_wait3A_249 = arith.constant 0 : i32
      %dma_wait3A_250 = tpu.memref_slice %arg2[%add3A_242, %dma_wait3A_249] : memref<163840x32xf32, #tpu.memory_space<hbm>> -> memref<128x32xf32, #tpu.memory_space<hbm>>
      %dma_wait3A_251 = tpu.memref_slice %arg9[%dma_wait3A_244] : memref<4x!tpu.dma_semaphore, #tpu.memory_space<semaphore_mem>> -> memref<1x!tpu.dma_semaphore, #tpu.memory_space<semaphore_mem>>
      %dma_wait3A_252 = tpu.memref_squeeze %dma_wait3A_251 : memref<1x!tpu.dma_semaphore, #tpu.memory_space<semaphore_mem>> -> memref<!tpu.dma_semaphore, #tpu.memory_space<semaphore_mem>>
      %dma_wait3A_253 = arith.constant 0 : i32
      %dma_wait3A_254 = arith.constant 0 : i32
      %dma_wait3A_255 = tpu.memref_slice %arg7[%dma_wait3A_243, %dma_wait3A_253, %dma_wait3A_254] : memref<4x128x32xf32, #tpu.memory_space<vmem>> -> memref<1x128x32xf32, #tpu.memory_space<vmem>>
      %dma_wait3A_256 = tpu.memref_squeeze %dma_wait3A_255 : memref<1x128x32xf32, #tpu.memory_space<vmem>> -> memref<128x32xf32, #tpu.memory_space<vmem>>
      %dma_wait3A_257 = arith.constant 0 : i32
      %dma_wait3A_258 = tpu.memref_slice %arg2[%add3A_242, %dma_wait3A_257] : memref<163840x32xf32, #tpu.memory_space<hbm>> -> memref<128x32xf32, #tpu.memory_space<hbm>>
      tpu.wait_dma2 semaphore(%dma_wait3A_252 : memref<!tpu.dma_semaphore, #tpu.memory_space<semaphore_mem>>) src(%dma_wait3A_258 : memref<128x32xf32, #tpu.memory_space<hbm>>) dst(%dma_wait3A_256 : memref<128x32xf32, #tpu.memory_space<vmem>>)
      %add3A_259 = arith.addi %mul3A_4, %add3A_239 : i32
      %dma_start3A_260 = arith.constant 2 : i32
      %dma_start3A_261 = arith.constant 2 : i32
      %dma_start3A_262 = arith.constant 0 : i32
      %dma_start3A_263 = arith.constant 0 : i32
      %dma_start3A_264 = tpu.memref_slice %arg7[%dma_start3A_260, %dma_start3A_262, %dma_start3A_263] : memref<4x128x32xf32, #tpu.memory_space<vmem>> -> memref<1x128x32xf32, #tpu.memory_space<vmem>>
      %dma_start3A_265 = tpu.memref_squeeze %dma_start3A_264 : memref<1x128x32xf32, #tpu.memory_space<vmem>> -> memref<128x32xf32, #tpu.memory_space<vmem>>
      %dma_start3A_266 = arith.constant 0 : i32
      %dma_start3A_267 = tpu.memref_slice %arg6[%add3A_259, %dma_start3A_266] : memref<80x128xi32, #tpu.memory_space<vmem>> -> memref<1x128xi32, #tpu.memory_space<vmem>>
      %dma_start3A_268 = tpu.memref_squeeze %dma_start3A_267 : memref<1x128xi32, #tpu.memory_space<vmem>> -> memref<128xi32, #tpu.memory_space<vmem>>
      %dma_start3A_269 = arith.constant 0 : i32
      %dma_start3A_270 = arith.constant 0 : i32
      %dma_start3A_271 = tpu.memref_slice %arg8[%dma_start3A_269, %dma_start3A_270] : memref<10112x32xf32, #tpu.memory_space<vmem_shared>> -> memref<10112x32xf32, #tpu.memory_space<vmem_shared>>
      %dma_start3A_272 = tpu.memref_slice %arg10[%dma_start3A_261] : memref<4x!tpu.dma_semaphore, #tpu.memory_space<semaphore_mem>> -> memref<1x!tpu.dma_semaphore, #tpu.memory_space<semaphore_mem>>
      %dma_start3A_273 = tpu.memref_squeeze %dma_start3A_272 : memref<1x!tpu.dma_semaphore, #tpu.memory_space<semaphore_mem>> -> memref<!tpu.dma_semaphore, #tpu.memory_space<semaphore_mem>>
      tpu.enqueue_indirect_dma source(%dma_start3A_265 : memref<128x32xf32, #tpu.memory_space<vmem>>) target(%dma_start3A_271 : memref<10112x32xf32, #tpu.memory_space<vmem_shared>>) offsets(%dma_start3A_268 : memref<128xi32, #tpu.memory_space<vmem>>) semaphore(%dma_start3A_273 : memref<!tpu.dma_semaphore, #tpu.memory_space<semaphore_mem>>) {add = true}
      %mul3A_274 = arith.constant 4 : i32
      %mul3A_275 = arith.muli %scan3A_159, %mul3A_274 : i32
      %add3A_276 = arith.constant 3 : i32
      %add3A_277 = arith.addi %mul3A_275, %add3A_276 : i32
      %mul3A_278 = arith.constant 128 : i32
      %mul3A_279 = arith.muli %add3A_277, %mul3A_278 : i32
      %add3A_280 = arith.addi %add3A, %mul3A_279 : i32
      %dma_wait3A_281 = arith.constant 3 : i32
      %dma_wait3A_282 = arith.constant 3 : i32
      %dma_wait3A_283 = arith.constant 0 : i32
      %dma_wait3A_284 = arith.constant 0 : i32
      %dma_wait3A_285 = tpu.memref_slice %arg7[%dma_wait3A_281, %dma_wait3A_283, %dma_wait3A_284] : memref<4x128x32xf32, #tpu.memory_space<vmem>> -> memref<1x128x32xf32, #tpu.memory_space<vmem>>
      %dma_wait3A_286 = tpu.memref_squeeze %dma_wait3A_285 : memref<1x128x32xf32, #tpu.memory_space<vmem>> -> memref<128x32xf32, #tpu.memory_space<vmem>>
      %dma_wait3A_287 = arith.constant 0 : i32
      %dma_wait3A_288 = tpu.memref_slice %arg2[%add3A_280, %dma_wait3A_287] : memref<163840x32xf32, #tpu.memory_space<hbm>> -> memref<128x32xf32, #tpu.memory_space<hbm>>
      %dma_wait3A_289 = tpu.memref_slice %arg9[%dma_wait3A_282] : memref<4x!tpu.dma_semaphore, #tpu.memory_space<semaphore_mem>> -> memref<1x!tpu.dma_semaphore, #tpu.memory_space<semaphore_mem>>
      %dma_wait3A_290 = tpu.memref_squeeze %dma_wait3A_289 : memref<1x!tpu.dma_semaphore, #tpu.memory_space<semaphore_mem>> -> memref<!tpu.dma_semaphore, #tpu.memory_space<semaphore_mem>>
      %dma_wait3A_291 = arith.constant 0 : i32
      %dma_wait3A_292 = arith.constant 0 : i32
      %dma_wait3A_293 = tpu.memref_slice %arg7[%dma_wait3A_281, %dma_wait3A_291, %dma_wait3A_292] : memref<4x128x32xf32, #tpu.memory_space<vmem>> -> memref<1x128x32xf32, #tpu.memory_space<vmem>>
      %dma_wait3A_294 = tpu.memref_squeeze %dma_wait3A_293 : memref<1x128x32xf32, #tpu.memory_space<vmem>> -> memref<128x32xf32, #tpu.memory_space<vmem>>
      %dma_wait3A_295 = arith.constant 0 : i32
      %dma_wait3A_296 = tpu.memref_slice %arg2[%add3A_280, %dma_wait3A_295] : memref<163840x32xf32, #tpu.memory_space<hbm>> -> memref<128x32xf32, #tpu.memory_space<hbm>>
      tpu.wait_dma2 semaphore(%dma_wait3A_290 : memref<!tpu.dma_semaphore, #tpu.memory_space<semaphore_mem>>) src(%dma_wait3A_296 : memref<128x32xf32, #tpu.memory_space<hbm>>) dst(%dma_wait3A_294 : memref<128x32xf32, #tpu.memory_space<vmem>>)
      %add3A_297 = arith.addi %mul3A_4, %add3A_277 : i32
      %dma_start3A_298 = arith.constant 3 : i32
      %dma_start3A_299 = arith.constant 3 : i32
      %dma_start3A_300 = arith.constant 0 : i32
      %dma_start3A_301 = arith.constant 0 : i32
      %dma_start3A_302 = tpu.memref_slice %arg7[%dma_start3A_298, %dma_start3A_300, %dma_start3A_301] : memref<4x128x32xf32, #tpu.memory_space<vmem>> -> memref<1x128x32xf32, #tpu.memory_space<vmem>>
      %dma_start3A_303 = tpu.memref_squeeze %dma_start3A_302 : memref<1x128x32xf32, #tpu.memory_space<vmem>> -> memref<128x32xf32, #tpu.memory_space<vmem>>
      %dma_start3A_304 = arith.constant 0 : i32
      %dma_start3A_305 = tpu.memref_slice %arg6[%add3A_297, %dma_start3A_304] : memref<80x128xi32, #tpu.memory_space<vmem>> -> memref<1x128xi32, #tpu.memory_space<vmem>>
      %dma_start3A_306 = tpu.memref_squeeze %dma_start3A_305 : memref<1x128xi32, #tpu.memory_space<vmem>> -> memref<128xi32, #tpu.memory_space<vmem>>
      %dma_start3A_307 = arith.constant 0 : i32
      %dma_start3A_308 = arith.constant 0 : i32
      %dma_start3A_309 = tpu.memref_slice %arg8[%dma_start3A_307, %dma_start3A_308] : memref<10112x32xf32, #tpu.memory_space<vmem_shared>> -> memref<10112x32xf32, #tpu.memory_space<vmem_shared>>
      %dma_start3A_310 = tpu.memref_slice %arg10[%dma_start3A_299] : memref<4x!tpu.dma_semaphore, #tpu.memory_space<semaphore_mem>> -> memref<1x!tpu.dma_semaphore, #tpu.memory_space<semaphore_mem>>
      %dma_start3A_311 = tpu.memref_squeeze %dma_start3A_310 : memref<1x!tpu.dma_semaphore, #tpu.memory_space<semaphore_mem>> -> memref<!tpu.dma_semaphore, #tpu.memory_space<semaphore_mem>>
      tpu.enqueue_indirect_dma source(%dma_start3A_303 : memref<128x32xf32, #tpu.memory_space<vmem>>) target(%dma_start3A_309 : memref<10112x32xf32, #tpu.memory_space<vmem_shared>>) offsets(%dma_start3A_306 : memref<128xi32, #tpu.memory_space<vmem>>) semaphore(%dma_start3A_311 : memref<!tpu.dma_semaphore, #tpu.memory_space<semaphore_mem>>) {add = true}
      %add3A_312 = arith.constant 1 : i32
      %add3A_313 = arith.addi %scan3A_159, %add3A_312 : i32
      %mul3A_314 = arith.constant 4 : i32
      %mul3A_315 = arith.muli %add3A_313, %mul3A_314 : i32
      %add3A_316 = arith.constant 0 : i32
      %add3A_317 = arith.addi %mul3A_315, %add3A_316 : i32
      %lt3A = arith.constant 40 : i32
      %lt3A_318 = arith.cmpi slt, %add3A_317, %lt3A : i32
      %convert_element_type3A = arith.extui %lt3A_318 : i1 to i32
      %cond3A = arith.constant 0 : i32
      %cond3A_319 = arith.cmpi ne, %convert_element_type3A, %cond3A : i32
      scf.if %cond3A_319 {
        %dma_wait3A_353 = arith.constant 0 : i32
        %dma_wait3A_354 = arith.constant 0 : i32
        %dma_wait3A_355 = arith.constant 0 : i32
        %dma_wait3A_356 = arith.constant 0 : i32
        %dma_wait3A_357 = tpu.memref_slice %arg7[%dma_wait3A_353, %dma_wait3A_355, %dma_wait3A_356] : memref<4x128x32xf32, #tpu.memory_space<vmem>> -> memref<1x128x32xf32, #tpu.memory_space<vmem>>
        %dma_wait3A_358 = tpu.memref_squeeze %dma_wait3A_357 : memref<1x128x32xf32, #tpu.memory_space<vmem>> -> memref<128x32xf32, #tpu.memory_space<vmem>>
        %dma_wait3A_359 = arith.constant 0 : i32
        %dma_wait3A_360 = arith.constant 0 : i32
        %dma_wait3A_361 = tpu.memref_slice %arg8[%dma_wait3A_359, %dma_wait3A_360] : memref<10112x32xf32, #tpu.memory_space<vmem_shared>> -> memref<128x32xf32, #tpu.memory_space<vmem_shared>>
        %dma_wait3A_362 = tpu.memref_slice %arg10[%dma_wait3A_354] : memref<4x!tpu.dma_semaphore, #tpu.memory_space<semaphore_mem>> -> memref<1x!tpu.dma_semaphore, #tpu.memory_space<semaphore_mem>>
        %dma_wait3A_363 = tpu.memref_squeeze %dma_wait3A_362 : memref<1x!tpu.dma_semaphore, #tpu.memory_space<semaphore_mem>> -> memref<!tpu.dma_semaphore, #tpu.memory_space<semaphore_mem>>
        %dma_wait3A_364 = arith.constant 0 : i32
        %dma_wait3A_365 = arith.constant 0 : i32
        %dma_wait3A_366 = tpu.memref_slice %arg8[%dma_wait3A_364, %dma_wait3A_365] : memref<10112x32xf32, #tpu.memory_space<vmem_shared>> -> memref<128x32xf32, #tpu.memory_space<vmem_shared>>
        %dma_wait3A_367 = arith.constant 0 : i32
        %dma_wait3A_368 = arith.constant 0 : i32
        %dma_wait3A_369 = tpu.memref_slice %arg7[%dma_wait3A_353, %dma_wait3A_367, %dma_wait3A_368] : memref<4x128x32xf32, #tpu.memory_space<vmem>> -> memref<1x128x32xf32, #tpu.memory_space<vmem>>
        %dma_wait3A_370 = tpu.memref_squeeze %dma_wait3A_369 : memref<1x128x32xf32, #tpu.memory_space<vmem>> -> memref<128x32xf32, #tpu.memory_space<vmem>>
        tpu.wait_dma2 semaphore(%dma_wait3A_363 : memref<!tpu.dma_semaphore, #tpu.memory_space<semaphore_mem>>) src(%dma_wait3A_370 : memref<128x32xf32, #tpu.memory_space<vmem>>) dst(%dma_wait3A_366 : memref<128x32xf32, #tpu.memory_space<vmem_shared>>)
        %mul3A_371 = arith.constant 128 : i32
        %mul3A_372 = arith.muli %add3A_317, %mul3A_371 : i32
        %add3A_373 = arith.addi %add3A, %mul3A_372 : i32
        %dma_start3A_374 = arith.constant 0 : i32
        %dma_start3A_375 = arith.constant 0 : i32
        %dma_start3A_376 = arith.constant 0 : i32
        %dma_start3A_377 = arith.constant 0 : i32
        %dma_start3A_378 = tpu.memref_slice %arg7[%dma_start3A_374, %dma_start3A_376, %dma_start3A_377] : memref<4x128x32xf32, #tpu.memory_space<vmem>> -> memref<1x128x32xf32, #tpu.memory_space<vmem>>
        %dma_start3A_379 = tpu.memref_squeeze %dma_start3A_378 : memref<1x128x32xf32, #tpu.memory_space<vmem>> -> memref<128x32xf32, #tpu.memory_space<vmem>>
        %dma_start3A_380 = arith.constant 0 : i32
        %dma_start3A_381 = tpu.memref_slice %arg2[%add3A_373, %dma_start3A_380] : memref<163840x32xf32, #tpu.memory_space<hbm>> -> memref<128x32xf32, #tpu.memory_space<hbm>>
        %dma_start3A_382 = tpu.memref_slice %arg9[%dma_start3A_375] : memref<4x!tpu.dma_semaphore, #tpu.memory_space<semaphore_mem>> -> memref<1x!tpu.dma_semaphore, #tpu.memory_space<semaphore_mem>>
        %dma_start3A_383 = tpu.memref_squeeze %dma_start3A_382 : memref<1x!tpu.dma_semaphore, #tpu.memory_space<semaphore_mem>> -> memref<!tpu.dma_semaphore, #tpu.memory_space<semaphore_mem>>
        %dma_start3A_384 = arith.constant 0 : i32
        %dma_start3A_385 = arith.constant 0 : i32
        %dma_start3A_386 = tpu.memref_slice %arg7[%dma_start3A_374, %dma_start3A_384, %dma_start3A_385] : memref<4x128x32xf32, #tpu.memory_space<vmem>> -> memref<1x128x32xf32, #tpu.memory_space<vmem>>
        %dma_start3A_387 = tpu.memref_squeeze %dma_start3A_386 : memref<1x128x32xf32, #tpu.memory_space<vmem>> -> memref<128x32xf32, #tpu.memory_space<vmem>>
        %dma_start3A_388 = arith.constant 0 : i32
        %dma_start3A_389 = tpu.memref_slice %arg2[%add3A_373, %dma_start3A_388] : memref<163840x32xf32, #tpu.memory_space<hbm>> -> memref<128x32xf32, #tpu.memory_space<hbm>>
        tpu.enqueue_dma source(%dma_start3A_389 : memref<128x32xf32, #tpu.memory_space<hbm>>) target(%dma_start3A_387 : memref<128x32xf32, #tpu.memory_space<vmem>>) target_semaphore(%dma_start3A_383 : memref<!tpu.dma_semaphore, #tpu.memory_space<semaphore_mem>>)
      } else {
      }
      %add3A_320 = arith.constant 1 : i32
      %add3A_321 = arith.addi %scan3A_159, %add3A_320 : i32
      %mul3A_322 = arith.constant 4 : i32
      %mul3A_323 = arith.muli %add3A_321, %mul3A_322 : i32
      %add3A_324 = arith.constant 1 : i32
      %add3A_325 = arith.addi %mul3A_323, %add3A_324 : i32
      %lt3A_326 = arith.constant 40 : i32
      %lt3A_327 = arith.cmpi slt, %add3A_325, %lt3A_326 : i32
      %convert_element_type3A_328 = arith.extui %lt3A_327 : i1 to i32
      %cond3A_329 = arith.constant 0 : i32
      %cond3A_330 = arith.cmpi ne, %convert_element_type3A_328, %cond3A_329 : i32
      scf.if %cond3A_330 {
        %dma_wait3A_353 = arith.constant 1 : i32
        %dma_wait3A_354 = arith.constant 1 : i32
        %dma_wait3A_355 = arith.constant 0 : i32
        %dma_wait3A_356 = arith.constant 0 : i32
        %dma_wait3A_357 = tpu.memref_slice %arg7[%dma_wait3A_353, %dma_wait3A_355, %dma_wait3A_356] : memref<4x128x32xf32, #tpu.memory_space<vmem>> -> memref<1x128x32xf32, #tpu.memory_space<vmem>>
        %dma_wait3A_358 = tpu.memref_squeeze %dma_wait3A_357 : memref<1x128x32xf32, #tpu.memory_space<vmem>> -> memref<128x32xf32, #tpu.memory_space<vmem>>
        %dma_wait3A_359 = arith.constant 0 : i32
        %dma_wait3A_360 = arith.constant 0 : i32
        %dma_wait3A_361 = tpu.memref_slice %arg8[%dma_wait3A_359, %dma_wait3A_360] : memref<10112x32xf32, #tpu.memory_space<vmem_shared>> -> memref<128x32xf32, #tpu.memory_space<vmem_shared>>
        %dma_wait3A_362 = tpu.memref_slice %arg10[%dma_wait3A_354] : memref<4x!tpu.dma_semaphore, #tpu.memory_space<semaphore_mem>> -> memref<1x!tpu.dma_semaphore, #tpu.memory_space<semaphore_mem>>
        %dma_wait3A_363 = tpu.memref_squeeze %dma_wait3A_362 : memref<1x!tpu.dma_semaphore, #tpu.memory_space<semaphore_mem>> -> memref<!tpu.dma_semaphore, #tpu.memory_space<semaphore_mem>>
        %dma_wait3A_364 = arith.constant 0 : i32
        %dma_wait3A_365 = arith.constant 0 : i32
        %dma_wait3A_366 = tpu.memref_slice %arg8[%dma_wait3A_364, %dma_wait3A_365] : memref<10112x32xf32, #tpu.memory_space<vmem_shared>> -> memref<128x32xf32, #tpu.memory_space<vmem_shared>>
        %dma_wait3A_367 = arith.constant 0 : i32
        %dma_wait3A_368 = arith.constant 0 : i32
        %dma_wait3A_369 = tpu.memref_slice %arg7[%dma_wait3A_353, %dma_wait3A_367, %dma_wait3A_368] : memref<4x128x32xf32, #tpu.memory_space<vmem>> -> memref<1x128x32xf32, #tpu.memory_space<vmem>>
        %dma_wait3A_370 = tpu.memref_squeeze %dma_wait3A_369 : memref<1x128x32xf32, #tpu.memory_space<vmem>> -> memref<128x32xf32, #tpu.memory_space<vmem>>
        tpu.wait_dma2 semaphore(%dma_wait3A_363 : memref<!tpu.dma_semaphore, #tpu.memory_space<semaphore_mem>>) src(%dma_wait3A_370 : memref<128x32xf32, #tpu.memory_space<vmem>>) dst(%dma_wait3A_366 : memref<128x32xf32, #tpu.memory_space<vmem_shared>>)
        %mul3A_371 = arith.constant 128 : i32
        %mul3A_372 = arith.muli %add3A_325, %mul3A_371 : i32
        %add3A_373 = arith.addi %add3A, %mul3A_372 : i32
        %dma_start3A_374 = arith.constant 1 : i32
        %dma_start3A_375 = arith.constant 1 : i32
        %dma_start3A_376 = arith.constant 0 : i32
        %dma_start3A_377 = arith.constant 0 : i32
        %dma_start3A_378 = tpu.memref_slice %arg7[%dma_start3A_374, %dma_start3A_376, %dma_start3A_377] : memref<4x128x32xf32, #tpu.memory_space<vmem>> -> memref<1x128x32xf32, #tpu.memory_space<vmem>>
        %dma_start3A_379 = tpu.memref_squeeze %dma_start3A_378 : memref<1x128x32xf32, #tpu.memory_space<vmem>> -> memref<128x32xf32, #tpu.memory_space<vmem>>
        %dma_start3A_380 = arith.constant 0 : i32
        %dma_start3A_381 = tpu.memref_slice %arg2[%add3A_373, %dma_start3A_380] : memref<163840x32xf32, #tpu.memory_space<hbm>> -> memref<128x32xf32, #tpu.memory_space<hbm>>
        %dma_start3A_382 = tpu.memref_slice %arg9[%dma_start3A_375] : memref<4x!tpu.dma_semaphore, #tpu.memory_space<semaphore_mem>> -> memref<1x!tpu.dma_semaphore, #tpu.memory_space<semaphore_mem>>
        %dma_start3A_383 = tpu.memref_squeeze %dma_start3A_382 : memref<1x!tpu.dma_semaphore, #tpu.memory_space<semaphore_mem>> -> memref<!tpu.dma_semaphore, #tpu.memory_space<semaphore_mem>>
        %dma_start3A_384 = arith.constant 0 : i32
        %dma_start3A_385 = arith.constant 0 : i32
        %dma_start3A_386 = tpu.memref_slice %arg7[%dma_start3A_374, %dma_start3A_384, %dma_start3A_385] : memref<4x128x32xf32, #tpu.memory_space<vmem>> -> memref<1x128x32xf32, #tpu.memory_space<vmem>>
        %dma_start3A_387 = tpu.memref_squeeze %dma_start3A_386 : memref<1x128x32xf32, #tpu.memory_space<vmem>> -> memref<128x32xf32, #tpu.memory_space<vmem>>
        %dma_start3A_388 = arith.constant 0 : i32
        %dma_start3A_389 = tpu.memref_slice %arg2[%add3A_373, %dma_start3A_388] : memref<163840x32xf32, #tpu.memory_space<hbm>> -> memref<128x32xf32, #tpu.memory_space<hbm>>
        tpu.enqueue_dma source(%dma_start3A_389 : memref<128x32xf32, #tpu.memory_space<hbm>>) target(%dma_start3A_387 : memref<128x32xf32, #tpu.memory_space<vmem>>) target_semaphore(%dma_start3A_383 : memref<!tpu.dma_semaphore, #tpu.memory_space<semaphore_mem>>)
      } else {
      }
      %add3A_331 = arith.constant 1 : i32
      %add3A_332 = arith.addi %scan3A_159, %add3A_331 : i32
      %mul3A_333 = arith.constant 4 : i32
      %mul3A_334 = arith.muli %add3A_332, %mul3A_333 : i32
      %add3A_335 = arith.constant 2 : i32
      %add3A_336 = arith.addi %mul3A_334, %add3A_335 : i32
      %lt3A_337 = arith.constant 40 : i32
      %lt3A_338 = arith.cmpi slt, %add3A_336, %lt3A_337 : i32
      %convert_element_type3A_339 = arith.extui %lt3A_338 : i1 to i32
      %cond3A_340 = arith.constant 0 : i32
      %cond3A_341 = arith.cmpi ne, %convert_element_type3A_339, %cond3A_340 : i32
      scf.if %cond3A_341 {
        %dma_wait3A_353 = arith.constant 2 : i32
        %dma_wait3A_354 = arith.constant 2 : i32
        %dma_wait3A_355 = arith.constant 0 : i32
        %dma_wait3A_356 = arith.constant 0 : i32
        %dma_wait3A_357 = tpu.memref_slice %arg7[%dma_wait3A_353, %dma_wait3A_355, %dma_wait3A_356] : memref<4x128x32xf32, #tpu.memory_space<vmem>> -> memref<1x128x32xf32, #tpu.memory_space<vmem>>
        %dma_wait3A_358 = tpu.memref_squeeze %dma_wait3A_357 : memref<1x128x32xf32, #tpu.memory_space<vmem>> -> memref<128x32xf32, #tpu.memory_space<vmem>>
        %dma_wait3A_359 = arith.constant 0 : i32
        %dma_wait3A_360 = arith.constant 0 : i32
        %dma_wait3A_361 = tpu.memref_slice %arg8[%dma_wait3A_359, %dma_wait3A_360] : memref<10112x32xf32, #tpu.memory_space<vmem_shared>> -> memref<128x32xf32, #tpu.memory_space<vmem_shared>>
        %dma_wait3A_362 = tpu.memref_slice %arg10[%dma_wait3A_354] : memref<4x!tpu.dma_semaphore, #tpu.memory_space<semaphore_mem>> -> memref<1x!tpu.dma_semaphore, #tpu.memory_space<semaphore_mem>>
        %dma_wait3A_363 = tpu.memref_squeeze %dma_wait3A_362 : memref<1x!tpu.dma_semaphore, #tpu.memory_space<semaphore_mem>> -> memref<!tpu.dma_semaphore, #tpu.memory_space<semaphore_mem>>
        %dma_wait3A_364 = arith.constant 0 : i32
        %dma_wait3A_365 = arith.constant 0 : i32
        %dma_wait3A_366 = tpu.memref_slice %arg8[%dma_wait3A_364, %dma_wait3A_365] : memref<10112x32xf32, #tpu.memory_space<vmem_shared>> -> memref<128x32xf32, #tpu.memory_space<vmem_shared>>
        %dma_wait3A_367 = arith.constant 0 : i32
        %dma_wait3A_368 = arith.constant 0 : i32
        %dma_wait3A_369 = tpu.memref_slice %arg7[%dma_wait3A_353, %dma_wait3A_367, %dma_wait3A_368] : memref<4x128x32xf32, #tpu.memory_space<vmem>> -> memref<1x128x32xf32, #tpu.memory_space<vmem>>
        %dma_wait3A_370 = tpu.memref_squeeze %dma_wait3A_369 : memref<1x128x32xf32, #tpu.memory_space<vmem>> -> memref<128x32xf32, #tpu.memory_space<vmem>>
        tpu.wait_dma2 semaphore(%dma_wait3A_363 : memref<!tpu.dma_semaphore, #tpu.memory_space<semaphore_mem>>) src(%dma_wait3A_370 : memref<128x32xf32, #tpu.memory_space<vmem>>) dst(%dma_wait3A_366 : memref<128x32xf32, #tpu.memory_space<vmem_shared>>)
        %mul3A_371 = arith.constant 128 : i32
        %mul3A_372 = arith.muli %add3A_336, %mul3A_371 : i32
        %add3A_373 = arith.addi %add3A, %mul3A_372 : i32
        %dma_start3A_374 = arith.constant 2 : i32
        %dma_start3A_375 = arith.constant 2 : i32
        %dma_start3A_376 = arith.constant 0 : i32
        %dma_start3A_377 = arith.constant 0 : i32
        %dma_start3A_378 = tpu.memref_slice %arg7[%dma_start3A_374, %dma_start3A_376, %dma_start3A_377] : memref<4x128x32xf32, #tpu.memory_space<vmem>> -> memref<1x128x32xf32, #tpu.memory_space<vmem>>
        %dma_start3A_379 = tpu.memref_squeeze %dma_start3A_378 : memref<1x128x32xf32, #tpu.memory_space<vmem>> -> memref<128x32xf32, #tpu.memory_space<vmem>>
        %dma_start3A_380 = arith.constant 0 : i32
        %dma_start3A_381 = tpu.memref_slice %arg2[%add3A_373, %dma_start3A_380] : memref<163840x32xf32, #tpu.memory_space<hbm>> -> memref<128x32xf32, #tpu.memory_space<hbm>>
        %dma_start3A_382 = tpu.memref_slice %arg9[%dma_start3A_375] : memref<4x!tpu.dma_semaphore, #tpu.memory_space<semaphore_mem>> -> memref<1x!tpu.dma_semaphore, #tpu.memory_space<semaphore_mem>>
        %dma_start3A_383 = tpu.memref_squeeze %dma_start3A_382 : memref<1x!tpu.dma_semaphore, #tpu.memory_space<semaphore_mem>> -> memref<!tpu.dma_semaphore, #tpu.memory_space<semaphore_mem>>
        %dma_start3A_384 = arith.constant 0 : i32
        %dma_start3A_385 = arith.constant 0 : i32
        %dma_start3A_386 = tpu.memref_slice %arg7[%dma_start3A_374, %dma_start3A_384, %dma_start3A_385] : memref<4x128x32xf32, #tpu.memory_space<vmem>> -> memref<1x128x32xf32, #tpu.memory_space<vmem>>
        %dma_start3A_387 = tpu.memref_squeeze %dma_start3A_386 : memref<1x128x32xf32, #tpu.memory_space<vmem>> -> memref<128x32xf32, #tpu.memory_space<vmem>>
        %dma_start3A_388 = arith.constant 0 : i32
        %dma_start3A_389 = tpu.memref_slice %arg2[%add3A_373, %dma_start3A_388] : memref<163840x32xf32, #tpu.memory_space<hbm>> -> memref<128x32xf32, #tpu.memory_space<hbm>>
        tpu.enqueue_dma source(%dma_start3A_389 : memref<128x32xf32, #tpu.memory_space<hbm>>) target(%dma_start3A_387 : memref<128x32xf32, #tpu.memory_space<vmem>>) target_semaphore(%dma_start3A_383 : memref<!tpu.dma_semaphore, #tpu.memory_space<semaphore_mem>>)
      } else {
      }
      %add3A_342 = arith.constant 1 : i32
      %add3A_343 = arith.addi %scan3A_159, %add3A_342 : i32
      %mul3A_344 = arith.constant 4 : i32
      %mul3A_345 = arith.muli %add3A_343, %mul3A_344 : i32
      %add3A_346 = arith.constant 3 : i32
      %add3A_347 = arith.addi %mul3A_345, %add3A_346 : i32
      %lt3A_348 = arith.constant 40 : i32
      %lt3A_349 = arith.cmpi slt, %add3A_347, %lt3A_348 : i32
      %convert_element_type3A_350 = arith.extui %lt3A_349 : i1 to i32
      %cond3A_351 = arith.constant 0 : i32
      %cond3A_352 = arith.cmpi ne, %convert_element_type3A_350, %cond3A_351 : i32
      scf.if %cond3A_352 {
        %dma_wait3A_353 = arith.constant 3 : i32
        %dma_wait3A_354 = arith.constant 3 : i32
        %dma_wait3A_355 = arith.constant 0 : i32
        %dma_wait3A_356 = arith.constant 0 : i32
        %dma_wait3A_357 = tpu.memref_slice %arg7[%dma_wait3A_353, %dma_wait3A_355, %dma_wait3A_356] : memref<4x128x32xf32, #tpu.memory_space<vmem>> -> memref<1x128x32xf32, #tpu.memory_space<vmem>>
        %dma_wait3A_358 = tpu.memref_squeeze %dma_wait3A_357 : memref<1x128x32xf32, #tpu.memory_space<vmem>> -> memref<128x32xf32, #tpu.memory_space<vmem>>
        %dma_wait3A_359 = arith.constant 0 : i32
        %dma_wait3A_360 = arith.constant 0 : i32
        %dma_wait3A_361 = tpu.memref_slice %arg8[%dma_wait3A_359, %dma_wait3A_360] : memref<10112x32xf32, #tpu.memory_space<vmem_shared>> -> memref<128x32xf32, #tpu.memory_space<vmem_shared>>
        %dma_wait3A_362 = tpu.memref_slice %arg10[%dma_wait3A_354] : memref<4x!tpu.dma_semaphore, #tpu.memory_space<semaphore_mem>> -> memref<1x!tpu.dma_semaphore, #tpu.memory_space<semaphore_mem>>
        %dma_wait3A_363 = tpu.memref_squeeze %dma_wait3A_362 : memref<1x!tpu.dma_semaphore, #tpu.memory_space<semaphore_mem>> -> memref<!tpu.dma_semaphore, #tpu.memory_space<semaphore_mem>>
        %dma_wait3A_364 = arith.constant 0 : i32
        %dma_wait3A_365 = arith.constant 0 : i32
        %dma_wait3A_366 = tpu.memref_slice %arg8[%dma_wait3A_364, %dma_wait3A_365] : memref<10112x32xf32, #tpu.memory_space<vmem_shared>> -> memref<128x32xf32, #tpu.memory_space<vmem_shared>>
        %dma_wait3A_367 = arith.constant 0 : i32
        %dma_wait3A_368 = arith.constant 0 : i32
        %dma_wait3A_369 = tpu.memref_slice %arg7[%dma_wait3A_353, %dma_wait3A_367, %dma_wait3A_368] : memref<4x128x32xf32, #tpu.memory_space<vmem>> -> memref<1x128x32xf32, #tpu.memory_space<vmem>>
        %dma_wait3A_370 = tpu.memref_squeeze %dma_wait3A_369 : memref<1x128x32xf32, #tpu.memory_space<vmem>> -> memref<128x32xf32, #tpu.memory_space<vmem>>
        tpu.wait_dma2 semaphore(%dma_wait3A_363 : memref<!tpu.dma_semaphore, #tpu.memory_space<semaphore_mem>>) src(%dma_wait3A_370 : memref<128x32xf32, #tpu.memory_space<vmem>>) dst(%dma_wait3A_366 : memref<128x32xf32, #tpu.memory_space<vmem_shared>>)
        %mul3A_371 = arith.constant 128 : i32
        %mul3A_372 = arith.muli %add3A_347, %mul3A_371 : i32
        %add3A_373 = arith.addi %add3A, %mul3A_372 : i32
        %dma_start3A_374 = arith.constant 3 : i32
        %dma_start3A_375 = arith.constant 3 : i32
        %dma_start3A_376 = arith.constant 0 : i32
        %dma_start3A_377 = arith.constant 0 : i32
        %dma_start3A_378 = tpu.memref_slice %arg7[%dma_start3A_374, %dma_start3A_376, %dma_start3A_377] : memref<4x128x32xf32, #tpu.memory_space<vmem>> -> memref<1x128x32xf32, #tpu.memory_space<vmem>>
        %dma_start3A_379 = tpu.memref_squeeze %dma_start3A_378 : memref<1x128x32xf32, #tpu.memory_space<vmem>> -> memref<128x32xf32, #tpu.memory_space<vmem>>
        %dma_start3A_380 = arith.constant 0 : i32
        %dma_start3A_381 = tpu.memref_slice %arg2[%add3A_373, %dma_start3A_380] : memref<163840x32xf32, #tpu.memory_space<hbm>> -> memref<128x32xf32, #tpu.memory_space<hbm>>
        %dma_start3A_382 = tpu.memref_slice %arg9[%dma_start3A_375] : memref<4x!tpu.dma_semaphore, #tpu.memory_space<semaphore_mem>> -> memref<1x!tpu.dma_semaphore, #tpu.memory_space<semaphore_mem>>
        %dma_start3A_383 = tpu.memref_squeeze %dma_start3A_382 : memref<1x!tpu.dma_semaphore, #tpu.memory_space<semaphore_mem>> -> memref<!tpu.dma_semaphore, #tpu.memory_space<semaphore_mem>>
        %dma_start3A_384 = arith.constant 0 : i32
        %dma_start3A_385 = arith.constant 0 : i32
        %dma_start3A_386 = tpu.memref_slice %arg7[%dma_start3A_374, %dma_start3A_384, %dma_start3A_385] : memref<4x128x32xf32, #tpu.memory_space<vmem>> -> memref<1x128x32xf32, #tpu.memory_space<vmem>>
        %dma_start3A_387 = tpu.memref_squeeze %dma_start3A_386 : memref<1x128x32xf32, #tpu.memory_space<vmem>> -> memref<128x32xf32, #tpu.memory_space<vmem>>
        %dma_start3A_388 = arith.constant 0 : i32
        %dma_start3A_389 = tpu.memref_slice %arg2[%add3A_373, %dma_start3A_388] : memref<163840x32xf32, #tpu.memory_space<hbm>> -> memref<128x32xf32, #tpu.memory_space<hbm>>
        tpu.enqueue_dma source(%dma_start3A_389 : memref<128x32xf32, #tpu.memory_space<hbm>>) target(%dma_start3A_387 : memref<128x32xf32, #tpu.memory_space<vmem>>) target_semaphore(%dma_start3A_383 : memref<!tpu.dma_semaphore, #tpu.memory_space<semaphore_mem>>)
      } else {
      }
    }
    %scan3A_82 = arith.constant 10 : i32
    %dma_wait3A = arith.constant 0 : i32
    %dma_wait3A_83 = arith.constant 0 : i32
    %dma_wait3A_84 = arith.constant 0 : i32
    %dma_wait3A_85 = arith.constant 0 : i32
    %dma_wait3A_86 = tpu.memref_slice %arg7[%dma_wait3A, %dma_wait3A_84, %dma_wait3A_85] : memref<4x128x32xf32, #tpu.memory_space<vmem>> -> memref<1x128x32xf32, #tpu.memory_space<vmem>>
    %dma_wait3A_87 = tpu.memref_squeeze %dma_wait3A_86 : memref<1x128x32xf32, #tpu.memory_space<vmem>> -> memref<128x32xf32, #tpu.memory_space<vmem>>
    %dma_wait3A_88 = arith.constant 0 : i32
    %dma_wait3A_89 = arith.constant 0 : i32
    %dma_wait3A_90 = tpu.memref_slice %arg8[%dma_wait3A_88, %dma_wait3A_89] : memref<10112x32xf32, #tpu.memory_space<vmem_shared>> -> memref<128x32xf32, #tpu.memory_space<vmem_shared>>
    %dma_wait3A_91 = tpu.memref_slice %arg10[%dma_wait3A_83] : memref<4x!tpu.dma_semaphore, #tpu.memory_space<semaphore_mem>> -> memref<1x!tpu.dma_semaphore, #tpu.memory_space<semaphore_mem>>
    %dma_wait3A_92 = tpu.memref_squeeze %dma_wait3A_91 : memref<1x!tpu.dma_semaphore, #tpu.memory_space<semaphore_mem>> -> memref<!tpu.dma_semaphore, #tpu.memory_space<semaphore_mem>>
    %dma_wait3A_93 = arith.constant 0 : i32
    %dma_wait3A_94 = arith.constant 0 : i32
    %dma_wait3A_95 = tpu.memref_slice %arg8[%dma_wait3A_93, %dma_wait3A_94] : memref<10112x32xf32, #tpu.memory_space<vmem_shared>> -> memref<128x32xf32, #tpu.memory_space<vmem_shared>>
    %dma_wait3A_96 = arith.constant 0 : i32
    %dma_wait3A_97 = arith.constant 0 : i32
    %dma_wait3A_98 = tpu.memref_slice %arg7[%dma_wait3A, %dma_wait3A_96, %dma_wait3A_97] : memref<4x128x32xf32, #tpu.memory_space<vmem>> -> memref<1x128x32xf32, #tpu.memory_space<vmem>>
    %dma_wait3A_99 = tpu.memref_squeeze %dma_wait3A_98 : memref<1x128x32xf32, #tpu.memory_space<vmem>> -> memref<128x32xf32, #tpu.memory_space<vmem>>
    tpu.wait_dma2 semaphore(%dma_wait3A_92 : memref<!tpu.dma_semaphore, #tpu.memory_space<semaphore_mem>>) src(%dma_wait3A_99 : memref<128x32xf32, #tpu.memory_space<vmem>>) dst(%dma_wait3A_95 : memref<128x32xf32, #tpu.memory_space<vmem_shared>>)
    %dma_wait3A_100 = arith.constant 1 : i32
    %dma_wait3A_101 = arith.constant 1 : i32
    %dma_wait3A_102 = arith.constant 0 : i32
    %dma_wait3A_103 = arith.constant 0 : i32
    %dma_wait3A_104 = tpu.memref_slice %arg7[%dma_wait3A_100, %dma_wait3A_102, %dma_wait3A_103] : memref<4x128x32xf32, #tpu.memory_space<vmem>> -> memref<1x128x32xf32, #tpu.memory_space<vmem>>
    %dma_wait3A_105 = tpu.memref_squeeze %dma_wait3A_104 : memref<1x128x32xf32, #tpu.memory_space<vmem>> -> memref<128x32xf32, #tpu.memory_space<vmem>>
    %dma_wait3A_106 = arith.constant 0 : i32
    %dma_wait3A_107 = arith.constant 0 : i32
    %dma_wait3A_108 = tpu.memref_slice %arg8[%dma_wait3A_106, %dma_wait3A_107] : memref<10112x32xf32, #tpu.memory_space<vmem_shared>> -> memref<128x32xf32, #tpu.memory_space<vmem_shared>>
    %dma_wait3A_109 = tpu.memref_slice %arg10[%dma_wait3A_101] : memref<4x!tpu.dma_semaphore, #tpu.memory_space<semaphore_mem>> -> memref<1x!tpu.dma_semaphore, #tpu.memory_space<semaphore_mem>>
    %dma_wait3A_110 = tpu.memref_squeeze %dma_wait3A_109 : memref<1x!tpu.dma_semaphore, #tpu.memory_space<semaphore_mem>> -> memref<!tpu.dma_semaphore, #tpu.memory_space<semaphore_mem>>
    %dma_wait3A_111 = arith.constant 0 : i32
    %dma_wait3A_112 = arith.constant 0 : i32
    %dma_wait3A_113 = tpu.memref_slice %arg8[%dma_wait3A_111, %dma_wait3A_112] : memref<10112x32xf32, #tpu.memory_space<vmem_shared>> -> memref<128x32xf32, #tpu.memory_space<vmem_shared>>
    %dma_wait3A_114 = arith.constant 0 : i32
    %dma_wait3A_115 = arith.constant 0 : i32
    %dma_wait3A_116 = tpu.memref_slice %arg7[%dma_wait3A_100, %dma_wait3A_114, %dma_wait3A_115] : memref<4x128x32xf32, #tpu.memory_space<vmem>> -> memref<1x128x32xf32, #tpu.memory_space<vmem>>
    %dma_wait3A_117 = tpu.memref_squeeze %dma_wait3A_116 : memref<1x128x32xf32, #tpu.memory_space<vmem>> -> memref<128x32xf32, #tpu.memory_space<vmem>>
    tpu.wait_dma2 semaphore(%dma_wait3A_110 : memref<!tpu.dma_semaphore, #tpu.memory_space<semaphore_mem>>) src(%dma_wait3A_117 : memref<128x32xf32, #tpu.memory_space<vmem>>) dst(%dma_wait3A_113 : memref<128x32xf32, #tpu.memory_space<vmem_shared>>)
    %dma_wait3A_118 = arith.constant 2 : i32
    %dma_wait3A_119 = arith.constant 2 : i32
    %dma_wait3A_120 = arith.constant 0 : i32
    %dma_wait3A_121 = arith.constant 0 : i32
    %dma_wait3A_122 = tpu.memref_slice %arg7[%dma_wait3A_118, %dma_wait3A_120, %dma_wait3A_121] : memref<4x128x32xf32, #tpu.memory_space<vmem>> -> memref<1x128x32xf32, #tpu.memory_space<vmem>>
    %dma_wait3A_123 = tpu.memref_squeeze %dma_wait3A_122 : memref<1x128x32xf32, #tpu.memory_space<vmem>> -> memref<128x32xf32, #tpu.memory_space<vmem>>
    %dma_wait3A_124 = arith.constant 0 : i32
    %dma_wait3A_125 = arith.constant 0 : i32
    %dma_wait3A_126 = tpu.memref_slice %arg8[%dma_wait3A_124, %dma_wait3A_125] : memref<10112x32xf32, #tpu.memory_space<vmem_shared>> -> memref<128x32xf32, #tpu.memory_space<vmem_shared>>
    %dma_wait3A_127 = tpu.memref_slice %arg10[%dma_wait3A_119] : memref<4x!tpu.dma_semaphore, #tpu.memory_space<semaphore_mem>> -> memref<1x!tpu.dma_semaphore, #tpu.memory_space<semaphore_mem>>
    %dma_wait3A_128 = tpu.memref_squeeze %dma_wait3A_127 : memref<1x!tpu.dma_semaphore, #tpu.memory_space<semaphore_mem>> -> memref<!tpu.dma_semaphore, #tpu.memory_space<semaphore_mem>>
    %dma_wait3A_129 = arith.constant 0 : i32
    %dma_wait3A_130 = arith.constant 0 : i32
    %dma_wait3A_131 = tpu.memref_slice %arg8[%dma_wait3A_129, %dma_wait3A_130] : memref<10112x32xf32, #tpu.memory_space<vmem_shared>> -> memref<128x32xf32, #tpu.memory_space<vmem_shared>>
    %dma_wait3A_132 = arith.constant 0 : i32
    %dma_wait3A_133 = arith.constant 0 : i32
    %dma_wait3A_134 = tpu.memref_slice %arg7[%dma_wait3A_118, %dma_wait3A_132, %dma_wait3A_133] : memref<4x128x32xf32, #tpu.memory_space<vmem>> -> memref<1x128x32xf32, #tpu.memory_space<vmem>>
    %dma_wait3A_135 = tpu.memref_squeeze %dma_wait3A_134 : memref<1x128x32xf32, #tpu.memory_space<vmem>> -> memref<128x32xf32, #tpu.memory_space<vmem>>
    tpu.wait_dma2 semaphore(%dma_wait3A_128 : memref<!tpu.dma_semaphore, #tpu.memory_space<semaphore_mem>>) src(%dma_wait3A_135 : memref<128x32xf32, #tpu.memory_space<vmem>>) dst(%dma_wait3A_131 : memref<128x32xf32, #tpu.memory_space<vmem_shared>>)
    %dma_wait3A_136 = arith.constant 3 : i32
    %dma_wait3A_137 = arith.constant 3 : i32
    %dma_wait3A_138 = arith.constant 0 : i32
    %dma_wait3A_139 = arith.constant 0 : i32
    %dma_wait3A_140 = tpu.memref_slice %arg7[%dma_wait3A_136, %dma_wait3A_138, %dma_wait3A_139] : memref<4x128x32xf32, #tpu.memory_space<vmem>> -> memref<1x128x32xf32, #tpu.memory_space<vmem>>
    %dma_wait3A_141 = tpu.memref_squeeze %dma_wait3A_140 : memref<1x128x32xf32, #tpu.memory_space<vmem>> -> memref<128x32xf32, #tpu.memory_space<vmem>>
    %dma_wait3A_142 = arith.constant 0 : i32
    %dma_wait3A_143 = arith.constant 0 : i32
    %dma_wait3A_144 = tpu.memref_slice %arg8[%dma_wait3A_142, %dma_wait3A_143] : memref<10112x32xf32, #tpu.memory_space<vmem_shared>> -> memref<128x32xf32, #tpu.memory_space<vmem_shared>>
    %dma_wait3A_145 = tpu.memref_slice %arg10[%dma_wait3A_137] : memref<4x!tpu.dma_semaphore, #tpu.memory_space<semaphore_mem>> -> memref<1x!tpu.dma_semaphore, #tpu.memory_space<semaphore_mem>>
    %dma_wait3A_146 = tpu.memref_squeeze %dma_wait3A_145 : memref<1x!tpu.dma_semaphore, #tpu.memory_space<semaphore_mem>> -> memref<!tpu.dma_semaphore, #tpu.memory_space<semaphore_mem>>
    %dma_wait3A_147 = arith.constant 0 : i32
    %dma_wait3A_148 = arith.constant 0 : i32
    %dma_wait3A_149 = tpu.memref_slice %arg8[%dma_wait3A_147, %dma_wait3A_148] : memref<10112x32xf32, #tpu.memory_space<vmem_shared>> -> memref<128x32xf32, #tpu.memory_space<vmem_shared>>
    %dma_wait3A_150 = arith.constant 0 : i32
    %dma_wait3A_151 = arith.constant 0 : i32
    %dma_wait3A_152 = tpu.memref_slice %arg7[%dma_wait3A_136, %dma_wait3A_150, %dma_wait3A_151] : memref<4x128x32xf32, #tpu.memory_space<vmem>> -> memref<1x128x32xf32, #tpu.memory_space<vmem>>
    %dma_wait3A_153 = tpu.memref_squeeze %dma_wait3A_152 : memref<1x128x32xf32, #tpu.memory_space<vmem>> -> memref<128x32xf32, #tpu.memory_space<vmem>>
    tpu.wait_dma2 semaphore(%dma_wait3A_146 : memref<!tpu.dma_semaphore, #tpu.memory_space<semaphore_mem>>) src(%dma_wait3A_153 : memref<128x32xf32, #tpu.memory_space<vmem>>) dst(%dma_wait3A_149 : memref<128x32xf32, #tpu.memory_space<vmem_shared>>)
    %barrier3A_154 = arith.constant 0 : index
    tpu.barrier barrier_id(%barrier3A_154)
    %mul3A_155 = arith.constant 632 : i32
    %mul3A_156 = arith.muli %arg1, %mul3A_155 : i32
    %mul3A_157 = arith.constant 632 : i32
    %mul3A_158 = arith.muli %arg1, %mul3A_157 : i32
    "tpu.region"() ({
      %run_scoped3A = tpu.sem_alloc : memref<!tpu.dma_semaphore, #tpu.memory_space<semaphore_mem>>
      %dma_start3A_159 = arith.constant 0 : i32
      %dma_start3A_160 = tpu.memref_slice %arg5[%arg0, %mul3A_158, %dma_start3A_159] : memref<2x10112x32xf32, #tpu.memory_space<hbm>> -> memref<1x632x32xf32, #tpu.memory_space<hbm>>
      %dma_start3A_161 = tpu.memref_squeeze %dma_start3A_160 : memref<1x632x32xf32, #tpu.memory_space<hbm>> -> memref<632x32xf32, #tpu.memory_space<hbm>>
      %dma_start3A_162 = arith.constant 0 : i32
      %dma_start3A_163 = tpu.memref_slice %arg8[%mul3A_156, %dma_start3A_162] : memref<10112x32xf32, #tpu.memory_space<vmem_shared>> -> memref<632x32xf32, #tpu.memory_space<vmem_shared>>
      tpu.enqueue_dma source(%dma_start3A_163 : memref<632x32xf32, #tpu.memory_space<vmem_shared>>) target(%dma_start3A_161 : memref<632x32xf32, #tpu.memory_space<hbm>>) target_semaphore(%run_scoped3A : memref<!tpu.dma_semaphore, #tpu.memory_space<semaphore_mem>>)
      %dma_wait3A_164 = arith.constant 0 : i32
      %dma_wait3A_165 = tpu.memref_slice %arg5[%arg0, %mul3A_158, %dma_wait3A_164] : memref<2x10112x32xf32, #tpu.memory_space<hbm>> -> memref<1x632x32xf32, #tpu.memory_space<hbm>>
      %dma_wait3A_166 = tpu.memref_squeeze %dma_wait3A_165 : memref<1x632x32xf32, #tpu.memory_space<hbm>> -> memref<632x32xf32, #tpu.memory_space<hbm>>
      %dma_wait3A_167 = arith.constant 0 : i32
      %dma_wait3A_168 = tpu.memref_slice %arg8[%mul3A_156, %dma_wait3A_167] : memref<10112x32xf32, #tpu.memory_space<vmem_shared>> -> memref<632x32xf32, #tpu.memory_space<vmem_shared>>
      tpu.wait_dma2 semaphore(%run_scoped3A : memref<!tpu.dma_semaphore, #tpu.memory_space<semaphore_mem>>) src(%dma_wait3A_168 : memref<632x32xf32, #tpu.memory_space<vmem_shared>>) dst(%dma_wait3A_166 : memref<632x32xf32, #tpu.memory_space<hbm>>)
      tpu.yield
    }) : () -> ()
    return
  }
}

module attributes {stable_mosaic.version = 14 : i64} {
  func.func @_b_body(%arg0: i32, %arg1: memref<2048x128xbf16, #tpu.memory_space<vmem>>, %arg2: memref<128x32xbf16, #tpu.memory_space<vmem>>, %arg3: memref<1x32xf32, #tpu.memory_space<vmem>>, %arg4: memref<2048x32xf32, #tpu.memory_space<vmem>>) attributes {dimension_semantics = [#tpu.dimension_semantics<arbitrary>], iteration_bounds = array<i64: 80>, scalar_prefetch = 0 : i64, scratch_operands = 0 : i64, tpu.core_type = #tpu.core_type<tc>, window_params = [{transform_indices = @transform_0, window_bounds = array<i64: 2048, 128>}, {pipeline_mode = #tpu.pipeline_mode<synchronous>, transform_indices = @transform_1, window_bounds = array<i64: 128, 32>}, {pipeline_mode = #tpu.pipeline_mode<synchronous>, transform_indices = @transform_2, window_bounds = array<i64: 1, 32>}, {transform_indices = @transform_3, window_bounds = array<i64: 2048, 32>}]} {
    %get3A = arith.constant 0 : index
    %get3A_0 = arith.constant 0 : index
    %get3A_1 = vector.load %arg1[%get3A, %get3A_0] : memref<2048x128xbf16, #tpu.memory_space<vmem>>, vector<2048x128xbf16>
    %get3A_2 = arith.constant 0 : index
    %get3A_3 = arith.constant 0 : index
    %get3A_4 = vector.load %arg2[%get3A_2, %get3A_3] : memref<128x32xbf16, #tpu.memory_space<vmem>>, vector<128x32xbf16>
    %dot_general3A = arith.constant dense<0.000000e+00> : vector<2048x32xf32>
    %dot_general3A_5 = tpu.matmul %get3A_1, %get3A_4, %dot_general3A {dimension_numbers = #tpu.dot_dimension_numbers<[1], [0], [0], [1], [0, 0, 1, 1], [], []>, transpose_lhs_hint = false} : vector<2048x128xbf16>, vector<128x32xbf16>, vector<2048x32xf32> -> vector<2048x32xf32>
    %get3A_6 = arith.constant 0 : index
    %get3A_7 = arith.constant 0 : index
    %get3A_8 = vector.load %arg3[%get3A_6, %get3A_7] : memref<1x32xf32, #tpu.memory_space<vmem>>, vector<1x32xf32>
    %add3A = vector.broadcast %get3A_8 : vector<1x32xf32> to vector<2048x32xf32>
    %add3A_9 = arith.addf %dot_general3A_5, %add3A : vector<2048x32xf32>
    %mul3A = arith.constant 2.000000e+00 : f32
    %mul3A_10 = vector.broadcast %mul3A : f32 to vector<2048x32xf32>
    %mul3A_11 = arith.mulf %mul3A_10, %add3A_9 : vector<2048x32xf32>
    %exp3A = math.exp %mul3A_11 : vector<2048x32xf32>
    %add3A_12 = arith.constant 1.000000e+00 : f32
    %add3A_13 = vector.broadcast %add3A_12 : f32 to vector<2048x32xf32>
    %add3A_14 = arith.addf %exp3A, %add3A_13 : vector<2048x32xf32>
    %div3A = arith.constant 2.000000e+00 : f32
    %div3A_15 = vector.broadcast %div3A : f32 to vector<2048x32xf32>
    %div3A_16 = arith.divf %div3A_15, %add3A_14 : vector<2048x32xf32>
    %sub3A = arith.constant 1.000000e+00 : f32
    %sub3A_17 = vector.broadcast %sub3A : f32 to vector<2048x32xf32>
    %sub3A_18 = arith.subf %sub3A_17, %div3A_16 : vector<2048x32xf32>
    %swap3A = arith.constant 0 : index
    %swap3A_19 = arith.constant 0 : index
    %swap3A_20 = vector.load %arg4[%swap3A, %swap3A_19] : memref<2048x32xf32, #tpu.memory_space<vmem>>, vector<2048x32xf32>
    tpu.vector_store %arg4[%swap3A, %swap3A_19], %sub3A_18 {strides = array<i32>} : memref<2048x32xf32, #tpu.memory_space<vmem>>, vector<2048x32xf32>,
    return
  }
  func.func @transform_0(%arg0: i32) -> (i32, i32) {
    %c0_i32 = arith.constant 0 : i32
    %c0_i32_0 = arith.constant 0 : i32
    return %arg0, %c0_i32 : i32, i32
  }
  func.func @transform_1(%arg0: i32) -> (i32, i32) {
    %c0_i32 = arith.constant 0 : i32
    %c0_i32_0 = arith.constant 0 : i32
    %c0_i32_1 = arith.constant 0 : i32
    return %c0_i32, %c0_i32_0 : i32, i32
  }
  func.func @transform_2(%arg0: i32) -> (i32, i32) {
    %c0_i32 = arith.constant 0 : i32
    %c0_i32_0 = arith.constant 0 : i32
    %c0_i32_1 = arith.constant 0 : i32
    return %c0_i32, %c0_i32_0 : i32, i32
  }
  func.func @transform_3(%arg0: i32) -> (i32, i32) {
    %c0_i32 = arith.constant 0 : i32
    %c0_i32_0 = arith.constant 0 : i32
    return %arg0, %c0_i32 : i32, i32
  }
}

module attributes {stable_mosaic.version = 14 : i64} {
  func.func @_he_body(%arg0: i32, %arg1: memref<512x128xbf16, #tpu.memory_space<vmem>>, %arg2: memref<512x128xbf16, #tpu.memory_space<vmem>>, %arg3: memref<512x32xf32, #tpu.memory_space<vmem>>, %arg4: memref<512x32xf32, #tpu.memory_space<vmem>>, %arg5: memref<512x1xf32, #tpu.memory_space<vmem>>, %arg6: memref<128x1024xbf16, #tpu.memory_space<vmem>>, %arg7: memref<128x1024xbf16, #tpu.memory_space<vmem>>, %arg8: memref<1x1024xf32, #tpu.memory_space<vmem>>, %arg9: memref<32x1024xf32, #tpu.memory_space<vmem>>, %arg10: memref<1024x32xf32, #tpu.memory_space<vmem>>, %arg11: memref<512x32xf32, #tpu.memory_space<vmem>>) attributes {dimension_semantics = [#tpu.dimension_semantics<arbitrary>], iteration_bounds = array<i64: 320>, scalar_prefetch = 0 : i64, scratch_operands = 0 : i64, tpu.core_type = #tpu.core_type<tc>, window_params = [{transform_indices = @transform_0, window_bounds = array<i64: 512, 128>}, {transform_indices = @transform_1, window_bounds = array<i64: 512, 128>}, {transform_indices = @transform_2, window_bounds = array<i64: 512, 32>}, {transform_indices = @transform_3, window_bounds = array<i64: 512, 32>}, {transform_indices = @transform_4, window_bounds = array<i64: 512, 1>}, {pipeline_mode = #tpu.pipeline_mode<synchronous>, transform_indices = @transform_5, window_bounds = array<i64: 128, 1024>}, {pipeline_mode = #tpu.pipeline_mode<synchronous>, transform_indices = @transform_6, window_bounds = array<i64: 128, 1024>}, {pipeline_mode = #tpu.pipeline_mode<synchronous>, transform_indices = @transform_7, window_bounds = array<i64: 1, 1024>}, {pipeline_mode = #tpu.pipeline_mode<synchronous>, transform_indices = @transform_8, window_bounds = array<i64: 32, 1024>}, {pipeline_mode = #tpu.pipeline_mode<synchronous>, transform_indices = @transform_9, window_bounds = array<i64: 1024, 32>}, {transform_indices = @transform_10, window_bounds = array<i64: 512, 32>}]} {
    %get3A = arith.constant 0 : index
    %get3A_0 = arith.constant 0 : index
    %get3A_1 = vector.load %arg1[%get3A, %get3A_0] : memref<512x128xbf16, #tpu.memory_space<vmem>>, vector<512x128xbf16>
    %get3A_2 = arith.constant 0 : index
    %get3A_3 = arith.constant 0 : index
    %get3A_4 = vector.load %arg6[%get3A_2, %get3A_3] : memref<128x1024xbf16, #tpu.memory_space<vmem>>, vector<128x1024xbf16>
    %dot_general3A = arith.constant dense<0.000000e+00> : vector<512x1024xf32>
    %dot_general3A_5 = tpu.matmul %get3A_1, %get3A_4, %dot_general3A {dimension_numbers = #tpu.dot_dimension_numbers<[1], [0], [0], [1], [0, 0, 1, 1], [], []>, transpose_lhs_hint = false} : vector<512x128xbf16>, vector<128x1024xbf16>, vector<512x1024xf32> -> vector<512x1024xf32>
    %get3A_6 = arith.constant 0 : index
    %get3A_7 = arith.constant 0 : index
    %get3A_8 = vector.load %arg2[%get3A_6, %get3A_7] : memref<512x128xbf16, #tpu.memory_space<vmem>>, vector<512x128xbf16>
    %get3A_9 = arith.constant 0 : index
    %get3A_10 = arith.constant 0 : index
    %get3A_11 = vector.load %arg7[%get3A_9, %get3A_10] : memref<128x1024xbf16, #tpu.memory_space<vmem>>, vector<128x1024xbf16>
    %dot_general3A_12 = arith.constant dense<0.000000e+00> : vector<512x1024xf32>
    %dot_general3A_13 = tpu.matmul %get3A_8, %get3A_11, %dot_general3A_12 {dimension_numbers = #tpu.dot_dimension_numbers<[1], [0], [0], [1], [0, 0, 1, 1], [], []>, transpose_lhs_hint = false} : vector<512x128xbf16>, vector<128x1024xbf16>, vector<512x1024xf32> -> vector<512x1024xf32>
    %add3A = arith.addf %dot_general3A_5, %dot_general3A_13 : vector<512x1024xf32>
    %get3A_14 = arith.constant 0 : index
    %get3A_15 = arith.constant 0 : index
    %get3A_16 = vector.load %arg8[%get3A_14, %get3A_15] : memref<1x1024xf32, #tpu.memory_space<vmem>>, vector<1x1024xf32>
    %add3A_17 = vector.broadcast %get3A_16 : vector<1x1024xf32> to vector<512x1024xf32>
    %add3A_18 = arith.addf %add3A, %add3A_17 : vector<512x1024xf32>
    %mul3A = arith.constant 2.000000e+00 : f32
    %mul3A_19 = vector.broadcast %mul3A : f32 to vector<512x1024xf32>
    %mul3A_20 = arith.mulf %mul3A_19, %add3A_18 : vector<512x1024xf32>
    %exp3A = math.exp %mul3A_20 : vector<512x1024xf32>
    %add3A_21 = arith.constant 1.000000e+00 : f32
    %add3A_22 = vector.broadcast %add3A_21 : f32 to vector<512x1024xf32>
    %add3A_23 = arith.addf %exp3A, %add3A_22 : vector<512x1024xf32>
    %div3A = arith.constant 2.000000e+00 : f32
    %div3A_24 = vector.broadcast %div3A : f32 to vector<512x1024xf32>
    %div3A_25 = arith.divf %div3A_24, %add3A_23 : vector<512x1024xf32>
    %sub3A = arith.constant 1.000000e+00 : f32
    %sub3A_26 = vector.broadcast %sub3A : f32 to vector<512x1024xf32>
    %sub3A_27 = arith.subf %sub3A_26, %div3A_25 : vector<512x1024xf32>
    %get3A_28 = arith.constant 0 : index
    %get3A_29 = arith.constant 0 : index
    %get3A_30 = vector.load %arg3[%get3A_28, %get3A_29] : memref<512x32xf32, #tpu.memory_space<vmem>>, vector<512x32xf32>
    %get3A_31 = arith.constant 0 : index
    %get3A_32 = arith.constant 0 : index
    %get3A_33 = vector.load %arg9[%get3A_31, %get3A_32] : memref<32x1024xf32, #tpu.memory_space<vmem>>, vector<32x1024xf32>
    %dot_general3A_34 = arith.constant dense<0.000000e+00> : vector<512x1024xf32>
    %dot_general3A_35 = tpu.matmul %get3A_30, %get3A_33, %dot_general3A_34 {dimension_numbers = #tpu.dot_dimension_numbers<[1], [0], [0], [1], [0, 0, 1, 1], [], []>, transpose_lhs_hint = false} : vector<512x32xf32>, vector<32x1024xf32>, vector<512x1024xf32> -> vector<512x1024xf32>
    %mul3A_36 = arith.mulf %sub3A_27, %dot_general3A_35 : vector<512x1024xf32>
    %get3A_37 = arith.constant 0 : index
    %get3A_38 = arith.constant 0 : index
    %get3A_39 = vector.load %arg10[%get3A_37, %get3A_38] : memref<1024x32xf32, #tpu.memory_space<vmem>>, vector<1024x32xf32>
    %dot_general3A_40 = arith.constant dense<0.000000e+00> : vector<512x32xf32>
    %dot_general3A_41 = tpu.matmul %mul3A_36, %get3A_39, %dot_general3A_40 {dimension_numbers = #tpu.dot_dimension_numbers<[1], [0], [0], [1], [0, 0, 1, 1], [], []>, transpose_lhs_hint = false} : vector<512x1024xf32>, vector<1024x32xf32>, vector<512x32xf32> -> vector<512x32xf32>
    %get3A_42 = arith.constant 0 : index
    %get3A_43 = arith.constant 0 : index
    %get3A_44 = vector.load %arg5[%get3A_42, %get3A_43] : memref<512x1xf32, #tpu.memory_space<vmem>>, vector<512x1xf32>
    %div3A_45 = arith.constant 2.812500e-02 : f32
    %div3A_46 = vector.broadcast %div3A_45 : f32 to vector<512x1xf32>
    %div3A_47 = arith.divf %div3A_46, %get3A_44 : vector<512x1xf32>
    %mul3A_48 = vector.broadcast %div3A_47 : vector<512x1xf32> to vector<512x32xf32>
    %mul3A_49 = arith.mulf %dot_general3A_41, %mul3A_48 : vector<512x32xf32>
    %get3A_50 = arith.constant 0 : index
    %get3A_51 = arith.constant 0 : index
    %get3A_52 = vector.load %arg4[%get3A_50, %get3A_51] : memref<512x32xf32, #tpu.memory_space<vmem>>, vector<512x32xf32>
    %add3A_53 = arith.addf %mul3A_49, %get3A_52 : vector<512x32xf32>
    %swap3A = arith.constant 0 : index
    %swap3A_54 = arith.constant 0 : index
    %swap3A_55 = vector.load %arg11[%swap3A, %swap3A_54] : memref<512x32xf32, #tpu.memory_space<vmem>>, vector<512x32xf32>
    tpu.vector_store %arg11[%swap3A, %swap3A_54], %add3A_53 {strides = array<i32>} : memref<512x32xf32, #tpu.memory_space<vmem>>, vector<512x32xf32>,
    return
  }
  func.func @transform_0(%arg0: i32) -> (i32, i32) {
    %c0_i32 = arith.constant 0 : i32
    %c0_i32_0 = arith.constant 0 : i32
    return %arg0, %c0_i32 : i32, i32
  }
  func.func @transform_1(%arg0: i32) -> (i32, i32) {
    %c0_i32 = arith.constant 0 : i32
    %c0_i32_0 = arith.constant 0 : i32
    return %arg0, %c0_i32 : i32, i32
  }
  func.func @transform_2(%arg0: i32) -> (i32, i32) {
    %c0_i32 = arith.constant 0 : i32
    %c0_i32_0 = arith.constant 0 : i32
    return %arg0, %c0_i32 : i32, i32
  }
  func.func @transform_3(%arg0: i32) -> (i32, i32) {
    %c0_i32 = arith.constant 0 : i32
    %c0_i32_0 = arith.constant 0 : i32
    return %arg0, %c0_i32 : i32, i32
  }
  func.func @transform_4(%arg0: i32) -> (i32, i32) {
    %c0_i32 = arith.constant 0 : i32
    %c0_i32_0 = arith.constant 0 : i32
    return %arg0, %c0_i32 : i32, i32
  }
  func.func @transform_5(%arg0: i32) -> (i32, i32) {
    %c0_i32 = arith.constant 0 : i32
    %c0_i32_0 = arith.constant 0 : i32
    %c0_i32_1 = arith.constant 0 : i32
    return %c0_i32, %c0_i32_0 : i32, i32
  }
  func.func @transform_6(%arg0: i32) -> (i32, i32) {
    %c0_i32 = arith.constant 0 : i32
    %c0_i32_0 = arith.constant 0 : i32
    %c0_i32_1 = arith.constant 0 : i32
    return %c0_i32, %c0_i32_0 : i32, i32
  }
  func.func @transform_7(%arg0: i32) -> (i32, i32) {
    %c0_i32 = arith.constant 0 : i32
    %c0_i32_0 = arith.constant 0 : i32
    %c0_i32_1 = arith.constant 0 : i32
    return %c0_i32, %c0_i32_0 : i32, i32
  }
  func.func @transform_8(%arg0: i32) -> (i32, i32) {
    %c0_i32 = arith.constant 0 : i32
    %c0_i32_0 = arith.constant 0 : i32
    %c0_i32_1 = arith.constant 0 : i32
    return %c0_i32, %c0_i32_0 : i32, i32
  }
  func.func @transform_9(%arg0: i32) -> (i32, i32) {
    %c0_i32 = arith.constant 0 : i32
    %c0_i32_0 = arith.constant 0 : i32
    %c0_i32_1 = arith.constant 0 : i32
    return %c0_i32, %c0_i32_0 : i32, i32
  }
  func.func @transform_10(%arg0: i32) -> (i32, i32) {
    %c0_i32 = arith.constant 0 : i32
    %c0_i32_0 = arith.constant 0 : i32
    return %arg0, %c0_i32 : i32, i32
  }
}

module attributes {stable_mosaic.version = 14 : i64} {
  func.func @_out_body(%arg0: i32, %arg1: memref<10000x32xf32, #tpu.memory_space<vmem>>, %arg2: memref<10000x32xf32, #tpu.memory_space<vmem>>, %arg3: memref<32x40xf32, #tpu.memory_space<vmem>>, %arg4: memref<1x40xf32, #tpu.memory_space<vmem>>, %arg5: memref<10000x40xf32, #tpu.memory_space<vmem>>) attributes {dimension_semantics = [#tpu.dimension_semantics<arbitrary>], iteration_bounds = array<i64: 1>, scalar_prefetch = 0 : i64, scratch_operands = 0 : i64, tpu.core_type = #tpu.core_type<tc>, window_params = [{pipeline_mode = #tpu.pipeline_mode<synchronous>, transform_indices = @transform_0, window_bounds = array<i64: 10000, 32>}, {pipeline_mode = #tpu.pipeline_mode<synchronous>, transform_indices = @transform_1, window_bounds = array<i64: 10000, 32>}, {pipeline_mode = #tpu.pipeline_mode<synchronous>, transform_indices = @transform_2, window_bounds = array<i64: 32, 40>}, {pipeline_mode = #tpu.pipeline_mode<synchronous>, transform_indices = @transform_3, window_bounds = array<i64: 1, 40>}, {pipeline_mode = #tpu.pipeline_mode<synchronous>, transform_indices = @transform_4, window_bounds = array<i64: 10000, 40>}]} {
    %get3A = arith.constant 0 : index
    %get3A_0 = arith.constant 0 : index
    %get3A_1 = vector.load %arg1[%get3A, %get3A_0] : memref<10000x32xf32, #tpu.memory_space<vmem>>, vector<10000x32xf32>
    %get3A_2 = arith.constant 0 : index
    %get3A_3 = arith.constant 0 : index
    %get3A_4 = vector.load %arg2[%get3A_2, %get3A_3] : memref<10000x32xf32, #tpu.memory_space<vmem>>, vector<10000x32xf32>
    %add3A = arith.addf %get3A_1, %get3A_4 : vector<10000x32xf32>
    %get3A_5 = arith.constant 0 : index
    %get3A_6 = arith.constant 0 : index
    %get3A_7 = vector.load %arg3[%get3A_5, %get3A_6] : memref<32x40xf32, #tpu.memory_space<vmem>>, vector<32x40xf32>
    %dot_general3A = arith.constant dense<0.000000e+00> : vector<10000x40xf32>
    %dot_general3A_8 = tpu.matmul %add3A, %get3A_7, %dot_general3A {dimension_numbers = #tpu.dot_dimension_numbers<[1], [0], [0], [1], [0, 0, 1, 1], [], []>, transpose_lhs_hint = false} : vector<10000x32xf32>, vector<32x40xf32>, vector<10000x40xf32> -> vector<10000x40xf32>
    %get3A_9 = arith.constant 0 : index
    %get3A_10 = arith.constant 0 : index
    %get3A_11 = vector.load %arg4[%get3A_9, %get3A_10] : memref<1x40xf32, #tpu.memory_space<vmem>>, vector<1x40xf32>
    %add3A_12 = vector.broadcast %get3A_11 : vector<1x40xf32> to vector<10000x40xf32>
    %add3A_13 = arith.addf %dot_general3A_8, %add3A_12 : vector<10000x40xf32>
    %reduce_max3A = arith.constant dense<0xFF800000> : vector<10000xf32>
    %reduce_max3A_14 = vector.multi_reduction <maximumf>, %add3A_13, %reduce_max3A [1] : vector<10000x40xf32> to vector<10000xf32>
    %broadcast_in_dim3A = vector.shape_cast %reduce_max3A_14 : vector<10000xf32> to vector<10000x1xf32>
    %sub3A = vector.broadcast %broadcast_in_dim3A : vector<10000x1xf32> to vector<10000x40xf32>
    %sub3A_15 = arith.subf %add3A_13, %sub3A : vector<10000x40xf32>
    %exp3A = math.exp %sub3A_15 : vector<10000x40xf32>
    %reduce_sum3A = arith.constant dense<0.000000e+00> : vector<10000xf32>
    %reduce_sum3A_16 = vector.multi_reduction <add>, %exp3A, %reduce_sum3A [1] : vector<10000x40xf32> to vector<10000xf32>
    %broadcast_in_dim3A_17 = vector.shape_cast %reduce_sum3A_16 : vector<10000xf32> to vector<10000x1xf32>
    %log3A = math.log %broadcast_in_dim3A_17 : vector<10000x1xf32>
    %add3A_18 = arith.addf %log3A, %broadcast_in_dim3A : vector<10000x1xf32>
    %sub3A_19 = vector.broadcast %add3A_18 : vector<10000x1xf32> to vector<10000x40xf32>
    %sub3A_20 = arith.subf %add3A_13, %sub3A_19 : vector<10000x40xf32>
    %swap3A = arith.constant 0 : index
    %swap3A_21 = arith.constant 0 : index
    %swap3A_22 = vector.load %arg5[%swap3A, %swap3A_21] : memref<10000x40xf32, #tpu.memory_space<vmem>>, vector<10000x40xf32>
    tpu.vector_store %arg5[%swap3A, %swap3A_21], %sub3A_20 {strides = array<i32>} : memref<10000x40xf32, #tpu.memory_space<vmem>>, vector<10000x40xf32>,
    return
  }
  func.func @transform_0(%arg0: i32) -> (i32, i32) {
    %c0_i32 = arith.constant 0 : i32
    %c0_i32_0 = arith.constant 0 : i32
    %c0_i32_1 = arith.constant 0 : i32
    return %c0_i32, %c0_i32_0 : i32, i32
  }
  func.func @transform_1(%arg0: i32) -> (i32, i32) {
    %c0_i32 = arith.constant 0 : i32
    %c0_i32_0 = arith.constant 0 : i32
    %c0_i32_1 = arith.constant 0 : i32
    return %c0_i32, %c0_i32_0 : i32, i32
  }
  func.func @transform_2(%arg0: i32) -> (i32, i32) {
    %c0_i32 = arith.constant 0 : i32
    %c0_i32_0 = arith.constant 0 : i32
    %c0_i32_1 = arith.constant 0 : i32
    return %c0_i32, %c0_i32_0 : i32, i32
  }
  func.func @transform_3(%arg0: i32) -> (i32, i32) {
    %c0_i32 = arith.constant 0 : i32
    %c0_i32_0 = arith.constant 0 : i32
    %c0_i32_1 = arith.constant 0 : i32
    return %c0_i32, %c0_i32_0 : i32, i32
  }
  func.func @transform_4(%arg0: i32) -> (i32, i32) {
    %c0_i32 = arith.constant 0 : i32
    %c0_i32_0 = arith.constant 0 : i32
    %c0_i32_1 = arith.constant 0 : i32
    return %c0_i32, %c0_i32_0 : i32, i32
  }
}

</mosaic_0001>

<sc_bundles>
// kernel: kernel.11.cloned.1.call-start
scs
__scs_entry_jumppad:
0x0: {  	(pc) =	sbr.rel $0x88, $3  }
0x1: {  	(tag) =	ssettag $0x0;
	lr =	simm.s32 $0x1  }
0x2: {  	[smem:$0x3F97] =	sst lr;
	_ =	strace $0xD0000000  }
0x3: {  	_ = 	snop  }
0x4: {  	_ = 	snop  }
0x5: {  	_ = 	snop  }
0x6: {  	_ = 	snop  }
0x7: {  	_ = 	snop  }
__scs_overlays_trampoline_lowered:
0x8: {  	[smem:$0x3FA6] =	sst s0  }
0x9: {  	[smem:$0x3FA7] =	sst s1  }
0xa: {  	[smem:$0x3FA8] =	sst s2  }
0xb: {  	[smem:$0x3FA9] =	sst s3  }
0xc: {  	[smem:$0x3FAA] =	sst s4  }
0xd: {  	[smem:$0x3FAB] =	sst s5  }
0xe: {  	[smem:$0x3FAC] =	sst s6  }
0xf: {  	[smem:$0x3FAD] =	sst s7  }
0x10: {  	[smem:$0x3FAE] =	sst s8  }
0x11: {  	[smem:$0x3FAF] =	sst s9;
	s0 =	simm.s32 @!p0 $0x0  }
0x12: {  	s1 =	sld [smem:$0x3F95];
	s0 =	simm.s32 @p0 $0x1  }
0x13: {  	[smem:$0x3FB0] =	sst s0;
	s0 =	simm.s32 @!p1 $0x0  }
0x14: {  	s2 =	sld [smem:$0x3F94];
	s0 =	simm.s32 @p1 $0x1  }
0x15: {  	[smem:$0x3FB1] =	sst s0;
	s0 =	simm.s32 @!p2 $0x0  }
0x16: {  	s3 =	sld [smem:$0x3FDB];
	s0 =	simm.s32 @p2 $0x1  }
0x17: {  	s4 =	simm.s32 $0x1BF5;
	[smem:$0x3FB3] =	sst s0  }
0x18: {  	s0 =	sld [smem:$0x3F96];
	_ =	swait.ge [sflag:s4], $0x0  }
0x19: {  	s7 =	sld [smem:$0x3F97]  }
0x1a: {  	s8 =	sadd.s32 $0xFFFFE003, lr  }
0x1b: {  	s9 =	sadd.s32 $0xFFFFFEF7, lr;
	s5 =	simm.s32 $0xFFFFFFFF;
	p2 =	slt.u32 s8, $0xFFFFF086  }
0x1c: {  	p1 =	slt.u32 s9, $0xF7A;
	s5 =	simm.s32 @!p2 $0x0  }
0x1d: {  	s5 =	simm.s32 @p1 $0x1;
	p0 =	seq.s32 s7, s2  }
0x1e: {  	s7 =	smul.u32 @!p0 $0xF7A, s2;
	p2 =	seq.s32 @!p0 s5, $0x0  }
0x1f: {  	s9 =	smul.u32 $0xF7A, s1;
	s8 =	simm.s32 @!p0 $0x1BF5;
	p2 =	por !p2, p0  }
0x20: {  	[sflag:s8] =	ssyncset.s32 @!p0 $0xFFFFF086;
	s6 =	sadd.s32 @!p0 s3, s7;
	s7 =	simm.s32 @!p0 $0x108  }
0x21: {  	s3 =	sadd.s32 s3, s9;
	s6 =	sadd.s32 @!p0 $0x88, s6;
	s7 =	simm.s32 @p2 $0x1082  }
0x22: {  	[simem:s7], [sflag:s8] =	dma.local @!p0 [hbm:s6], $0xF7A  }
0x23: {  	s9 =	sor.u32 $0xD0000000, s2;
	s6 =	simm.s32 $0x108;
	_ =	swait.ge @!p0 [sflag:s8], $0x0  }
0x24: {  	s3 =	sadd.s32 $0x88, s3;
	s6 =	simm.s32 @!p1 $0x1082;
	[sflag:s4] =	ssyncset.s32 $0xFFFFF086  }
0x25: {  	[simem:s6], [sflag:s4] =	dma.local [hbm:s3], $0xF7A  }
0x26: {  	[smem:$0x3F97] =	sst s1;
	(tag) =	ssettag s2;
	_ =	strace s9  }
0x27: {  	s1 =	sld [smem:$0x3FA7]  }
0x28: {  	s2 =	sld [smem:$0x3FA8]  }
0x29: {  	s4 =	sld [smem:$0x3FAA]  }
0x2a: {  	p0 =	seq.s32 s5, $0x0;
	s5 =	sld [smem:$0x3FAB]  }
0x2b: {  	s6 =	sld [smem:$0x3FAC]  }
0x2c: {  	s7 =	sld [smem:$0x3FAD]  }
0x2d: {  	s3 =	simm.s32 $0x108;
	s8 =	sld [smem:$0x3FAE]  }
0x2e: {  	s3 =	simm.s32 @!p0 $0x1082;
	s9 =	sld [smem:$0x3FAF]  }
0x2f: {  	lr =	sadd.s32 s0, s3;
	s0 =	sld [smem:$0x3FA6]  }
0x30: {  	s3 =	sld [smem:$0x3FA9]  }
0x31: {  	[smem:$0x3FB2] =	sst s10  }
0x32: {  	s10 =	sld [smem:$0x3FB0];
	_ =	sdelay $0x3  }
0x33: {  	p0 =	seq.s32 s10, $0x1;
	s10 =	sld [smem:$0x3FB2];
	_ =	sdelay $0x3  }
0x34: {  	[smem:$0x3FB2] =	sst s10  }
0x35: {  	s10 =	sld [smem:$0x3FB1];
	_ =	sdelay $0x3  }
0x36: {  	p1 =	seq.s32 s10, $0x1;
	s10 =	sld [smem:$0x3FB2];
	_ =	sdelay $0x3  }
0x37: {  	[smem:$0x3FB2] =	sst s10  }
0x38: {  	s10 =	sld [smem:$0x3FB3]  }
0x39: {  	_ = 	snop;
	(pc) =	sbr.ind lr, $3  }
0x3a: {  	_ = 	snop  }
0x3b: {  	_ = 	snop  }
0x3c: {  	p2 =	seq.s32 s10, $0x1;
	s10 =	sld [smem:$0x3FB2]  }
0x3d: {  	_ =	shalt  }
0x3e: {  	_ =	shalt  }
0x3f: {  	_ =	shalt  }
0x40: {  	_ =	shalt  }
0x41: {  	_ =	shalt  }
0x42: {  	_ =	shalt  }
0x43: {  	_ =	shalt  }
0x44: {  	_ =	shalt  }
0x45: {  	_ =	shalt  }
0x46: {  	_ =	shalt  }
0x47: {  	_ =	shalt  }
0x48: {  	_ =	shalt  }
0x49: {  	_ =	shalt  }
0x4a: {  	_ =	shalt  }
0x4b: {  	_ =	shalt  }
0x4c: {  	_ =	shalt  }
0x4d: {  	_ =	shalt  }
0x4e: {  	_ =	shalt  }
0x4f: {  	_ =	shalt  }
0x50: {  	_ =	shalt  }
0x51: {  	_ =	shalt  }
0x52: {  	_ =	shalt  }
0x53: {  	_ =	shalt  }
0x54: {  	_ =	shalt  }
0x55: {  	_ =	shalt  }
0x56: {  	_ =	shalt  }
0x57: {  	_ =	shalt  }
0x58: {  	_ =	shalt  }
0x59: {  	_ =	shalt  }
0x5a: {  	_ =	shalt  }
0x5b: {  	_ =	shalt  }
0x5c: {  	_ =	shalt  }
0x5d: {  	_ =	shalt  }
0x5e: {  	_ =	shalt  }
0x5f: {  	_ =	shalt  }
0x60: {  	_ =	shalt  }
0x61: {  	_ =	shalt  }
0x62: {  	_ =	shalt  }
0x63: {  	_ =	shalt  }
0x64: {  	_ =	shalt  }
0x65: {  	_ =	shalt  }
0x66: {  	_ =	shalt  }
0x67: {  	_ =	shalt  }
0x68: {  	_ =	shalt  }
0x69: {  	_ =	shalt  }
0x6a: {  	_ =	shalt  }
0x6b: {  	_ =	shalt  }
0x6c: {  	_ =	shalt  }
0x6d: {  	_ =	shalt  }
0x6e: {  	_ =	shalt  }
0x6f: {  	_ =	shalt  }
0x70: {  	_ =	shalt  }
0x71: {  	_ =	shalt  }
0x72: {  	_ =	shalt  }
0x73: {  	_ =	shalt  }
0x74: {  	_ =	shalt  }
0x75: {  	_ =	shalt  }
0x76: {  	_ =	shalt  }
0x77: {  	_ =	shalt  }
0x78: {  	_ =	shalt  }
0x79: {  	_ =	shalt  }
0x7a: {  	_ =	shalt  }
0x7b: {  	_ =	shalt  }
0x7c: {  	_ =	shalt  }
0x7d: {  	_ =	shalt  }
0x7e: {  	_ =	shalt  }
0x7f: {  	_ =	shalt  }
0x80: {  	_ =	shalt  }
0x81: {  	_ =	shalt  }
0x82: {  	_ =	shalt  }
0x83: {  	_ =	shalt  }
0x84: {  	_ =	shalt  }
0x85: {  	_ =	shalt  }
0x86: {  	_ =	shalt  }
0x87: {  	_ =	shalt  }
.Lfunc_end0:
.L_simem_size_0:
called_computation.1_lowered:
.L_overlay_start_0:
0x88: {  	s2 =	sld [smem:$0x3FD9]  }
0x89: {  	s3 =	sld [smem:$0x3FFE];
	_ =	sdelay $0x1  }
0x8a: {  	s1 =	srdreg.scid  }
0x8b: {  	s0 =	sand.u32 $0x1, s1  }
0x8c: {  	s17 =	sshll.u32 s0, $0xA;
	s2 =	sadd.s32 s3, s2  }
0x8d: {  	s2 =	sadd.s32 s2, s17  }
0x8e: {  	[smem:$0x3FBE] =	sst s2  }
0x8f: {  	_ = 	snop  }
0x90: {  	s2 =	sld [smem:$0x3FD0];
	(tm) =	ssettm $0x1  }
0x91: {  	s18 =	sld [smem:$0x3FFB];
	_ =	sdelay $0x3  }
0x92: {  	_ =	strace s18  }
0x93: {  	s3 =	sld [smem:$0x3FFC];
	_ =	sdelay $0x3  }
0x94: {  	_ =	strace s3  }
0x95: {  	s3 =	sld [smem:$0x3FFD];
	_ =	sdelay $0x3  }
0x96: {  	_ =	strace s3  }
0x97: {  	_ =	strace $0x8FFFFFFF  }
0x98: {  	s19 =	sld [smem:$0x3FDB];
	_ =	sdelay $0x1  }
0x99: {  	s4 =	simm.s32 $_scs_section_size  }
0x9a: {  	s5 =	simm.s32 $_size__tile_overlayer_lowered;
	s6 =	simm.s32 $_tile_overlayer_lowered  }
0x9b: {  	s22 =	simm.s32 $0x1BFF;
	s21 =	sshll.u32 s6, $0x1;
	s3 =	sadd.s32 s4, s19  }
0x9c: {  	s7 =	simm.s32 $0x0;
	s20 =	sshll.u32 s5, $0x1;
	s5 =	sadd.s32 s21, s3  }
0x9d: {  	[timem:s7], [sflag:s22] =	dma.local [hbm:s5], s20  }
0x9e: {  	_ =	swait.ge [sflag:s22], s20  }
0x9f: {  	s4 =	ssub.s32 $0x0, s20;
	[sflag:s22] =	ssyncset.done $0x0  }
0xa0: {  	[sflag:s22] =	ssyncadd.s32 s4;
	_ =	sdelay $0x1  }
0xa1: {  	s23 =	simm.s32 $0x1B8B  }
0xa2: {  	_ =	swait.ge [sflag:s23], $0x1  }
0xa3: {  	[sflag:s23] =	ssyncset.done $0x0  }
0xa4: {  	s25 =	simm.s32 $0x1B8E;
	s24 =	sld [smem:$0x3FFE];
	[sflag:s23] =	ssyncadd.s32 $0xFFFFFFFF  }
0xa5: {  	s26 =	simm.s32 $execute0_lowered;
	[smem:$0x3FD2] =	sst s25  }
0xa6: {  	s5 =	sshll.u32 s26, $0x1;
	_ =	strace $0x80000049;
	[dreg:$0x1] =	wrdreg $0xFFFFFFFF  }
0xa7: {  	s28 =	simm.s32 $_size_execute0_lowered;
	s3 =	sadd.s32 s3, s5;
	[dreg:$0x0] =	wrdreg $0x0  }
0xa8: {  	s5 =	sshll.u32 s28, $0x1;
	[dreg:$0x2] =	wrdreg s3  }
0xa9: {  	[dreg:$0x3] =	wrdreg s5  }
0xaa: {  	[dreg:$0x4] =	wrdreg $0xC0  }
0xab: {  	_ =	task [dreg:s7], $0x5FFFF  }
0xac: {  	[dreg:$0x1] =	wrdreg $0xFFFFFFFF  }
0xad: {  	[dreg:$0x0] =	wrdreg $0x60  }
0xae: {  	[dreg:$0x2] =	wrdreg s24  }
0xaf: {  	[dreg:$0x3] =	wrdreg s2  }
0xb0: {  	[dreg:$0x4] =	wrdreg $0x68000  }
0xb1: {  	[dreg:$0x5] =	wrdreg $0x9  }
0xb2: {  	_ =	task.clear_ibuf [dreg:s7], $0x6FFFF;
	_ =	strace $0x90000049  }
0xb3: {  	s29 =	simm.s32 $0x9;
	_ =	strace $0x8000004B  }
0xb4: {  	_ =	swait.ge [sflag:s29], $0x1  }
0xb5: {  	[sflag:s29] =	ssyncadd.s32 $0xFFFFFFFF  }
0xb6: {  	_ =	strace $0x9000004B  }
0xb7: {  	_ =	sfence  }
0xb8: {  	s30 =	sld [smem:$0x0];
	_ =	sdelay $0x2  }
0xb9: {  	s31 =	sshll.u32 s1, $0xD;
	s1 =	sshrl.u32 s1, $0x2  }
0xba: {  	s3 =	sand.u32 $0x4000, s31;
	s1 =	sadd.s32 s1, s30  }
0xbb: {  	s0 =	sor.u32 s3, s0;
	s1 =	sshll.u32 s1, $0x11  }
0xbc: {  	s0 =	sor.u32 s1, s0  }
0xbd: {  	s0 =	sadd.s32 $0x8F2B, s0  }
0xbe: {  	[sflag:s0] =	ssyncadd.remote.s32 $0x1  }
0xbf: {  	_ =	sfence.sel $0xFFFF  }
0xc0: {  	[dreg:$0x0] =	wrdreg $0xFFFFFFFF;
	(pc) =	sbr.abs _section_cstart, $3  }
0xc1: {  	[dreg:$0x1] =	wrdreg $0xFFFFFFFF  }
0xc2: {  	_ =	task.clear_ibuf [dreg:s7], $0x2FFFF;
	_ =	strace $0x9FFFFFFF  }
0xc3: {  	(tm) =	ssettm $0x7FFFFFFF  }
tec
execute0_lowered:
.L_overlay_start_1:
0x0: {  	(tag) =	ssettag $0x1  }
0x1: {  	s0 =	rddreg [dreg:$0x0]  }
0x2: {  	s1 =	rddreg [dreg:$0x1]  }
0x3: {  	s2 =	rddreg [dreg:$0x2];
	s10 =	stileid.u32;
	s3 =	simm.s32 $0x0  }
0x4: {  	s5 =	srdreg.scid;
	s28 =	simm.s32 $0x80;
	s29 =	simm.s32 $0x2  }
0x5: {  	s30 =	simm.s32 $0x3;
	s31 =	simm.s32 $0x4;
	s4 =	smul.u32 $0xA000, s10  }
0x6: {  	[smem:$0x7FF] =	sst s3;
	s5 =	sand.u32 $0x1, s5;
	s8 =	smul.u32 $0x2800, s10  }
0x7: {  	s6 =	sadd.s32 $0xA2200, s0;
	s10 =	smul.u32 $0x13C00, s10;
	_ =	strace $0x8000004A  }
0x8: {  	[dreg:$0x4] =	wrdreg s6;
	s18 =	ssub.s32 $0x2, s5;
	s20 =	smul.u32 $0x1400, s5  }
0x9: {  	s5 =	smul.u32 $0x5000, s5;
	s7 =	sadd.s32 s4, s0;
	s0 =	sadd.s32 $0xA2C00, s0  }
0xa: {  	s9 =	sshrl.u32 s18, $0x1;
	s19 =	sshrl.u32 s8, $0x3;
	s21 =	sshrl.u32 s10, $0x2  }
0xb: {  	s14 =	ssub.s32 s18, s9;
	s1 =	sadd.s32 s1, s19;
	s6 =	sadd.s32 $0x2200, s7  }
0xc: {  	s22 =	sadd.s32 $0x2400, s7;
	s23 =	sadd.s32 $0x2600, s7;
	[dreg:$0x5] =	wrdreg s1  }
0xd: {  	s8 =	sadd.s32 s20, s8;
	s9 =	sshrl.u32 s5, $0x2;
	[dreg:$0x6] =	wrdreg s22  }
0xe: {  	s7 =	sadd.s32 $0x2800, s7;
	s20 =	simm.s32 $0x9;
	[dreg:$0x7] =	wrdreg s23  }
0xf: {  	s1 =	sadd.s32 s21, s2;
	[dreg:$0x8] =	wrdreg s7;
	s24 =	sor.u32 $0x80, s9  }
0x10: {  	s25 =	sshll.u32 s8, $0x2;
	s26 =	sor.u32 $0x100, s9;
	s13 =	sor.u32 $0x180, s9  }
0x11: {  	s14 =	smax.u32 s14, $0x1;
	s22 =	simm.s32 $0x2800;
	[dreg:$0x9] =	wrdreg s24  }
0x12: {  	s23 =	simm.s32 $0x3800;
	[dreg:$0xa] =	wrdreg s26;
	s7 =	sadd.s32 s0, s25  }
0x13: {  	s0 =	sadd.s32 s4, s0;
	s21 =	sshrl.u32 s1, $0x3;
	s24 =	simm.s32 $0x4800  }
0x14: {  	s25 =	simm.s32 $0x5800;
	s26 =	simm.s32 $0x1;
	s1 =	simm.s32 $0x6  }
0x15: {  	s4 =	simm.s32 $0x7;
	s15 =	sadd.s32 $0x4800, s7;
	s16 =	sadd.s32 $0x4A00, s7  }
0x16: {  	s17 =	sadd.s32 $0x4C00, s7;
	s18 =	sadd.s32 $0x4E00, s7;
	s19 =	sadd.s32 s5, s0  }
0x17: {  	s0 =	simm.s32 $0x5;
	s5 =	simm.s32 $0x8;
	s7 =	simm.s32 $0x0  }
.LBB2_1:
0x18: {  	s8 =	rddreg [dreg:$0x5]  }
0x19: {  	[tilespmem:s3], [sflag:$0x9] =	stream.linear.gather [hbm4b:s8+s3], $0x2800, $0x38;
	[tilespmem:$0xB700] =	vst v63  }
0x1a: {  	s10 =	stileid.u32;
	_ =	swait.ge [sflag:s20], $0x2800  }
0x1b: {  	s8 =	sshll.u32 s10, $0x6;
	[sflag:s20] =	ssyncset.done $0x0  }
0x1c: {  	s8 =	sor.u32 $0x1C09, s8;
	s10 =	rddreg [dreg:$0x4];
	[sflag:s20] =	ssyncadd.s32 $0xFFFFD800  }
0x1d: {  	[spmem:s21], [sflag:s8] =	dma.local [hbm:s10], $0x9E0  }
0x1e: {  	_ =	swait.ge [sflag:s20], $0x9E0  }
0x1f: {  	[sflag:s20] =	ssyncset.done $0x0  }
0x20: {  	[sflag:s20] =	ssyncadd.s32 $0xFFFFF620  }
0x21: {  	[bflag:$0x0] =	sbarrier.arrive $0xFFFF  }
0x22: {  	[tilespmem:s22], [sflag:$0x1] =	stream.linear.gather [hbm4b:s6+s3], $0x1000, $0x38;
	[tilespmem:$0xB700] =	vst v63  }
0x23: {  	s11 =	rddreg [dreg:$0x6]  }
0x24: {  	[tilespmem:s23], [sflag:$0x2] =	stream.linear.gather [hbm4b:s11+s3], $0x1000, $0x38;
	[tilespmem:$0xB700] =	vst v63  }
0x25: {  	s12 =	rddreg [dreg:$0x7]  }
0x26: {  	[tilespmem:s24], [sflag:$0x3] =	stream.linear.gather [hbm4b:s12+s3], $0x1000, $0x38;
	[tilespmem:$0xB700] =	vst v63  }
0x27: {  	s10 =	rddreg [dreg:$0x8]  }
0x28: {  	[tilespmem:s25], [sflag:$0x4] =	stream.linear.gather [hbm4b:s10+s3], $0x1000, $0x38;
	[tilespmem:$0xB700] =	vst v63  }
0x29: {  	_ =	swait.ge [sflag:s26], $0x1000  }
0x2a: {  	[sflag:s26] =	ssyncset.done $0x0  }
0x2b: {  	s11 =	simm.s32 $0x0;
	[sflag:s26] =	ssyncadd.s32 $0xFFFFF000  }
0x2c: {  	[spmem:s2] =	stream.indirect.scatter.add.f32 [tilespmem:s22], [sflag:$0x5], $0x20, s11, s28, $0xb8;
	[tilespmem:$0xB700] =	vst v63  }
0x2d: {  	_ =	swait.ge [sflag:s29], $0x1000  }
0x2e: {  	[sflag:s29] =	ssyncset.done $0x0  }
0x2f: {  	s12 =	simm.s32 $0x80;
	[sflag:s29] =	ssyncadd.s32 $0xFFFFF000  }
0x30: {  	[spmem:s2] =	stream.indirect.scatter.add.f32 [tilespmem:s23], [sflag:$0x6], $0x20, s12, s28, $0xb8;
	[tilespmem:$0xB700] =	vst v63  }
0x31: {  	_ =	swait.ge [sflag:s30], $0x1000  }
0x32: {  	[sflag:s30] =	ssyncset.done $0x0  }
0x33: {  	s10 =	simm.s32 $0x100;
	[sflag:s30] =	ssyncadd.s32 $0xFFFFF000  }
0x34: {  	[spmem:s2] =	stream.indirect.scatter.add.f32 [tilespmem:s24], [sflag:$0x7], $0x20, s10, s28, $0xb8;
	[tilespmem:$0xB700] =	vst v63  }
0x35: {  	_ =	swait.ge [sflag:s31], $0x1000  }
0x36: {  	[sflag:s31] =	ssyncset.done $0x0  }
0x37: {  	s11 =	simm.s32 $0x180;
	[sflag:s31] =	ssyncadd.s32 $0xFFFFF000  }
0x38: {  	[spmem:s2] =	stream.indirect.scatter.add.f32 [tilespmem:s25], [sflag:$0x8], $0x20, s11, s28, $0xb8;
	[tilespmem:$0xB700] =	vst v63  }
0x39: {  	_ =	swait.ge [sflag:s0], $0x1000  }
0x3a: {  	s10 =	sadd.s32 $0x0, s6;
	[sflag:s0] =	ssyncset.done $0x0  }
0x3b: {  	s12 =	sadd.s32 $0x800, s10;
	[sflag:s0] =	ssyncadd.s32 $0xFFFFF000  }
0x3c: {  	[tilespmem:s22], [sflag:$0x1] =	stream.linear.gather [hbm4b:s12+s3], $0x1000, $0x38;
	[tilespmem:$0xB700] =	vst v63  }
0x3d: {  	_ =	swait.ge [sflag:s1], $0x1000  }
0x3e: {  	[sflag:s1] =	ssyncset.done $0x0  }
0x3f: {  	s11 =	sadd.s32 $0xA00, s10;
	[sflag:s1] =	ssyncadd.s32 $0xFFFFF000  }
0x40: {  	[tilespmem:s23], [sflag:$0x2] =	stream.linear.gather [hbm4b:s11+s3], $0x1000, $0x38;
	[tilespmem:$0xB700] =	vst v63  }
0x41: {  	_ =	swait.ge [sflag:s4], $0x1000  }
0x42: {  	[sflag:s4] =	ssyncset.done $0x0  }
0x43: {  	s12 =	sadd.s32 $0xC00, s10;
	[sflag:s4] =	ssyncadd.s32 $0xFFFFF000  }
0x44: {  	[tilespmem:s24], [sflag:$0x3] =	stream.linear.gather [hbm4b:s12+s3], $0x1000, $0x38;
	[tilespmem:$0xB700] =	vst v63  }
0x45: {  	_ =	swait.ge [sflag:s5], $0x1000  }
0x46: {  	[sflag:s5] =	ssyncset.done $0x0  }
0x47: {  	s8 =	simm.s32 $0x800;
	s10 =	sadd.s32 $0xE00, s10;
	[sflag:s5] =	ssyncadd.s32 $0xFFFFF000  }
.LBB2_2:
0x48: {  	[tilespmem:s25], [sflag:$0x4] =	stream.linear.gather [hbm4b:s10+s3], $0x1000, $0x38;
	[tilespmem:$0xB700] =	vst v63  }
0x49: {  	s10 =	smov.u32 s8  }
0x4a: {  	p0 =	sne.s32 s8, $0x9000;
	s8 =	sadd.s32 $0x800, s8;
	_ =	swait.ge [sflag:s26], $0x1000  }
0x4b: {  	[sflag:s26] =	ssyncset.done $0x0  }
0x4c: {  	s11 =	sshra.s32 s10, $0x2;
	[sflag:s26] =	ssyncadd.s32 $0xFFFFF000  }
0x4d: {  	[spmem:s2] =	stream.indirect.scatter.add.f32 [tilespmem:s22], [sflag:$0x5], $0x20, s11, s28, $0xb8;
	[tilespmem:$0xB700] =	vst v63  }
0x4e: {  	_ =	swait.ge [sflag:s29], $0x1000  }
0x4f: {  	[sflag:s29] =	ssyncset.done $0x0  }
0x50: {  	s12 =	sadd.s32 $0x80, s11;
	[sflag:s29] =	ssyncadd.s32 $0xFFFFF000  }
0x51: {  	[spmem:s2] =	stream.indirect.scatter.add.f32 [tilespmem:s23], [sflag:$0x6], $0x20, s12, s28, $0xb8;
	[tilespmem:$0xB700] =	vst v63  }
0x52: {  	_ =	swait.ge [sflag:s30], $0x1000  }
0x53: {  	[sflag:s30] =	ssyncset.done $0x0  }
0x54: {  	s12 =	sadd.s32 $0x100, s11;
	[sflag:s30] =	ssyncadd.s32 $0xFFFFF000  }
0x55: {  	[spmem:s2] =	stream.indirect.scatter.add.f32 [tilespmem:s24], [sflag:$0x7], $0x20, s12, s28, $0xb8;
	[tilespmem:$0xB700] =	vst v63  }
0x56: {  	_ =	swait.ge [sflag:s31], $0x1000  }
0x57: {  	[sflag:s31] =	ssyncset.done $0x0  }
0x58: {  	s11 =	sadd.s32 $0x180, s11;
	[sflag:s31] =	ssyncadd.s32 $0xFFFFF000  }
0x59: {  	[spmem:s2] =	stream.indirect.scatter.add.f32 [tilespmem:s25], [sflag:$0x8], $0x20, s11, s28, $0xb8;
	[tilespmem:$0xB700] =	vst v63  }
0x5a: {  	_ =	swait.ge [sflag:s0], $0x1000  }
0x5b: {  	s10 =	sadd.s32 s10, s6;
	[sflag:s0] =	ssyncset.done $0x0  }
0x5c: {  	s11 =	sadd.s32 $0x800, s10;
	[sflag:s0] =	ssyncadd.s32 $0xFFFFF000  }
0x5d: {  	[tilespmem:s22], [sflag:$0x1] =	stream.linear.gather [hbm4b:s11+s3], $0x1000, $0x38;
	[tilespmem:$0xB700] =	vst v63  }
0x5e: {  	_ =	swait.ge [sflag:s1], $0x1000  }
0x5f: {  	[sflag:s1] =	ssyncset.done $0x0  }
0x60: {  	s11 =	sadd.s32 $0xA00, s10;
	[sflag:s1] =	ssyncadd.s32 $0xFFFFF000  }
0x61: {  	[tilespmem:s23], [sflag:$0x2] =	stream.linear.gather [hbm4b:s11+s3], $0x1000, $0x38;
	[tilespmem:$0xB700] =	vst v63  }
0x62: {  	_ =	swait.ge [sflag:s4], $0x1000  }
0x63: {  	[sflag:s4] =	ssyncset.done $0x0  }
.Ltmp0:
0x64: {  	s11 =	sadd.s32 $0xC00, s10;
	[sflag:s4] =	ssyncadd.s32 $0xFFFFF000;
	(pc) =	sbr.rel @p0 .LBB2_2-.Ltmp0, $4  }
0x65: {  	[tilespmem:s24], [sflag:$0x3] =	stream.linear.gather [hbm4b:s11+s3], $0x1000, $0x38;
	[tilespmem:$0xB700] =	vst v63  }
0x66: {  	_ =	swait.ge [sflag:s5], $0x1000  }
0x67: {  	[sflag:s5] =	ssyncset.done $0x0  }
0x68: {  	s10 =	sadd.s32 $0xE00, s10;
	[sflag:s5] =	ssyncadd.s32 $0xFFFFF000  }
0x69: {  	[tilespmem:s25], [sflag:$0x4] =	stream.linear.gather [hbm4b:s10+s3], $0x1000, $0x38;
	[tilespmem:$0xB700] =	vst v63  }
0x6a: {  	_ =	swait.ge [sflag:s26], $0x1000  }
0x6b: {  	[sflag:s26] =	ssyncset.done $0x0  }
0x6c: {  	s8 =	simm.s32 $0x2600;
	[sflag:s26] =	ssyncadd.s32 $0xFFFFF000  }
0x6d: {  	[spmem:s2] =	stream.indirect.scatter.add.f32 [tilespmem:s22], [sflag:$0x5], $0x20, s8, s28, $0xb8;
	[tilespmem:$0xB700] =	vst v63  }
0x6e: {  	_ =	swait.ge [sflag:s29], $0x1000  }
0x6f: {  	[sflag:s29] =	ssyncset.done $0x0  }
0x70: {  	s10 =	simm.s32 $0x2680;
	[sflag:s29] =	ssyncadd.s32 $0xFFFFF000  }
0x71: {  	[spmem:s2] =	stream.indirect.scatter.add.f32 [tilespmem:s23], [sflag:$0x6], $0x20, s10, s28, $0xb8;
	[tilespmem:$0xB700] =	vst v63  }
0x72: {  	_ =	swait.ge [sflag:s30], $0x1000  }
0x73: {  	[sflag:s30] =	ssyncset.done $0x0  }
0x74: {  	s11 =	simm.s32 $0x2700;
	[sflag:s30] =	ssyncadd.s32 $0xFFFFF000  }
0x75: {  	[spmem:s2] =	stream.indirect.scatter.add.f32 [tilespmem:s24], [sflag:$0x7], $0x20, s11, s28, $0xb8;
	[tilespmem:$0xB700] =	vst v63  }
0x76: {  	_ =	swait.ge [sflag:s31], $0x1000  }
0x77: {  	[sflag:s31] =	ssyncset.done $0x0  }
0x78: {  	s12 =	simm.s32 $0x2780;
	[sflag:s31] =	ssyncadd.s32 $0xFFFFF000  }
0x79: {  	[spmem:s2] =	stream.indirect.scatter.add.f32 [tilespmem:s25], [sflag:$0x8], $0x20, s12, s28, $0xb8;
	[tilespmem:$0xB700] =	vst v63  }
0x7a: {  	_ =	swait.ge [sflag:s0], $0x1000  }
0x7b: {  	[sflag:s0] =	ssyncset.done $0x0  }
0x7c: {  	[sflag:s0] =	ssyncadd.s32 $0xFFFFF000  }
0x7d: {  	_ =	swait.ge [sflag:s1], $0x1000  }
0x7e: {  	[sflag:s1] =	ssyncset.done $0x0  }
0x7f: {  	[sflag:s1] =	ssyncadd.s32 $0xFFFFF000  }
0x80: {  	_ =	swait.ge [sflag:s4], $0x1000  }
0x81: {  	[sflag:s4] =	ssyncset.done $0x0  }
0x82: {  	[sflag:s4] =	ssyncadd.s32 $0xFFFFF000  }
0x83: {  	_ =	swait.ge [sflag:s5], $0x1000  }
0x84: {  	[sflag:s5] =	ssyncset.done $0x0  }
0x85: {  	[sflag:s5] =	ssyncadd.s32 $0xFFFFF000  }
0x86: {  	[bflag:$0x0] =	sbarrier.arrive $0xFFFF  }
0x87: {  	[tilespmem:s22], [sflag:$0x1] =	stream.indirect.gather [spmem:s2], $0x20, s9, s28, $0xb8;
	[tilespmem:$0xB700] =	vst v63  }
0x88: {  	s10 =	rddreg [dreg:$0x9]  }
0x89: {  	[tilespmem:s23], [sflag:$0x2] =	stream.indirect.gather [spmem:s2], $0x20, s10, s28, $0xb8;
	[tilespmem:$0xB700] =	vst v63  }
0x8a: {  	s11 =	rddreg [dreg:$0xa]  }
0x8b: {  	[tilespmem:s24], [sflag:$0x3] =	stream.indirect.gather [spmem:s2], $0x20, s11, s28, $0xb8;
	[tilespmem:$0xB700] =	vst v63  }
0x8c: {  	_ = 	snop  }
0x8d: {  	[tilespmem:s25], [sflag:$0x4] =	stream.indirect.gather [spmem:s2], $0x20, s13, s28, $0xb8;
	[tilespmem:$0xB700] =	vst v63  }
0x8e: {  	_ =	swait.ge [sflag:s26], $0x1000  }
0x8f: {  	[sflag:s26] =	ssyncset.done $0x0  }
0x90: {  	s8 =	sadd.s32 $0x0, s19;
	[sflag:s26] =	ssyncadd.s32 $0xFFFFF000  }
0x91: {  	[hbm4b:s8+s3] =	stream.linear.scatter [tilespmem:s22], [sflag:$0x5], $0x1000, $0x38;
	[tilespmem:$0xB700] =	vst v63  }
0x92: {  	_ =	swait.ge [sflag:s29], $0x1000  }
0x93: {  	[sflag:s29] =	ssyncset.done $0x0  }
0x94: {  	s12 =	sadd.s32 $0x200, s8;
	[sflag:s29] =	ssyncadd.s32 $0xFFFFF000  }
0x95: {  	[hbm4b:s12+s3] =	stream.linear.scatter [tilespmem:s23], [sflag:$0x6], $0x1000, $0x38;
	[tilespmem:$0xB700] =	vst v63  }
0x96: {  	_ =	swait.ge [sflag:s30], $0x1000  }
0x97: {  	[sflag:s30] =	ssyncset.done $0x0  }
0x98: {  	s11 =	sadd.s32 $0x400, s8;
	[sflag:s30] =	ssyncadd.s32 $0xFFFFF000  }
0x99: {  	[hbm4b:s11+s3] =	stream.linear.scatter [tilespmem:s24], [sflag:$0x7], $0x1000, $0x38;
	[tilespmem:$0xB700] =	vst v63  }
0x9a: {  	_ =	swait.ge [sflag:s31], $0x1000  }
0x9b: {  	[sflag:s31] =	ssyncset.done $0x0  }
0x9c: {  	s8 =	sadd.s32 $0x600, s8;
	[sflag:s31] =	ssyncadd.s32 $0xFFFFF000  }
0x9d: {  	[hbm4b:s8+s3] =	stream.linear.scatter [tilespmem:s25], [sflag:$0x8], $0x1000, $0x38;
	[tilespmem:$0xB700] =	vst v63  }
0x9e: {  	_ =	swait.ge [sflag:s0], $0x1000  }
0x9f: {  	s10 =	sadd.s32 $0x0, s9;
	[sflag:s0] =	ssyncset.done $0x0  }
0xa0: {  	s12 =	sadd.s32 $0x200, s10;
	[sflag:s0] =	ssyncadd.s32 $0xFFFFF000  }
0xa1: {  	[tilespmem:s22], [sflag:$0x1] =	stream.indirect.gather [spmem:s2], $0x20, s12, s28, $0xb8;
	[tilespmem:$0xB700] =	vst v63  }
0xa2: {  	_ =	swait.ge [sflag:s1], $0x1000  }
0xa3: {  	[sflag:s1] =	ssyncset.done $0x0  }
0xa4: {  	s11 =	sadd.s32 $0x280, s10;
	[sflag:s1] =	ssyncadd.s32 $0xFFFFF000  }
0xa5: {  	[tilespmem:s23], [sflag:$0x2] =	stream.indirect.gather [spmem:s2], $0x20, s11, s28, $0xb8;
	[tilespmem:$0xB700] =	vst v63  }
0xa6: {  	_ =	swait.ge [sflag:s4], $0x1000  }
0xa7: {  	[sflag:s4] =	ssyncset.done $0x0  }
0xa8: {  	s12 =	sadd.s32 $0x300, s10;
	[sflag:s4] =	ssyncadd.s32 $0xFFFFF000  }
0xa9: {  	[tilespmem:s24], [sflag:$0x3] =	stream.indirect.gather [spmem:s2], $0x20, s12, s28, $0xb8;
	[tilespmem:$0xB700] =	vst v63  }
0xaa: {  	_ =	swait.ge [sflag:s5], $0x1000  }
0xab: {  	[sflag:s5] =	ssyncset.done $0x0  }
0xac: {  	s8 =	simm.s32 $0x800;
	s10 =	sadd.s32 $0x380, s10;
	[sflag:s5] =	ssyncadd.s32 $0xFFFFF000  }
.LBB2_4:
0xad: {  	[tilespmem:s25], [sflag:$0x4] =	stream.indirect.gather [spmem:s2], $0x20, s10, s28, $0xb8;
	[tilespmem:$0xB700] =	vst v63  }
0xae: {  	s10 =	smov.u32 s8  }
0xaf: {  	p0 =	sne.s32 s8, $0x4000;
	s8 =	sadd.s32 $0x800, s8;
	_ =	swait.ge [sflag:s26], $0x1000  }
0xb0: {  	[sflag:s26] =	ssyncset.done $0x0  }
0xb1: {  	s11 =	sadd.s32 s10, s19;
	[sflag:s26] =	ssyncadd.s32 $0xFFFFF000  }
0xb2: {  	[hbm4b:s11+s3] =	stream.linear.scatter [tilespmem:s22], [sflag:$0x5], $0x1000, $0x38;
	[tilespmem:$0xB700] =	vst v63  }
0xb3: {  	_ =	swait.ge [sflag:s29], $0x1000  }
0xb4: {  	[sflag:s29] =	ssyncset.done $0x0  }
0xb5: {  	s12 =	sadd.s32 $0x200, s11;
	[sflag:s29] =	ssyncadd.s32 $0xFFFFF000  }
0xb6: {  	[hbm4b:s12+s3] =	stream.linear.scatter [tilespmem:s23], [sflag:$0x6], $0x1000, $0x38;
	[tilespmem:$0xB700] =	vst v63  }
0xb7: {  	_ =	swait.ge [sflag:s30], $0x1000  }
0xb8: {  	[sflag:s30] =	ssyncset.done $0x0  }
0xb9: {  	s12 =	sadd.s32 $0x400, s11;
	[sflag:s30] =	ssyncadd.s32 $0xFFFFF000  }
0xba: {  	[hbm4b:s12+s3] =	stream.linear.scatter [tilespmem:s24], [sflag:$0x7], $0x1000, $0x38;
	[tilespmem:$0xB700] =	vst v63  }
0xbb: {  	_ =	swait.ge [sflag:s31], $0x1000  }
0xbc: {  	[sflag:s31] =	ssyncset.done $0x0  }
0xbd: {  	s11 =	sadd.s32 $0x600, s11;
	[sflag:s31] =	ssyncadd.s32 $0xFFFFF000  }
0xbe: {  	[hbm4b:s11+s3] =	stream.linear.scatter [tilespmem:s25], [sflag:$0x8], $0x1000, $0x38;
	[tilespmem:$0xB700] =	vst v63  }
0xbf: {  	s10 =	sshra.s32 s10, $0x2;
	_ =	swait.ge [sflag:s0], $0x1000  }
0xc0: {  	s10 =	sadd.s32 s10, s9;
	[sflag:s0] =	ssyncset.done $0x0  }
0xc1: {  	s11 =	sadd.s32 $0x200, s10;
	[sflag:s0] =	ssyncadd.s32 $0xFFFFF000  }
0xc2: {  	[tilespmem:s22], [sflag:$0x1] =	stream.indirect.gather [spmem:s2], $0x20, s11, s28, $0xb8;
	[tilespmem:$0xB700] =	vst v63  }
0xc3: {  	_ =	swait.ge [sflag:s1], $0x1000  }
0xc4: {  	[sflag:s1] =	ssyncset.done $0x0  }
0xc5: {  	s11 =	sadd.s32 $0x280, s10;
	[sflag:s1] =	ssyncadd.s32 $0xFFFFF000  }
0xc6: {  	[tilespmem:s23], [sflag:$0x2] =	stream.indirect.gather [spmem:s2], $0x20, s11, s28, $0xb8;
	[tilespmem:$0xB700] =	vst v63  }
0xc7: {  	_ =	swait.ge [sflag:s4], $0x1000  }
0xc8: {  	[sflag:s4] =	ssyncset.done $0x0  }
.Ltmp1:
0xc9: {  	s11 =	sadd.s32 $0x300, s10;
	[sflag:s4] =	ssyncadd.s32 $0xFFFFF000;
	(pc) =	sbr.rel @p0 .LBB2_4-.Ltmp1, $4  }
0xca: {  	[tilespmem:s24], [sflag:$0x3] =	stream.indirect.gather [spmem:s2], $0x20, s11, s28, $0xb8;
	[tilespmem:$0xB700] =	vst v63  }
0xcb: {  	_ =	swait.ge [sflag:s5], $0x1000  }
0xcc: {  	[sflag:s5] =	ssyncset.done $0x0  }
0xcd: {  	s10 =	sadd.s32 $0x380, s10;
	[sflag:s5] =	ssyncadd.s32 $0xFFFFF000  }
0xce: {  	[tilespmem:s25], [sflag:$0x4] =	stream.indirect.gather [spmem:s2], $0x20, s10, s28, $0xb8;
	[tilespmem:$0xB700] =	vst v63  }
0xcf: {  	_ =	swait.ge [sflag:s26], $0x1000  }
0xd0: {  	[sflag:s26] =	ssyncset.done $0x0  }
0xd1: {  	[sflag:s26] =	ssyncadd.s32 $0xFFFFF000  }
0xd2: {  	[hbm4b:s15+s3] =	stream.linear.scatter [tilespmem:s22], [sflag:$0x5], $0x1000, $0x38;
	[tilespmem:$0xB700] =	vst v63  }
0xd3: {  	_ =	swait.ge [sflag:s29], $0x1000  }
0xd4: {  	[sflag:s29] =	ssyncset.done $0x0  }
0xd5: {  	[sflag:s29] =	ssyncadd.s32 $0xFFFFF000  }
0xd6: {  	[hbm4b:s16+s3] =	stream.linear.scatter [tilespmem:s23], [sflag:$0x6], $0x1000, $0x38;
	[tilespmem:$0xB700] =	vst v63  }
0xd7: {  	_ =	swait.ge [sflag:s30], $0x1000  }
0xd8: {  	[sflag:s30] =	ssyncset.done $0x0  }
0xd9: {  	[sflag:s30] =	ssyncadd.s32 $0xFFFFF000  }
0xda: {  	[hbm4b:s17+s3] =	stream.linear.scatter [tilespmem:s24], [sflag:$0x7], $0x1000, $0x38;
	[tilespmem:$0xB700] =	vst v63  }
0xdb: {  	_ =	swait.ge [sflag:s31], $0x1000  }
0xdc: {  	[sflag:s31] =	ssyncset.done $0x0  }
0xdd: {  	[sflag:s31] =	ssyncadd.s32 $0xFFFFF000  }
0xde: {  	[hbm4b:s18+s3] =	stream.linear.scatter [tilespmem:s25], [sflag:$0x8], $0x1000, $0x38;
	[tilespmem:$0xB700] =	vst v63  }
0xdf: {  	_ =	swait.ge [sflag:s0], $0x1000  }
0xe0: {  	[sflag:s0] =	ssyncset.done $0x0  }
0xe1: {  	[sflag:s0] =	ssyncadd.s32 $0xFFFFF000  }
0xe2: {  	_ =	swait.ge [sflag:s1], $0x1000  }
0xe3: {  	[sflag:s1] =	ssyncset.done $0x0  }
0xe4: {  	s7 =	sadd.s32 $0x1, s7;
	[sflag:s1] =	ssyncadd.s32 $0xFFFFF000  }
0xe5: {  	p0 =	sne.s32 s7, s14;
	_ =	swait.ge [sflag:s4], $0x1000  }
.Ltmp2:
0xe6: {  	[sflag:s4] =	ssyncset.done $0x0;
	(pc) =	sbr.rel @p0 .LBB2_1-.Ltmp2, $4  }
0xe7: {  	[sflag:s4] =	ssyncadd.s32 $0xFFFFF000  }
0xe8: {  	_ =	swait.ge [sflag:s5], $0x1000  }
0xe9: {  	[sflag:s5] =	ssyncset.done $0x0  }
0xea: {  	[sflag:s5] =	ssyncadd.s32 $0xFFFFF000  }
0xeb: {  	_ =	sfence.sel $0x180000  }
0xec: {  	[bflag:$0x0] =	sbarrier.arrive $0xFFFF  }
0xed: {  	_ =	strace $0x9000004A  }
0xee: {  	s0 =	stileid.u32;
	[bflag:$0x2] =	sbarrier.arrive $0xFFFF  }
0xef: {  	p0 =	sne.s32 s0, $0x0;
	s0 =	rddreg [dreg:$0x3]  }
0xf0: {  	s0 =	sadd.s32 @!p0 $0x100000, s0  }
0xf1: {  	[sflag:s0] =	ssyncadd.tile.s32 @!p0 $0x1;
	_ =	shalt  }
.Lfunc_end2:
_tile_overlayer_lowered:
.L_overlay_start_2:
0xf2: {  	(tag) =	ssettag $0x2  }
0xf3: {  	s0 =	rddreg [dreg:$0x0];
	s2 =	stileid.u32  }
0xf4: {  	s1 =	rddreg [dreg:$0x1];
	p0 =	sne.s32 s2, $0x0  }
0xf5: {  	s3 =	rddreg [dreg:$0x2];
	[bflag:$0x3] =	sbarrier.arrive $0xFFFF;
	s2 =	simm.s32 @!p0 $0x1C09  }
0xf6: {  	[timem:s3], [sflag:s2] =	dma.local @!p0 [hbm:s0], s1  }
0xf7: {  	s0 =	simm.s32 @!p0 $0x9  }
0xf8: {  	_ =	swait.ge @!p0 [sflag:s0], s1  }
0xf9: {  	s1 =	ssub.s32 @!p0 $0x0, s1;
	[sflag:s0] =	ssyncset.done @!p0 $0x0  }
0xfa: {  	[sflag:s0] =	ssyncadd.s32 @!p0 s1  }
0xfb: {  	[bflag:$0x3] =	sbarrier.arrive $0xFFFF  }
0xfc: {  	_ =	shalt  }

// kernel: kernel.14.cloned.1.call-start
scs
__scs_entry_jumppad:
0x0: {  	(pc) =	sbr.rel $0x88, $3  }
0x1: {  	(tag) =	ssettag $0x0;
	lr =	simm.s32 $0x1  }
0x2: {  	[smem:$0x3F97] =	sst lr;
	_ =	strace $0xD0000000  }
0x3: {  	_ = 	snop  }
0x4: {  	_ = 	snop  }
0x5: {  	_ = 	snop  }
0x6: {  	_ = 	snop  }
0x7: {  	_ = 	snop  }
__scs_overlays_trampoline_lowered:
0x8: {  	[smem:$0x3FA6] =	sst s0  }
0x9: {  	[smem:$0x3FA7] =	sst s1  }
0xa: {  	[smem:$0x3FA8] =	sst s2  }
0xb: {  	[smem:$0x3FA9] =	sst s3  }
0xc: {  	[smem:$0x3FAA] =	sst s4  }
0xd: {  	[smem:$0x3FAB] =	sst s5  }
0xe: {  	[smem:$0x3FAC] =	sst s6  }
0xf: {  	[smem:$0x3FAD] =	sst s7  }
0x10: {  	[smem:$0x3FAE] =	sst s8  }
0x11: {  	[smem:$0x3FAF] =	sst s9;
	s0 =	simm.s32 @!p0 $0x0  }
0x12: {  	s1 =	sld [smem:$0x3F95];
	s0 =	simm.s32 @p0 $0x1  }
0x13: {  	[smem:$0x3FB0] =	sst s0;
	s0 =	simm.s32 @!p1 $0x0  }
0x14: {  	s2 =	sld [smem:$0x3F94];
	s0 =	simm.s32 @p1 $0x1  }
0x15: {  	[smem:$0x3FB1] =	sst s0;
	s0 =	simm.s32 @!p2 $0x0  }
0x16: {  	s3 =	sld [smem:$0x3FDB];
	s0 =	simm.s32 @p2 $0x1  }
0x17: {  	s4 =	simm.s32 $0x1BF5;
	[smem:$0x3FB3] =	sst s0  }
0x18: {  	s0 =	sld [smem:$0x3F96];
	_ =	swait.ge [sflag:s4], $0x0  }
0x19: {  	s7 =	sld [smem:$0x3F97]  }
0x1a: {  	s8 =	sadd.s32 $0xFFFFE003, lr  }
0x1b: {  	s9 =	sadd.s32 $0xFFFFFEF7, lr;
	s5 =	simm.s32 $0xFFFFFFFF;
	p2 =	slt.u32 s8, $0xFFFFF086  }
0x1c: {  	p1 =	slt.u32 s9, $0xF7A;
	s5 =	simm.s32 @!p2 $0x0  }
0x1d: {  	s5 =	simm.s32 @p1 $0x1;
	p0 =	seq.s32 s7, s2  }
0x1e: {  	s7 =	smul.u32 @!p0 $0xF7A, s2;
	p2 =	seq.s32 @!p0 s5, $0x0  }
0x1f: {  	s9 =	smul.u32 $0xF7A, s1;
	s8 =	simm.s32 @!p0 $0x1BF5;
	p2 =	por !p2, p0  }
0x20: {  	[sflag:s8] =	ssyncset.s32 @!p0 $0xFFFFF086;
	s6 =	sadd.s32 @!p0 s3, s7;
	s7 =	simm.s32 @!p0 $0x108  }
0x21: {  	s3 =	sadd.s32 s3, s9;
	s6 =	sadd.s32 @!p0 $0x88, s6;
	s7 =	simm.s32 @p2 $0x1082  }
0x22: {  	[simem:s7], [sflag:s8] =	dma.local @!p0 [hbm:s6], $0xF7A  }
0x23: {  	s9 =	sor.u32 $0xD0000000, s2;
	s6 =	simm.s32 $0x108;
	_ =	swait.ge @!p0 [sflag:s8], $0x0  }
0x24: {  	s3 =	sadd.s32 $0x88, s3;
	s6 =	simm.s32 @!p1 $0x1082;
	[sflag:s4] =	ssyncset.s32 $0xFFFFF086  }
0x25: {  	[simem:s6], [sflag:s4] =	dma.local [hbm:s3], $0xF7A  }
0x26: {  	[smem:$0x3F97] =	sst s1;
	(tag) =	ssettag s2;
	_ =	strace s9  }
0x27: {  	s1 =	sld [smem:$0x3FA7]  }
0x28: {  	s2 =	sld [smem:$0x3FA8]  }
0x29: {  	s4 =	sld [smem:$0x3FAA]  }
0x2a: {  	p0 =	seq.s32 s5, $0x0;
	s5 =	sld [smem:$0x3FAB]  }
0x2b: {  	s6 =	sld [smem:$0x3FAC]  }
0x2c: {  	s7 =	sld [smem:$0x3FAD]  }
0x2d: {  	s3 =	simm.s32 $0x108;
	s8 =	sld [smem:$0x3FAE]  }
0x2e: {  	s3 =	simm.s32 @!p0 $0x1082;
	s9 =	sld [smem:$0x3FAF]  }
0x2f: {  	lr =	sadd.s32 s0, s3;
	s0 =	sld [smem:$0x3FA6]  }
0x30: {  	s3 =	sld [smem:$0x3FA9]  }
0x31: {  	[smem:$0x3FB2] =	sst s10  }
0x32: {  	s10 =	sld [smem:$0x3FB0];
	_ =	sdelay $0x3  }
0x33: {  	p0 =	seq.s32 s10, $0x1;
	s10 =	sld [smem:$0x3FB2];
	_ =	sdelay $0x3  }
0x34: {  	[smem:$0x3FB2] =	sst s10  }
0x35: {  	s10 =	sld [smem:$0x3FB1];
	_ =	sdelay $0x3  }
0x36: {  	p1 =	seq.s32 s10, $0x1;
	s10 =	sld [smem:$0x3FB2];
	_ =	sdelay $0x3  }
0x37: {  	[smem:$0x3FB2] =	sst s10  }
0x38: {  	s10 =	sld [smem:$0x3FB3]  }
0x39: {  	_ = 	snop;
	(pc) =	sbr.ind lr, $3  }
0x3a: {  	_ = 	snop  }
0x3b: {  	_ = 	snop  }
0x3c: {  	p2 =	seq.s32 s10, $0x1;
	s10 =	sld [smem:$0x3FB2]  }
0x3d: {  	_ =	shalt  }
0x3e: {  	_ =	shalt  }
0x3f: {  	_ =	shalt  }
0x40: {  	_ =	shalt  }
0x41: {  	_ =	shalt  }
0x42: {  	_ =	shalt  }
0x43: {  	_ =	shalt  }
0x44: {  	_ =	shalt  }
0x45: {  	_ =	shalt  }
0x46: {  	_ =	shalt  }
0x47: {  	_ =	shalt  }
0x48: {  	_ =	shalt  }
0x49: {  	_ =	shalt  }
0x4a: {  	_ =	shalt  }
0x4b: {  	_ =	shalt  }
0x4c: {  	_ =	shalt  }
0x4d: {  	_ =	shalt  }
0x4e: {  	_ =	shalt  }
0x4f: {  	_ =	shalt  }
0x50: {  	_ =	shalt  }
0x51: {  	_ =	shalt  }
0x52: {  	_ =	shalt  }
0x53: {  	_ =	shalt  }
0x54: {  	_ =	shalt  }
0x55: {  	_ =	shalt  }
0x56: {  	_ =	shalt  }
0x57: {  	_ =	shalt  }
0x58: {  	_ =	shalt  }
0x59: {  	_ =	shalt  }
0x5a: {  	_ =	shalt  }
0x5b: {  	_ =	shalt  }
0x5c: {  	_ =	shalt  }
0x5d: {  	_ =	shalt  }
0x5e: {  	_ =	shalt  }
0x5f: {  	_ =	shalt  }
0x60: {  	_ =	shalt  }
0x61: {  	_ =	shalt  }
0x62: {  	_ =	shalt  }
0x63: {  	_ =	shalt  }
0x64: {  	_ =	shalt  }
0x65: {  	_ =	shalt  }
0x66: {  	_ =	shalt  }
0x67: {  	_ =	shalt  }
0x68: {  	_ =	shalt  }
0x69: {  	_ =	shalt  }
0x6a: {  	_ =	shalt  }
0x6b: {  	_ =	shalt  }
0x6c: {  	_ =	shalt  }
0x6d: {  	_ =	shalt  }
0x6e: {  	_ =	shalt  }
0x6f: {  	_ =	shalt  }
0x70: {  	_ =	shalt  }
0x71: {  	_ =	shalt  }
0x72: {  	_ =	shalt  }
0x73: {  	_ =	shalt  }
0x74: {  	_ =	shalt  }
0x75: {  	_ =	shalt  }
0x76: {  	_ =	shalt  }
0x77: {  	_ =	shalt  }
0x78: {  	_ =	shalt  }
0x79: {  	_ =	shalt  }
0x7a: {  	_ =	shalt  }
0x7b: {  	_ =	shalt  }
0x7c: {  	_ =	shalt  }
0x7d: {  	_ =	shalt  }
0x7e: {  	_ =	shalt  }
0x7f: {  	_ =	shalt  }
0x80: {  	_ =	shalt  }
0x81: {  	_ =	shalt  }
0x82: {  	_ =	shalt  }
0x83: {  	_ =	shalt  }
0x84: {  	_ =	shalt  }
0x85: {  	_ =	shalt  }
0x86: {  	_ =	shalt  }
0x87: {  	_ =	shalt  }
.Lfunc_end0:
.L_simem_size_0:
called_computation.2_lowered:
.L_overlay_start_0:
0x88: {  	s2 =	sld [smem:$0x3FD9]  }
0x89: {  	s3 =	sld [smem:$0x3FFE];
	_ =	sdelay $0x1  }
0x8a: {  	s1 =	srdreg.scid  }
0x8b: {  	s0 =	sand.u32 $0x1, s1  }
0x8c: {  	s17 =	sshll.u32 s0, $0xA;
	s2 =	sadd.s32 s3, s2  }
0x8d: {  	s2 =	sadd.s32 s2, s17  }
0x8e: {  	[smem:$0x3FBE] =	sst s2  }
0x8f: {  	_ = 	snop  }
0x90: {  	s2 =	sld [smem:$0x3FD0];
	(tm) =	ssettm $0x1  }
0x91: {  	s18 =	sld [smem:$0x3FFB];
	_ =	sdelay $0x3  }
0x92: {  	_ =	strace s18  }
0x93: {  	s3 =	sld [smem:$0x3FFC];
	_ =	sdelay $0x3  }
0x94: {  	_ =	strace s3  }
0x95: {  	s3 =	sld [smem:$0x3FFD];
	_ =	sdelay $0x3  }
0x96: {  	_ =	strace s3  }
0x97: {  	_ =	strace $0x8FFFFFFF  }
0x98: {  	s19 =	sld [smem:$0x3FDB];
	_ =	sdelay $0x1  }
0x99: {  	s4 =	simm.s32 $_scs_section_size  }
0x9a: {  	s5 =	simm.s32 $_size__tile_overlayer_lowered;
	s6 =	simm.s32 $_tile_overlayer_lowered  }
0x9b: {  	s22 =	simm.s32 $0x1BFF;
	s21 =	sshll.u32 s6, $0x1;
	s3 =	sadd.s32 s4, s19  }
0x9c: {  	s7 =	simm.s32 $0x0;
	s20 =	sshll.u32 s5, $0x1;
	s5 =	sadd.s32 s21, s3  }
0x9d: {  	[timem:s7], [sflag:s22] =	dma.local [hbm:s5], s20  }
0x9e: {  	_ =	swait.ge [sflag:s22], s20  }
0x9f: {  	s4 =	ssub.s32 $0x0, s20;
	[sflag:s22] =	ssyncset.done $0x0  }
0xa0: {  	[sflag:s22] =	ssyncadd.s32 s4;
	_ =	sdelay $0x1  }
0xa1: {  	s23 =	simm.s32 $0x1B8B  }
0xa2: {  	_ =	swait.ge [sflag:s23], $0x1  }
0xa3: {  	[sflag:s23] =	ssyncset.done $0x0  }
0xa4: {  	s25 =	simm.s32 $0x1B8E;
	s24 =	sld [smem:$0x3FFE];
	[sflag:s23] =	ssyncadd.s32 $0xFFFFFFFF  }
0xa5: {  	s26 =	simm.s32 $execute0_lowered;
	[smem:$0x3FD2] =	sst s25  }
0xa6: {  	s5 =	sshll.u32 s26, $0x1;
	_ =	strace $0x8000004C;
	[dreg:$0x1] =	wrdreg $0xFFFFFFFF  }
0xa7: {  	s28 =	simm.s32 $_size_execute0_lowered;
	s3 =	sadd.s32 s3, s5;
	[dreg:$0x0] =	wrdreg $0x0  }
0xa8: {  	s5 =	sshll.u32 s28, $0x1;
	[dreg:$0x2] =	wrdreg s3  }
0xa9: {  	[dreg:$0x3] =	wrdreg s5  }
0xaa: {  	[dreg:$0x4] =	wrdreg $0xC0  }
0xab: {  	_ =	task [dreg:s7], $0x5FFFF  }
0xac: {  	[dreg:$0x1] =	wrdreg $0xFFFFFFFF  }
0xad: {  	[dreg:$0x0] =	wrdreg $0x60  }
0xae: {  	[dreg:$0x2] =	wrdreg s24  }
0xaf: {  	[dreg:$0x3] =	wrdreg s2  }
0xb0: {  	[dreg:$0x4] =	wrdreg $0x68000  }
0xb1: {  	[dreg:$0x5] =	wrdreg $0x9  }
0xb2: {  	_ =	task.clear_ibuf [dreg:s7], $0x6FFFF;
	_ =	strace $0x9000004C  }
0xb3: {  	s29 =	simm.s32 $0x9;
	_ =	strace $0x8000004E  }
0xb4: {  	_ =	swait.ge [sflag:s29], $0x1  }
0xb5: {  	[sflag:s29] =	ssyncadd.s32 $0xFFFFFFFF  }
0xb6: {  	_ =	strace $0x9000004E  }
0xb7: {  	_ =	sfence  }
0xb8: {  	s30 =	sld [smem:$0x0];
	_ =	sdelay $0x2  }
0xb9: {  	s31 =	sshll.u32 s1, $0xD;
	s1 =	sshrl.u32 s1, $0x2  }
0xba: {  	s3 =	sand.u32 $0x4000, s31;
	s1 =	sadd.s32 s1, s30  }
0xbb: {  	s0 =	sor.u32 s3, s0;
	s1 =	sshll.u32 s1, $0x11  }
0xbc: {  	s0 =	sor.u32 s1, s0  }
0xbd: {  	s0 =	sadd.s32 $0x8F2B, s0  }
0xbe: {  	[sflag:s0] =	ssyncadd.remote.s32 $0x1  }
0xbf: {  	_ =	sfence.sel $0xFFFF  }
0xc0: {  	[dreg:$0x0] =	wrdreg $0xFFFFFFFF;
	(pc) =	sbr.abs _section_cstart, $3  }
0xc1: {  	[dreg:$0x1] =	wrdreg $0xFFFFFFFF  }
0xc2: {  	_ =	task.clear_ibuf [dreg:s7], $0x2FFFF;
	_ =	strace $0x9FFFFFFF  }
0xc3: {  	(tm) =	ssettm $0x7FFFFFFF  }
tec
execute0_lowered:
.L_overlay_start_1:
0x0: {  	(tag) =	ssettag $0x1  }
0x1: {  	s0 =	rddreg [dreg:$0x0]  }
0x2: {  	s1 =	rddreg [dreg:$0x1];
	s3 =	srdreg.scid  }
0x3: {  	s10 =	stileid.u32;
	s2 =	rddreg [dreg:$0x2]  }
0x4: {  	s18 =	simm.s32 $0x9;
	s28 =	simm.s32 $0x2;
	s5 =	smul.u32 $0x4F00, s10  }
0x5: {  	s29 =	simm.s32 $0x3;
	s30 =	simm.s32 $0x4;
	s7 =	smul.u32 $0x2800, s10  }
0x6: {  	s31 =	simm.s32 $0x5;
	s4 =	sand.u32 $0x1, s3;
	s25 =	smul.u32 $0xA000, s10  }
0x7: {  	s3 =	simm.s32 $0x0;
	s17 =	sadd.s32 $0x2200, s0;
	s6 =	smul.u32 $0x4F000, s4  }
0x8: {  	s9 =	sadd.s32 $0xA2200, s0;
	s26 =	sshll.u32 s10, $0x6;
	s8 =	smul.u32 $0x1400, s4  }
0x9: {  	[smem:$0x7FF] =	sst s3;
	s19 =	ssub.s32 $0x2, s4;
	s4 =	smul.u32 $0x5000, s4  }
0xa: {  	_ =	strace $0x8000004D;
	[dreg:$0x4] =	wrdreg s9;
	s20 =	sshrl.u32 s19, $0x1  }
0xb: {  	s21 =	sadd.s32 s5, s2;
	s6 =	sadd.s32 s5, s6;
	s8 =	sadd.s32 s8, s7  }
0xc: {  	s7 =	sshrl.u32 s7, $0x3;
	s11 =	ssub.s32 s19, s20;
	s12 =	sshrl.u32 s4, $0x2  }
0xd: {  	s19 =	sor.u32 $0x1C09, s26;
	s20 =	sshrl.u32 s21, $0x3;
	s21 =	simm.s32 $0x2800  }
0xe: {  	s26 =	simm.s32 $0x80;
	s5 =	simm.s32 $0x0;
	s6 =	sshrl.u32 s6, $0x3  }
0xf: {  	s8 =	sshll.u32 s8, $0x2;
	s1 =	sadd.s32 s1, s7;
	s11 =	smax.u32 s11, $0x1  }
0x10: {  	s13 =	sadd.s32 $0x1200, s12;
	s0 =	sadd.s32 s6, s0;
	s6 =	sadd.s32 s17, s8  }
0x11: {  	s14 =	sadd.s32 $0x1280, s12;
	[dreg:$0x5] =	wrdreg s1;
	s22 =	sadd.s32 $0x200, s6  }
0x12: {  	s15 =	sadd.s32 $0x1300, s12;
	s23 =	sadd.s32 $0x400, s6;
	[dreg:$0x6] =	wrdreg s22  }
0x13: {  	s16 =	sadd.s32 $0x1380, s12;
	s24 =	sadd.s32 $0x600, s6;
	[dreg:$0x7] =	wrdreg s23  }
0x14: {  	s1 =	simm.s32 $0x6;
	s0 =	sadd.s32 $0xA2C00, s0;
	[dreg:$0x8] =	wrdreg s24  }
0x15: {  	[dreg:$0x9] =	wrdreg s0;
	s0 =	sadd.s32 s25, s17;
	s22 =	simm.s32 $0x3800  }
0x16: {  	s23 =	simm.s32 $0x4800;
	s24 =	simm.s32 $0x5800;
	s25 =	simm.s32 $0x1  }
0x17: {  	s17 =	sadd.s32 s4, s0;
	s0 =	simm.s32 $0x7;
	s4 =	simm.s32 $0x8  }
.LBB2_1:
0x18: {  	s7 =	rddreg [dreg:$0x5]  }
0x19: {  	[tilespmem:s3], [sflag:$0x9] =	stream.linear.gather [hbm4b:s7+s3], $0x2800, $0x38;
	[tilespmem:$0xB700] =	vst v63  }
0x1a: {  	_ =	swait.ge [sflag:s18], $0x2800  }
0x1b: {  	[sflag:s18] =	ssyncset.done $0x0  }
0x1c: {  	s9 =	rddreg [dreg:$0x4];
	[sflag:s18] =	ssyncadd.s32 $0xFFFFD800  }
0x1d: {  	[spmem:s20], [sflag:s19] =	dma.local [hbm:s9], $0x9E0  }
0x1e: {  	_ =	swait.ge [sflag:s18], $0x9E0  }
0x1f: {  	[sflag:s18] =	ssyncset.done $0x0  }
0x20: {  	[sflag:s18] =	ssyncadd.s32 $0xFFFFF620  }
0x21: {  	[bflag:$0x0] =	sbarrier.arrive $0xFFFF  }
0x22: {  	[tilespmem:s21], [sflag:$0x1] =	stream.linear.gather [hbm4b:s6+s3], $0x1000, $0x38;
	[tilespmem:$0xB700] =	vst v63  }
0x23: {  	s10 =	rddreg [dreg:$0x6]  }
0x24: {  	[tilespmem:s22], [sflag:$0x2] =	stream.linear.gather [hbm4b:s10+s3], $0x1000, $0x38;
	[tilespmem:$0xB700] =	vst v63  }
0x25: {  	s8 =	rddreg [dreg:$0x7]  }
0x26: {  	[tilespmem:s23], [sflag:$0x3] =	stream.linear.gather [hbm4b:s8+s3], $0x1000, $0x38;
	[tilespmem:$0xB700] =	vst v63  }
0x27: {  	s9 =	rddreg [dreg:$0x8]  }
0x28: {  	[tilespmem:s24], [sflag:$0x4] =	stream.linear.gather [hbm4b:s9+s3], $0x1000, $0x38;
	[tilespmem:$0xB700] =	vst v63  }
0x29: {  	_ =	swait.ge [sflag:s25], $0x1000  }
0x2a: {  	[sflag:s25] =	ssyncset.done $0x0  }
0x2b: {  	s10 =	sadd.s32 $0x0, s12;
	[sflag:s25] =	ssyncadd.s32 $0xFFFFF000  }
0x2c: {  	[spmem:s2] =	stream.indirect.scatter.add.f32 [tilespmem:s21], [sflag:$0x5], $0x20, s10, s26, $0xb8;
	[tilespmem:$0xB700] =	vst v63  }
0x2d: {  	_ =	swait.ge [sflag:s28], $0x1000  }
0x2e: {  	[sflag:s28] =	ssyncset.done $0x0  }
0x2f: {  	s8 =	sadd.s32 $0x80, s10;
	[sflag:s28] =	ssyncadd.s32 $0xFFFFF000  }
0x30: {  	[spmem:s2] =	stream.indirect.scatter.add.f32 [tilespmem:s22], [sflag:$0x6], $0x20, s8, s26, $0xb8;
	[tilespmem:$0xB700] =	vst v63  }
0x31: {  	_ =	swait.ge [sflag:s29], $0x1000  }
0x32: {  	[sflag:s29] =	ssyncset.done $0x0  }
0x33: {  	s9 =	sadd.s32 $0x100, s10;
	[sflag:s29] =	ssyncadd.s32 $0xFFFFF000  }
0x34: {  	[spmem:s2] =	stream.indirect.scatter.add.f32 [tilespmem:s23], [sflag:$0x7], $0x20, s9, s26, $0xb8;
	[tilespmem:$0xB700] =	vst v63  }
0x35: {  	_ =	swait.ge [sflag:s30], $0x1000  }
0x36: {  	[sflag:s30] =	ssyncset.done $0x0  }
0x37: {  	s7 =	sadd.s32 $0x180, s10;
	[sflag:s30] =	ssyncadd.s32 $0xFFFFF000  }
0x38: {  	[spmem:s2] =	stream.indirect.scatter.add.f32 [tilespmem:s24], [sflag:$0x8], $0x20, s7, s26, $0xb8;
	[tilespmem:$0xB700] =	vst v63  }
0x39: {  	_ =	swait.ge [sflag:s31], $0x1000  }
0x3a: {  	s8 =	sadd.s32 $0x0, s17;
	[sflag:s31] =	ssyncset.done $0x0  }
0x3b: {  	s10 =	sadd.s32 $0x800, s8;
	[sflag:s31] =	ssyncadd.s32 $0xFFFFF000  }
0x3c: {  	[tilespmem:s21], [sflag:$0x1] =	stream.linear.gather [hbm4b:s10+s3], $0x1000, $0x38;
	[tilespmem:$0xB700] =	vst v63  }
0x3d: {  	_ =	swait.ge [sflag:s1], $0x1000  }
0x3e: {  	[sflag:s1] =	ssyncset.done $0x0  }
0x3f: {  	s9 =	sadd.s32 $0xA00, s8;
	[sflag:s1] =	ssyncadd.s32 $0xFFFFF000  }
0x40: {  	[tilespmem:s22], [sflag:$0x2] =	stream.linear.gather [hbm4b:s9+s3], $0x1000, $0x38;
	[tilespmem:$0xB700] =	vst v63  }
0x41: {  	_ =	swait.ge [sflag:s0], $0x1000  }
0x42: {  	[sflag:s0] =	ssyncset.done $0x0  }
0x43: {  	s10 =	sadd.s32 $0xC00, s8;
	[sflag:s0] =	ssyncadd.s32 $0xFFFFF000  }
0x44: {  	[tilespmem:s23], [sflag:$0x3] =	stream.linear.gather [hbm4b:s10+s3], $0x1000, $0x38;
	[tilespmem:$0xB700] =	vst v63  }
0x45: {  	_ =	swait.ge [sflag:s4], $0x1000  }
0x46: {  	[sflag:s4] =	ssyncset.done $0x0  }
0x47: {  	s7 =	simm.s32 $0x800;
	s8 =	sadd.s32 $0xE00, s8;
	[sflag:s4] =	ssyncadd.s32 $0xFFFFF000  }
.LBB2_2:
0x48: {  	[tilespmem:s24], [sflag:$0x4] =	stream.linear.gather [hbm4b:s8+s3], $0x1000, $0x38;
	[tilespmem:$0xB700] =	vst v63  }
0x49: {  	s8 =	smov.u32 s7  }
0x4a: {  	p0 =	sne.s32 s7, $0x4000;
	s7 =	sadd.s32 $0x800, s7;
	_ =	swait.ge [sflag:s25], $0x1000  }
0x4b: {  	s9 =	sshra.s32 s8, $0x2;
	[sflag:s25] =	ssyncset.done $0x0  }
0x4c: {  	s9 =	sadd.s32 s9, s12;
	[sflag:s25] =	ssyncadd.s32 $0xFFFFF000  }
0x4d: {  	[spmem:s2] =	stream.indirect.scatter.add.f32 [tilespmem:s21], [sflag:$0x5], $0x20, s9, s26, $0xb8;
	[tilespmem:$0xB700] =	vst v63  }
0x4e: {  	_ =	swait.ge [sflag:s28], $0x1000  }
0x4f: {  	[sflag:s28] =	ssyncset.done $0x0  }
0x50: {  	s10 =	sadd.s32 $0x80, s9;
	[sflag:s28] =	ssyncadd.s32 $0xFFFFF000  }
0x51: {  	[spmem:s2] =	stream.indirect.scatter.add.f32 [tilespmem:s22], [sflag:$0x6], $0x20, s10, s26, $0xb8;
	[tilespmem:$0xB700] =	vst v63  }
0x52: {  	_ =	swait.ge [sflag:s29], $0x1000  }
0x53: {  	[sflag:s29] =	ssyncset.done $0x0  }
0x54: {  	s10 =	sadd.s32 $0x100, s9;
	[sflag:s29] =	ssyncadd.s32 $0xFFFFF000  }
0x55: {  	[spmem:s2] =	stream.indirect.scatter.add.f32 [tilespmem:s23], [sflag:$0x7], $0x20, s10, s26, $0xb8;
	[tilespmem:$0xB700] =	vst v63  }
0x56: {  	_ =	swait.ge [sflag:s30], $0x1000  }
0x57: {  	[sflag:s30] =	ssyncset.done $0x0  }
0x58: {  	s9 =	sadd.s32 $0x180, s9;
	[sflag:s30] =	ssyncadd.s32 $0xFFFFF000  }
0x59: {  	[spmem:s2] =	stream.indirect.scatter.add.f32 [tilespmem:s24], [sflag:$0x8], $0x20, s9, s26, $0xb8;
	[tilespmem:$0xB700] =	vst v63  }
0x5a: {  	_ =	swait.ge [sflag:s31], $0x1000  }
0x5b: {  	s8 =	sadd.s32 s8, s17;
	[sflag:s31] =	ssyncset.done $0x0  }
0x5c: {  	s9 =	sadd.s32 $0x800, s8;
	[sflag:s31] =	ssyncadd.s32 $0xFFFFF000  }
0x5d: {  	[tilespmem:s21], [sflag:$0x1] =	stream.linear.gather [hbm4b:s9+s3], $0x1000, $0x38;
	[tilespmem:$0xB700] =	vst v63  }
0x5e: {  	_ =	swait.ge [sflag:s1], $0x1000  }
0x5f: {  	[sflag:s1] =	ssyncset.done $0x0  }
0x60: {  	s9 =	sadd.s32 $0xA00, s8;
	[sflag:s1] =	ssyncadd.s32 $0xFFFFF000  }
0x61: {  	[tilespmem:s22], [sflag:$0x2] =	stream.linear.gather [hbm4b:s9+s3], $0x1000, $0x38;
	[tilespmem:$0xB700] =	vst v63  }
0x62: {  	_ =	swait.ge [sflag:s0], $0x1000  }
0x63: {  	[sflag:s0] =	ssyncset.done $0x0  }
.Ltmp0:
0x64: {  	s9 =	sadd.s32 $0xC00, s8;
	[sflag:s0] =	ssyncadd.s32 $0xFFFFF000;
	(pc) =	sbr.rel @p0 .LBB2_2-.Ltmp0, $4  }
0x65: {  	[tilespmem:s23], [sflag:$0x3] =	stream.linear.gather [hbm4b:s9+s3], $0x1000, $0x38;
	[tilespmem:$0xB700] =	vst v63  }
0x66: {  	_ =	swait.ge [sflag:s4], $0x1000  }
0x67: {  	[sflag:s4] =	ssyncset.done $0x0  }
0x68: {  	s8 =	sadd.s32 $0xE00, s8;
	[sflag:s4] =	ssyncadd.s32 $0xFFFFF000  }
0x69: {  	[tilespmem:s24], [sflag:$0x4] =	stream.linear.gather [hbm4b:s8+s3], $0x1000, $0x38;
	[tilespmem:$0xB700] =	vst v63  }
0x6a: {  	_ =	swait.ge [sflag:s25], $0x1000  }
0x6b: {  	[sflag:s25] =	ssyncset.done $0x0  }
0x6c: {  	[sflag:s25] =	ssyncadd.s32 $0xFFFFF000  }
0x6d: {  	[spmem:s2] =	stream.indirect.scatter.add.f32 [tilespmem:s21], [sflag:$0x5], $0x20, s13, s26, $0xb8;
	[tilespmem:$0xB700] =	vst v63  }
0x6e: {  	_ =	swait.ge [sflag:s28], $0x1000  }
0x6f: {  	[sflag:s28] =	ssyncset.done $0x0  }
0x70: {  	[sflag:s28] =	ssyncadd.s32 $0xFFFFF000  }
0x71: {  	[spmem:s2] =	stream.indirect.scatter.add.f32 [tilespmem:s22], [sflag:$0x6], $0x20, s14, s26, $0xb8;
	[tilespmem:$0xB700] =	vst v63  }
0x72: {  	_ =	swait.ge [sflag:s29], $0x1000  }
0x73: {  	[sflag:s29] =	ssyncset.done $0x0  }
0x74: {  	[sflag:s29] =	ssyncadd.s32 $0xFFFFF000  }
0x75: {  	[spmem:s2] =	stream.indirect.scatter.add.f32 [tilespmem:s23], [sflag:$0x7], $0x20, s15, s26, $0xb8;
	[tilespmem:$0xB700] =	vst v63  }
0x76: {  	_ =	swait.ge [sflag:s30], $0x1000  }
0x77: {  	[sflag:s30] =	ssyncset.done $0x0  }
0x78: {  	[sflag:s30] =	ssyncadd.s32 $0xFFFFF000  }
0x79: {  	[spmem:s2] =	stream.indirect.scatter.add.f32 [tilespmem:s24], [sflag:$0x8], $0x20, s16, s26, $0xb8;
	[tilespmem:$0xB700] =	vst v63  }
0x7a: {  	_ =	swait.ge [sflag:s31], $0x1000  }
0x7b: {  	[sflag:s31] =	ssyncset.done $0x0  }
0x7c: {  	[sflag:s31] =	ssyncadd.s32 $0xFFFFF000  }
0x7d: {  	_ =	swait.ge [sflag:s1], $0x1000  }
0x7e: {  	[sflag:s1] =	ssyncset.done $0x0  }
0x7f: {  	[sflag:s1] =	ssyncadd.s32 $0xFFFFF000  }
0x80: {  	_ =	swait.ge [sflag:s0], $0x1000  }
0x81: {  	[sflag:s0] =	ssyncset.done $0x0  }
0x82: {  	[sflag:s0] =	ssyncadd.s32 $0xFFFFF000  }
0x83: {  	_ =	swait.ge [sflag:s4], $0x1000  }
0x84: {  	[sflag:s4] =	ssyncset.done $0x0  }
0x85: {  	s5 =	sadd.s32 $0x1, s5;
	[sflag:s4] =	ssyncadd.s32 $0xFFFFF000  }
0x86: {  	p0 =	sne.s32 s5, s11;
	[bflag:$0x0] =	sbarrier.arrive $0xFFFF  }
.Ltmp1:
0x87: {  	s7 =	rddreg [dreg:$0x9];
	(pc) =	sbr.rel @p0 .LBB2_1-.Ltmp1, $4  }
0x88: {  	[hbm:s7], [sflag:s19] =	dma.local [spmem:s20], $0x9E0  }
0x89: {  	_ =	swait.ge [sflag:s18], $0x9E0  }
0x8a: {  	[sflag:s18] =	ssyncset.done $0x0  }
0x8b: {  	[sflag:s18] =	ssyncadd.s32 $0xFFFFF620  }
0x8c: {  	_ =	sfence.sel $0x180000  }
0x8d: {  	[bflag:$0x0] =	sbarrier.arrive $0xFFFF  }
0x8e: {  	_ =	strace $0x9000004D  }
0x8f: {  	s0 =	stileid.u32;
	[bflag:$0x2] =	sbarrier.arrive $0xFFFF  }
0x90: {  	p0 =	sne.s32 s0, $0x0;
	s0 =	rddreg [dreg:$0x3]  }
0x91: {  	s0 =	sadd.s32 @!p0 $0x100000, s0  }
0x92: {  	[sflag:s0] =	ssyncadd.tile.s32 @!p0 $0x1;
	_ =	shalt  }
.Lfunc_end2:
_tile_overlayer_lowered:
.L_overlay_start_2:
0x93: {  	(tag) =	ssettag $0x2  }
0x94: {  	s0 =	rddreg [dreg:$0x0];
	s2 =	stileid.u32  }
0x95: {  	s1 =	rddreg [dreg:$0x1];
	p0 =	sne.s32 s2, $0x0  }
0x96: {  	s3 =	rddreg [dreg:$0x2];
	[bflag:$0x3] =	sbarrier.arrive $0xFFFF;
	s2 =	simm.s32 @!p0 $0x1C09  }
0x97: {  	[timem:s3], [sflag:s2] =	dma.local @!p0 [hbm:s0], s1  }
0x98: {  	s0 =	simm.s32 @!p0 $0x9  }
0x99: {  	_ =	swait.ge @!p0 [sflag:s0], s1  }
0x9a: {  	s1 =	ssub.s32 @!p0 $0x0, s1;
	[sflag:s0] =	ssyncset.done @!p0 $0x0  }
0x9b: {  	[sflag:s0] =	ssyncadd.s32 @!p0 s1  }
0x9c: {  	[bflag:$0x3] =	sbarrier.arrive $0xFFFF  }
0x9d: {  	_ =	shalt  }

// kernel: kernel.8.cloned.1.call-start
scs
__scs_entry_jumppad:
0x0: {  	(pc) =	sbr.rel $0x88, $3  }
0x1: {  	(tag) =	ssettag $0x0;
	lr =	simm.s32 $0x1  }
0x2: {  	[smem:$0x3F97] =	sst lr;
	_ =	strace $0xD0000000  }
0x3: {  	_ = 	snop  }
0x4: {  	_ = 	snop  }
0x5: {  	_ = 	snop  }
0x6: {  	_ = 	snop  }
0x7: {  	_ = 	snop  }
__scs_overlays_trampoline_lowered:
0x8: {  	[smem:$0x3FA6] =	sst s0  }
0x9: {  	[smem:$0x3FA7] =	sst s1  }
0xa: {  	[smem:$0x3FA8] =	sst s2  }
0xb: {  	[smem:$0x3FA9] =	sst s3  }
0xc: {  	[smem:$0x3FAA] =	sst s4  }
0xd: {  	[smem:$0x3FAB] =	sst s5  }
0xe: {  	[smem:$0x3FAC] =	sst s6  }
0xf: {  	[smem:$0x3FAD] =	sst s7  }
0x10: {  	[smem:$0x3FAE] =	sst s8  }
0x11: {  	[smem:$0x3FAF] =	sst s9;
	s0 =	simm.s32 @!p0 $0x0  }
0x12: {  	s1 =	sld [smem:$0x3F95];
	s0 =	simm.s32 @p0 $0x1  }
0x13: {  	[smem:$0x3FB0] =	sst s0;
	s0 =	simm.s32 @!p1 $0x0  }
0x14: {  	s2 =	sld [smem:$0x3F94];
	s0 =	simm.s32 @p1 $0x1  }
0x15: {  	[smem:$0x3FB1] =	sst s0;
	s0 =	simm.s32 @!p2 $0x0  }
0x16: {  	s3 =	sld [smem:$0x3FDB];
	s0 =	simm.s32 @p2 $0x1  }
0x17: {  	s4 =	simm.s32 $0x1BF5;
	[smem:$0x3FB3] =	sst s0  }
0x18: {  	s0 =	sld [smem:$0x3F96];
	_ =	swait.ge [sflag:s4], $0x0  }
0x19: {  	s7 =	sld [smem:$0x3F97]  }
0x1a: {  	s8 =	sadd.s32 $0xFFFFE003, lr  }
0x1b: {  	s9 =	sadd.s32 $0xFFFFFEF7, lr;
	s5 =	simm.s32 $0xFFFFFFFF;
	p2 =	slt.u32 s8, $0xFFFFF086  }
0x1c: {  	p1 =	slt.u32 s9, $0xF7A;
	s5 =	simm.s32 @!p2 $0x0  }
0x1d: {  	s5 =	simm.s32 @p1 $0x1;
	p0 =	seq.s32 s7, s2  }
0x1e: {  	s7 =	smul.u32 @!p0 $0xF7A, s2;
	p2 =	seq.s32 @!p0 s5, $0x0  }
0x1f: {  	s9 =	smul.u32 $0xF7A, s1;
	s8 =	simm.s32 @!p0 $0x1BF5;
	p2 =	por !p2, p0  }
0x20: {  	[sflag:s8] =	ssyncset.s32 @!p0 $0xFFFFF086;
	s6 =	sadd.s32 @!p0 s3, s7;
	s7 =	simm.s32 @!p0 $0x108  }
0x21: {  	s3 =	sadd.s32 s3, s9;
	s6 =	sadd.s32 @!p0 $0x88, s6;
	s7 =	simm.s32 @p2 $0x1082  }
0x22: {  	[simem:s7], [sflag:s8] =	dma.local @!p0 [hbm:s6], $0xF7A  }
0x23: {  	s9 =	sor.u32 $0xD0000000, s2;
	s6 =	simm.s32 $0x108;
	_ =	swait.ge @!p0 [sflag:s8], $0x0  }
0x24: {  	s3 =	sadd.s32 $0x88, s3;
	s6 =	simm.s32 @!p1 $0x1082;
	[sflag:s4] =	ssyncset.s32 $0xFFFFF086  }
0x25: {  	[simem:s6], [sflag:s4] =	dma.local [hbm:s3], $0xF7A  }
0x26: {  	[smem:$0x3F97] =	sst s1;
	(tag) =	ssettag s2;
	_ =	strace s9  }
0x27: {  	s1 =	sld [smem:$0x3FA7]  }
0x28: {  	s2 =	sld [smem:$0x3FA8]  }
0x29: {  	s4 =	sld [smem:$0x3FAA]  }
0x2a: {  	p0 =	seq.s32 s5, $0x0;
	s5 =	sld [smem:$0x3FAB]  }
0x2b: {  	s6 =	sld [smem:$0x3FAC]  }
0x2c: {  	s7 =	sld [smem:$0x3FAD]  }
0x2d: {  	s3 =	simm.s32 $0x108;
	s8 =	sld [smem:$0x3FAE]  }
0x2e: {  	s3 =	simm.s32 @!p0 $0x1082;
	s9 =	sld [smem:$0x3FAF]  }
0x2f: {  	lr =	sadd.s32 s0, s3;
	s0 =	sld [smem:$0x3FA6]  }
0x30: {  	s3 =	sld [smem:$0x3FA9]  }
0x31: {  	[smem:$0x3FB2] =	sst s10  }
0x32: {  	s10 =	sld [smem:$0x3FB0];
	_ =	sdelay $0x3  }
0x33: {  	p0 =	seq.s32 s10, $0x1;
	s10 =	sld [smem:$0x3FB2];
	_ =	sdelay $0x3  }
0x34: {  	[smem:$0x3FB2] =	sst s10  }
0x35: {  	s10 =	sld [smem:$0x3FB1];
	_ =	sdelay $0x3  }
0x36: {  	p1 =	seq.s32 s10, $0x1;
	s10 =	sld [smem:$0x3FB2];
	_ =	sdelay $0x3  }
0x37: {  	[smem:$0x3FB2] =	sst s10  }
0x38: {  	s10 =	sld [smem:$0x3FB3]  }
0x39: {  	_ = 	snop;
	(pc) =	sbr.ind lr, $3  }
0x3a: {  	_ = 	snop  }
0x3b: {  	_ = 	snop  }
0x3c: {  	p2 =	seq.s32 s10, $0x1;
	s10 =	sld [smem:$0x3FB2]  }
0x3d: {  	_ =	shalt  }
0x3e: {  	_ =	shalt  }
0x3f: {  	_ =	shalt  }
0x40: {  	_ =	shalt  }
0x41: {  	_ =	shalt  }
0x42: {  	_ =	shalt  }
0x43: {  	_ =	shalt  }
0x44: {  	_ =	shalt  }
0x45: {  	_ =	shalt  }
0x46: {  	_ =	shalt  }
0x47: {  	_ =	shalt  }
0x48: {  	_ =	shalt  }
0x49: {  	_ =	shalt  }
0x4a: {  	_ =	shalt  }
0x4b: {  	_ =	shalt  }
0x4c: {  	_ =	shalt  }
0x4d: {  	_ =	shalt  }
0x4e: {  	_ =	shalt  }
0x4f: {  	_ =	shalt  }
0x50: {  	_ =	shalt  }
0x51: {  	_ =	shalt  }
0x52: {  	_ =	shalt  }
0x53: {  	_ =	shalt  }
0x54: {  	_ =	shalt  }
0x55: {  	_ =	shalt  }
0x56: {  	_ =	shalt  }
0x57: {  	_ =	shalt  }
0x58: {  	_ =	shalt  }
0x59: {  	_ =	shalt  }
0x5a: {  	_ =	shalt  }
0x5b: {  	_ =	shalt  }
0x5c: {  	_ =	shalt  }
0x5d: {  	_ =	shalt  }
0x5e: {  	_ =	shalt  }
0x5f: {  	_ =	shalt  }
0x60: {  	_ =	shalt  }
0x61: {  	_ =	shalt  }
0x62: {  	_ =	shalt  }
0x63: {  	_ =	shalt  }
0x64: {  	_ =	shalt  }
0x65: {  	_ =	shalt  }
0x66: {  	_ =	shalt  }
0x67: {  	_ =	shalt  }
0x68: {  	_ =	shalt  }
0x69: {  	_ =	shalt  }
0x6a: {  	_ =	shalt  }
0x6b: {  	_ =	shalt  }
0x6c: {  	_ =	shalt  }
0x6d: {  	_ =	shalt  }
0x6e: {  	_ =	shalt  }
0x6f: {  	_ =	shalt  }
0x70: {  	_ =	shalt  }
0x71: {  	_ =	shalt  }
0x72: {  	_ =	shalt  }
0x73: {  	_ =	shalt  }
0x74: {  	_ =	shalt  }
0x75: {  	_ =	shalt  }
0x76: {  	_ =	shalt  }
0x77: {  	_ =	shalt  }
0x78: {  	_ =	shalt  }
0x79: {  	_ =	shalt  }
0x7a: {  	_ =	shalt  }
0x7b: {  	_ =	shalt  }
0x7c: {  	_ =	shalt  }
0x7d: {  	_ =	shalt  }
0x7e: {  	_ =	shalt  }
0x7f: {  	_ =	shalt  }
0x80: {  	_ =	shalt  }
0x81: {  	_ =	shalt  }
0x82: {  	_ =	shalt  }
0x83: {  	_ =	shalt  }
0x84: {  	_ =	shalt  }
0x85: {  	_ =	shalt  }
0x86: {  	_ =	shalt  }
0x87: {  	_ =	shalt  }
.Lfunc_end0:
.L_simem_size_0:
called_computation_lowered:
.L_overlay_start_0:
0x88: {  	s2 =	sld [smem:$0x3FD9]  }
0x89: {  	s3 =	sld [smem:$0x3FFE];
	_ =	sdelay $0x1  }
0x8a: {  	s1 =	srdreg.scid  }
0x8b: {  	s0 =	sand.u32 $0x1, s1  }
0x8c: {  	s17 =	sshll.u32 s0, $0xA;
	s2 =	sadd.s32 s3, s2  }
0x8d: {  	s2 =	sadd.s32 s2, s17  }
0x8e: {  	[smem:$0x3FBE] =	sst s2  }
0x8f: {  	_ = 	snop  }
0x90: {  	s2 =	sld [smem:$0x3FD0];
	(tm) =	ssettm $0x1  }
0x91: {  	s18 =	sld [smem:$0x3FFB];
	_ =	sdelay $0x3  }
0x92: {  	_ =	strace s18  }
0x93: {  	s3 =	sld [smem:$0x3FFC];
	_ =	sdelay $0x3  }
0x94: {  	_ =	strace s3  }
0x95: {  	s3 =	sld [smem:$0x3FFD];
	_ =	sdelay $0x3  }
0x96: {  	_ =	strace s3  }
0x97: {  	_ =	strace $0x8FFFFFFF  }
0x98: {  	s19 =	sld [smem:$0x3FDB];
	_ =	sdelay $0x1  }
0x99: {  	s4 =	simm.s32 $_scs_section_size  }
0x9a: {  	s5 =	simm.s32 $_size__tile_overlayer_lowered;
	s6 =	simm.s32 $_tile_overlayer_lowered  }
0x9b: {  	s22 =	simm.s32 $0x1BFF;
	s21 =	sshll.u32 s6, $0x1;
	s3 =	sadd.s32 s4, s19  }
0x9c: {  	s7 =	simm.s32 $0x0;
	s20 =	sshll.u32 s5, $0x1;
	s5 =	sadd.s32 s21, s3  }
0x9d: {  	[timem:s7], [sflag:s22] =	dma.local [hbm:s5], s20  }
0x9e: {  	_ =	swait.ge [sflag:s22], s20  }
0x9f: {  	s4 =	ssub.s32 $0x0, s20;
	[sflag:s22] =	ssyncset.done $0x0  }
0xa0: {  	[sflag:s22] =	ssyncadd.s32 s4;
	_ =	sdelay $0x1  }
0xa1: {  	s23 =	simm.s32 $0x1B8B  }
0xa2: {  	_ =	swait.ge [sflag:s23], $0x1  }
0xa3: {  	[sflag:s23] =	ssyncset.done $0x0  }
0xa4: {  	s25 =	simm.s32 $0x1B8E;
	s24 =	sld [smem:$0x3FFE];
	[sflag:s23] =	ssyncadd.s32 $0xFFFFFFFF  }
0xa5: {  	s26 =	simm.s32 $execute0_lowered;
	[smem:$0x3FD2] =	sst s25  }
0xa6: {  	s5 =	sshll.u32 s26, $0x1;
	_ =	strace $0x80000046;
	[dreg:$0x1] =	wrdreg $0xFFFFFFFF  }
0xa7: {  	s28 =	simm.s32 $_size_execute0_lowered;
	s3 =	sadd.s32 s3, s5;
	[dreg:$0x0] =	wrdreg $0x0  }
0xa8: {  	s5 =	sshll.u32 s28, $0x1;
	[dreg:$0x2] =	wrdreg s3  }
0xa9: {  	[dreg:$0x3] =	wrdreg s5  }
0xaa: {  	[dreg:$0x4] =	wrdreg $0xC0  }
0xab: {  	_ =	task [dreg:s7], $0x5FFFF  }
0xac: {  	[dreg:$0x1] =	wrdreg $0xFFFFFFFF  }
0xad: {  	[dreg:$0x0] =	wrdreg $0x60  }
0xae: {  	[dreg:$0x2] =	wrdreg s24  }
0xaf: {  	[dreg:$0x3] =	wrdreg s2  }
0xb0: {  	[dreg:$0x4] =	wrdreg $0x9  }
0xb1: {  	_ =	task.clear_ibuf [dreg:s7], $0x5FFFF;
	_ =	strace $0x90000046  }
0xb2: {  	s29 =	simm.s32 $0x9;
	_ =	strace $0x80000048  }
0xb3: {  	_ =	swait.ge [sflag:s29], $0x1  }
0xb4: {  	[sflag:s29] =	ssyncadd.s32 $0xFFFFFFFF  }
0xb5: {  	_ =	strace $0x90000048  }
0xb6: {  	_ =	sfence  }
0xb7: {  	s30 =	sld [smem:$0x0];
	_ =	sdelay $0x2  }
0xb8: {  	s31 =	sshll.u32 s1, $0xD;
	s1 =	sshrl.u32 s1, $0x2  }
0xb9: {  	s3 =	sand.u32 $0x4000, s31;
	s1 =	sadd.s32 s1, s30  }
0xba: {  	s0 =	sor.u32 s3, s0;
	s1 =	sshll.u32 s1, $0x11  }
0xbb: {  	s0 =	sor.u32 s1, s0  }
0xbc: {  	s0 =	sadd.s32 $0x8F2B, s0  }
0xbd: {  	[sflag:s0] =	ssyncadd.remote.s32 $0x1  }
0xbe: {  	_ =	sfence.sel $0xFFFF  }
0xbf: {  	[dreg:$0x0] =	wrdreg $0xFFFFFFFF;
	(pc) =	sbr.abs _section_cstart, $3  }
0xc0: {  	[dreg:$0x1] =	wrdreg $0xFFFFFFFF  }
0xc1: {  	_ =	task.clear_ibuf [dreg:s7], $0x2FFFF;
	_ =	strace $0x9FFFFFFF  }
0xc2: {  	(tm) =	ssettm $0x7FFFFFFF  }
0xc3: {  	_ =	shalt  }
tec
execute0_lowered:
.L_overlay_start_1:
0x0: {  	(tag) =	ssettag $0x1  }
0x1: {  	s0 =	rddreg [dreg:$0x0];
	s1 =	srdreg.scid  }
0x2: {  	s11 =	stileid.u32;
	s4 =	rddreg [dreg:$0x1];
	s2 =	simm.s32 $0x0  }
0x3: {  	s28 =	simm.s32 $0x4800;
	s30 =	simm.s32 $0x6800;
	s29 =	simm.s32 $0x2  }
0x4: {  	s31 =	simm.s32 $0x3;
	s1 =	sand.u32 $0x1, s1;
	s14 =	smul.u32 $0x140000, s11  }
0x5: {  	s3 =	sshll.u32 s11, $0x1;
	[smem:$0x7FF] =	sst s2;
	s19 =	smul.u32 $0x2800, s11  }
0x6: {  	s9 =	sadd.s32 $0x1AE00, s0;
	s5 =	sor.u32 s1, s3;
	s16 =	smul.u32 $0xA0000, s1  }
0x7: {  	_ =	strace $0x80000047;
	s7 =	ssub.s32 $0x2, s1;
	s1 =	smul.u32 $0x1400, s1  }
0x8: {  	s3 =	sadd.s32 $0x7200, s0;
	s6 =	smul.u32 $0x1400, s5;
	s10 =	sshrl.u32 s7, $0x1  }
0x9: {  	s26 =	smul.u32 $0xA0000, s5;
	s7 =	ssub.s32 s7, s10;
	s23 =	sadd.s32 s16, s14  }
0xa: {  	s1 =	sadd.s32 s1, s19;
	s6 =	sshrl.u32 s6, $0x3;
	s12 =	smax.u32 s7, $0x1  }
0xb: {  	s13 =	sshrl.u32 s26, $0x4;
	s1 =	sshll.u32 s1, $0x3;
	s7 =	simm.s32 $0x7  }
0xc: {  	s8 =	sadd.s32 s6, s0;
	s0 =	sadd.s32 $0x15AE00, s0;
	s4 =	sadd.s32 s4, s6  }
0xd: {  	[dreg:$0x5] =	wrdreg s12;
	s25 =	sor.u32 $0xC00, s1;
	s26 =	sor.u32 $0x800, s1  }
0xe: {  	s1 =	sor.u32 $0x400, s1;
	[dreg:$0x3] =	wrdreg s4;
	s6 =	sadd.s32 $0x2200, s8  }
0xf: {  	s8 =	smul.u32 $0xA000, s5;
	s5 =	sadd.s32 $0x9000, s13;
	s16 =	sadd.s32 s25, s9  }
0x10: {  	[dreg:$0x4] =	wrdreg s6;
	s17 =	sadd.s32 s9, s5;
	s5 =	sadd.s32 s0, s5  }
0x11: {  	s6 =	simm.s32 $0x6;
	s15 =	sadd.s32 $0x9400, s8;
	[dreg:$0x6] =	wrdreg s17  }
0x12: {  	s20 =	sadd.s32 $0x9800, s8;
	s4 =	sadd.s32 $0x9C00, s8;
	[dreg:$0xa] =	wrdreg s5  }
0x13: {  	s5 =	sshrl.u32 s23, $0x4;
	s17 =	sadd.s32 s26, s9;
	s18 =	sadd.s32 s9, s15  }
0x14: {  	s23 =	simm.s32 $0x9;
	s12 =	sadd.s32 s9, s20;
	[dreg:$0x7] =	wrdreg s18  }
0x15: {  	s8 =	simm.s32 $0x8;
	s21 =	sadd.s32 s9, s4;
	[dreg:$0x8] =	wrdreg s12  }
0x16: {  	s22 =	sadd.s32 s0, s15;
	s24 =	sadd.s32 s0, s20;
	[dreg:$0x9] =	wrdreg s21  }
0x17: {  	s4 =	sadd.s32 s0, s4;
	s15 =	sadd.s32 s5, s9;
	[dreg:$0xb] =	wrdreg s22  }
0x18: {  	s19 =	sadd.s32 s5, s0;
	s20 =	sadd.s32 s25, s0;
	[dreg:$0xc] =	wrdreg s24  }
0x19: {  	s25 =	simm.s32 $0x80;
	s5 =	simm.s32 $0x5;
	[dreg:$0xd] =	wrdreg s4  }
0x1a: {  	s18 =	sadd.s32 s1, s9;
	s21 =	sadd.s32 s26, s0;
	s22 =	sadd.s32 s1, s0  }
0x1b: {  	s24 =	simm.s32 $0x1400;
	s26 =	simm.s32 $0x2800;
	s1 =	simm.s32 $0x8800  }
0x1c: {  	s0 =	simm.s32 $0x1;
	s4 =	simm.s32 $0x4;
	s9 =	simm.s32 $0x0  }
.LBB2_1:
0x1d: {  	s10 =	rddreg [dreg:$0x3]  }
0x1e: {  	[tilespmem:s2], [sflag:$0x9] =	stream.linear.gather [hbm4b:s10+s2], $0x1400, $0x38;
	[tilespmem:$0xA800] =	vst v63  }
0x1f: {  	_ =	swait.ge [sflag:s23], $0x1400  }
0x20: {  	[sflag:s23] =	ssyncset.done $0x0  }
0x21: {  	s13 =	rddreg [dreg:$0x4];
	[sflag:s23] =	ssyncadd.s32 $0xFFFFEC00  }
0x22: {  	[tilespmem:s24], [sflag:$0x9] =	stream.linear.gather [hbm4b:s13+s2], $0x1400, $0x38;
	[tilespmem:$0xA800] =	vst v63  }
0x23: {  	_ =	swait.ge [sflag:s23], $0x1400  }
0x24: {  	[sflag:s23] =	ssyncset.done $0x0  }
0x25: {  	[sflag:s23] =	ssyncadd.s32 $0xFFFFEC00  }
0x26: {  	[tilespmem:s26], [sflag:$0x1] =	stream.indirect.gather [hbm4b:s3+s25], $0x40, s2, s25, $0xb8;
	[tilespmem:$0xA800] =	vst v63  }
0x27: {  	_ = 	snop  }
0x28: {  	[tilespmem:s28], [sflag:$0x2] =	stream.indirect.gather [hbm4b:s3+s25], $0x40, s25, s25, $0xb8;
	[tilespmem:$0xA800] =	vst v63  }
0x29: {  	s14 =	simm.s32 $0x100  }
0x2a: {  	[tilespmem:s30], [sflag:$0x3] =	stream.indirect.gather [hbm4b:s3+s25], $0x40, s14, s25, $0xb8;
	[tilespmem:$0xA800] =	vst v63  }
0x2b: {  	s11 =	simm.s32 $0x180  }
0x2c: {  	[tilespmem:s1], [sflag:$0x4] =	stream.indirect.gather [hbm4b:s3+s25], $0x40, s11, s25, $0xb8;
	[tilespmem:$0xA800] =	vst v63  }
0x2d: {  	_ =	swait.ge [sflag:s0], $0x2000  }
0x2e: {  	[sflag:s0] =	ssyncset.done $0x0  }
0x2f: {  	s12 =	sadd.s32 $0x0, s15;
	[sflag:s0] =	ssyncadd.s32 $0xFFFFE000  }
0x30: {  	[hbm4b:s12+s2] =	stream.linear.scatter [tilespmem:s26], [sflag:$0x5], $0x2000, $0x38;
	[tilespmem:$0xA800] =	vst v63  }
0x31: {  	_ =	swait.ge [sflag:s29], $0x2000  }
0x32: {  	[sflag:s29] =	ssyncset.done $0x0  }
0x33: {  	s13 =	sadd.s32 $0x0, s18;
	[sflag:s29] =	ssyncadd.s32 $0xFFFFE000  }
0x34: {  	[hbm4b:s13+s2] =	stream.linear.scatter [tilespmem:s28], [sflag:$0x6], $0x2000, $0x38;
	[tilespmem:$0xA800] =	vst v63  }
0x35: {  	_ =	swait.ge [sflag:s31], $0x2000  }
0x36: {  	[sflag:s31] =	ssyncset.done $0x0  }
0x37: {  	s14 =	sadd.s32 $0x0, s17;
	[sflag:s31] =	ssyncadd.s32 $0xFFFFE000  }
0x38: {  	[hbm4b:s14+s2] =	stream.linear.scatter [tilespmem:s30], [sflag:$0x7], $0x2000, $0x38;
	[tilespmem:$0xA800] =	vst v63  }
0x39: {  	_ =	swait.ge [sflag:s4], $0x2000  }
0x3a: {  	[sflag:s4] =	ssyncset.done $0x0  }
0x3b: {  	s11 =	sadd.s32 $0x0, s16;
	[sflag:s4] =	ssyncadd.s32 $0xFFFFE000  }
0x3c: {  	[hbm4b:s11+s2] =	stream.linear.scatter [tilespmem:s1], [sflag:$0x8], $0x2000, $0x38;
	[tilespmem:$0xA800] =	vst v63  }
0x3d: {  	_ =	swait.ge [sflag:s5], $0x2000  }
0x3e: {  	[sflag:s5] =	ssyncset.done $0x0  }
0x3f: {  	s12 =	simm.s32 $0x200;
	[sflag:s5] =	ssyncadd.s32 $0xFFFFE000  }
0x40: {  	[tilespmem:s26], [sflag:$0x1] =	stream.indirect.gather [hbm4b:s3+s25], $0x40, s12, s25, $0xb8;
	[tilespmem:$0xA800] =	vst v63  }
0x41: {  	_ =	swait.ge [sflag:s6], $0x2000  }
0x42: {  	[sflag:s6] =	ssyncset.done $0x0  }
0x43: {  	s13 =	simm.s32 $0x280;
	[sflag:s6] =	ssyncadd.s32 $0xFFFFE000  }
0x44: {  	[tilespmem:s28], [sflag:$0x2] =	stream.indirect.gather [hbm4b:s3+s25], $0x40, s13, s25, $0xb8;
	[tilespmem:$0xA800] =	vst v63  }
0x45: {  	_ =	swait.ge [sflag:s7], $0x2000  }
0x46: {  	[sflag:s7] =	ssyncset.done $0x0  }
0x47: {  	s14 =	simm.s32 $0x300;
	[sflag:s7] =	ssyncadd.s32 $0xFFFFE000  }
0x48: {  	[tilespmem:s30], [sflag:$0x3] =	stream.indirect.gather [hbm4b:s3+s25], $0x40, s14, s25, $0xb8;
	[tilespmem:$0xA800] =	vst v63  }
0x49: {  	_ =	swait.ge [sflag:s8], $0x2000  }
0x4a: {  	s10 =	simm.s32 $0x380;
	[sflag:s8] =	ssyncset.done $0x0  }
0x4b: {  	s11 =	simm.s32 $0x1000;
	s12 =	simm.s32 $0x580;
	[sflag:s8] =	ssyncadd.s32 $0xFFFFE000  }
.LBB2_2:
0x4c: {  	[tilespmem:s1], [sflag:$0x4] =	stream.indirect.gather [hbm4b:s3+s25], $0x40, s10, s25, $0xb8;
	[tilespmem:$0xA800] =	vst v63  }
0x4d: {  	s13 =	smov.u32 s11;
	s10 =	smov.u32 s12  }
0x4e: {  	p0 =	sne.s32 s11, $0x8000;
	s11 =	sadd.s32 $0x1000, s11;
	_ =	swait.ge [sflag:s0], $0x2000  }
0x4f: {  	[sflag:s0] =	ssyncset.done $0x0  }
0x50: {  	s14 =	sadd.s32 s13, s15;
	[sflag:s0] =	ssyncadd.s32 $0xFFFFE000  }
0x51: {  	[hbm4b:s14+s2] =	stream.linear.scatter [tilespmem:s26], [sflag:$0x5], $0x2000, $0x38;
	[tilespmem:$0xA800] =	vst v63  }
0x52: {  	_ =	swait.ge [sflag:s29], $0x2000  }
0x53: {  	[sflag:s29] =	ssyncset.done $0x0  }
0x54: {  	s14 =	sadd.s32 s13, s18;
	[sflag:s29] =	ssyncadd.s32 $0xFFFFE000  }
0x55: {  	[hbm4b:s14+s2] =	stream.linear.scatter [tilespmem:s28], [sflag:$0x6], $0x2000, $0x38;
	[tilespmem:$0xA800] =	vst v63  }
0x56: {  	_ =	swait.ge [sflag:s31], $0x2000  }
0x57: {  	[sflag:s31] =	ssyncset.done $0x0  }
0x58: {  	s14 =	sadd.s32 s13, s17;
	[sflag:s31] =	ssyncadd.s32 $0xFFFFE000  }
0x59: {  	[hbm4b:s14+s2] =	stream.linear.scatter [tilespmem:s30], [sflag:$0x7], $0x2000, $0x38;
	[tilespmem:$0xA800] =	vst v63  }
0x5a: {  	_ =	swait.ge [sflag:s4], $0x2000  }
0x5b: {  	[sflag:s4] =	ssyncset.done $0x0  }
0x5c: {  	s13 =	sadd.s32 s13, s16;
	[sflag:s4] =	ssyncadd.s32 $0xFFFFE000  }
0x5d: {  	[hbm4b:s13+s2] =	stream.linear.scatter [tilespmem:s1], [sflag:$0x8], $0x2000, $0x38;
	[tilespmem:$0xA800] =	vst v63  }
0x5e: {  	_ =	swait.ge [sflag:s5], $0x2000  }
0x5f: {  	[sflag:s5] =	ssyncset.done $0x0  }
0x60: {  	s13 =	sadd.s32 $0xFFFFFE80, s12;
	[sflag:s5] =	ssyncadd.s32 $0xFFFFE000  }
0x61: {  	[tilespmem:s26], [sflag:$0x1] =	stream.indirect.gather [hbm4b:s3+s25], $0x40, s13, s25, $0xb8;
	[tilespmem:$0xA800] =	vst v63  }
0x62: {  	_ =	swait.ge [sflag:s6], $0x2000  }
0x63: {  	[sflag:s6] =	ssyncset.done $0x0  }
0x64: {  	s13 =	sadd.s32 $0xFFFFFF00, s12;
	[sflag:s6] =	ssyncadd.s32 $0xFFFFE000  }
0x65: {  	[tilespmem:s28], [sflag:$0x2] =	stream.indirect.gather [hbm4b:s3+s25], $0x40, s13, s25, $0xb8;
	[tilespmem:$0xA800] =	vst v63  }
0x66: {  	_ =	swait.ge [sflag:s7], $0x2000  }
0x67: {  	[sflag:s7] =	ssyncset.done $0x0  }
.Ltmp0:
0x68: {  	s13 =	sadd.s32 $0xFFFFFF80, s12;
	[sflag:s7] =	ssyncadd.s32 $0xFFFFE000;
	(pc) =	sbr.rel @p0 .LBB2_2-.Ltmp0, $4  }
0x69: {  	[tilespmem:s30], [sflag:$0x3] =	stream.indirect.gather [hbm4b:s3+s25], $0x40, s13, s25, $0xb8;
	[tilespmem:$0xA800] =	vst v63  }
0x6a: {  	_ =	swait.ge [sflag:s8], $0x2000  }
0x6b: {  	[sflag:s8] =	ssyncset.done $0x0  }
0x6c: {  	s12 =	sadd.s32 $0x200, s12;
	[sflag:s8] =	ssyncadd.s32 $0xFFFFE000  }
0x6d: {  	[tilespmem:s1], [sflag:$0x4] =	stream.indirect.gather [hbm4b:s3+s25], $0x40, s10, s25, $0xb8;
	[tilespmem:$0xA800] =	vst v63  }
0x6e: {  	_ =	swait.ge [sflag:s0], $0x2000  }
0x6f: {  	[sflag:s0] =	ssyncset.done $0x0  }
0x70: {  	s10 =	simm.s32 $0x0;
	s11 =	rddreg [dreg:$0x6];
	[sflag:s0] =	ssyncadd.s32 $0xFFFFE000  }
0x71: {  	[hbm4b:s11+s10] =	stream.linear.scatter [tilespmem:s26], [sflag:$0x5], $0x2000, $0x38;
	[tilespmem:$0xA800] =	vst v63  }
0x72: {  	_ =	swait.ge [sflag:s29], $0x2000  }
0x73: {  	[sflag:s29] =	ssyncset.done $0x0  }
0x74: {  	s13 =	rddreg [dreg:$0x7];
	[sflag:s29] =	ssyncadd.s32 $0xFFFFE000  }
0x75: {  	[hbm4b:s13+s10] =	stream.linear.scatter [tilespmem:s28], [sflag:$0x6], $0x2000, $0x38;
	[tilespmem:$0xA800] =	vst v63  }
0x76: {  	_ =	swait.ge [sflag:s31], $0x2000  }
0x77: {  	[sflag:s31] =	ssyncset.done $0x0  }
0x78: {  	s14 =	rddreg [dreg:$0x8];
	[sflag:s31] =	ssyncadd.s32 $0xFFFFE000  }
0x79: {  	[hbm4b:s14+s10] =	stream.linear.scatter [tilespmem:s30], [sflag:$0x7], $0x2000, $0x38;
	[tilespmem:$0xA800] =	vst v63  }
0x7a: {  	_ =	swait.ge [sflag:s4], $0x2000  }
0x7b: {  	[sflag:s4] =	ssyncset.done $0x0  }
0x7c: {  	s12 =	rddreg [dreg:$0x9];
	[sflag:s4] =	ssyncadd.s32 $0xFFFFE000  }
0x7d: {  	[hbm4b:s12+s10] =	stream.linear.scatter [tilespmem:s1], [sflag:$0x8], $0x2000, $0x38;
	[tilespmem:$0xA800] =	vst v63  }
0x7e: {  	_ =	swait.ge [sflag:s5], $0x2000  }
0x7f: {  	[sflag:s5] =	ssyncset.done $0x0  }
0x80: {  	[sflag:s5] =	ssyncadd.s32 $0xFFFFE000  }
0x81: {  	_ =	swait.ge [sflag:s6], $0x2000  }
0x82: {  	[sflag:s6] =	ssyncset.done $0x0  }
0x83: {  	[sflag:s6] =	ssyncadd.s32 $0xFFFFE000  }
0x84: {  	_ =	swait.ge [sflag:s7], $0x2000  }
0x85: {  	[sflag:s7] =	ssyncset.done $0x0  }
0x86: {  	[sflag:s7] =	ssyncadd.s32 $0xFFFFE000  }
0x87: {  	_ =	swait.ge [sflag:s8], $0x2000  }
0x88: {  	[sflag:s8] =	ssyncset.done $0x0  }
0x89: {  	[sflag:s8] =	ssyncadd.s32 $0xFFFFE000  }
0x8a: {  	[tilespmem:s26], [sflag:$0x1] =	stream.indirect.gather [hbm4b:s3+s25], $0x40, s24, s25, $0xb8;
	[tilespmem:$0xA800] =	vst v63  }
0x8b: {  	s13 =	simm.s32 $0x1480  }
0x8c: {  	[tilespmem:s28], [sflag:$0x2] =	stream.indirect.gather [hbm4b:s3+s25], $0x40, s13, s25, $0xb8;
	[tilespmem:$0xA800] =	vst v63  }
0x8d: {  	s14 =	simm.s32 $0x1500  }
0x8e: {  	[tilespmem:s30], [sflag:$0x3] =	stream.indirect.gather [hbm4b:s3+s25], $0x40, s14, s25, $0xb8;
	[tilespmem:$0xA800] =	vst v63  }
0x8f: {  	s11 =	simm.s32 $0x1580  }
0x90: {  	[tilespmem:s1], [sflag:$0x4] =	stream.indirect.gather [hbm4b:s3+s25], $0x40, s11, s25, $0xb8;
	[tilespmem:$0xA800] =	vst v63  }
0x91: {  	_ =	swait.ge [sflag:s0], $0x2000  }
0x92: {  	[sflag:s0] =	ssyncset.done $0x0  }
0x93: {  	s12 =	sadd.s32 $0x0, s19;
	[sflag:s0] =	ssyncadd.s32 $0xFFFFE000  }
0x94: {  	[hbm4b:s12+s2] =	stream.linear.scatter [tilespmem:s26], [sflag:$0x5], $0x2000, $0x38;
	[tilespmem:$0xA800] =	vst v63  }
0x95: {  	_ =	swait.ge [sflag:s29], $0x2000  }
0x96: {  	[sflag:s29] =	ssyncset.done $0x0  }
0x97: {  	s13 =	sadd.s32 $0x0, s22;
	[sflag:s29] =	ssyncadd.s32 $0xFFFFE000  }
0x98: {  	[hbm4b:s13+s2] =	stream.linear.scatter [tilespmem:s28], [sflag:$0x6], $0x2000, $0x38;
	[tilespmem:$0xA800] =	vst v63  }
0x99: {  	_ =	swait.ge [sflag:s31], $0x2000  }
0x9a: {  	[sflag:s31] =	ssyncset.done $0x0  }
0x9b: {  	s14 =	sadd.s32 $0x0, s21;
	[sflag:s31] =	ssyncadd.s32 $0xFFFFE000  }
0x9c: {  	[hbm4b:s14+s2] =	stream.linear.scatter [tilespmem:s30], [sflag:$0x7], $0x2000, $0x38;
	[tilespmem:$0xA800] =	vst v63  }
0x9d: {  	_ =	swait.ge [sflag:s4], $0x2000  }
0x9e: {  	[sflag:s4] =	ssyncset.done $0x0  }
0x9f: {  	s11 =	sadd.s32 $0x0, s20;
	[sflag:s4] =	ssyncadd.s32 $0xFFFFE000  }
0xa0: {  	[hbm4b:s11+s2] =	stream.linear.scatter [tilespmem:s1], [sflag:$0x8], $0x2000, $0x38;
	[tilespmem:$0xA800] =	vst v63  }
0xa1: {  	_ =	swait.ge [sflag:s5], $0x2000  }
0xa2: {  	[sflag:s5] =	ssyncset.done $0x0  }
0xa3: {  	s12 =	simm.s32 $0x1600;
	[sflag:s5] =	ssyncadd.s32 $0xFFFFE000  }
0xa4: {  	[tilespmem:s26], [sflag:$0x1] =	stream.indirect.gather [hbm4b:s3+s25], $0x40, s12, s25, $0xb8;
	[tilespmem:$0xA800] =	vst v63  }
0xa5: {  	_ =	swait.ge [sflag:s6], $0x2000  }
0xa6: {  	[sflag:s6] =	ssyncset.done $0x0  }
0xa7: {  	s13 =	simm.s32 $0x1680;
	[sflag:s6] =	ssyncadd.s32 $0xFFFFE000  }
0xa8: {  	[tilespmem:s28], [sflag:$0x2] =	stream.indirect.gather [hbm4b:s3+s25], $0x40, s13, s25, $0xb8;
	[tilespmem:$0xA800] =	vst v63  }
0xa9: {  	_ =	swait.ge [sflag:s7], $0x2000  }
0xaa: {  	[sflag:s7] =	ssyncset.done $0x0  }
0xab: {  	s14 =	simm.s32 $0x1700;
	[sflag:s7] =	ssyncadd.s32 $0xFFFFE000  }
0xac: {  	[tilespmem:s30], [sflag:$0x3] =	stream.indirect.gather [hbm4b:s3+s25], $0x40, s14, s25, $0xb8;
	[tilespmem:$0xA800] =	vst v63  }
0xad: {  	_ =	swait.ge [sflag:s8], $0x2000  }
0xae: {  	s10 =	simm.s32 $0x1780;
	[sflag:s8] =	ssyncset.done $0x0  }
0xaf: {  	s11 =	simm.s32 $0x1000;
	s12 =	simm.s32 $0x1980;
	[sflag:s8] =	ssyncadd.s32 $0xFFFFE000  }
.LBB2_4:
0xb0: {  	[tilespmem:s1], [sflag:$0x4] =	stream.indirect.gather [hbm4b:s3+s25], $0x40, s10, s25, $0xb8;
	[tilespmem:$0xA800] =	vst v63  }
0xb1: {  	s13 =	smov.u32 s11;
	s10 =	smov.u32 s12  }
0xb2: {  	p0 =	sne.s32 s11, $0x8000;
	s11 =	sadd.s32 $0x1000, s11;
	_ =	swait.ge [sflag:s0], $0x2000  }
0xb3: {  	[sflag:s0] =	ssyncset.done $0x0  }
0xb4: {  	s14 =	sadd.s32 s13, s19;
	[sflag:s0] =	ssyncadd.s32 $0xFFFFE000  }
0xb5: {  	[hbm4b:s14+s2] =	stream.linear.scatter [tilespmem:s26], [sflag:$0x5], $0x2000, $0x38;
	[tilespmem:$0xA800] =	vst v63  }
0xb6: {  	_ =	swait.ge [sflag:s29], $0x2000  }
0xb7: {  	[sflag:s29] =	ssyncset.done $0x0  }
0xb8: {  	s14 =	sadd.s32 s13, s22;
	[sflag:s29] =	ssyncadd.s32 $0xFFFFE000  }
0xb9: {  	[hbm4b:s14+s2] =	stream.linear.scatter [tilespmem:s28], [sflag:$0x6], $0x2000, $0x38;
	[tilespmem:$0xA800] =	vst v63  }
0xba: {  	_ =	swait.ge [sflag:s31], $0x2000  }
0xbb: {  	[sflag:s31] =	ssyncset.done $0x0  }
0xbc: {  	s14 =	sadd.s32 s13, s21;
	[sflag:s31] =	ssyncadd.s32 $0xFFFFE000  }
0xbd: {  	[hbm4b:s14+s2] =	stream.linear.scatter [tilespmem:s30], [sflag:$0x7], $0x2000, $0x38;
	[tilespmem:$0xA800] =	vst v63  }
0xbe: {  	_ =	swait.ge [sflag:s4], $0x2000  }
0xbf: {  	[sflag:s4] =	ssyncset.done $0x0  }
0xc0: {  	s13 =	sadd.s32 s13, s20;
	[sflag:s4] =	ssyncadd.s32 $0xFFFFE000  }
0xc1: {  	[hbm4b:s13+s2] =	stream.linear.scatter [tilespmem:s1], [sflag:$0x8], $0x2000, $0x38;
	[tilespmem:$0xA800] =	vst v63  }
0xc2: {  	_ =	swait.ge [sflag:s5], $0x2000  }
0xc3: {  	[sflag:s5] =	ssyncset.done $0x0  }
0xc4: {  	s13 =	sadd.s32 $0xFFFFFE80, s12;
	[sflag:s5] =	ssyncadd.s32 $0xFFFFE000  }
0xc5: {  	[tilespmem:s26], [sflag:$0x1] =	stream.indirect.gather [hbm4b:s3+s25], $0x40, s13, s25, $0xb8;
	[tilespmem:$0xA800] =	vst v63  }
0xc6: {  	_ =	swait.ge [sflag:s6], $0x2000  }
0xc7: {  	[sflag:s6] =	ssyncset.done $0x0  }
0xc8: {  	s13 =	sadd.s32 $0xFFFFFF00, s12;
	[sflag:s6] =	ssyncadd.s32 $0xFFFFE000  }
0xc9: {  	[tilespmem:s28], [sflag:$0x2] =	stream.indirect.gather [hbm4b:s3+s25], $0x40, s13, s25, $0xb8;
	[tilespmem:$0xA800] =	vst v63  }
0xca: {  	_ =	swait.ge [sflag:s7], $0x2000  }
0xcb: {  	[sflag:s7] =	ssyncset.done $0x0  }
.Ltmp1:
0xcc: {  	s13 =	sadd.s32 $0xFFFFFF80, s12;
	[sflag:s7] =	ssyncadd.s32 $0xFFFFE000;
	(pc) =	sbr.rel @p0 .LBB2_4-.Ltmp1, $4  }
0xcd: {  	[tilespmem:s30], [sflag:$0x3] =	stream.indirect.gather [hbm4b:s3+s25], $0x40, s13, s25, $0xb8;
	[tilespmem:$0xA800] =	vst v63  }
0xce: {  	_ =	swait.ge [sflag:s8], $0x2000  }
0xcf: {  	[sflag:s8] =	ssyncset.done $0x0  }
0xd0: {  	s12 =	sadd.s32 $0x200, s12;
	[sflag:s8] =	ssyncadd.s32 $0xFFFFE000  }
0xd1: {  	[tilespmem:s1], [sflag:$0x4] =	stream.indirect.gather [hbm4b:s3+s25], $0x40, s10, s25, $0xb8;
	[tilespmem:$0xA800] =	vst v63  }
0xd2: {  	_ =	swait.ge [sflag:s0], $0x2000  }
0xd3: {  	[sflag:s0] =	ssyncset.done $0x0  }
0xd4: {  	s14 =	rddreg [dreg:$0xa];
	[sflag:s0] =	ssyncadd.s32 $0xFFFFE000  }
0xd5: {  	[hbm4b:s14+s2] =	stream.linear.scatter [tilespmem:s26], [sflag:$0x5], $0x2000, $0x38;
	[tilespmem:$0xA800] =	vst v63  }
0xd6: {  	_ =	swait.ge [sflag:s29], $0x2000  }
0xd7: {  	[sflag:s29] =	ssyncset.done $0x0  }
0xd8: {  	s11 =	rddreg [dreg:$0xb];
	[sflag:s29] =	ssyncadd.s32 $0xFFFFE000  }
0xd9: {  	[hbm4b:s11+s2] =	stream.linear.scatter [tilespmem:s28], [sflag:$0x6], $0x2000, $0x38;
	[tilespmem:$0xA800] =	vst v63  }
0xda: {  	_ =	swait.ge [sflag:s31], $0x2000  }
0xdb: {  	[sflag:s31] =	ssyncset.done $0x0  }
0xdc: {  	s12 =	rddreg [dreg:$0xc];
	[sflag:s31] =	ssyncadd.s32 $0xFFFFE000  }
0xdd: {  	[hbm4b:s12+s2] =	stream.linear.scatter [tilespmem:s30], [sflag:$0x7], $0x2000, $0x38;
	[tilespmem:$0xA800] =	vst v63  }
0xde: {  	_ =	swait.ge [sflag:s4], $0x2000  }
0xdf: {  	[sflag:s4] =	ssyncset.done $0x0  }
0xe0: {  	s13 =	rddreg [dreg:$0xd];
	[sflag:s4] =	ssyncadd.s32 $0xFFFFE000  }
0xe1: {  	[hbm4b:s13+s2] =	stream.linear.scatter [tilespmem:s1], [sflag:$0x8], $0x2000, $0x38;
	[tilespmem:$0xA800] =	vst v63  }
0xe2: {  	_ =	swait.ge [sflag:s5], $0x2000  }
0xe3: {  	[sflag:s5] =	ssyncset.done $0x0  }
0xe4: {  	[sflag:s5] =	ssyncadd.s32 $0xFFFFE000  }
0xe5: {  	_ =	swait.ge [sflag:s6], $0x2000  }
0xe6: {  	[sflag:s6] =	ssyncset.done $0x0  }
0xe7: {  	[sflag:s6] =	ssyncadd.s32 $0xFFFFE000  }
0xe8: {  	_ =	swait.ge [sflag:s7], $0x2000  }
0xe9: {  	[sflag:s7] =	ssyncset.done $0x0  }
0xea: {  	[sflag:s7] =	ssyncadd.s32 $0xFFFFE000  }
0xeb: {  	_ =	swait.ge [sflag:s8], $0x2000  }
0xec: {  	s9 =	sadd.s32 $0x1, s9;
	s14 =	rddreg [dreg:$0x5]  }
0xed: {  	p0 =	sne.s32 s9, s14  }
.Ltmp2:
0xee: {  	_ = 	snop;
	(pc) =	sbr.rel @p0 .LBB2_1-.Ltmp2, $3  }
0xef: {  	_ =	sdelay $0x1  }
0xf0: {  	[sflag:s8] =	ssyncset.done $0x0  }
0xf1: {  	[sflag:s8] =	ssyncadd.s32 $0xFFFFE000  }
0xf2: {  	_ =	sfence.sel $0x180000  }
0xf3: {  	[bflag:$0x0] =	sbarrier.arrive $0xFFFF  }
0xf4: {  	_ =	strace $0x90000047  }
0xf5: {  	s0 =	stileid.u32;
	[bflag:$0x2] =	sbarrier.arrive $0xFFFF  }
0xf6: {  	p0 =	sne.s32 s0, $0x0;
	s0 =	rddreg [dreg:$0x2]  }
0xf7: {  	s0 =	sadd.s32 @!p0 $0x100000, s0  }
0xf8: {  	[sflag:s0] =	ssyncadd.tile.s32 @!p0 $0x1;
	_ =	shalt  }
.Lfunc_end2:
_tile_overlayer_lowered:
.L_overlay_start_2:
0xf9: {  	(tag) =	ssettag $0x2  }
0xfa: {  	s0 =	rddreg [dreg:$0x0];
	s2 =	stileid.u32  }
0xfb: {  	s1 =	rddreg [dreg:$0x1];
	p0 =	sne.s32 s2, $0x0  }
0xfc: {  	s3 =	rddreg [dreg:$0x2];
	[bflag:$0x3] =	sbarrier.arrive $0xFFFF;
	s2 =	simm.s32 @!p0 $0x1C09  }
0xfd: {  	[timem:s3], [sflag:s2] =	dma.local @!p0 [hbm:s0], s1  }
0xfe: {  	s0 =	simm.s32 @!p0 $0x9  }
0xff: {  	_ =	swait.ge @!p0 [sflag:s0], s1  }
0x100: {  	s1 =	ssub.s32 @!p0 $0x0, s1;
	[sflag:s0] =	ssyncset.done @!p0 $0x0  }
0x101: {  	[sflag:s0] =	ssyncadd.s32 @!p0 s1  }
0x102: {  	[bflag:$0x3] =	sbarrier.arrive $0xFFFF  }
0x103: {  	_ =	shalt  }

</sc_bundles>
